<compile_context>
chip_gen: v7x
topology: tpu7x:2x2x1
jax: 0.10.2.dev20260603
libtpu: 0.0.44.dev20260713+nightly
codegen_flags: <defaults>
</compile_context>

<pallas_src>
import functools

import jax
import jax.numpy as jnp
from jax import lax
from jax.experimental import pallas as pl
from jax.experimental.pallas import tpu as pltpu
from jax.experimental.pallas import tpu_sc as plsc

N = 10000
E = 160000
DF = 256
DHP = 256
H = 128
K = 128
NCH = E // K
NSUB = 16
ZB = 632
ZL = N - 15 * ZB
P1C = NCH // NSUB
P2C = (NCH // 2) // NSUB

_mesh = plsc.VectorSubcoreMesh(
    core_axis_name="c", subcore_axis_name="s", num_cores=2, num_subcores=NSUB
)


@functools.partial(
    pl.kernel,
    out_type=(
        jax.ShapeDtypeStruct((N,), jnp.float32),
        jax.ShapeDtypeStruct((N,), jnp.float32),
    ),
    mesh=_mesh,
    scratch_types=(
        pltpu.VMEM_SHARED((N,), jnp.float32),
        pltpu.VMEM((K,), jnp.int32),
        pltpu.VMEM((K,), jnp.int32),
        pltpu.VMEM((K,), jnp.float32),
        pltpu.VMEM((640,), jnp.float32),
        pltpu.SemaphoreType.DMA,
        pltpu.SemaphoreType.DMA,
        pltpu.SemaphoreType.DMA,
        pltpu.SemaphoreType.DMA,
    ),
)
def _deg_sc(row_hbm, d0_hbm, d1_hbm, acc, ib0, ib1, ones, zbuf,
            si0, si1, ss0, ss1):
    c = lax.axis_index("c")
    s = lax.axis_index("s")
    for i in range(K // 16):
        ones[pl.ds(i * 16, 16)] = jnp.ones((16,), jnp.float32)
    for i in range(640 // 16):
        zbuf[pl.ds(i * 16, 16)] = jnp.zeros((16,), jnp.float32)

    @pl.when(s < 15)
    def _():
        pltpu.sync_copy(zbuf.at[pl.ds(0, ZB)], acc.at[pl.ds(s * ZB, ZB)])

    @pl.when(s == 15)
    def _():
        pltpu.sync_copy(zbuf.at[pl.ds(0, ZL)], acc.at[pl.ds(15 * ZB, ZL)])

    plsc.subcore_barrier()
    ch0 = c * (NCH // 2) + s * P2C + jnp.minimum(s, 1)

    def ldidx(q, ib, sem):
        pltpu.async_copy(row_hbm.at[pl.ds((ch0 + q) * K, K)], ib, sem)

    def wtidx(q, ib, sem):
        pltpu.make_async_copy(row_hbm.at[pl.ds((ch0 + q) * K, K)], ib, sem).wait()

    def scat(ib, sem):
        pltpu.async_copy(ones, acc.at[ib], sem, add=True)

    def wtscat(ib, sem):
        pltpu.make_async_copy(ones, acc.at[ib], sem).wait()

    ldidx(0, ib0, si0)
    ldidx(1, ib1, si1)
    npair = (P2C - 1) // 2

    def body(m, carry):
        wtidx(2 * m, ib0, si0)
        scat(ib0, ss0)
        wtidx(2 * m + 1, ib1, si1)
        scat(ib1, ss1)

        @pl.when(m < npair - 1)
        def _():
            wtscat(ib0, ss0)
            ldidx(2 * m + 2, ib0, si0)
            wtscat(ib1, ss1)
            ldidx(2 * m + 3, ib1, si1)

        return carry

    lax.fori_loop(0, npair, body, 0)
    wtscat(ib0, ss0)
    wtscat(ib1, ss1)
    pltpu.sync_copy(row_hbm.at[pl.ds((ch0 + P2C - 1) * K, K)], ib0)
    pltpu.sync_copy(ones, acc.at[ib0], add=True)

    @pl.when(s == 0)
    def _():
        pltpu.sync_copy(row_hbm.at[pl.ds((ch0 + P2C) * K, K)], ib0)
        pltpu.sync_copy(ones, acc.at[ib0], add=True)

    plsc.subcore_barrier()

    def wout(dref):
        @pl.when(s < 15)
        def _():
            pltpu.sync_copy(acc.at[pl.ds(s * ZB, ZB)], zbuf.at[pl.ds(0, ZB)])
            pltpu.sync_copy(zbuf.at[pl.ds(0, ZB)], dref.at[pl.ds(s * ZB, ZB)])

        @pl.when(s == 15)
        def _():
            pltpu.sync_copy(acc.at[pl.ds(15 * ZB, ZL)], zbuf.at[pl.ds(0, ZL)])
            pltpu.sync_copy(zbuf.at[pl.ds(0, ZL)], dref.at[pl.ds(15 * ZB, ZL)])

    @pl.when(c == 0)
    def _():
        wout(d0_hbm)

    @pl.when(c == 1)
    def _():
        wout(d1_hbm)


@functools.partial(
    pl.kernel,
    out_type=(
        jax.ShapeDtypeStruct((N, H), jnp.float32),
        jax.ShapeDtypeStruct((N, H), jnp.float32),
    ),
    mesh=_mesh,
    scratch_types=(
        pltpu.VMEM_SHARED((N, H), jnp.float32),
        pltpu.VMEM((K,), jnp.int32),
        pltpu.VMEM((K,), jnp.int32),
        pltpu.VMEM((K,), jnp.int32),
        pltpu.VMEM((K,), jnp.int32),
        pltpu.VMEM((K,), jnp.int32),
        pltpu.VMEM((K,), jnp.int32),
        pltpu.VMEM((K, H), jnp.float32),
        pltpu.VMEM((K, H), jnp.float32),
        pltpu.VMEM((K, H), jnp.float32),
        pltpu.SemaphoreType.DMA,
        pltpu.SemaphoreType.DMA,
        pltpu.SemaphoreType.DMA,
        pltpu.SemaphoreType.DMA,
        pltpu.SemaphoreType.DMA,
        pltpu.SemaphoreType.DMA,
        pltpu.SemaphoreType.DMA,
        pltpu.SemaphoreType.DMA,
        pltpu.SemaphoreType.DMA,
        pltpu.SemaphoreType.DMA,
        pltpu.SemaphoreType.DMA,
        pltpu.SemaphoreType.DMA,
    ),
)
def _prop1_sc(ga_hbm, gb_hbm, row_hbm, col_hbm, oa_hbm, ob_hbm,
              acc, rb0, rb1, rb2, cb0, cb1, cb2, gb0, gb1, gb2,
              sr0, sr1, sr2, sc0, sc1, sc2, sg0, sg1, sg2, ss0, ss1, ss2):
    c = lax.axis_index("c")
    s = lax.axis_index("s")
    rbs, cbs, gbs = (rb0, rb1, rb2), (cb0, cb1, cb2), (gb0, gb1, gb2)
    srs = (sr0, sr1, sr2)
    scs = (sc0, sc1, sc2)
    sgs, sss = (sg0, sg1, sg2), (ss0, ss1, ss2)

    def init(g_hbm):
        @pl.when(s < 15)
        def _():
            pltpu.sync_copy(g_hbm.at[pl.ds(s * ZB, ZB)], acc.at[pl.ds(s * ZB, ZB)])

        @pl.when(s == 15)
        def _():
            pltpu.sync_copy(g_hbm.at[pl.ds(15 * ZB, ZL)], acc.at[pl.ds(15 * ZB, ZL)])

    @pl.when(c == 0)
    def _():
        init(ga_hbm)

    @pl.when(c == 1)
    def _():
        init(gb_hbm)

    plsc.subcore_barrier()
    ch0 = s * P1C + jnp.minimum(s, 2)

    def run(g_hbm):
        def ldidx(q, i):
            off = (ch0 + q) * K
            pltpu.async_copy(row_hbm.at[pl.ds(off, K)], rbs[i], srs[i])
            pltpu.async_copy(col_hbm.at[pl.ds(off, K)], cbs[i], scs[i])

        def wtidx(q, i):
            off = (ch0 + q) * K
            pltpu.make_async_copy(row_hbm.at[pl.ds(off, K)], rbs[i], srs[i]).wait()
            pltpu.make_async_copy(col_hbm.at[pl.ds(off, K)], cbs[i], scs[i]).wait()

        def gat(i, b):
            pltpu.async_copy(g_hbm.at[rbs[i]], gbs[b], sgs[b])

        def wtgat(i, b):
            pltpu.make_async_copy(g_hbm.at[rbs[i]], gbs[b], sgs[b]).wait()

        def scat(i, b):
            pltpu.async_copy(gbs[b], acc.at[cbs[i]], sss[b], add=True)

        def wtscat(i, b):
            pltpu.make_async_copy(gbs[b], acc.at[cbs[i]], sss[b]).wait()

        for b in range(3):
            ldidx(b, b)
        for b in range(3):
            wtidx(b, b)
            gat(b, b)
        ntri = P1C // 3

        def body(m, carry):
            for b in range(3):
                wtgat(b, b)
                scat(b, b)

            @pl.when(m < ntri - 1)
            def _():
                for b in range(3):
                    wtscat(b, b)
                    ldidx(3 * m + 3 + b, b)
                    wtidx(3 * m + 3 + b, b)
                    gat(b, b)

            return carry

        lax.fori_loop(0, ntri, body, 0)
        for b in range(3):
            wtscat(b, b)

        @pl.when(s < 2)
        def _():
            pltpu.sync_copy(row_hbm.at[pl.ds((ch0 + P1C) * K, K)], rb0)
            pltpu.sync_copy(col_hbm.at[pl.ds((ch0 + P1C) * K, K)], cb0)
            pltpu.async_copy(g_hbm.at[rb0], gb0, sg0).wait()
            pltpu.sync_copy(gb0, acc.at[cb0], add=True)

    @pl.when(c == 0)
    def _():
        run(ga_hbm)

    @pl.when(c == 1)
    def _():
        run(gb_hbm)

    plsc.subcore_barrier()

    def rdout(o_hbm):
        @pl.when(s < 15)
        def _():
            pltpu.sync_copy(acc.at[pl.ds(s * ZB, ZB)], o_hbm.at[pl.ds(s * ZB, ZB)])

        @pl.when(s == 15)
        def _():
            pltpu.sync_copy(acc.at[pl.ds(15 * ZB, ZL)], o_hbm.at[pl.ds(15 * ZB, ZL)])

    @pl.when(c == 0)
    def _():
        rdout(oa_hbm)

    @pl.when(c == 1)
    def _():
        rdout(ob_hbm)


@functools.partial(
    pl.kernel,
    out_type=(
        jax.ShapeDtypeStruct((N,), jnp.float32),
        jax.ShapeDtypeStruct((N,), jnp.float32),
    ),
    mesh=_mesh,
    scratch_types=(
        pltpu.VMEM_SHARED((N,), jnp.float32),
        pltpu.VMEM((K,), jnp.int32),
        pltpu.VMEM((K,), jnp.int32),
        pltpu.VMEM((K,), jnp.int32),
        pltpu.VMEM((K,), jnp.int32),
        pltpu.VMEM((K,), jnp.int32),
        pltpu.VMEM((K,), jnp.int32),
        pltpu.VMEM((K,), jnp.float32),
        pltpu.VMEM((K,), jnp.float32),
        pltpu.VMEM((K,), jnp.float32),
        pltpu.VMEM((640,), jnp.float32),
        pltpu.SemaphoreType.DMA,
        pltpu.SemaphoreType.DMA,
        pltpu.SemaphoreType.DMA,
        pltpu.SemaphoreType.DMA,
        pltpu.SemaphoreType.DMA,
        pltpu.SemaphoreType.DMA,
        pltpu.SemaphoreType.DMA,
        pltpu.SemaphoreType.DMA,
        pltpu.SemaphoreType.DMA,
        pltpu.SemaphoreType.DMA,
        pltpu.SemaphoreType.DMA,
        pltpu.SemaphoreType.DMA,
    ),
)
def _prop2_sc(g2_hbm, row_hbm, col_hbm, p0_hbm, p1_hbm,
              acc, rb0, rb1, cb0, cb1, rb2, cb2, vb0, vb1, vb2, zbuf,
              sr0, sr1, sr2, sc0, sc1, sc2, sg0, sg1, sg2, ss0, ss1, ss2):
    c = lax.axis_index("c")
    s = lax.axis_index("s")
    rbs, cbs, vbs = (rb0, rb1, rb2), (cb0, cb1, cb2), (vb0, vb1, vb2)
    srs, scs = (sr0, sr1, sr2), (sc0, sc1, sc2)
    sgs, sss = (sg0, sg1, sg2), (ss0, ss1, ss2)

    @pl.when(s < 15)
    def _():
        pltpu.sync_copy(g2_hbm.at[pl.ds(s * ZB, ZB)], zbuf.at[pl.ds(0, ZB)])
        pltpu.sync_copy(zbuf.at[pl.ds(0, ZB)], acc.at[pl.ds(s * ZB, ZB)])

    @pl.when(s == 15)
    def _():
        pltpu.sync_copy(g2_hbm.at[pl.ds(15 * ZB, ZL)], zbuf.at[pl.ds(0, ZL)])
        pltpu.sync_copy(zbuf.at[pl.ds(0, ZL)], acc.at[pl.ds(15 * ZB, ZL)])

    plsc.subcore_barrier()
    ch0 = c * (NCH // 2) + s * P2C + jnp.minimum(s, 1)

    def ldidx(q, i):
        off = (ch0 + q) * K
        pltpu.async_copy(row_hbm.at[pl.ds(off, K)], rbs[i], srs[i])
        pltpu.async_copy(col_hbm.at[pl.ds(off, K)], cbs[i], scs[i])

    def wtidx(q, i):
        off = (ch0 + q) * K
        pltpu.make_async_copy(row_hbm.at[pl.ds(off, K)], rbs[i], srs[i]).wait()
        pltpu.make_async_copy(col_hbm.at[pl.ds(off, K)], cbs[i], scs[i]).wait()

    def gat(b):
        pltpu.async_copy(g2_hbm.at[rbs[b]], vbs[b], sgs[b])

    def wtgat(b):
        pltpu.make_async_copy(g2_hbm.at[rbs[b]], vbs[b], sgs[b]).wait()

    def scat(b):
        pltpu.async_copy(vbs[b], acc.at[cbs[b]], sss[b], add=True)

    def wtscat(b):
        pltpu.make_async_copy(vbs[b], acc.at[cbs[b]], sss[b]).wait()

    for b in range(3):
        ldidx(b, b)
    for b in range(3):
        wtidx(b, b)
        gat(b)
    ntri = P2C // 3

    def body(m, carry):
        for b in range(3):
            wtgat(b)
            scat(b)

        @pl.when(m < ntri - 1)
        def _():
            for b in range(3):
                wtscat(b)
                ldidx(3 * m + 3 + b, b)
                wtidx(3 * m + 3 + b, b)
                gat(b)

        return carry

    lax.fori_loop(0, ntri, body, 0)
    for b in range(3):
        wtscat(b)

    @pl.when(s == 0)
    def _():
        pltpu.sync_copy(row_hbm.at[pl.ds((ch0 + P2C) * K, K)], rb0)
        pltpu.sync_copy(col_hbm.at[pl.ds((ch0 + P2C) * K, K)], cb0)
        pltpu.async_copy(g2_hbm.at[rb0], vb0, sg0).wait()
        pltpu.sync_copy(vb0, acc.at[cb0], add=True)

    plsc.subcore_barrier()

    def wout(pref):
        @pl.when(s < 15)
        def _():
            pltpu.sync_copy(acc.at[pl.ds(s * ZB, ZB)], zbuf.at[pl.ds(0, ZB)])
            pltpu.sync_copy(zbuf.at[pl.ds(0, ZB)], pref.at[pl.ds(s * ZB, ZB)])

        @pl.when(s == 15)
        def _():
            pltpu.sync_copy(acc.at[pl.ds(15 * ZB, ZL)], zbuf.at[pl.ds(0, ZL)])
            pltpu.sync_copy(zbuf.at[pl.ds(0, ZL)], pref.at[pl.ds(15 * ZB, ZL)])

    @pl.when(c == 0)
    def _():
        wout(p0_hbm)

    @pl.when(c == 1)
    def _():
        wout(p1_hbm)


def _dcol_body(d0_ref, d1_ref, dis_ref, disf_ref):
    deg = 1.0 + d0_ref[...] + d1_ref[...]
    dis = lax.rsqrt(deg)
    dis = dis * (1.5 - 0.5 * deg * dis * dis)
    dis = dis * (1.5 - 0.5 * deg * dis * dis)
    disf_ref[...] = dis
    dis_ref[...] = jnp.transpose(dis, (1, 0))


def _dcol(d0, d1):
    return pl.pallas_call(
        _dcol_body,
        grid=(1,),
        in_specs=[
            pl.BlockSpec((1, N), lambda i: (0, 0)),
            pl.BlockSpec((1, N), lambda i: (0, 0)),
        ],
        out_specs=[
            pl.BlockSpec((N, 1), lambda i: (0, 0)),
            pl.BlockSpec((1, N), lambda i: (0, 0)),
        ],
        out_shape=[
            jax.ShapeDtypeStruct((N, 1), jnp.float32),
            jax.ShapeDtypeStruct((1, N), jnp.float32),
        ],
    )(d0, d1)


def _mm1_body(x_ref, w_ref, b_ref, dis_ref, ga_ref, gb_ref):
    h = jnp.dot(x_ref[...], w_ref[...], preferred_element_type=jnp.float32)
    g = dis_ref[...] * (h + b_ref[...])
    ga_ref[...] = g[:, :H]
    gb_ref[...] = g[:, H:]


def _mm1(x, w1p, b1p, dis):
    br = 1000
    return pl.pallas_call(
        _mm1_body,
        grid=(N // br,),
        in_specs=[
            pl.BlockSpec((br, DF), lambda i: (i, 0)),
            pl.BlockSpec((DF, DHP), lambda i: (0, 0)),
            pl.BlockSpec((1, DHP), lambda i: (0, 0)),
            pl.BlockSpec((br, 1), lambda i: (i, 0)),
        ],
        out_specs=[
            pl.BlockSpec((br, H), lambda i: (i, 0)),
            pl.BlockSpec((br, H), lambda i: (i, 0)),
        ],
        out_shape=[
            jax.ShapeDtypeStruct((N, H), jnp.float32),
            jax.ShapeDtypeStruct((N, H), jnp.float32),
        ],
    )(x, w1p, b1p, dis)


def _mm2_body(aa_ref, ab_ref, dis_ref, wa_ref, wb_ref, b2_ref, g2f_ref):
    dis = dis_ref[...]
    za = jnp.maximum(aa_ref[...] * dis, 0.0)
    zb = jnp.maximum(ab_ref[...] * dis, 0.0)
    t = jnp.sum(za * wa_ref[...] + zb * wb_ref[...], axis=1, keepdims=True)
    g2 = dis * (t + b2_ref[...])
    g2f_ref[...] = jnp.transpose(g2, (1, 0))


def _mm2(aa, ab, dis, w2a, w2b, b2):
    return pl.pallas_call(
        _mm2_body,
        grid=(1,),
        in_specs=[
            pl.BlockSpec((N, H), lambda i: (0, 0)),
            pl.BlockSpec((N, H), lambda i: (0, 0)),
            pl.BlockSpec((N, 1), lambda i: (0, 0)),
            pl.BlockSpec((1, H), lambda i: (0, 0)),
            pl.BlockSpec((1, H), lambda i: (0, 0)),
            pl.BlockSpec((1, 1), lambda i: (0, 0)),
        ],
        out_specs=pl.BlockSpec((1, N), lambda i: (0, 0)),
        out_shape=jax.ShapeDtypeStruct((1, N), jnp.float32),
    )(aa, ab, dis, w2a, w2b, b2)


def _comb_body(p0_ref, p1_ref, g2f_ref, disf_ref, o_ref):
    o = disf_ref[...] * (p0_ref[...] + p1_ref[...] - g2f_ref[...])
    o_ref[...] = jnp.transpose(o, (1, 0))


def _comb(p0, p1, g2f, disf):
    return pl.pallas_call(
        _comb_body,
        grid=(1,),
        in_specs=[pl.BlockSpec((1, N), lambda i: (0, 0))] * 4,
        out_specs=pl.BlockSpec((N, 1), lambda i: (0, 0)),
        out_shape=jax.ShapeDtypeStruct((N, 1), jnp.float32),
    )(p0, p1, g2f, disf)


def kernel(x, edge_index, W1, b1, W2, b2):
    row = edge_index[0].astype(jnp.int32)
    col = edge_index[1].astype(jnp.int32)
    w1p = jnp.pad(W1, ((0, 0), (0, DHP - W1.shape[1])))
    b1p = jnp.pad(b1, (0, DHP - b1.shape[0])).reshape(1, DHP)
    w2f = jnp.pad(W2[:, 0], (0, DHP - W2.shape[0]))
    w2a = w2f[:H].reshape(1, H)
    w2b = w2f[H:].reshape(1, H)

    d0, d1 = _deg_sc(row)
    dis, disf = _dcol(d0.reshape(1, N), d1.reshape(1, N))
    ga, gb = _mm1(x, w1p, b1p, dis)
    aa, ab = _prop1_sc(ga, gb, row, col)
    g2f = _mm2(aa, ab, dis, w2a, w2b, b2.reshape(1, 1))
    p0, p1 = _prop2_sc(g2f.reshape(N), row, col)
    return _comb(p0.reshape(1, N), p1.reshape(1, N), g2f, disf)

# --- scband reference (transcript-rebuilt; emitter-appended) ---
"""Pipeline reference for scband-net-reg-26783416058431 (READ-ONLY COPY).

The authoritative reference and input builder live on the scoring server;
editing this copy changes nothing except your own understanding.
"""

import jax, jax.numpy as jnp
import numpy as np

N_NODES = 10000
N_EDGES = 160000
D_FEAT = 256
D_HID = 200
D_OUT = 1


def setup_inputs(seed: int = 0) -> dict:
    key = jax.random.key(seed)
    k1, k2, k3, k4, k5, k6 = jax.random.split(key, 6)
    x = jax.random.normal(k1, (N_NODES, D_FEAT), dtype=jnp.float32)
    edge_index = jax.random.randint(k2, (2, N_EDGES), 0, N_NODES, dtype=jnp.int64)
    W1 = jax.random.normal(k3, (D_FEAT, D_HID), dtype=jnp.float32) * 0.05
    b1 = jnp.zeros((D_HID,), dtype=jnp.float32)
    W2 = jax.random.normal(k4, (D_HID, D_OUT), dtype=jnp.float32) * 0.05
    b2 = jnp.zeros((D_OUT,), dtype=jnp.float32)
    return {"x": x, "edge_index": edge_index, "W1": W1, "b1": b1, "W2": W2, "b2": b2}


def _gcn_conv(x, edge_index, W, b):
    N = x.shape[0]
    # add_self_loops
    loops = jnp.arange(N, dtype=edge_index.dtype)
    ei = jnp.concatenate([edge_index, jnp.stack([loops, loops], axis=0)], axis=1)
    # linear
    x = x @ W + b
    row, col = ei[0], ei[1]
    # degree computed over row (as in the torch code)
    deg = jnp.zeros((N,), dtype=x.dtype).at[row].add(1.0)
    deg_inv_sqrt = jnp.where(deg > 0, deg ** -0.5, 0.0)
    norm = deg_inv_sqrt[row] * deg_inv_sqrt[col]
    # message: norm * x_j where x_j = x[row] (source); aggregate-add at col (target)
    msg = norm[:, None] * jnp.take(x, row, axis=0)
    out = jnp.zeros((N, x.shape[1]), dtype=x.dtype).at[col].add(msg)
    return out


def reference(x, edge_index, W1, b1, W2, b2):
    h = _gcn_conv(x, edge_index, W1, b1)
    h = jax.nn.relu(h)
    # dropout is identity in eval mode
    out = _gcn_conv(h, edge_index, W2, b2)
    return out

if __name__ == "__main__":
    import jax
    _d = setup_inputs()
    print(jax.jit(kernel)(*tuple(_d.values())))

</pallas_src>

<mosaic_0001>
#map = affine_map<(d0, d1) -> (0)>
module attributes {stable_mosaic.version = 14 : i64} {
  func.func @_deg_sc(%arg0: i32, %arg1: i32, %arg2: memref<160000xi32, #tpu.memory_space<hbm>>, %arg3: memref<10000xf32, #tpu.memory_space<hbm>>, %arg4: memref<10000xf32, #tpu.memory_space<hbm>>, %arg5: memref<10000xf32, #tpu.memory_space<vmem_shared>>, %arg6: memref<128xi32, #tpu.memory_space<vmem>>, %arg7: memref<128xi32, #tpu.memory_space<vmem>>, %arg8: memref<128xf32, #tpu.memory_space<vmem>>, %arg9: memref<640xf32, #tpu.memory_space<vmem>>, %arg10: memref<!tpu.dma_semaphore, #tpu.memory_space<semaphore_mem>>, %arg11: memref<!tpu.dma_semaphore, #tpu.memory_space<semaphore_mem>>, %arg12: memref<!tpu.dma_semaphore, #tpu.memory_space<semaphore_mem>>, %arg13: memref<!tpu.dma_semaphore, #tpu.memory_space<semaphore_mem>>) attributes {dimension_semantics = [#tpu.dimension_semantics<core_parallel>, #tpu.dimension_semantics<subcore_parallel>], iteration_bounds = array<i64: 2, 16>, scalar_prefetch = 0 : i64, scratch_operands = 9 : i64, tpu.core_type = #tpu.core_type<sc_vector_subcore>, window_params = [{transform_indices = #map}, {transform_indices = #map}, {transform_indices = #map}]} {
    %broadcast_in_dim3A = arith.constant 1.000000e+00 : f32
    %broadcast_in_dim3A_0 = vector.broadcast %broadcast_in_dim3A : f32 to vector<16xf32>
    %swap3A = arith.constant 0 : index
    %swap3A_1 = tpu.vector_load %arg8[%swap3A] {strides = array<i32>} : memref<128xf32, #tpu.memory_space<vmem>>, vector<16xf32>,
    %swap3A_2 = vector.shape_cast %swap3A_1 : vector<16xf32> to vector<16xf32>
    %swap3A_3 = vector.shape_cast %broadcast_in_dim3A_0 : vector<16xf32> to vector<16xf32>
    tpu.vector_store %arg8[%swap3A], %swap3A_3 {strides = array<i32>} : memref<128xf32, #tpu.memory_space<vmem>>, vector<16xf32>,
    %broadcast_in_dim3A_4 = arith.constant 1.000000e+00 : f32
    %broadcast_in_dim3A_5 = vector.broadcast %broadcast_in_dim3A_4 : f32 to vector<16xf32>
    %swap3A_6 = arith.constant 16 : index
    %swap3A_7 = tpu.vector_load %arg8[%swap3A_6] {strides = array<i32>} : memref<128xf32, #tpu.memory_space<vmem>>, vector<16xf32>,
    %swap3A_8 = vector.shape_cast %swap3A_7 : vector<16xf32> to vector<16xf32>
    %swap3A_9 = vector.shape_cast %broadcast_in_dim3A_5 : vector<16xf32> to vector<16xf32>
    tpu.vector_store %arg8[%swap3A_6], %swap3A_9 {strides = array<i32>} : memref<128xf32, #tpu.memory_space<vmem>>, vector<16xf32>,
    %broadcast_in_dim3A_10 = arith.constant 1.000000e+00 : f32
    %broadcast_in_dim3A_11 = vector.broadcast %broadcast_in_dim3A_10 : f32 to vector<16xf32>
    %swap3A_12 = arith.constant 32 : index
    %swap3A_13 = tpu.vector_load %arg8[%swap3A_12] {strides = array<i32>} : memref<128xf32, #tpu.memory_space<vmem>>, vector<16xf32>,
    %swap3A_14 = vector.shape_cast %swap3A_13 : vector<16xf32> to vector<16xf32>
    %swap3A_15 = vector.shape_cast %broadcast_in_dim3A_11 : vector<16xf32> to vector<16xf32>
    tpu.vector_store %arg8[%swap3A_12], %swap3A_15 {strides = array<i32>} : memref<128xf32, #tpu.memory_space<vmem>>, vector<16xf32>,
    %broadcast_in_dim3A_16 = arith.constant 1.000000e+00 : f32
    %broadcast_in_dim3A_17 = vector.broadcast %broadcast_in_dim3A_16 : f32 to vector<16xf32>
    %swap3A_18 = arith.constant 48 : index
    %swap3A_19 = tpu.vector_load %arg8[%swap3A_18] {strides = array<i32>} : memref<128xf32, #tpu.memory_space<vmem>>, vector<16xf32>,
    %swap3A_20 = vector.shape_cast %swap3A_19 : vector<16xf32> to vector<16xf32>
    %swap3A_21 = vector.shape_cast %broadcast_in_dim3A_17 : vector<16xf32> to vector<16xf32>
    tpu.vector_store %arg8[%swap3A_18], %swap3A_21 {strides = array<i32>} : memref<128xf32, #tpu.memory_space<vmem>>, vector<16xf32>,
    %broadcast_in_dim3A_22 = arith.constant 1.000000e+00 : f32
    %broadcast_in_dim3A_23 = vector.broadcast %broadcast_in_dim3A_22 : f32 to vector<16xf32>
    %swap3A_24 = arith.constant 64 : index
    %swap3A_25 = tpu.vector_load %arg8[%swap3A_24] {strides = array<i32>} : memref<128xf32, #tpu.memory_space<vmem>>, vector<16xf32>,
    %swap3A_26 = vector.shape_cast %swap3A_25 : vector<16xf32> to vector<16xf32>
    %swap3A_27 = vector.shape_cast %broadcast_in_dim3A_23 : vector<16xf32> to vector<16xf32>
    tpu.vector_store %arg8[%swap3A_24], %swap3A_27 {strides = array<i32>} : memref<128xf32, #tpu.memory_space<vmem>>, vector<16xf32>,
    %broadcast_in_dim3A_28 = arith.constant 1.000000e+00 : f32
    %broadcast_in_dim3A_29 = vector.broadcast %broadcast_in_dim3A_28 : f32 to vector<16xf32>
    %swap3A_30 = arith.constant 80 : index
    %swap3A_31 = tpu.vector_load %arg8[%swap3A_30] {strides = array<i32>} : memref<128xf32, #tpu.memory_space<vmem>>, vector<16xf32>,
    %swap3A_32 = vector.shape_cast %swap3A_31 : vector<16xf32> to vector<16xf32>
    %swap3A_33 = vector.shape_cast %broadcast_in_dim3A_29 : vector<16xf32> to vector<16xf32>
    tpu.vector_store %arg8[%swap3A_30], %swap3A_33 {strides = array<i32>} : memref<128xf32, #tpu.memory_space<vmem>>, vector<16xf32>,
    %broadcast_in_dim3A_34 = arith.constant 1.000000e+00 : f32
    %broadcast_in_dim3A_35 = vector.broadcast %broadcast_in_dim3A_34 : f32 to vector<16xf32>
    %swap3A_36 = arith.constant 96 : index
    %swap3A_37 = tpu.vector_load %arg8[%swap3A_36] {strides = array<i32>} : memref<128xf32, #tpu.memory_space<vmem>>, vector<16xf32>,
    %swap3A_38 = vector.shape_cast %swap3A_37 : vector<16xf32> to vector<16xf32>
    %swap3A_39 = vector.shape_cast %broadcast_in_dim3A_35 : vector<16xf32> to vector<16xf32>
    tpu.vector_store %arg8[%swap3A_36], %swap3A_39 {strides = array<i32>} : memref<128xf32, #tpu.memory_space<vmem>>, vector<16xf32>,
    %broadcast_in_dim3A_40 = arith.constant 1.000000e+00 : f32
    %broadcast_in_dim3A_41 = vector.broadcast %broadcast_in_dim3A_40 : f32 to vector<16xf32>
    %swap3A_42 = arith.constant 112 : index
    %swap3A_43 = tpu.vector_load %arg8[%swap3A_42] {strides = array<i32>} : memref<128xf32, #tpu.memory_space<vmem>>, vector<16xf32>,
    %swap3A_44 = vector.shape_cast %swap3A_43 : vector<16xf32> to vector<16xf32>
    %swap3A_45 = vector.shape_cast %broadcast_in_dim3A_41 : vector<16xf32> to vector<16xf32>
    tpu.vector_store %arg8[%swap3A_42], %swap3A_45 {strides = array<i32>} : memref<128xf32, #tpu.memory_space<vmem>>, vector<16xf32>,
    %broadcast_in_dim3A_46 = arith.constant 0.000000e+00 : f32
    %broadcast_in_dim3A_47 = vector.broadcast %broadcast_in_dim3A_46 : f32 to vector<16xf32>
    %swap3A_48 = arith.constant 0 : index
    %swap3A_49 = tpu.vector_load %arg9[%swap3A_48] {strides = array<i32>} : memref<640xf32, #tpu.memory_space<vmem>>, vector<16xf32>,
    %swap3A_50 = vector.shape_cast %swap3A_49 : vector<16xf32> to vector<16xf32>
    %swap3A_51 = vector.shape_cast %broadcast_in_dim3A_47 : vector<16xf32> to vector<16xf32>
    tpu.vector_store %arg9[%swap3A_48], %swap3A_51 {strides = array<i32>} : memref<640xf32, #tpu.memory_space<vmem>>, vector<16xf32>,
    %broadcast_in_dim3A_52 = arith.constant 0.000000e+00 : f32
    %broadcast_in_dim3A_53 = vector.broadcast %broadcast_in_dim3A_52 : f32 to vector<16xf32>
    %swap3A_54 = arith.constant 16 : index
    %swap3A_55 = tpu.vector_load %arg9[%swap3A_54] {strides = array<i32>} : memref<640xf32, #tpu.memory_space<vmem>>, vector<16xf32>,
    %swap3A_56 = vector.shape_cast %swap3A_55 : vector<16xf32> to vector<16xf32>
    %swap3A_57 = vector.shape_cast %broadcast_in_dim3A_53 : vector<16xf32> to vector<16xf32>
    tpu.vector_store %arg9[%swap3A_54], %swap3A_57 {strides = array<i32>} : memref<640xf32, #tpu.memory_space<vmem>>, vector<16xf32>,
    %broadcast_in_dim3A_58 = arith.constant 0.000000e+00 : f32
    %broadcast_in_dim3A_59 = vector.broadcast %broadcast_in_dim3A_58 : f32 to vector<16xf32>
    %swap3A_60 = arith.constant 32 : index
    %swap3A_61 = tpu.vector_load %arg9[%swap3A_60] {strides = array<i32>} : memref<640xf32, #tpu.memory_space<vmem>>, vector<16xf32>,
    %swap3A_62 = vector.shape_cast %swap3A_61 : vector<16xf32> to vector<16xf32>
    %swap3A_63 = vector.shape_cast %broadcast_in_dim3A_59 : vector<16xf32> to vector<16xf32>
    tpu.vector_store %arg9[%swap3A_60], %swap3A_63 {strides = array<i32>} : memref<640xf32, #tpu.memory_space<vmem>>, vector<16xf32>,
    %broadcast_in_dim3A_64 = arith.constant 0.000000e+00 : f32
    %broadcast_in_dim3A_65 = vector.broadcast %broadcast_in_dim3A_64 : f32 to vector<16xf32>
    %swap3A_66 = arith.constant 48 : index
    %swap3A_67 = tpu.vector_load %arg9[%swap3A_66] {strides = array<i32>} : memref<640xf32, #tpu.memory_space<vmem>>, vector<16xf32>,
    %swap3A_68 = vector.shape_cast %swap3A_67 : vector<16xf32> to vector<16xf32>
    %swap3A_69 = vector.shape_cast %broadcast_in_dim3A_65 : vector<16xf32> to vector<16xf32>
    tpu.vector_store %arg9[%swap3A_66], %swap3A_69 {strides = array<i32>} : memref<640xf32, #tpu.memory_space<vmem>>, vector<16xf32>,
    %broadcast_in_dim3A_70 = arith.constant 0.000000e+00 : f32
    %broadcast_in_dim3A_71 = vector.broadcast %broadcast_in_dim3A_70 : f32 to vector<16xf32>
    %swap3A_72 = arith.constant 64 : index
    %swap3A_73 = tpu.vector_load %arg9[%swap3A_72] {strides = array<i32>} : memref<640xf32, #tpu.memory_space<vmem>>, vector<16xf32>,
    %swap3A_74 = vector.shape_cast %swap3A_73 : vector<16xf32> to vector<16xf32>
    %swap3A_75 = vector.shape_cast %broadcast_in_dim3A_71 : vector<16xf32> to vector<16xf32>
    tpu.vector_store %arg9[%swap3A_72], %swap3A_75 {strides = array<i32>} : memref<640xf32, #tpu.memory_space<vmem>>, vector<16xf32>,
    %broadcast_in_dim3A_76 = arith.constant 0.000000e+00 : f32
    %broadcast_in_dim3A_77 = vector.broadcast %broadcast_in_dim3A_76 : f32 to vector<16xf32>
    %swap3A_78 = arith.constant 80 : index
    %swap3A_79 = tpu.vector_load %arg9[%swap3A_78] {strides = array<i32>} : memref<640xf32, #tpu.memory_space<vmem>>, vector<16xf32>,
    %swap3A_80 = vector.shape_cast %swap3A_79 : vector<16xf32> to vector<16xf32>
    %swap3A_81 = vector.shape_cast %broadcast_in_dim3A_77 : vector<16xf32> to vector<16xf32>
    tpu.vector_store %arg9[%swap3A_78], %swap3A_81 {strides = array<i32>} : memref<640xf32, #tpu.memory_space<vmem>>, vector<16xf32>,
    %broadcast_in_dim3A_82 = arith.constant 0.000000e+00 : f32
    %broadcast_in_dim3A_83 = vector.broadcast %broadcast_in_dim3A_82 : f32 to vector<16xf32>
    %swap3A_84 = arith.constant 96 : index
    %swap3A_85 = tpu.vector_load %arg9[%swap3A_84] {strides = array<i32>} : memref<640xf32, #tpu.memory_space<vmem>>, vector<16xf32>,
    %swap3A_86 = vector.shape_cast %swap3A_85 : vector<16xf32> to vector<16xf32>
    %swap3A_87 = vector.shape_cast %broadcast_in_dim3A_83 : vector<16xf32> to vector<16xf32>
    tpu.vector_store %arg9[%swap3A_84], %swap3A_87 {strides = array<i32>} : memref<640xf32, #tpu.memory_space<vmem>>, vector<16xf32>,
    %broadcast_in_dim3A_88 = arith.constant 0.000000e+00 : f32
    %broadcast_in_dim3A_89 = vector.broadcast %broadcast_in_dim3A_88 : f32 to vector<16xf32>
    %swap3A_90 = arith.constant 112 : index
    %swap3A_91 = tpu.vector_load %arg9[%swap3A_90] {strides = array<i32>} : memref<640xf32, #tpu.memory_space<vmem>>, vector<16xf32>,
    %swap3A_92 = vector.shape_cast %swap3A_91 : vector<16xf32> to vector<16xf32>
    %swap3A_93 = vector.shape_cast %broadcast_in_dim3A_89 : vector<16xf32> to vector<16xf32>
    tpu.vector_store %arg9[%swap3A_90], %swap3A_93 {strides = array<i32>} : memref<640xf32, #tpu.memory_space<vmem>>, vector<16xf32>,
    %broadcast_in_dim3A_94 = arith.constant 0.000000e+00 : f32
    %broadcast_in_dim3A_95 = vector.broadcast %broadcast_in_dim3A_94 : f32 to vector<16xf32>
    %swap3A_96 = arith.constant 128 : index
    %swap3A_97 = tpu.vector_load %arg9[%swap3A_96] {strides = array<i32>} : memref<640xf32, #tpu.memory_space<vmem>>, vector<16xf32>,
    %swap3A_98 = vector.shape_cast %swap3A_97 : vector<16xf32> to vector<16xf32>
    %swap3A_99 = vector.shape_cast %broadcast_in_dim3A_95 : vector<16xf32> to vector<16xf32>
    tpu.vector_store %arg9[%swap3A_96], %swap3A_99 {strides = array<i32>} : memref<640xf32, #tpu.memory_space<vmem>>, vector<16xf32>,
    %broadcast_in_dim3A_100 = arith.constant 0.000000e+00 : f32
    %broadcast_in_dim3A_101 = vector.broadcast %broadcast_in_dim3A_100 : f32 to vector<16xf32>
    %swap3A_102 = arith.constant 144 : index
    %swap3A_103 = tpu.vector_load %arg9[%swap3A_102] {strides = array<i32>} : memref<640xf32, #tpu.memory_space<vmem>>, vector<16xf32>,
    %swap3A_104 = vector.shape_cast %swap3A_103 : vector<16xf32> to vector<16xf32>
    %swap3A_105 = vector.shape_cast %broadcast_in_dim3A_101 : vector<16xf32> to vector<16xf32>
    tpu.vector_store %arg9[%swap3A_102], %swap3A_105 {strides = array<i32>} : memref<640xf32, #tpu.memory_space<vmem>>, vector<16xf32>,
    %broadcast_in_dim3A_106 = arith.constant 0.000000e+00 : f32
    %broadcast_in_dim3A_107 = vector.broadcast %broadcast_in_dim3A_106 : f32 to vector<16xf32>
    %swap3A_108 = arith.constant 160 : index
    %swap3A_109 = tpu.vector_load %arg9[%swap3A_108] {strides = array<i32>} : memref<640xf32, #tpu.memory_space<vmem>>, vector<16xf32>,
    %swap3A_110 = vector.shape_cast %swap3A_109 : vector<16xf32> to vector<16xf32>
    %swap3A_111 = vector.shape_cast %broadcast_in_dim3A_107 : vector<16xf32> to vector<16xf32>
    tpu.vector_store %arg9[%swap3A_108], %swap3A_111 {strides = array<i32>} : memref<640xf32, #tpu.memory_space<vmem>>, vector<16xf32>,
    %broadcast_in_dim3A_112 = arith.constant 0.000000e+00 : f32
    %broadcast_in_dim3A_113 = vector.broadcast %broadcast_in_dim3A_112 : f32 to vector<16xf32>
    %swap3A_114 = arith.constant 176 : index
    %swap3A_115 = tpu.vector_load %arg9[%swap3A_114] {strides = array<i32>} : memref<640xf32, #tpu.memory_space<vmem>>, vector<16xf32>,
    %swap3A_116 = vector.shape_cast %swap3A_115 : vector<16xf32> to vector<16xf32>
    %swap3A_117 = vector.shape_cast %broadcast_in_dim3A_113 : vector<16xf32> to vector<16xf32>
    tpu.vector_store %arg9[%swap3A_114], %swap3A_117 {strides = array<i32>} : memref<640xf32, #tpu.memory_space<vmem>>, vector<16xf32>,
    %broadcast_in_dim3A_118 = arith.constant 0.000000e+00 : f32
    %broadcast_in_dim3A_119 = vector.broadcast %broadcast_in_dim3A_118 : f32 to vector<16xf32>
    %swap3A_120 = arith.constant 192 : index
    %swap3A_121 = tpu.vector_load %arg9[%swap3A_120] {strides = array<i32>} : memref<640xf32, #tpu.memory_space<vmem>>, vector<16xf32>,
    %swap3A_122 = vector.shape_cast %swap3A_121 : vector<16xf32> to vector<16xf32>
    %swap3A_123 = vector.shape_cast %broadcast_in_dim3A_119 : vector<16xf32> to vector<16xf32>
    tpu.vector_store %arg9[%swap3A_120], %swap3A_123 {strides = array<i32>} : memref<640xf32, #tpu.memory_space<vmem>>, vector<16xf32>,
    %broadcast_in_dim3A_124 = arith.constant 0.000000e+00 : f32
    %broadcast_in_dim3A_125 = vector.broadcast %broadcast_in_dim3A_124 : f32 to vector<16xf32>
    %swap3A_126 = arith.constant 208 : index
    %swap3A_127 = tpu.vector_load %arg9[%swap3A_126] {strides = array<i32>} : memref<640xf32, #tpu.memory_space<vmem>>, vector<16xf32>,
    %swap3A_128 = vector.shape_cast %swap3A_127 : vector<16xf32> to vector<16xf32>
    %swap3A_129 = vector.shape_cast %broadcast_in_dim3A_125 : vector<16xf32> to vector<16xf32>
    tpu.vector_store %arg9[%swap3A_126], %swap3A_129 {strides = array<i32>} : memref<640xf32, #tpu.memory_space<vmem>>, vector<16xf32>,
    %broadcast_in_dim3A_130 = arith.constant 0.000000e+00 : f32
    %broadcast_in_dim3A_131 = vector.broadcast %broadcast_in_dim3A_130 : f32 to vector<16xf32>
    %swap3A_132 = arith.constant 224 : index
    %swap3A_133 = tpu.vector_load %arg9[%swap3A_132] {strides = array<i32>} : memref<640xf32, #tpu.memory_space<vmem>>, vector<16xf32>,
    %swap3A_134 = vector.shape_cast %swap3A_133 : vector<16xf32> to vector<16xf32>
    %swap3A_135 = vector.shape_cast %broadcast_in_dim3A_131 : vector<16xf32> to vector<16xf32>
    tpu.vector_store %arg9[%swap3A_132], %swap3A_135 {strides = array<i32>} : memref<640xf32, #tpu.memory_space<vmem>>, vector<16xf32>,
    %broadcast_in_dim3A_136 = arith.constant 0.000000e+00 : f32
    %broadcast_in_dim3A_137 = vector.broadcast %broadcast_in_dim3A_136 : f32 to vector<16xf32>
    %swap3A_138 = arith.constant 240 : index
    %swap3A_139 = tpu.vector_load %arg9[%swap3A_138] {strides = array<i32>} : memref<640xf32, #tpu.memory_space<vmem>>, vector<16xf32>,
    %swap3A_140 = vector.shape_cast %swap3A_139 : vector<16xf32> to vector<16xf32>
    %swap3A_141 = vector.shape_cast %broadcast_in_dim3A_137 : vector<16xf32> to vector<16xf32>
    tpu.vector_store %arg9[%swap3A_138], %swap3A_141 {strides = array<i32>} : memref<640xf32, #tpu.memory_space<vmem>>, vector<16xf32>,
    %broadcast_in_dim3A_142 = arith.constant 0.000000e+00 : f32
    %broadcast_in_dim3A_143 = vector.broadcast %broadcast_in_dim3A_142 : f32 to vector<16xf32>
    %swap3A_144 = arith.constant 256 : index
    %swap3A_145 = tpu.vector_load %arg9[%swap3A_144] {strides = array<i32>} : memref<640xf32, #tpu.memory_space<vmem>>, vector<16xf32>,
    %swap3A_146 = vector.shape_cast %swap3A_145 : vector<16xf32> to vector<16xf32>
    %swap3A_147 = vector.shape_cast %broadcast_in_dim3A_143 : vector<16xf32> to vector<16xf32>
    tpu.vector_store %arg9[%swap3A_144], %swap3A_147 {strides = array<i32>} : memref<640xf32, #tpu.memory_space<vmem>>, vector<16xf32>,
    %broadcast_in_dim3A_148 = arith.constant 0.000000e+00 : f32
    %broadcast_in_dim3A_149 = vector.broadcast %broadcast_in_dim3A_148 : f32 to vector<16xf32>
    %swap3A_150 = arith.constant 272 : index
    %swap3A_151 = tpu.vector_load %arg9[%swap3A_150] {strides = array<i32>} : memref<640xf32, #tpu.memory_space<vmem>>, vector<16xf32>,
    %swap3A_152 = vector.shape_cast %swap3A_151 : vector<16xf32> to vector<16xf32>
    %swap3A_153 = vector.shape_cast %broadcast_in_dim3A_149 : vector<16xf32> to vector<16xf32>
    tpu.vector_store %arg9[%swap3A_150], %swap3A_153 {strides = array<i32>} : memref<640xf32, #tpu.memory_space<vmem>>, vector<16xf32>,
    %broadcast_in_dim3A_154 = arith.constant 0.000000e+00 : f32
    %broadcast_in_dim3A_155 = vector.broadcast %broadcast_in_dim3A_154 : f32 to vector<16xf32>
    %swap3A_156 = arith.constant 288 : index
    %swap3A_157 = tpu.vector_load %arg9[%swap3A_156] {strides = array<i32>} : memref<640xf32, #tpu.memory_space<vmem>>, vector<16xf32>,
    %swap3A_158 = vector.shape_cast %swap3A_157 : vector<16xf32> to vector<16xf32>
    %swap3A_159 = vector.shape_cast %broadcast_in_dim3A_155 : vector<16xf32> to vector<16xf32>
    tpu.vector_store %arg9[%swap3A_156], %swap3A_159 {strides = array<i32>} : memref<640xf32, #tpu.memory_space<vmem>>, vector<16xf32>,
    %broadcast_in_dim3A_160 = arith.constant 0.000000e+00 : f32
    %broadcast_in_dim3A_161 = vector.broadcast %broadcast_in_dim3A_160 : f32 to vector<16xf32>
    %swap3A_162 = arith.constant 304 : index
    %swap3A_163 = tpu.vector_load %arg9[%swap3A_162] {strides = array<i32>} : memref<640xf32, #tpu.memory_space<vmem>>, vector<16xf32>,
    %swap3A_164 = vector.shape_cast %swap3A_163 : vector<16xf32> to vector<16xf32>
    %swap3A_165 = vector.shape_cast %broadcast_in_dim3A_161 : vector<16xf32> to vector<16xf32>
    tpu.vector_store %arg9[%swap3A_162], %swap3A_165 {strides = array<i32>} : memref<640xf32, #tpu.memory_space<vmem>>, vector<16xf32>,
    %broadcast_in_dim3A_166 = arith.constant 0.000000e+00 : f32
    %broadcast_in_dim3A_167 = vector.broadcast %broadcast_in_dim3A_166 : f32 to vector<16xf32>
    %swap3A_168 = arith.constant 320 : index
    %swap3A_169 = tpu.vector_load %arg9[%swap3A_168] {strides = array<i32>} : memref<640xf32, #tpu.memory_space<vmem>>, vector<16xf32>,
    %swap3A_170 = vector.shape_cast %swap3A_169 : vector<16xf32> to vector<16xf32>
    %swap3A_171 = vector.shape_cast %broadcast_in_dim3A_167 : vector<16xf32> to vector<16xf32>
    tpu.vector_store %arg9[%swap3A_168], %swap3A_171 {strides = array<i32>} : memref<640xf32, #tpu.memory_space<vmem>>, vector<16xf32>,
    %broadcast_in_dim3A_172 = arith.constant 0.000000e+00 : f32
    %broadcast_in_dim3A_173 = vector.broadcast %broadcast_in_dim3A_172 : f32 to vector<16xf32>
    %swap3A_174 = arith.constant 336 : index
    %swap3A_175 = tpu.vector_load %arg9[%swap3A_174] {strides = array<i32>} : memref<640xf32, #tpu.memory_space<vmem>>, vector<16xf32>,
    %swap3A_176 = vector.shape_cast %swap3A_175 : vector<16xf32> to vector<16xf32>
    %swap3A_177 = vector.shape_cast %broadcast_in_dim3A_173 : vector<16xf32> to vector<16xf32>
    tpu.vector_store %arg9[%swap3A_174], %swap3A_177 {strides = array<i32>} : memref<640xf32, #tpu.memory_space<vmem>>, vector<16xf32>,
    %broadcast_in_dim3A_178 = arith.constant 0.000000e+00 : f32
    %broadcast_in_dim3A_179 = vector.broadcast %broadcast_in_dim3A_178 : f32 to vector<16xf32>
    %swap3A_180 = arith.constant 352 : index
    %swap3A_181 = tpu.vector_load %arg9[%swap3A_180] {strides = array<i32>} : memref<640xf32, #tpu.memory_space<vmem>>, vector<16xf32>,
    %swap3A_182 = vector.shape_cast %swap3A_181 : vector<16xf32> to vector<16xf32>
    %swap3A_183 = vector.shape_cast %broadcast_in_dim3A_179 : vector<16xf32> to vector<16xf32>
    tpu.vector_store %arg9[%swap3A_180], %swap3A_183 {strides = array<i32>} : memref<640xf32, #tpu.memory_space<vmem>>, vector<16xf32>,
    %broadcast_in_dim3A_184 = arith.constant 0.000000e+00 : f32
    %broadcast_in_dim3A_185 = vector.broadcast %broadcast_in_dim3A_184 : f32 to vector<16xf32>
    %swap3A_186 = arith.constant 368 : index
    %swap3A_187 = tpu.vector_load %arg9[%swap3A_186] {strides = array<i32>} : memref<640xf32, #tpu.memory_space<vmem>>, vector<16xf32>,
    %swap3A_188 = vector.shape_cast %swap3A_187 : vector<16xf32> to vector<16xf32>
    %swap3A_189 = vector.shape_cast %broadcast_in_dim3A_185 : vector<16xf32> to vector<16xf32>
    tpu.vector_store %arg9[%swap3A_186], %swap3A_189 {strides = array<i32>} : memref<640xf32, #tpu.memory_space<vmem>>, vector<16xf32>,
    %broadcast_in_dim3A_190 = arith.constant 0.000000e+00 : f32
    %broadcast_in_dim3A_191 = vector.broadcast %broadcast_in_dim3A_190 : f32 to vector<16xf32>
    %swap3A_192 = arith.constant 384 : index
    %swap3A_193 = tpu.vector_load %arg9[%swap3A_192] {strides = array<i32>} : memref<640xf32, #tpu.memory_space<vmem>>, vector<16xf32>,
    %swap3A_194 = vector.shape_cast %swap3A_193 : vector<16xf32> to vector<16xf32>
    %swap3A_195 = vector.shape_cast %broadcast_in_dim3A_191 : vector<16xf32> to vector<16xf32>
    tpu.vector_store %arg9[%swap3A_192], %swap3A_195 {strides = array<i32>} : memref<640xf32, #tpu.memory_space<vmem>>, vector<16xf32>,
    %broadcast_in_dim3A_196 = arith.constant 0.000000e+00 : f32
    %broadcast_in_dim3A_197 = vector.broadcast %broadcast_in_dim3A_196 : f32 to vector<16xf32>
    %swap3A_198 = arith.constant 400 : index
    %swap3A_199 = tpu.vector_load %arg9[%swap3A_198] {strides = array<i32>} : memref<640xf32, #tpu.memory_space<vmem>>, vector<16xf32>,
    %swap3A_200 = vector.shape_cast %swap3A_199 : vector<16xf32> to vector<16xf32>
    %swap3A_201 = vector.shape_cast %broadcast_in_dim3A_197 : vector<16xf32> to vector<16xf32>
    tpu.vector_store %arg9[%swap3A_198], %swap3A_201 {strides = array<i32>} : memref<640xf32, #tpu.memory_space<vmem>>, vector<16xf32>,
    %broadcast_in_dim3A_202 = arith.constant 0.000000e+00 : f32
    %broadcast_in_dim3A_203 = vector.broadcast %broadcast_in_dim3A_202 : f32 to vector<16xf32>
    %swap3A_204 = arith.constant 416 : index
    %swap3A_205 = tpu.vector_load %arg9[%swap3A_204] {strides = array<i32>} : memref<640xf32, #tpu.memory_space<vmem>>, vector<16xf32>,
    %swap3A_206 = vector.shape_cast %swap3A_205 : vector<16xf32> to vector<16xf32>
    %swap3A_207 = vector.shape_cast %broadcast_in_dim3A_203 : vector<16xf32> to vector<16xf32>
    tpu.vector_store %arg9[%swap3A_204], %swap3A_207 {strides = array<i32>} : memref<640xf32, #tpu.memory_space<vmem>>, vector<16xf32>,
    %broadcast_in_dim3A_208 = arith.constant 0.000000e+00 : f32
    %broadcast_in_dim3A_209 = vector.broadcast %broadcast_in_dim3A_208 : f32 to vector<16xf32>
    %swap3A_210 = arith.constant 432 : index
    %swap3A_211 = tpu.vector_load %arg9[%swap3A_210] {strides = array<i32>} : memref<640xf32, #tpu.memory_space<vmem>>, vector<16xf32>,
    %swap3A_212 = vector.shape_cast %swap3A_211 : vector<16xf32> to vector<16xf32>
    %swap3A_213 = vector.shape_cast %broadcast_in_dim3A_209 : vector<16xf32> to vector<16xf32>
    tpu.vector_store %arg9[%swap3A_210], %swap3A_213 {strides = array<i32>} : memref<640xf32, #tpu.memory_space<vmem>>, vector<16xf32>,
    %broadcast_in_dim3A_214 = arith.constant 0.000000e+00 : f32
    %broadcast_in_dim3A_215 = vector.broadcast %broadcast_in_dim3A_214 : f32 to vector<16xf32>
    %swap3A_216 = arith.constant 448 : index
    %swap3A_217 = tpu.vector_load %arg9[%swap3A_216] {strides = array<i32>} : memref<640xf32, #tpu.memory_space<vmem>>, vector<16xf32>,
    %swap3A_218 = vector.shape_cast %swap3A_217 : vector<16xf32> to vector<16xf32>
    %swap3A_219 = vector.shape_cast %broadcast_in_dim3A_215 : vector<16xf32> to vector<16xf32>
    tpu.vector_store %arg9[%swap3A_216], %swap3A_219 {strides = array<i32>} : memref<640xf32, #tpu.memory_space<vmem>>, vector<16xf32>,
    %broadcast_in_dim3A_220 = arith.constant 0.000000e+00 : f32
    %broadcast_in_dim3A_221 = vector.broadcast %broadcast_in_dim3A_220 : f32 to vector<16xf32>
    %swap3A_222 = arith.constant 464 : index
    %swap3A_223 = tpu.vector_load %arg9[%swap3A_222] {strides = array<i32>} : memref<640xf32, #tpu.memory_space<vmem>>, vector<16xf32>,
    %swap3A_224 = vector.shape_cast %swap3A_223 : vector<16xf32> to vector<16xf32>
    %swap3A_225 = vector.shape_cast %broadcast_in_dim3A_221 : vector<16xf32> to vector<16xf32>
    tpu.vector_store %arg9[%swap3A_222], %swap3A_225 {strides = array<i32>} : memref<640xf32, #tpu.memory_space<vmem>>, vector<16xf32>,
    %broadcast_in_dim3A_226 = arith.constant 0.000000e+00 : f32
    %broadcast_in_dim3A_227 = vector.broadcast %broadcast_in_dim3A_226 : f32 to vector<16xf32>
    %swap3A_228 = arith.constant 480 : index
    %swap3A_229 = tpu.vector_load %arg9[%swap3A_228] {strides = array<i32>} : memref<640xf32, #tpu.memory_space<vmem>>, vector<16xf32>,
    %swap3A_230 = vector.shape_cast %swap3A_229 : vector<16xf32> to vector<16xf32>
    %swap3A_231 = vector.shape_cast %broadcast_in_dim3A_227 : vector<16xf32> to vector<16xf32>
    tpu.vector_store %arg9[%swap3A_228], %swap3A_231 {strides = array<i32>} : memref<640xf32, #tpu.memory_space<vmem>>, vector<16xf32>,
    %broadcast_in_dim3A_232 = arith.constant 0.000000e+00 : f32
    %broadcast_in_dim3A_233 = vector.broadcast %broadcast_in_dim3A_232 : f32 to vector<16xf32>
    %swap3A_234 = arith.constant 496 : index
    %swap3A_235 = tpu.vector_load %arg9[%swap3A_234] {strides = array<i32>} : memref<640xf32, #tpu.memory_space<vmem>>, vector<16xf32>,
    %swap3A_236 = vector.shape_cast %swap3A_235 : vector<16xf32> to vector<16xf32>
    %swap3A_237 = vector.shape_cast %broadcast_in_dim3A_233 : vector<16xf32> to vector<16xf32>
    tpu.vector_store %arg9[%swap3A_234], %swap3A_237 {strides = array<i32>} : memref<640xf32, #tpu.memory_space<vmem>>, vector<16xf32>,
    %broadcast_in_dim3A_238 = arith.constant 0.000000e+00 : f32
    %broadcast_in_dim3A_239 = vector.broadcast %broadcast_in_dim3A_238 : f32 to vector<16xf32>
    %swap3A_240 = arith.constant 512 : index
    %swap3A_241 = tpu.vector_load %arg9[%swap3A_240] {strides = array<i32>} : memref<640xf32, #tpu.memory_space<vmem>>, vector<16xf32>,
    %swap3A_242 = vector.shape_cast %swap3A_241 : vector<16xf32> to vector<16xf32>
    %swap3A_243 = vector.shape_cast %broadcast_in_dim3A_239 : vector<16xf32> to vector<16xf32>
    tpu.vector_store %arg9[%swap3A_240], %swap3A_243 {strides = array<i32>} : memref<640xf32, #tpu.memory_space<vmem>>, vector<16xf32>,
    %broadcast_in_dim3A_244 = arith.constant 0.000000e+00 : f32
    %broadcast_in_dim3A_245 = vector.broadcast %broadcast_in_dim3A_244 : f32 to vector<16xf32>
    %swap3A_246 = arith.constant 528 : index
    %swap3A_247 = tpu.vector_load %arg9[%swap3A_246] {strides = array<i32>} : memref<640xf32, #tpu.memory_space<vmem>>, vector<16xf32>,
    %swap3A_248 = vector.shape_cast %swap3A_247 : vector<16xf32> to vector<16xf32>
    %swap3A_249 = vector.shape_cast %broadcast_in_dim3A_245 : vector<16xf32> to vector<16xf32>
    tpu.vector_store %arg9[%swap3A_246], %swap3A_249 {strides = array<i32>} : memref<640xf32, #tpu.memory_space<vmem>>, vector<16xf32>,
    %broadcast_in_dim3A_250 = arith.constant 0.000000e+00 : f32
    %broadcast_in_dim3A_251 = vector.broadcast %broadcast_in_dim3A_250 : f32 to vector<16xf32>
    %swap3A_252 = arith.constant 544 : index
    %swap3A_253 = tpu.vector_load %arg9[%swap3A_252] {strides = array<i32>} : memref<640xf32, #tpu.memory_space<vmem>>, vector<16xf32>,
    %swap3A_254 = vector.shape_cast %swap3A_253 : vector<16xf32> to vector<16xf32>
    %swap3A_255 = vector.shape_cast %broadcast_in_dim3A_251 : vector<16xf32> to vector<16xf32>
    tpu.vector_store %arg9[%swap3A_252], %swap3A_255 {strides = array<i32>} : memref<640xf32, #tpu.memory_space<vmem>>, vector<16xf32>,
    %broadcast_in_dim3A_256 = arith.constant 0.000000e+00 : f32
    %broadcast_in_dim3A_257 = vector.broadcast %broadcast_in_dim3A_256 : f32 to vector<16xf32>
    %swap3A_258 = arith.constant 560 : index
    %swap3A_259 = tpu.vector_load %arg9[%swap3A_258] {strides = array<i32>} : memref<640xf32, #tpu.memory_space<vmem>>, vector<16xf32>,
    %swap3A_260 = vector.shape_cast %swap3A_259 : vector<16xf32> to vector<16xf32>
    %swap3A_261 = vector.shape_cast %broadcast_in_dim3A_257 : vector<16xf32> to vector<16xf32>
    tpu.vector_store %arg9[%swap3A_258], %swap3A_261 {strides = array<i32>} : memref<640xf32, #tpu.memory_space<vmem>>, vector<16xf32>,
    %broadcast_in_dim3A_262 = arith.constant 0.000000e+00 : f32
    %broadcast_in_dim3A_263 = vector.broadcast %broadcast_in_dim3A_262 : f32 to vector<16xf32>
    %swap3A_264 = arith.constant 576 : index
    %swap3A_265 = tpu.vector_load %arg9[%swap3A_264] {strides = array<i32>} : memref<640xf32, #tpu.memory_space<vmem>>, vector<16xf32>,
    %swap3A_266 = vector.shape_cast %swap3A_265 : vector<16xf32> to vector<16xf32>
    %swap3A_267 = vector.shape_cast %broadcast_in_dim3A_263 : vector<16xf32> to vector<16xf32>
    tpu.vector_store %arg9[%swap3A_264], %swap3A_267 {strides = array<i32>} : memref<640xf32, #tpu.memory_space<vmem>>, vector<16xf32>,
    %broadcast_in_dim3A_268 = arith.constant 0.000000e+00 : f32
    %broadcast_in_dim3A_269 = vector.broadcast %broadcast_in_dim3A_268 : f32 to vector<16xf32>
    %swap3A_270 = arith.constant 592 : index
    %swap3A_271 = tpu.vector_load %arg9[%swap3A_270] {strides = array<i32>} : memref<640xf32, #tpu.memory_space<vmem>>, vector<16xf32>,
    %swap3A_272 = vector.shape_cast %swap3A_271 : vector<16xf32> to vector<16xf32>
    %swap3A_273 = vector.shape_cast %broadcast_in_dim3A_269 : vector<16xf32> to vector<16xf32>
    tpu.vector_store %arg9[%swap3A_270], %swap3A_273 {strides = array<i32>} : memref<640xf32, #tpu.memory_space<vmem>>, vector<16xf32>,
    %broadcast_in_dim3A_274 = arith.constant 0.000000e+00 : f32
    %broadcast_in_dim3A_275 = vector.broadcast %broadcast_in_dim3A_274 : f32 to vector<16xf32>
    %swap3A_276 = arith.constant 608 : index
    %swap3A_277 = tpu.vector_load %arg9[%swap3A_276] {strides = array<i32>} : memref<640xf32, #tpu.memory_space<vmem>>, vector<16xf32>,
    %swap3A_278 = vector.shape_cast %swap3A_277 : vector<16xf32> to vector<16xf32>
    %swap3A_279 = vector.shape_cast %broadcast_in_dim3A_275 : vector<16xf32> to vector<16xf32>
    tpu.vector_store %arg9[%swap3A_276], %swap3A_279 {strides = array<i32>} : memref<640xf32, #tpu.memory_space<vmem>>, vector<16xf32>,
    %broadcast_in_dim3A_280 = arith.constant 0.000000e+00 : f32
    %broadcast_in_dim3A_281 = vector.broadcast %broadcast_in_dim3A_280 : f32 to vector<16xf32>
    %swap3A_282 = arith.constant 624 : index
    %swap3A_283 = tpu.vector_load %arg9[%swap3A_282] {strides = array<i32>} : memref<640xf32, #tpu.memory_space<vmem>>, vector<16xf32>,
    %swap3A_284 = vector.shape_cast %swap3A_283 : vector<16xf32> to vector<16xf32>
    %swap3A_285 = vector.shape_cast %broadcast_in_dim3A_281 : vector<16xf32> to vector<16xf32>
    tpu.vector_store %arg9[%swap3A_282], %swap3A_285 {strides = array<i32>} : memref<640xf32, #tpu.memory_space<vmem>>, vector<16xf32>,
    %lt3A = arith.constant 15 : i32
    %lt3A_286 = arith.cmpi slt, %arg1, %lt3A : i32
    %convert_element_type3A = arith.extui %lt3A_286 : i1 to i32
    %cond3A = arith.constant 0 : i32
    %cond3A_287 = arith.cmpi ne, %convert_element_type3A, %cond3A : i32
    scf.if %cond3A_287 {
      %mul3A_337 = arith.constant 632 : i32
      %mul3A_338 = arith.muli %arg1, %mul3A_337 : i32
      "tpu.region"() ({
        %run_scoped3A = tpu.sem_alloc : memref<!tpu.dma_semaphore, #tpu.memory_space<semaphore_mem>>
        %dma_start3A_339 = arith.constant 0 : i32
        %dma_start3A_340 = tpu.memref_slice %arg9[%dma_start3A_339] : memref<640xf32, #tpu.memory_space<vmem>> -> memref<632xf32, #tpu.memory_space<vmem>>
        %dma_start3A_341 = tpu.memref_slice %arg5[%mul3A_338] : memref<10000xf32, #tpu.memory_space<vmem_shared>> -> memref<632xf32, #tpu.memory_space<vmem_shared>>
        %dma_start3A_342 = tpu.memref_slice %arg5[%mul3A_338] : memref<10000xf32, #tpu.memory_space<vmem_shared>> -> memref<632xf32, #tpu.memory_space<vmem_shared>>
        %dma_start3A_343 = arith.constant 0 : i32
        %dma_start3A_344 = tpu.memref_slice %arg9[%dma_start3A_343] : memref<640xf32, #tpu.memory_space<vmem>> -> memref<632xf32, #tpu.memory_space<vmem>>
        tpu.enqueue_dma source(%dma_start3A_344 : memref<632xf32, #tpu.memory_space<vmem>>) target(%dma_start3A_342 : memref<632xf32, #tpu.memory_space<vmem_shared>>) target_semaphore(%run_scoped3A : memref<!tpu.dma_semaphore, #tpu.memory_space<semaphore_mem>>)
        %dma_wait3A_345 = arith.constant 0 : i32
        %dma_wait3A_346 = tpu.memref_slice %arg9[%dma_wait3A_345] : memref<640xf32, #tpu.memory_space<vmem>> -> memref<632xf32, #tpu.memory_space<vmem>>
        %dma_wait3A_347 = tpu.memref_slice %arg5[%mul3A_338] : memref<10000xf32, #tpu.memory_space<vmem_shared>> -> memref<632xf32, #tpu.memory_space<vmem_shared>>
        %dma_wait3A_348 = tpu.memref_slice %arg5[%mul3A_338] : memref<10000xf32, #tpu.memory_space<vmem_shared>> -> memref<632xf32, #tpu.memory_space<vmem_shared>>
        %dma_wait3A_349 = arith.constant 0 : i32
        %dma_wait3A_350 = tpu.memref_slice %arg9[%dma_wait3A_349] : memref<640xf32, #tpu.memory_space<vmem>> -> memref<632xf32, #tpu.memory_space<vmem>>
        tpu.wait_dma2 semaphore(%run_scoped3A : memref<!tpu.dma_semaphore, #tpu.memory_space<semaphore_mem>>) src(%dma_wait3A_350 : memref<632xf32, #tpu.memory_space<vmem>>) dst(%dma_wait3A_348 : memref<632xf32, #tpu.memory_space<vmem_shared>>)
        tpu.yield
      }) : () -> ()
    } else {
    }
    %eq3A = arith.constant 15 : i32
    %eq3A_288 = arith.cmpi eq, %arg1, %eq3A : i32
    %convert_element_type3A_289 = arith.extui %eq3A_288 : i1 to i32
    %cond3A_290 = arith.constant 0 : i32
    %cond3A_291 = arith.cmpi ne, %convert_element_type3A_289, %cond3A_290 : i32
    scf.if %cond3A_291 {
      "tpu.region"() ({
        %run_scoped3A = tpu.sem_alloc : memref<!tpu.dma_semaphore, #tpu.memory_space<semaphore_mem>>
        %dma_start3A_337 = arith.constant 0 : i32
        %dma_start3A_338 = tpu.memref_slice %arg9[%dma_start3A_337] : memref<640xf32, #tpu.memory_space<vmem>> -> memref<520xf32, #tpu.memory_space<vmem>>
        %dma_start3A_339 = arith.constant 9480 : i32
        %dma_start3A_340 = tpu.memref_slice %arg5[%dma_start3A_339] : memref<10000xf32, #tpu.memory_space<vmem_shared>> -> memref<520xf32, #tpu.memory_space<vmem_shared>>
        %dma_start3A_341 = arith.constant 9480 : i32
        %dma_start3A_342 = tpu.memref_slice %arg5[%dma_start3A_341] : memref<10000xf32, #tpu.memory_space<vmem_shared>> -> memref<520xf32, #tpu.memory_space<vmem_shared>>
        %dma_start3A_343 = arith.constant 0 : i32
        %dma_start3A_344 = tpu.memref_slice %arg9[%dma_start3A_343] : memref<640xf32, #tpu.memory_space<vmem>> -> memref<520xf32, #tpu.memory_space<vmem>>
        tpu.enqueue_dma source(%dma_start3A_344 : memref<520xf32, #tpu.memory_space<vmem>>) target(%dma_start3A_342 : memref<520xf32, #tpu.memory_space<vmem_shared>>) target_semaphore(%run_scoped3A : memref<!tpu.dma_semaphore, #tpu.memory_space<semaphore_mem>>)
        %dma_wait3A_345 = arith.constant 0 : i32
        %dma_wait3A_346 = tpu.memref_slice %arg9[%dma_wait3A_345] : memref<640xf32, #tpu.memory_space<vmem>> -> memref<520xf32, #tpu.memory_space<vmem>>
        %dma_wait3A_347 = arith.constant 9480 : i32
        %dma_wait3A_348 = tpu.memref_slice %arg5[%dma_wait3A_347] : memref<10000xf32, #tpu.memory_space<vmem_shared>> -> memref<520xf32, #tpu.memory_space<vmem_shared>>
        %dma_wait3A_349 = arith.constant 9480 : i32
        %dma_wait3A_350 = tpu.memref_slice %arg5[%dma_wait3A_349] : memref<10000xf32, #tpu.memory_space<vmem_shared>> -> memref<520xf32, #tpu.memory_space<vmem_shared>>
        %dma_wait3A_351 = arith.constant 0 : i32
        %dma_wait3A_352 = tpu.memref_slice %arg9[%dma_wait3A_351] : memref<640xf32, #tpu.memory_space<vmem>> -> memref<520xf32, #tpu.memory_space<vmem>>
        tpu.wait_dma2 semaphore(%run_scoped3A : memref<!tpu.dma_semaphore, #tpu.memory_space<semaphore_mem>>) src(%dma_wait3A_352 : memref<520xf32, #tpu.memory_space<vmem>>) dst(%dma_wait3A_350 : memref<520xf32, #tpu.memory_space<vmem_shared>>)
        tpu.yield
      }) : () -> ()
    } else {
    }
    %barrier3A = arith.constant 0 : index
    tpu.barrier barrier_id(%barrier3A)
    %mul3A = arith.constant 625 : i32
    %mul3A_292 = arith.muli %arg0, %mul3A : i32
    %mul3A_293 = arith.constant 39 : i32
    %mul3A_294 = arith.muli %arg1, %mul3A_293 : i32
    %add3A = arith.addi %mul3A_292, %mul3A_294 : i32
    %min3A = arith.constant 1 : i32
    %min3A_295 = arith.minsi %arg1, %min3A : i32
    %add3A_296 = arith.addi %add3A, %min3A_295 : i32
    %add3A_297 = arith.constant 0 : i32
    %add3A_298 = arith.addi %add3A_296, %add3A_297 : i32
    %mul3A_299 = arith.constant 128 : i32
    %mul3A_300 = arith.muli %add3A_298, %mul3A_299 : i32
    %dma_start3A = tpu.memref_slice %arg2[%mul3A_300] : memref<160000xi32, #tpu.memory_space<hbm>> -> memref<128xi32, #tpu.memory_space<hbm>>
    %dma_start3A_301 = tpu.memref_slice %arg2[%mul3A_300] : memref<160000xi32, #tpu.memory_space<hbm>> -> memref<128xi32, #tpu.memory_space<hbm>>
    tpu.enqueue_dma source(%dma_start3A_301 : memref<128xi32, #tpu.memory_space<hbm>>) target(%arg6 : memref<128xi32, #tpu.memory_space<vmem>>) target_semaphore(%arg10 : memref<!tpu.dma_semaphore, #tpu.memory_space<semaphore_mem>>)
    %add3A_302 = arith.constant 1 : i32
    %add3A_303 = arith.addi %add3A_296, %add3A_302 : i32
    %mul3A_304 = arith.constant 128 : i32
    %mul3A_305 = arith.muli %add3A_303, %mul3A_304 : i32
    %dma_start3A_306 = tpu.memref_slice %arg2[%mul3A_305] : memref<160000xi32, #tpu.memory_space<hbm>> -> memref<128xi32, #tpu.memory_space<hbm>>
    %dma_start3A_307 = tpu.memref_slice %arg2[%mul3A_305] : memref<160000xi32, #tpu.memory_space<hbm>> -> memref<128xi32, #tpu.memory_space<hbm>>
    tpu.enqueue_dma source(%dma_start3A_307 : memref<128xi32, #tpu.memory_space<hbm>>) target(%arg7 : memref<128xi32, #tpu.memory_space<vmem>>) target_semaphore(%arg11 : memref<!tpu.dma_semaphore, #tpu.memory_space<semaphore_mem>>)
    %scan3A = arith.constant 0 : i32
    %scan3A_308 = arith.constant 0 : i32
    %scan3A_309 = arith.constant 19 : i32
    %scan3A_310 = arith.addi %scan3A_308, %scan3A_309 : i32
    %scan3A_311 = arith.constant 1 : i32
    scf.for %scan3A_337 = %scan3A_308 to %scan3A_310 step %scan3A_311  : i32 {
      %mul3A_338 = arith.constant 2 : i32
      %mul3A_339 = arith.muli %mul3A_338, %scan3A_337 : i32
      %add3A_340 = arith.addi %add3A_296, %mul3A_339 : i32
      %mul3A_341 = arith.constant 128 : i32
      %mul3A_342 = arith.muli %add3A_340, %mul3A_341 : i32
      %dma_wait3A_343 = tpu.memref_slice %arg2[%mul3A_342] : memref<160000xi32, #tpu.memory_space<hbm>> -> memref<128xi32, #tpu.memory_space<hbm>>
      %dma_wait3A_344 = tpu.memref_slice %arg2[%mul3A_342] : memref<160000xi32, #tpu.memory_space<hbm>> -> memref<128xi32, #tpu.memory_space<hbm>>
      tpu.wait_dma2 semaphore(%arg10 : memref<!tpu.dma_semaphore, #tpu.memory_space<semaphore_mem>>) src(%dma_wait3A_344 : memref<128xi32, #tpu.memory_space<hbm>>) dst(%arg6 : memref<128xi32, #tpu.memory_space<vmem>>)
      %dma_start3A_345 = arith.constant 0 : i32
      %dma_start3A_346 = tpu.memref_slice %arg5[%dma_start3A_345] : memref<10000xf32, #tpu.memory_space<vmem_shared>> -> memref<10000xf32, #tpu.memory_space<vmem_shared>>
      tpu.enqueue_indirect_dma source(%arg8 : memref<128xf32, #tpu.memory_space<vmem>>) target(%dma_start3A_346 : memref<10000xf32, #tpu.memory_space<vmem_shared>>) offsets(%arg6 : memref<128xi32, #tpu.memory_space<vmem>>) semaphore(%arg12 : memref<!tpu.dma_semaphore, #tpu.memory_space<semaphore_mem>>) {add = true}
      %mul3A_347 = arith.constant 2 : i32
      %mul3A_348 = arith.muli %mul3A_347, %scan3A_337 : i32
      %add3A_349 = arith.constant 1 : i32
      %add3A_350 = arith.addi %mul3A_348, %add3A_349 : i32
      %add3A_351 = arith.addi %add3A_296, %add3A_350 : i32
      %mul3A_352 = arith.constant 128 : i32
      %mul3A_353 = arith.muli %add3A_351, %mul3A_352 : i32
      %dma_wait3A_354 = tpu.memref_slice %arg2[%mul3A_353] : memref<160000xi32, #tpu.memory_space<hbm>> -> memref<128xi32, #tpu.memory_space<hbm>>
      %dma_wait3A_355 = tpu.memref_slice %arg2[%mul3A_353] : memref<160000xi32, #tpu.memory_space<hbm>> -> memref<128xi32, #tpu.memory_space<hbm>>
      tpu.wait_dma2 semaphore(%arg11 : memref<!tpu.dma_semaphore, #tpu.memory_space<semaphore_mem>>) src(%dma_wait3A_355 : memref<128xi32, #tpu.memory_space<hbm>>) dst(%arg7 : memref<128xi32, #tpu.memory_space<vmem>>)
      %dma_start3A_356 = arith.constant 0 : i32
      %dma_start3A_357 = tpu.memref_slice %arg5[%dma_start3A_356] : memref<10000xf32, #tpu.memory_space<vmem_shared>> -> memref<10000xf32, #tpu.memory_space<vmem_shared>>
      tpu.enqueue_indirect_dma source(%arg8 : memref<128xf32, #tpu.memory_space<vmem>>) target(%dma_start3A_357 : memref<10000xf32, #tpu.memory_space<vmem_shared>>) offsets(%arg7 : memref<128xi32, #tpu.memory_space<vmem>>) semaphore(%arg13 : memref<!tpu.dma_semaphore, #tpu.memory_space<semaphore_mem>>) {add = true}
      %lt3A_358 = arith.constant 18 : i32
      %lt3A_359 = arith.cmpi slt, %scan3A_337, %lt3A_358 : i32
      %convert_element_type3A_360 = arith.extui %lt3A_359 : i1 to i32
      %cond3A_361 = arith.constant 0 : i32
      %cond3A_362 = arith.cmpi ne, %convert_element_type3A_360, %cond3A_361 : i32
      scf.if %cond3A_362 {
        %dma_wait3A_363 = arith.constant 0 : i32
        %dma_wait3A_364 = tpu.memref_slice %arg5[%dma_wait3A_363] : memref<10000xf32, #tpu.memory_space<vmem_shared>> -> memref<10000xf32, #tpu.memory_space<vmem_shared>>
        tpu.wait_indirect_dma semaphore(%arg12 : memref<!tpu.dma_semaphore, #tpu.memory_space<semaphore_mem>>) src(%arg8 : memref<128xf32, #tpu.memory_space<vmem>>) dst(%dma_wait3A_364 : memref<10000xf32, #tpu.memory_space<vmem_shared>>)
        %mul3A_365 = arith.constant 2 : i32
        %mul3A_366 = arith.muli %mul3A_365, %scan3A_337 : i32
        %add3A_367 = arith.constant 2 : i32
        %add3A_368 = arith.addi %mul3A_366, %add3A_367 : i32
        %add3A_369 = arith.addi %add3A_296, %add3A_368 : i32
        %mul3A_370 = arith.constant 128 : i32
        %mul3A_371 = arith.muli %add3A_369, %mul3A_370 : i32
        %dma_start3A_372 = tpu.memref_slice %arg2[%mul3A_371] : memref<160000xi32, #tpu.memory_space<hbm>> -> memref<128xi32, #tpu.memory_space<hbm>>
        %dma_start3A_373 = tpu.memref_slice %arg2[%mul3A_371] : memref<160000xi32, #tpu.memory_space<hbm>> -> memref<128xi32, #tpu.memory_space<hbm>>
        tpu.enqueue_dma source(%dma_start3A_373 : memref<128xi32, #tpu.memory_space<hbm>>) target(%arg6 : memref<128xi32, #tpu.memory_space<vmem>>) target_semaphore(%arg10 : memref<!tpu.dma_semaphore, #tpu.memory_space<semaphore_mem>>)
        %dma_wait3A_374 = arith.constant 0 : i32
        %dma_wait3A_375 = tpu.memref_slice %arg5[%dma_wait3A_374] : memref<10000xf32, #tpu.memory_space<vmem_shared>> -> memref<10000xf32, #tpu.memory_space<vmem_shared>>
        tpu.wait_indirect_dma semaphore(%arg13 : memref<!tpu.dma_semaphore, #tpu.memory_space<semaphore_mem>>) src(%arg8 : memref<128xf32, #tpu.memory_space<vmem>>) dst(%dma_wait3A_375 : memref<10000xf32, #tpu.memory_space<vmem_shared>>)
        %mul3A_376 = arith.constant 2 : i32
        %mul3A_377 = arith.muli %mul3A_376, %scan3A_337 : i32
        %add3A_378 = arith.constant 3 : i32
        %add3A_379 = arith.addi %mul3A_377, %add3A_378 : i32
        %add3A_380 = arith.addi %add3A_296, %add3A_379 : i32
        %mul3A_381 = arith.constant 128 : i32
        %mul3A_382 = arith.muli %add3A_380, %mul3A_381 : i32
        %dma_start3A_383 = tpu.memref_slice %arg2[%mul3A_382] : memref<160000xi32, #tpu.memory_space<hbm>> -> memref<128xi32, #tpu.memory_space<hbm>>
        %dma_start3A_384 = tpu.memref_slice %arg2[%mul3A_382] : memref<160000xi32, #tpu.memory_space<hbm>> -> memref<128xi32, #tpu.memory_space<hbm>>
        tpu.enqueue_dma source(%dma_start3A_384 : memref<128xi32, #tpu.memory_space<hbm>>) target(%arg7 : memref<128xi32, #tpu.memory_space<vmem>>) target_semaphore(%arg11 : memref<!tpu.dma_semaphore, #tpu.memory_space<semaphore_mem>>)
      } else {
      }
    }
    %scan3A_312 = arith.constant 19 : i32
    %dma_wait3A = arith.constant 0 : i32
    %dma_wait3A_313 = tpu.memref_slice %arg5[%dma_wait3A] : memref<10000xf32, #tpu.memory_space<vmem_shared>> -> memref<10000xf32, #tpu.memory_space<vmem_shared>>
    tpu.wait_indirect_dma semaphore(%arg12 : memref<!tpu.dma_semaphore, #tpu.memory_space<semaphore_mem>>) src(%arg8 : memref<128xf32, #tpu.memory_space<vmem>>) dst(%dma_wait3A_313 : memref<10000xf32, #tpu.memory_space<vmem_shared>>)
    %dma_wait3A_314 = arith.constant 0 : i32
    %dma_wait3A_315 = tpu.memref_slice %arg5[%dma_wait3A_314] : memref<10000xf32, #tpu.memory_space<vmem_shared>> -> memref<10000xf32, #tpu.memory_space<vmem_shared>>
    tpu.wait_indirect_dma semaphore(%arg13 : memref<!tpu.dma_semaphore, #tpu.memory_space<semaphore_mem>>) src(%arg8 : memref<128xf32, #tpu.memory_space<vmem>>) dst(%dma_wait3A_315 : memref<10000xf32, #tpu.memory_space<vmem_shared>>)
    %add3A_316 = arith.constant 39 : i32
    %add3A_317 = arith.addi %add3A_296, %add3A_316 : i32
    %sub3A = arith.constant 1 : i32
    %sub3A_318 = arith.subi %add3A_317, %sub3A : i32
    %mul3A_319 = arith.constant 128 : i32
    %mul3A_320 = arith.muli %sub3A_318, %mul3A_319 : i32
    "tpu.region"() ({
      %run_scoped3A = tpu.sem_alloc : memref<!tpu.dma_semaphore, #tpu.memory_space<semaphore_mem>>
      %dma_start3A_337 = tpu.memref_slice %arg2[%mul3A_320] : memref<160000xi32, #tpu.memory_space<hbm>> -> memref<128xi32, #tpu.memory_space<hbm>>
      %dma_start3A_338 = tpu.memref_slice %arg2[%mul3A_320] : memref<160000xi32, #tpu.memory_space<hbm>> -> memref<128xi32, #tpu.memory_space<hbm>>
      tpu.enqueue_dma source(%dma_start3A_338 : memref<128xi32, #tpu.memory_space<hbm>>) target(%arg6 : memref<128xi32, #tpu.memory_space<vmem>>) target_semaphore(%run_scoped3A : memref<!tpu.dma_semaphore, #tpu.memory_space<semaphore_mem>>)
      %dma_wait3A_339 = tpu.memref_slice %arg2[%mul3A_320] : memref<160000xi32, #tpu.memory_space<hbm>> -> memref<128xi32, #tpu.memory_space<hbm>>
      %dma_wait3A_340 = tpu.memref_slice %arg2[%mul3A_320] : memref<160000xi32, #tpu.memory_space<hbm>> -> memref<128xi32, #tpu.memory_space<hbm>>
      tpu.wait_dma2 semaphore(%run_scoped3A : memref<!tpu.dma_semaphore, #tpu.memory_space<semaphore_mem>>) src(%dma_wait3A_340 : memref<128xi32, #tpu.memory_space<hbm>>) dst(%arg6 : memref<128xi32, #tpu.memory_space<vmem>>)
      tpu.yield
    }) : () -> ()
    "tpu.region"() ({
      %run_scoped3A = tpu.sem_alloc : memref<!tpu.dma_semaphore, #tpu.memory_space<semaphore_mem>>
      %dma_start3A_337 = arith.constant 0 : i32
      %dma_start3A_338 = tpu.memref_slice %arg5[%dma_start3A_337] : memref<10000xf32, #tpu.memory_space<vmem_shared>> -> memref<10000xf32, #tpu.memory_space<vmem_shared>>
      tpu.enqueue_indirect_dma source(%arg8 : memref<128xf32, #tpu.memory_space<vmem>>) target(%dma_start3A_338 : memref<10000xf32, #tpu.memory_space<vmem_shared>>) offsets(%arg6 : memref<128xi32, #tpu.memory_space<vmem>>) semaphore(%run_scoped3A : memref<!tpu.dma_semaphore, #tpu.memory_space<semaphore_mem>>) {add = true}
      %dma_wait3A_339 = arith.constant 0 : i32
      %dma_wait3A_340 = tpu.memref_slice %arg5[%dma_wait3A_339] : memref<10000xf32, #tpu.memory_space<vmem_shared>> -> memref<10000xf32, #tpu.memory_space<vmem_shared>>
      tpu.wait_indirect_dma semaphore(%run_scoped3A : memref<!tpu.dma_semaphore, #tpu.memory_space<semaphore_mem>>) src(%arg8 : memref<128xf32, #tpu.memory_space<vmem>>) dst(%dma_wait3A_340 : memref<10000xf32, #tpu.memory_space<vmem_shared>>)
      tpu.yield
    }) : () -> ()
    %eq3A_321 = arith.constant 0 : i32
    %eq3A_322 = arith.cmpi eq, %arg1, %eq3A_321 : i32
    %convert_element_type3A_323 = arith.extui %eq3A_322 : i1 to i32
    %cond3A_324 = arith.constant 0 : i32
    %cond3A_325 = arith.cmpi ne, %convert_element_type3A_323, %cond3A_324 : i32
    scf.if %cond3A_325 {
      %add3A_337 = arith.constant 39 : i32
      %add3A_338 = arith.addi %add3A_296, %add3A_337 : i32
      %mul3A_339 = arith.constant 128 : i32
      %mul3A_340 = arith.muli %add3A_338, %mul3A_339 : i32
      "tpu.region"() ({
        %run_scoped3A = tpu.sem_alloc : memref<!tpu.dma_semaphore, #tpu.memory_space<semaphore_mem>>
        %dma_start3A_341 = tpu.memref_slice %arg2[%mul3A_340] : memref<160000xi32, #tpu.memory_space<hbm>> -> memref<128xi32, #tpu.memory_space<hbm>>
        %dma_start3A_342 = tpu.memref_slice %arg2[%mul3A_340] : memref<160000xi32, #tpu.memory_space<hbm>> -> memref<128xi32, #tpu.memory_space<hbm>>
        tpu.enqueue_dma source(%dma_start3A_342 : memref<128xi32, #tpu.memory_space<hbm>>) target(%arg6 : memref<128xi32, #tpu.memory_space<vmem>>) target_semaphore(%run_scoped3A : memref<!tpu.dma_semaphore, #tpu.memory_space<semaphore_mem>>)
        %dma_wait3A_343 = tpu.memref_slice %arg2[%mul3A_340] : memref<160000xi32, #tpu.memory_space<hbm>> -> memref<128xi32, #tpu.memory_space<hbm>>
        %dma_wait3A_344 = tpu.memref_slice %arg2[%mul3A_340] : memref<160000xi32, #tpu.memory_space<hbm>> -> memref<128xi32, #tpu.memory_space<hbm>>
        tpu.wait_dma2 semaphore(%run_scoped3A : memref<!tpu.dma_semaphore, #tpu.memory_space<semaphore_mem>>) src(%dma_wait3A_344 : memref<128xi32, #tpu.memory_space<hbm>>) dst(%arg6 : memref<128xi32, #tpu.memory_space<vmem>>)
        tpu.yield
      }) : () -> ()
      "tpu.region"() ({
        %run_scoped3A = tpu.sem_alloc : memref<!tpu.dma_semaphore, #tpu.memory_space<semaphore_mem>>
        %dma_start3A_341 = arith.constant 0 : i32
        %dma_start3A_342 = tpu.memref_slice %arg5[%dma_start3A_341] : memref<10000xf32, #tpu.memory_space<vmem_shared>> -> memref<10000xf32, #tpu.memory_space<vmem_shared>>
        tpu.enqueue_indirect_dma source(%arg8 : memref<128xf32, #tpu.memory_space<vmem>>) target(%dma_start3A_342 : memref<10000xf32, #tpu.memory_space<vmem_shared>>) offsets(%arg6 : memref<128xi32, #tpu.memory_space<vmem>>) semaphore(%run_scoped3A : memref<!tpu.dma_semaphore, #tpu.memory_space<semaphore_mem>>) {add = true}
        %dma_wait3A_343 = arith.constant 0 : i32
        %dma_wait3A_344 = tpu.memref_slice %arg5[%dma_wait3A_343] : memref<10000xf32, #tpu.memory_space<vmem_shared>> -> memref<10000xf32, #tpu.memory_space<vmem_shared>>
        tpu.wait_indirect_dma semaphore(%run_scoped3A : memref<!tpu.dma_semaphore, #tpu.memory_space<semaphore_mem>>) src(%arg8 : memref<128xf32, #tpu.memory_space<vmem>>) dst(%dma_wait3A_344 : memref<10000xf32, #tpu.memory_space<vmem_shared>>)
        tpu.yield
      }) : () -> ()
    } else {
    }
    %barrier3A_326 = arith.constant 0 : index
    tpu.barrier barrier_id(%barrier3A_326)
    %eq3A_327 = arith.constant 0 : i32
    %eq3A_328 = arith.cmpi eq, %arg0, %eq3A_327 : i32
    %convert_element_type3A_329 = arith.extui %eq3A_328 : i1 to i32
    %cond3A_330 = arith.constant 0 : i32
    %cond3A_331 = arith.cmpi ne, %convert_element_type3A_329, %cond3A_330 : i32
    scf.if %cond3A_331 {
      %lt3A_337 = arith.constant 15 : i32
      %lt3A_338 = arith.cmpi slt, %arg1, %lt3A_337 : i32
      %convert_element_type3A_339 = arith.extui %lt3A_338 : i1 to i32
      %cond3A_340 = arith.constant 0 : i32
      %cond3A_341 = arith.cmpi ne, %convert_element_type3A_339, %cond3A_340 : i32
      scf.if %cond3A_341 {
        %mul3A_347 = arith.constant 632 : i32
        %mul3A_348 = arith.muli %arg1, %mul3A_347 : i32
        "tpu.region"() ({
          %run_scoped3A = tpu.sem_alloc : memref<!tpu.dma_semaphore, #tpu.memory_space<semaphore_mem>>
          %dma_start3A_351 = arith.constant 0 : i32
          %dma_start3A_352 = tpu.memref_slice %arg9[%dma_start3A_351] : memref<640xf32, #tpu.memory_space<vmem>> -> memref<632xf32, #tpu.memory_space<vmem>>
          %dma_start3A_353 = tpu.memref_slice %arg5[%mul3A_348] : memref<10000xf32, #tpu.memory_space<vmem_shared>> -> memref<632xf32, #tpu.memory_space<vmem_shared>>
          %dma_start3A_354 = arith.constant 0 : i32
          %dma_start3A_355 = tpu.memref_slice %arg9[%dma_start3A_354] : memref<640xf32, #tpu.memory_space<vmem>> -> memref<632xf32, #tpu.memory_space<vmem>>
          %dma_start3A_356 = tpu.memref_slice %arg5[%mul3A_348] : memref<10000xf32, #tpu.memory_space<vmem_shared>> -> memref<632xf32, #tpu.memory_space<vmem_shared>>
          tpu.enqueue_dma source(%dma_start3A_356 : memref<632xf32, #tpu.memory_space<vmem_shared>>) target(%dma_start3A_355 : memref<632xf32, #tpu.memory_space<vmem>>) target_semaphore(%run_scoped3A : memref<!tpu.dma_semaphore, #tpu.memory_space<semaphore_mem>>)
          %dma_wait3A_357 = arith.constant 0 : i32
          %dma_wait3A_358 = tpu.memref_slice %arg9[%dma_wait3A_357] : memref<640xf32, #tpu.memory_space<vmem>> -> memref<632xf32, #tpu.memory_space<vmem>>
          %dma_wait3A_359 = tpu.memref_slice %arg5[%mul3A_348] : memref<10000xf32, #tpu.memory_space<vmem_shared>> -> memref<632xf32, #tpu.memory_space<vmem_shared>>
          %dma_wait3A_360 = arith.constant 0 : i32
          %dma_wait3A_361 = tpu.memref_slice %arg9[%dma_wait3A_360] : memref<640xf32, #tpu.memory_space<vmem>> -> memref<632xf32, #tpu.memory_space<vmem>>
          %dma_wait3A_362 = tpu.memref_slice %arg5[%mul3A_348] : memref<10000xf32, #tpu.memory_space<vmem_shared>> -> memref<632xf32, #tpu.memory_space<vmem_shared>>
          tpu.wait_dma2 semaphore(%run_scoped3A : memref<!tpu.dma_semaphore, #tpu.memory_space<semaphore_mem>>) src(%dma_wait3A_362 : memref<632xf32, #tpu.memory_space<vmem_shared>>) dst(%dma_wait3A_361 : memref<632xf32, #tpu.memory_space<vmem>>)
          tpu.yield
        }) : () -> ()
        %mul3A_349 = arith.constant 632 : i32
        %mul3A_350 = arith.muli %arg1, %mul3A_349 : i32
        "tpu.region"() ({
          %run_scoped3A = tpu.sem_alloc : memref<!tpu.dma_semaphore, #tpu.memory_space<semaphore_mem>>
          %dma_start3A_351 = arith.constant 0 : i32
          %dma_start3A_352 = tpu.memref_slice %arg9[%dma_start3A_351] : memref<640xf32, #tpu.memory_space<vmem>> -> memref<632xf32, #tpu.memory_space<vmem>>
          %dma_start3A_353 = tpu.memref_slice %arg3[%mul3A_350] : memref<10000xf32, #tpu.memory_space<hbm>> -> memref<632xf32, #tpu.memory_space<hbm>>
          %dma_start3A_354 = tpu.memref_slice %arg3[%mul3A_350] : memref<10000xf32, #tpu.memory_space<hbm>> -> memref<632xf32, #tpu.memory_space<hbm>>
          %dma_start3A_355 = arith.constant 0 : i32
          %dma_start3A_356 = tpu.memref_slice %arg9[%dma_start3A_355] : memref<640xf32, #tpu.memory_space<vmem>> -> memref<632xf32, #tpu.memory_space<vmem>>
          tpu.enqueue_dma source(%dma_start3A_356 : memref<632xf32, #tpu.memory_space<vmem>>) target(%dma_start3A_354 : memref<632xf32, #tpu.memory_space<hbm>>) target_semaphore(%run_scoped3A : memref<!tpu.dma_semaphore, #tpu.memory_space<semaphore_mem>>)
          %dma_wait3A_357 = arith.constant 0 : i32
          %dma_wait3A_358 = tpu.memref_slice %arg9[%dma_wait3A_357] : memref<640xf32, #tpu.memory_space<vmem>> -> memref<632xf32, #tpu.memory_space<vmem>>
          %dma_wait3A_359 = tpu.memref_slice %arg3[%mul3A_350] : memref<10000xf32, #tpu.memory_space<hbm>> -> memref<632xf32, #tpu.memory_space<hbm>>
          %dma_wait3A_360 = tpu.memref_slice %arg3[%mul3A_350] : memref<10000xf32, #tpu.memory_space<hbm>> -> memref<632xf32, #tpu.memory_space<hbm>>
          %dma_wait3A_361 = arith.constant 0 : i32
          %dma_wait3A_362 = tpu.memref_slice %arg9[%dma_wait3A_361] : memref<640xf32, #tpu.memory_space<vmem>> -> memref<632xf32, #tpu.memory_space<vmem>>
          tpu.wait_dma2 semaphore(%run_scoped3A : memref<!tpu.dma_semaphore, #tpu.memory_space<semaphore_mem>>) src(%dma_wait3A_362 : memref<632xf32, #tpu.memory_space<vmem>>) dst(%dma_wait3A_360 : memref<632xf32, #tpu.memory_space<hbm>>)
          tpu.yield
        }) : () -> ()
      } else {
      }
      %eq3A_342 = arith.constant 15 : i32
      %eq3A_343 = arith.cmpi eq, %arg1, %eq3A_342 : i32
      %convert_element_type3A_344 = arith.extui %eq3A_343 : i1 to i32
      %cond3A_345 = arith.constant 0 : i32
      %cond3A_346 = arith.cmpi ne, %convert_element_type3A_344, %cond3A_345 : i32
      scf.if %cond3A_346 {
        "tpu.region"() ({
          %run_scoped3A = tpu.sem_alloc : memref<!tpu.dma_semaphore, #tpu.memory_space<semaphore_mem>>
          %dma_start3A_347 = arith.constant 0 : i32
          %dma_start3A_348 = tpu.memref_slice %arg9[%dma_start3A_347] : memref<640xf32, #tpu.memory_space<vmem>> -> memref<520xf32, #tpu.memory_space<vmem>>
          %dma_start3A_349 = arith.constant 9480 : i32
          %dma_start3A_350 = tpu.memref_slice %arg5[%dma_start3A_349] : memref<10000xf32, #tpu.memory_space<vmem_shared>> -> memref<520xf32, #tpu.memory_space<vmem_shared>>
          %dma_start3A_351 = arith.constant 0 : i32
          %dma_start3A_352 = tpu.memref_slice %arg9[%dma_start3A_351] : memref<640xf32, #tpu.memory_space<vmem>> -> memref<520xf32, #tpu.memory_space<vmem>>
          %dma_start3A_353 = arith.constant 9480 : i32
          %dma_start3A_354 = tpu.memref_slice %arg5[%dma_start3A_353] : memref<10000xf32, #tpu.memory_space<vmem_shared>> -> memref<520xf32, #tpu.memory_space<vmem_shared>>
          tpu.enqueue_dma source(%dma_start3A_354 : memref<520xf32, #tpu.memory_space<vmem_shared>>) target(%dma_start3A_352 : memref<520xf32, #tpu.memory_space<vmem>>) target_semaphore(%run_scoped3A : memref<!tpu.dma_semaphore, #tpu.memory_space<semaphore_mem>>)
          %dma_wait3A_355 = arith.constant 0 : i32
          %dma_wait3A_356 = tpu.memref_slice %arg9[%dma_wait3A_355] : memref<640xf32, #tpu.memory_space<vmem>> -> memref<520xf32, #tpu.memory_space<vmem>>
          %dma_wait3A_357 = arith.constant 9480 : i32
          %dma_wait3A_358 = tpu.memref_slice %arg5[%dma_wait3A_357] : memref<10000xf32, #tpu.memory_space<vmem_shared>> -> memref<520xf32, #tpu.memory_space<vmem_shared>>
          %dma_wait3A_359 = arith.constant 0 : i32
          %dma_wait3A_360 = tpu.memref_slice %arg9[%dma_wait3A_359] : memref<640xf32, #tpu.memory_space<vmem>> -> memref<520xf32, #tpu.memory_space<vmem>>
          %dma_wait3A_361 = arith.constant 9480 : i32
          %dma_wait3A_362 = tpu.memref_slice %arg5[%dma_wait3A_361] : memref<10000xf32, #tpu.memory_space<vmem_shared>> -> memref<520xf32, #tpu.memory_space<vmem_shared>>
          tpu.wait_dma2 semaphore(%run_scoped3A : memref<!tpu.dma_semaphore, #tpu.memory_space<semaphore_mem>>) src(%dma_wait3A_362 : memref<520xf32, #tpu.memory_space<vmem_shared>>) dst(%dma_wait3A_360 : memref<520xf32, #tpu.memory_space<vmem>>)
          tpu.yield
        }) : () -> ()
        "tpu.region"() ({
          %run_scoped3A = tpu.sem_alloc : memref<!tpu.dma_semaphore, #tpu.memory_space<semaphore_mem>>
          %dma_start3A_347 = arith.constant 0 : i32
          %dma_start3A_348 = tpu.memref_slice %arg9[%dma_start3A_347] : memref<640xf32, #tpu.memory_space<vmem>> -> memref<520xf32, #tpu.memory_space<vmem>>
          %dma_start3A_349 = arith.constant 9480 : i32
          %dma_start3A_350 = tpu.memref_slice %arg3[%dma_start3A_349] : memref<10000xf32, #tpu.memory_space<hbm>> -> memref<520xf32, #tpu.memory_space<hbm>>
          %dma_start3A_351 = arith.constant 9480 : i32
          %dma_start3A_352 = tpu.memref_slice %arg3[%dma_start3A_351] : memref<10000xf32, #tpu.memory_space<hbm>> -> memref<520xf32, #tpu.memory_space<hbm>>
          %dma_start3A_353 = arith.constant 0 : i32
          %dma_start3A_354 = tpu.memref_slice %arg9[%dma_start3A_353] : memref<640xf32, #tpu.memory_space<vmem>> -> memref<520xf32, #tpu.memory_space<vmem>>
          tpu.enqueue_dma source(%dma_start3A_354 : memref<520xf32, #tpu.memory_space<vmem>>) target(%dma_start3A_352 : memref<520xf32, #tpu.memory_space<hbm>>) target_semaphore(%run_scoped3A : memref<!tpu.dma_semaphore, #tpu.memory_space<semaphore_mem>>)
          %dma_wait3A_355 = arith.constant 0 : i32
          %dma_wait3A_356 = tpu.memref_slice %arg9[%dma_wait3A_355] : memref<640xf32, #tpu.memory_space<vmem>> -> memref<520xf32, #tpu.memory_space<vmem>>
          %dma_wait3A_357 = arith.constant 9480 : i32
          %dma_wait3A_358 = tpu.memref_slice %arg3[%dma_wait3A_357] : memref<10000xf32, #tpu.memory_space<hbm>> -> memref<520xf32, #tpu.memory_space<hbm>>
          %dma_wait3A_359 = arith.constant 9480 : i32
          %dma_wait3A_360 = tpu.memref_slice %arg3[%dma_wait3A_359] : memref<10000xf32, #tpu.memory_space<hbm>> -> memref<520xf32, #tpu.memory_space<hbm>>
          %dma_wait3A_361 = arith.constant 0 : i32
          %dma_wait3A_362 = tpu.memref_slice %arg9[%dma_wait3A_361] : memref<640xf32, #tpu.memory_space<vmem>> -> memref<520xf32, #tpu.memory_space<vmem>>
          tpu.wait_dma2 semaphore(%run_scoped3A : memref<!tpu.dma_semaphore, #tpu.memory_space<semaphore_mem>>) src(%dma_wait3A_362 : memref<520xf32, #tpu.memory_space<vmem>>) dst(%dma_wait3A_360 : memref<520xf32, #tpu.memory_space<hbm>>)
          tpu.yield
        }) : () -> ()
      } else {
      }
    } else {
    }
    %eq3A_332 = arith.constant 1 : i32
    %eq3A_333 = arith.cmpi eq, %arg0, %eq3A_332 : i32
    %convert_element_type3A_334 = arith.extui %eq3A_333 : i1 to i32
    %cond3A_335 = arith.constant 0 : i32
    %cond3A_336 = arith.cmpi ne, %convert_element_type3A_334, %cond3A_335 : i32
    scf.if %cond3A_336 {
      %lt3A_337 = arith.constant 15 : i32
      %lt3A_338 = arith.cmpi slt, %arg1, %lt3A_337 : i32
      %convert_element_type3A_339 = arith.extui %lt3A_338 : i1 to i32
      %cond3A_340 = arith.constant 0 : i32
      %cond3A_341 = arith.cmpi ne, %convert_element_type3A_339, %cond3A_340 : i32
      scf.if %cond3A_341 {
        %mul3A_347 = arith.constant 632 : i32
        %mul3A_348 = arith.muli %arg1, %mul3A_347 : i32
        "tpu.region"() ({
          %run_scoped3A = tpu.sem_alloc : memref<!tpu.dma_semaphore, #tpu.memory_space<semaphore_mem>>
          %dma_start3A_351 = arith.constant 0 : i32
          %dma_start3A_352 = tpu.memref_slice %arg9[%dma_start3A_351] : memref<640xf32, #tpu.memory_space<vmem>> -> memref<632xf32, #tpu.memory_space<vmem>>
          %dma_start3A_353 = tpu.memref_slice %arg5[%mul3A_348] : memref<10000xf32, #tpu.memory_space<vmem_shared>> -> memref<632xf32, #tpu.memory_space<vmem_shared>>
          %dma_start3A_354 = arith.constant 0 : i32
          %dma_start3A_355 = tpu.memref_slice %arg9[%dma_start3A_354] : memref<640xf32, #tpu.memory_space<vmem>> -> memref<632xf32, #tpu.memory_space<vmem>>
          %dma_start3A_356 = tpu.memref_slice %arg5[%mul3A_348] : memref<10000xf32, #tpu.memory_space<vmem_shared>> -> memref<632xf32, #tpu.memory_space<vmem_shared>>
          tpu.enqueue_dma source(%dma_start3A_356 : memref<632xf32, #tpu.memory_space<vmem_shared>>) target(%dma_start3A_355 : memref<632xf32, #tpu.memory_space<vmem>>) target_semaphore(%run_scoped3A : memref<!tpu.dma_semaphore, #tpu.memory_space<semaphore_mem>>)
          %dma_wait3A_357 = arith.constant 0 : i32
          %dma_wait3A_358 = tpu.memref_slice %arg9[%dma_wait3A_357] : memref<640xf32, #tpu.memory_space<vmem>> -> memref<632xf32, #tpu.memory_space<vmem>>
          %dma_wait3A_359 = tpu.memref_slice %arg5[%mul3A_348] : memref<10000xf32, #tpu.memory_space<vmem_shared>> -> memref<632xf32, #tpu.memory_space<vmem_shared>>
          %dma_wait3A_360 = arith.constant 0 : i32
          %dma_wait3A_361 = tpu.memref_slice %arg9[%dma_wait3A_360] : memref<640xf32, #tpu.memory_space<vmem>> -> memref<632xf32, #tpu.memory_space<vmem>>
          %dma_wait3A_362 = tpu.memref_slice %arg5[%mul3A_348] : memref<10000xf32, #tpu.memory_space<vmem_shared>> -> memref<632xf32, #tpu.memory_space<vmem_shared>>
          tpu.wait_dma2 semaphore(%run_scoped3A : memref<!tpu.dma_semaphore, #tpu.memory_space<semaphore_mem>>) src(%dma_wait3A_362 : memref<632xf32, #tpu.memory_space<vmem_shared>>) dst(%dma_wait3A_361 : memref<632xf32, #tpu.memory_space<vmem>>)
          tpu.yield
        }) : () -> ()
        %mul3A_349 = arith.constant 632 : i32
        %mul3A_350 = arith.muli %arg1, %mul3A_349 : i32
        "tpu.region"() ({
          %run_scoped3A = tpu.sem_alloc : memref<!tpu.dma_semaphore, #tpu.memory_space<semaphore_mem>>
          %dma_start3A_351 = arith.constant 0 : i32
          %dma_start3A_352 = tpu.memref_slice %arg9[%dma_start3A_351] : memref<640xf32, #tpu.memory_space<vmem>> -> memref<632xf32, #tpu.memory_space<vmem>>
          %dma_start3A_353 = tpu.memref_slice %arg4[%mul3A_350] : memref<10000xf32, #tpu.memory_space<hbm>> -> memref<632xf32, #tpu.memory_space<hbm>>
          %dma_start3A_354 = tpu.memref_slice %arg4[%mul3A_350] : memref<10000xf32, #tpu.memory_space<hbm>> -> memref<632xf32, #tpu.memory_space<hbm>>
          %dma_start3A_355 = arith.constant 0 : i32
          %dma_start3A_356 = tpu.memref_slice %arg9[%dma_start3A_355] : memref<640xf32, #tpu.memory_space<vmem>> -> memref<632xf32, #tpu.memory_space<vmem>>
          tpu.enqueue_dma source(%dma_start3A_356 : memref<632xf32, #tpu.memory_space<vmem>>) target(%dma_start3A_354 : memref<632xf32, #tpu.memory_space<hbm>>) target_semaphore(%run_scoped3A : memref<!tpu.dma_semaphore, #tpu.memory_space<semaphore_mem>>)
          %dma_wait3A_357 = arith.constant 0 : i32
          %dma_wait3A_358 = tpu.memref_slice %arg9[%dma_wait3A_357] : memref<640xf32, #tpu.memory_space<vmem>> -> memref<632xf32, #tpu.memory_space<vmem>>
          %dma_wait3A_359 = tpu.memref_slice %arg4[%mul3A_350] : memref<10000xf32, #tpu.memory_space<hbm>> -> memref<632xf32, #tpu.memory_space<hbm>>
          %dma_wait3A_360 = tpu.memref_slice %arg4[%mul3A_350] : memref<10000xf32, #tpu.memory_space<hbm>> -> memref<632xf32, #tpu.memory_space<hbm>>
          %dma_wait3A_361 = arith.constant 0 : i32
          %dma_wait3A_362 = tpu.memref_slice %arg9[%dma_wait3A_361] : memref<640xf32, #tpu.memory_space<vmem>> -> memref<632xf32, #tpu.memory_space<vmem>>
          tpu.wait_dma2 semaphore(%run_scoped3A : memref<!tpu.dma_semaphore, #tpu.memory_space<semaphore_mem>>) src(%dma_wait3A_362 : memref<632xf32, #tpu.memory_space<vmem>>) dst(%dma_wait3A_360 : memref<632xf32, #tpu.memory_space<hbm>>)
          tpu.yield
        }) : () -> ()
      } else {
      }
      %eq3A_342 = arith.constant 15 : i32
      %eq3A_343 = arith.cmpi eq, %arg1, %eq3A_342 : i32
      %convert_element_type3A_344 = arith.extui %eq3A_343 : i1 to i32
      %cond3A_345 = arith.constant 0 : i32
      %cond3A_346 = arith.cmpi ne, %convert_element_type3A_344, %cond3A_345 : i32
      scf.if %cond3A_346 {
        "tpu.region"() ({
          %run_scoped3A = tpu.sem_alloc : memref<!tpu.dma_semaphore, #tpu.memory_space<semaphore_mem>>
          %dma_start3A_347 = arith.constant 0 : i32
          %dma_start3A_348 = tpu.memref_slice %arg9[%dma_start3A_347] : memref<640xf32, #tpu.memory_space<vmem>> -> memref<520xf32, #tpu.memory_space<vmem>>
          %dma_start3A_349 = arith.constant 9480 : i32
          %dma_start3A_350 = tpu.memref_slice %arg5[%dma_start3A_349] : memref<10000xf32, #tpu.memory_space<vmem_shared>> -> memref<520xf32, #tpu.memory_space<vmem_shared>>
          %dma_start3A_351 = arith.constant 0 : i32
          %dma_start3A_352 = tpu.memref_slice %arg9[%dma_start3A_351] : memref<640xf32, #tpu.memory_space<vmem>> -> memref<520xf32, #tpu.memory_space<vmem>>
          %dma_start3A_353 = arith.constant 9480 : i32
          %dma_start3A_354 = tpu.memref_slice %arg5[%dma_start3A_353] : memref<10000xf32, #tpu.memory_space<vmem_shared>> -> memref<520xf32, #tpu.memory_space<vmem_shared>>
          tpu.enqueue_dma source(%dma_start3A_354 : memref<520xf32, #tpu.memory_space<vmem_shared>>) target(%dma_start3A_352 : memref<520xf32, #tpu.memory_space<vmem>>) target_semaphore(%run_scoped3A : memref<!tpu.dma_semaphore, #tpu.memory_space<semaphore_mem>>)
          %dma_wait3A_355 = arith.constant 0 : i32
          %dma_wait3A_356 = tpu.memref_slice %arg9[%dma_wait3A_355] : memref<640xf32, #tpu.memory_space<vmem>> -> memref<520xf32, #tpu.memory_space<vmem>>
          %dma_wait3A_357 = arith.constant 9480 : i32
          %dma_wait3A_358 = tpu.memref_slice %arg5[%dma_wait3A_357] : memref<10000xf32, #tpu.memory_space<vmem_shared>> -> memref<520xf32, #tpu.memory_space<vmem_shared>>
          %dma_wait3A_359 = arith.constant 0 : i32
          %dma_wait3A_360 = tpu.memref_slice %arg9[%dma_wait3A_359] : memref<640xf32, #tpu.memory_space<vmem>> -> memref<520xf32, #tpu.memory_space<vmem>>
          %dma_wait3A_361 = arith.constant 9480 : i32
          %dma_wait3A_362 = tpu.memref_slice %arg5[%dma_wait3A_361] : memref<10000xf32, #tpu.memory_space<vmem_shared>> -> memref<520xf32, #tpu.memory_space<vmem_shared>>
          tpu.wait_dma2 semaphore(%run_scoped3A : memref<!tpu.dma_semaphore, #tpu.memory_space<semaphore_mem>>) src(%dma_wait3A_362 : memref<520xf32, #tpu.memory_space<vmem_shared>>) dst(%dma_wait3A_360 : memref<520xf32, #tpu.memory_space<vmem>>)
          tpu.yield
        }) : () -> ()
        "tpu.region"() ({
          %run_scoped3A = tpu.sem_alloc : memref<!tpu.dma_semaphore, #tpu.memory_space<semaphore_mem>>
          %dma_start3A_347 = arith.constant 0 : i32
          %dma_start3A_348 = tpu.memref_slice %arg9[%dma_start3A_347] : memref<640xf32, #tpu.memory_space<vmem>> -> memref<520xf32, #tpu.memory_space<vmem>>
          %dma_start3A_349 = arith.constant 9480 : i32
          %dma_start3A_350 = tpu.memref_slice %arg4[%dma_start3A_349] : memref<10000xf32, #tpu.memory_space<hbm>> -> memref<520xf32, #tpu.memory_space<hbm>>
          %dma_start3A_351 = arith.constant 9480 : i32
          %dma_start3A_352 = tpu.memref_slice %arg4[%dma_start3A_351] : memref<10000xf32, #tpu.memory_space<hbm>> -> memref<520xf32, #tpu.memory_space<hbm>>
          %dma_start3A_353 = arith.constant 0 : i32
          %dma_start3A_354 = tpu.memref_slice %arg9[%dma_start3A_353] : memref<640xf32, #tpu.memory_space<vmem>> -> memref<520xf32, #tpu.memory_space<vmem>>
          tpu.enqueue_dma source(%dma_start3A_354 : memref<520xf32, #tpu.memory_space<vmem>>) target(%dma_start3A_352 : memref<520xf32, #tpu.memory_space<hbm>>) target_semaphore(%run_scoped3A : memref<!tpu.dma_semaphore, #tpu.memory_space<semaphore_mem>>)
          %dma_wait3A_355 = arith.constant 0 : i32
          %dma_wait3A_356 = tpu.memref_slice %arg9[%dma_wait3A_355] : memref<640xf32, #tpu.memory_space<vmem>> -> memref<520xf32, #tpu.memory_space<vmem>>
          %dma_wait3A_357 = arith.constant 9480 : i32
          %dma_wait3A_358 = tpu.memref_slice %arg4[%dma_wait3A_357] : memref<10000xf32, #tpu.memory_space<hbm>> -> memref<520xf32, #tpu.memory_space<hbm>>
          %dma_wait3A_359 = arith.constant 9480 : i32
          %dma_wait3A_360 = tpu.memref_slice %arg4[%dma_wait3A_359] : memref<10000xf32, #tpu.memory_space<hbm>> -> memref<520xf32, #tpu.memory_space<hbm>>
          %dma_wait3A_361 = arith.constant 0 : i32
          %dma_wait3A_362 = tpu.memref_slice %arg9[%dma_wait3A_361] : memref<640xf32, #tpu.memory_space<vmem>> -> memref<520xf32, #tpu.memory_space<vmem>>
          tpu.wait_dma2 semaphore(%run_scoped3A : memref<!tpu.dma_semaphore, #tpu.memory_space<semaphore_mem>>) src(%dma_wait3A_362 : memref<520xf32, #tpu.memory_space<vmem>>) dst(%dma_wait3A_360 : memref<520xf32, #tpu.memory_space<hbm>>)
          tpu.yield
        }) : () -> ()
      } else {
      }
    } else {
    }
    return
  }
}

#map = affine_map<(d0, d1) -> (0, 0)>
#map1 = affine_map<(d0, d1) -> (0)>
module attributes {stable_mosaic.version = 14 : i64} {
  func.func @_prop1_sc(%arg0: i32, %arg1: i32, %arg2: memref<10000x128xf32, #tpu.memory_space<hbm>>, %arg3: memref<10000x128xf32, #tpu.memory_space<hbm>>, %arg4: memref<160000xi32, #tpu.memory_space<hbm>>, %arg5: memref<160000xi32, #tpu.memory_space<hbm>>, %arg6: memref<10000x128xf32, #tpu.memory_space<hbm>>, %arg7: memref<10000x128xf32, #tpu.memory_space<hbm>>, %arg8: memref<10000x128xf32, #tpu.memory_space<vmem_shared>>, %arg9: memref<128xi32, #tpu.memory_space<vmem>>, %arg10: memref<128xi32, #tpu.memory_space<vmem>>, %arg11: memref<128xi32, #tpu.memory_space<vmem>>, %arg12: memref<128xi32, #tpu.memory_space<vmem>>, %arg13: memref<128xi32, #tpu.memory_space<vmem>>, %arg14: memref<128xi32, #tpu.memory_space<vmem>>, %arg15: memref<128x128xf32, #tpu.memory_space<vmem>>, %arg16: memref<128x128xf32, #tpu.memory_space<vmem>>, %arg17: memref<128x128xf32, #tpu.memory_space<vmem>>, %arg18: memref<!tpu.dma_semaphore, #tpu.memory_space<semaphore_mem>>, %arg19: memref<!tpu.dma_semaphore, #tpu.memory_space<semaphore_mem>>, %arg20: memref<!tpu.dma_semaphore, #tpu.memory_space<semaphore_mem>>, %arg21: memref<!tpu.dma_semaphore, #tpu.memory_space<semaphore_mem>>, %arg22: memref<!tpu.dma_semaphore, #tpu.memory_space<semaphore_mem>>, %arg23: memref<!tpu.dma_semaphore, #tpu.memory_space<semaphore_mem>>, %arg24: memref<!tpu.dma_semaphore, #tpu.memory_space<semaphore_mem>>, %arg25: memref<!tpu.dma_semaphore, #tpu.memory_space<semaphore_mem>>, %arg26: memref<!tpu.dma_semaphore, #tpu.memory_space<semaphore_mem>>, %arg27: memref<!tpu.dma_semaphore, #tpu.memory_space<semaphore_mem>>, %arg28: memref<!tpu.dma_semaphore, #tpu.memory_space<semaphore_mem>>, %arg29: memref<!tpu.dma_semaphore, #tpu.memory_space<semaphore_mem>>) attributes {dimension_semantics = [#tpu.dimension_semantics<core_parallel>, #tpu.dimension_semantics<subcore_parallel>], iteration_bounds = array<i64: 2, 16>, scalar_prefetch = 0 : i64, scratch_operands = 22 : i64, tpu.core_type = #tpu.core_type<sc_vector_subcore>, window_params = [{transform_indices = #map}, {transform_indices = #map}, {transform_indices = #map1}, {transform_indices = #map1}, {transform_indices = #map}, {transform_indices = #map}]} {
    %eq3A = arith.constant 0 : i32
    %eq3A_0 = arith.cmpi eq, %arg0, %eq3A : i32
    %convert_element_type3A = arith.extui %eq3A_0 : i1 to i32
    %cond3A = arith.constant 0 : i32
    %cond3A_1 = arith.cmpi ne, %convert_element_type3A, %cond3A : i32
    scf.if %cond3A_1 {
      %lt3A = arith.constant 15 : i32
      %lt3A_30 = arith.cmpi slt, %arg1, %lt3A : i32
      %convert_element_type3A_31 = arith.extui %lt3A_30 : i1 to i32
      %cond3A_32 = arith.constant 0 : i32
      %cond3A_33 = arith.cmpi ne, %convert_element_type3A_31, %cond3A_32 : i32
      scf.if %cond3A_33 {
        %mul3A_39 = arith.constant 632 : i32
        %mul3A_40 = arith.muli %arg1, %mul3A_39 : i32
        %mul3A_41 = arith.constant 632 : i32
        %mul3A_42 = arith.muli %arg1, %mul3A_41 : i32
        "tpu.region"() ({
          %run_scoped3A = tpu.sem_alloc : memref<!tpu.dma_semaphore, #tpu.memory_space<semaphore_mem>>
          %dma_start3A = arith.constant 0 : i32
          %dma_start3A_43 = tpu.memref_slice %arg8[%mul3A_42, %dma_start3A] : memref<10000x128xf32, #tpu.memory_space<vmem_shared>> -> memref<632x128xf32, #tpu.memory_space<vmem_shared>>
          %dma_start3A_44 = arith.constant 0 : i32
          %dma_start3A_45 = tpu.memref_slice %arg2[%mul3A_40, %dma_start3A_44] : memref<10000x128xf32, #tpu.memory_space<hbm>> -> memref<632x128xf32, #tpu.memory_space<hbm>>
          tpu.enqueue_dma source(%dma_start3A_45 : memref<632x128xf32, #tpu.memory_space<hbm>>) target(%dma_start3A_43 : memref<632x128xf32, #tpu.memory_space<vmem_shared>>) target_semaphore(%run_scoped3A : memref<!tpu.dma_semaphore, #tpu.memory_space<semaphore_mem>>)
          %dma_wait3A = arith.constant 0 : i32
          %dma_wait3A_46 = tpu.memref_slice %arg8[%mul3A_42, %dma_wait3A] : memref<10000x128xf32, #tpu.memory_space<vmem_shared>> -> memref<632x128xf32, #tpu.memory_space<vmem_shared>>
          %dma_wait3A_47 = arith.constant 0 : i32
          %dma_wait3A_48 = tpu.memref_slice %arg2[%mul3A_40, %dma_wait3A_47] : memref<10000x128xf32, #tpu.memory_space<hbm>> -> memref<632x128xf32, #tpu.memory_space<hbm>>
          tpu.wait_dma2 semaphore(%run_scoped3A : memref<!tpu.dma_semaphore, #tpu.memory_space<semaphore_mem>>) src(%dma_wait3A_48 : memref<632x128xf32, #tpu.memory_space<hbm>>) dst(%dma_wait3A_46 : memref<632x128xf32, #tpu.memory_space<vmem_shared>>)
          tpu.yield
        }) : () -> ()
      } else {
      }
      %eq3A_34 = arith.constant 15 : i32
      %eq3A_35 = arith.cmpi eq, %arg1, %eq3A_34 : i32
      %convert_element_type3A_36 = arith.extui %eq3A_35 : i1 to i32
      %cond3A_37 = arith.constant 0 : i32
      %cond3A_38 = arith.cmpi ne, %convert_element_type3A_36, %cond3A_37 : i32
      scf.if %cond3A_38 {
        "tpu.region"() ({
          %run_scoped3A = tpu.sem_alloc : memref<!tpu.dma_semaphore, #tpu.memory_space<semaphore_mem>>
          %dma_start3A = arith.constant 9480 : i32
          %dma_start3A_39 = arith.constant 0 : i32
          %dma_start3A_40 = tpu.memref_slice %arg8[%dma_start3A, %dma_start3A_39] : memref<10000x128xf32, #tpu.memory_space<vmem_shared>> -> memref<520x128xf32, #tpu.memory_space<vmem_shared>>
          %dma_start3A_41 = arith.constant 9480 : i32
          %dma_start3A_42 = arith.constant 0 : i32
          %dma_start3A_43 = tpu.memref_slice %arg2[%dma_start3A_41, %dma_start3A_42] : memref<10000x128xf32, #tpu.memory_space<hbm>> -> memref<520x128xf32, #tpu.memory_space<hbm>>
          tpu.enqueue_dma source(%dma_start3A_43 : memref<520x128xf32, #tpu.memory_space<hbm>>) target(%dma_start3A_40 : memref<520x128xf32, #tpu.memory_space<vmem_shared>>) target_semaphore(%run_scoped3A : memref<!tpu.dma_semaphore, #tpu.memory_space<semaphore_mem>>)
          %dma_wait3A = arith.constant 9480 : i32
          %dma_wait3A_44 = arith.constant 0 : i32
          %dma_wait3A_45 = tpu.memref_slice %arg8[%dma_wait3A, %dma_wait3A_44] : memref<10000x128xf32, #tpu.memory_space<vmem_shared>> -> memref<520x128xf32, #tpu.memory_space<vmem_shared>>
          %dma_wait3A_46 = arith.constant 9480 : i32
          %dma_wait3A_47 = arith.constant 0 : i32
          %dma_wait3A_48 = tpu.memref_slice %arg2[%dma_wait3A_46, %dma_wait3A_47] : memref<10000x128xf32, #tpu.memory_space<hbm>> -> memref<520x128xf32, #tpu.memory_space<hbm>>
          tpu.wait_dma2 semaphore(%run_scoped3A : memref<!tpu.dma_semaphore, #tpu.memory_space<semaphore_mem>>) src(%dma_wait3A_48 : memref<520x128xf32, #tpu.memory_space<hbm>>) dst(%dma_wait3A_45 : memref<520x128xf32, #tpu.memory_space<vmem_shared>>)
          tpu.yield
        }) : () -> ()
      } else {
      }
    } else {
    }
    %eq3A_2 = arith.constant 1 : i32
    %eq3A_3 = arith.cmpi eq, %arg0, %eq3A_2 : i32
    %convert_element_type3A_4 = arith.extui %eq3A_3 : i1 to i32
    %cond3A_5 = arith.constant 0 : i32
    %cond3A_6 = arith.cmpi ne, %convert_element_type3A_4, %cond3A_5 : i32
    scf.if %cond3A_6 {
      %lt3A = arith.constant 15 : i32
      %lt3A_30 = arith.cmpi slt, %arg1, %lt3A : i32
      %convert_element_type3A_31 = arith.extui %lt3A_30 : i1 to i32
      %cond3A_32 = arith.constant 0 : i32
      %cond3A_33 = arith.cmpi ne, %convert_element_type3A_31, %cond3A_32 : i32
      scf.if %cond3A_33 {
        %mul3A_39 = arith.constant 632 : i32
        %mul3A_40 = arith.muli %arg1, %mul3A_39 : i32
        %mul3A_41 = arith.constant 632 : i32
        %mul3A_42 = arith.muli %arg1, %mul3A_41 : i32
        "tpu.region"() ({
          %run_scoped3A = tpu.sem_alloc : memref<!tpu.dma_semaphore, #tpu.memory_space<semaphore_mem>>
          %dma_start3A = arith.constant 0 : i32
          %dma_start3A_43 = tpu.memref_slice %arg8[%mul3A_42, %dma_start3A] : memref<10000x128xf32, #tpu.memory_space<vmem_shared>> -> memref<632x128xf32, #tpu.memory_space<vmem_shared>>
          %dma_start3A_44 = arith.constant 0 : i32
          %dma_start3A_45 = tpu.memref_slice %arg3[%mul3A_40, %dma_start3A_44] : memref<10000x128xf32, #tpu.memory_space<hbm>> -> memref<632x128xf32, #tpu.memory_space<hbm>>
          tpu.enqueue_dma source(%dma_start3A_45 : memref<632x128xf32, #tpu.memory_space<hbm>>) target(%dma_start3A_43 : memref<632x128xf32, #tpu.memory_space<vmem_shared>>) target_semaphore(%run_scoped3A : memref<!tpu.dma_semaphore, #tpu.memory_space<semaphore_mem>>)
          %dma_wait3A = arith.constant 0 : i32
          %dma_wait3A_46 = tpu.memref_slice %arg8[%mul3A_42, %dma_wait3A] : memref<10000x128xf32, #tpu.memory_space<vmem_shared>> -> memref<632x128xf32, #tpu.memory_space<vmem_shared>>
          %dma_wait3A_47 = arith.constant 0 : i32
          %dma_wait3A_48 = tpu.memref_slice %arg3[%mul3A_40, %dma_wait3A_47] : memref<10000x128xf32, #tpu.memory_space<hbm>> -> memref<632x128xf32, #tpu.memory_space<hbm>>
          tpu.wait_dma2 semaphore(%run_scoped3A : memref<!tpu.dma_semaphore, #tpu.memory_space<semaphore_mem>>) src(%dma_wait3A_48 : memref<632x128xf32, #tpu.memory_space<hbm>>) dst(%dma_wait3A_46 : memref<632x128xf32, #tpu.memory_space<vmem_shared>>)
          tpu.yield
        }) : () -> ()
      } else {
      }
      %eq3A_34 = arith.constant 15 : i32
      %eq3A_35 = arith.cmpi eq, %arg1, %eq3A_34 : i32
      %convert_element_type3A_36 = arith.extui %eq3A_35 : i1 to i32
      %cond3A_37 = arith.constant 0 : i32
      %cond3A_38 = arith.cmpi ne, %convert_element_type3A_36, %cond3A_37 : i32
      scf.if %cond3A_38 {
        "tpu.region"() ({
          %run_scoped3A = tpu.sem_alloc : memref<!tpu.dma_semaphore, #tpu.memory_space<semaphore_mem>>
          %dma_start3A = arith.constant 9480 : i32
          %dma_start3A_39 = arith.constant 0 : i32
          %dma_start3A_40 = tpu.memref_slice %arg8[%dma_start3A, %dma_start3A_39] : memref<10000x128xf32, #tpu.memory_space<vmem_shared>> -> memref<520x128xf32, #tpu.memory_space<vmem_shared>>
          %dma_start3A_41 = arith.constant 9480 : i32
          %dma_start3A_42 = arith.constant 0 : i32
          %dma_start3A_43 = tpu.memref_slice %arg3[%dma_start3A_41, %dma_start3A_42] : memref<10000x128xf32, #tpu.memory_space<hbm>> -> memref<520x128xf32, #tpu.memory_space<hbm>>
          tpu.enqueue_dma source(%dma_start3A_43 : memref<520x128xf32, #tpu.memory_space<hbm>>) target(%dma_start3A_40 : memref<520x128xf32, #tpu.memory_space<vmem_shared>>) target_semaphore(%run_scoped3A : memref<!tpu.dma_semaphore, #tpu.memory_space<semaphore_mem>>)
          %dma_wait3A = arith.constant 9480 : i32
          %dma_wait3A_44 = arith.constant 0 : i32
          %dma_wait3A_45 = tpu.memref_slice %arg8[%dma_wait3A, %dma_wait3A_44] : memref<10000x128xf32, #tpu.memory_space<vmem_shared>> -> memref<520x128xf32, #tpu.memory_space<vmem_shared>>
          %dma_wait3A_46 = arith.constant 9480 : i32
          %dma_wait3A_47 = arith.constant 0 : i32
          %dma_wait3A_48 = tpu.memref_slice %arg3[%dma_wait3A_46, %dma_wait3A_47] : memref<10000x128xf32, #tpu.memory_space<hbm>> -> memref<520x128xf32, #tpu.memory_space<hbm>>
          tpu.wait_dma2 semaphore(%run_scoped3A : memref<!tpu.dma_semaphore, #tpu.memory_space<semaphore_mem>>) src(%dma_wait3A_48 : memref<520x128xf32, #tpu.memory_space<hbm>>) dst(%dma_wait3A_45 : memref<520x128xf32, #tpu.memory_space<vmem_shared>>)
          tpu.yield
        }) : () -> ()
      } else {
      }
    } else {
    }
    %barrier3A = arith.constant 0 : index
    tpu.barrier barrier_id(%barrier3A)
    %mul3A = arith.constant 78 : i32
    %mul3A_7 = arith.muli %arg1, %mul3A : i32
    %min3A = arith.constant 2 : i32
    %min3A_8 = arith.minsi %arg1, %min3A : i32
    %add3A = arith.addi %mul3A_7, %min3A_8 : i32
    %eq3A_9 = arith.constant 0 : i32
    %eq3A_10 = arith.cmpi eq, %arg0, %eq3A_9 : i32
    %convert_element_type3A_11 = arith.extui %eq3A_10 : i1 to i32
    %cond3A_12 = arith.constant 0 : i32
    %cond3A_13 = arith.cmpi ne, %convert_element_type3A_11, %cond3A_12 : i32
    scf.if %cond3A_13 {
      %add3A_30 = arith.constant 0 : i32
      %add3A_31 = arith.addi %add3A, %add3A_30 : i32
      %mul3A_32 = arith.constant 128 : i32
      %mul3A_33 = arith.muli %add3A_31, %mul3A_32 : i32
      %dma_start3A = tpu.memref_slice %arg4[%mul3A_33] : memref<160000xi32, #tpu.memory_space<hbm>> -> memref<128xi32, #tpu.memory_space<hbm>>
      %dma_start3A_34 = tpu.memref_slice %arg4[%mul3A_33] : memref<160000xi32, #tpu.memory_space<hbm>> -> memref<128xi32, #tpu.memory_space<hbm>>
      tpu.enqueue_dma source(%dma_start3A_34 : memref<128xi32, #tpu.memory_space<hbm>>) target(%arg9 : memref<128xi32, #tpu.memory_space<vmem>>) target_semaphore(%arg18 : memref<!tpu.dma_semaphore, #tpu.memory_space<semaphore_mem>>)
      %dma_start3A_35 = tpu.memref_slice %arg5[%mul3A_33] : memref<160000xi32, #tpu.memory_space<hbm>> -> memref<128xi32, #tpu.memory_space<hbm>>
      %dma_start3A_36 = tpu.memref_slice %arg5[%mul3A_33] : memref<160000xi32, #tpu.memory_space<hbm>> -> memref<128xi32, #tpu.memory_space<hbm>>
      tpu.enqueue_dma source(%dma_start3A_36 : memref<128xi32, #tpu.memory_space<hbm>>) target(%arg12 : memref<128xi32, #tpu.memory_space<vmem>>) target_semaphore(%arg21 : memref<!tpu.dma_semaphore, #tpu.memory_space<semaphore_mem>>)
      %add3A_37 = arith.constant 1 : i32
      %add3A_38 = arith.addi %add3A, %add3A_37 : i32
      %mul3A_39 = arith.constant 128 : i32
      %mul3A_40 = arith.muli %add3A_38, %mul3A_39 : i32
      %dma_start3A_41 = tpu.memref_slice %arg4[%mul3A_40] : memref<160000xi32, #tpu.memory_space<hbm>> -> memref<128xi32, #tpu.memory_space<hbm>>
      %dma_start3A_42 = tpu.memref_slice %arg4[%mul3A_40] : memref<160000xi32, #tpu.memory_space<hbm>> -> memref<128xi32, #tpu.memory_space<hbm>>
      tpu.enqueue_dma source(%dma_start3A_42 : memref<128xi32, #tpu.memory_space<hbm>>) target(%arg10 : memref<128xi32, #tpu.memory_space<vmem>>) target_semaphore(%arg19 : memref<!tpu.dma_semaphore, #tpu.memory_space<semaphore_mem>>)
      %dma_start3A_43 = tpu.memref_slice %arg5[%mul3A_40] : memref<160000xi32, #tpu.memory_space<hbm>> -> memref<128xi32, #tpu.memory_space<hbm>>
      %dma_start3A_44 = tpu.memref_slice %arg5[%mul3A_40] : memref<160000xi32, #tpu.memory_space<hbm>> -> memref<128xi32, #tpu.memory_space<hbm>>
      tpu.enqueue_dma source(%dma_start3A_44 : memref<128xi32, #tpu.memory_space<hbm>>) target(%arg13 : memref<128xi32, #tpu.memory_space<vmem>>) target_semaphore(%arg22 : memref<!tpu.dma_semaphore, #tpu.memory_space<semaphore_mem>>)
      %add3A_45 = arith.constant 2 : i32
      %add3A_46 = arith.addi %add3A, %add3A_45 : i32
      %mul3A_47 = arith.constant 128 : i32
      %mul3A_48 = arith.muli %add3A_46, %mul3A_47 : i32
      %dma_start3A_49 = tpu.memref_slice %arg4[%mul3A_48] : memref<160000xi32, #tpu.memory_space<hbm>> -> memref<128xi32, #tpu.memory_space<hbm>>
      %dma_start3A_50 = tpu.memref_slice %arg4[%mul3A_48] : memref<160000xi32, #tpu.memory_space<hbm>> -> memref<128xi32, #tpu.memory_space<hbm>>
      tpu.enqueue_dma source(%dma_start3A_50 : memref<128xi32, #tpu.memory_space<hbm>>) target(%arg11 : memref<128xi32, #tpu.memory_space<vmem>>) target_semaphore(%arg20 : memref<!tpu.dma_semaphore, #tpu.memory_space<semaphore_mem>>)
      %dma_start3A_51 = tpu.memref_slice %arg5[%mul3A_48] : memref<160000xi32, #tpu.memory_space<hbm>> -> memref<128xi32, #tpu.memory_space<hbm>>
      %dma_start3A_52 = tpu.memref_slice %arg5[%mul3A_48] : memref<160000xi32, #tpu.memory_space<hbm>> -> memref<128xi32, #tpu.memory_space<hbm>>
      tpu.enqueue_dma source(%dma_start3A_52 : memref<128xi32, #tpu.memory_space<hbm>>) target(%arg14 : memref<128xi32, #tpu.memory_space<vmem>>) target_semaphore(%arg23 : memref<!tpu.dma_semaphore, #tpu.memory_space<semaphore_mem>>)
      %add3A_53 = arith.constant 0 : i32
      %add3A_54 = arith.addi %add3A, %add3A_53 : i32
      %mul3A_55 = arith.constant 128 : i32
      %mul3A_56 = arith.muli %add3A_54, %mul3A_55 : i32
      %dma_wait3A = tpu.memref_slice %arg4[%mul3A_56] : memref<160000xi32, #tpu.memory_space<hbm>> -> memref<128xi32, #tpu.memory_space<hbm>>
      %dma_wait3A_57 = tpu.memref_slice %arg4[%mul3A_56] : memref<160000xi32, #tpu.memory_space<hbm>> -> memref<128xi32, #tpu.memory_space<hbm>>
      tpu.wait_dma2 semaphore(%arg18 : memref<!tpu.dma_semaphore, #tpu.memory_space<semaphore_mem>>) src(%dma_wait3A_57 : memref<128xi32, #tpu.memory_space<hbm>>) dst(%arg9 : memref<128xi32, #tpu.memory_space<vmem>>)
      %dma_wait3A_58 = tpu.memref_slice %arg5[%mul3A_56] : memref<160000xi32, #tpu.memory_space<hbm>> -> memref<128xi32, #tpu.memory_space<hbm>>
      %dma_wait3A_59 = tpu.memref_slice %arg5[%mul3A_56] : memref<160000xi32, #tpu.memory_space<hbm>> -> memref<128xi32, #tpu.memory_space<hbm>>
      tpu.wait_dma2 semaphore(%arg21 : memref<!tpu.dma_semaphore, #tpu.memory_space<semaphore_mem>>) src(%dma_wait3A_59 : memref<128xi32, #tpu.memory_space<hbm>>) dst(%arg12 : memref<128xi32, #tpu.memory_space<vmem>>)
      %dma_start3A_60 = arith.constant 0 : i32
      %dma_start3A_61 = arith.constant 0 : i32
      %dma_start3A_62 = tpu.memref_slice %arg2[%dma_start3A_60, %dma_start3A_61] : memref<10000x128xf32, #tpu.memory_space<hbm>> -> memref<10000x128xf32, #tpu.memory_space<hbm>>
      tpu.enqueue_indirect_dma source(%dma_start3A_62 : memref<10000x128xf32, #tpu.memory_space<hbm>>) target(%arg15 : memref<128x128xf32, #tpu.memory_space<vmem>>) offsets(%arg9 : memref<128xi32, #tpu.memory_space<vmem>>) semaphore(%arg24 : memref<!tpu.dma_semaphore, #tpu.memory_space<semaphore_mem>>)
      %add3A_63 = arith.constant 1 : i32
      %add3A_64 = arith.addi %add3A, %add3A_63 : i32
      %mul3A_65 = arith.constant 128 : i32
      %mul3A_66 = arith.muli %add3A_64, %mul3A_65 : i32
      %dma_wait3A_67 = tpu.memref_slice %arg4[%mul3A_66] : memref<160000xi32, #tpu.memory_space<hbm>> -> memref<128xi32, #tpu.memory_space<hbm>>
      %dma_wait3A_68 = tpu.memref_slice %arg4[%mul3A_66] : memref<160000xi32, #tpu.memory_space<hbm>> -> memref<128xi32, #tpu.memory_space<hbm>>
      tpu.wait_dma2 semaphore(%arg19 : memref<!tpu.dma_semaphore, #tpu.memory_space<semaphore_mem>>) src(%dma_wait3A_68 : memref<128xi32, #tpu.memory_space<hbm>>) dst(%arg10 : memref<128xi32, #tpu.memory_space<vmem>>)
      %dma_wait3A_69 = tpu.memref_slice %arg5[%mul3A_66] : memref<160000xi32, #tpu.memory_space<hbm>> -> memref<128xi32, #tpu.memory_space<hbm>>
      %dma_wait3A_70 = tpu.memref_slice %arg5[%mul3A_66] : memref<160000xi32, #tpu.memory_space<hbm>> -> memref<128xi32, #tpu.memory_space<hbm>>
      tpu.wait_dma2 semaphore(%arg22 : memref<!tpu.dma_semaphore, #tpu.memory_space<semaphore_mem>>) src(%dma_wait3A_70 : memref<128xi32, #tpu.memory_space<hbm>>) dst(%arg13 : memref<128xi32, #tpu.memory_space<vmem>>)
      %dma_start3A_71 = arith.constant 0 : i32
      %dma_start3A_72 = arith.constant 0 : i32
      %dma_start3A_73 = tpu.memref_slice %arg2[%dma_start3A_71, %dma_start3A_72] : memref<10000x128xf32, #tpu.memory_space<hbm>> -> memref<10000x128xf32, #tpu.memory_space<hbm>>
      tpu.enqueue_indirect_dma source(%dma_start3A_73 : memref<10000x128xf32, #tpu.memory_space<hbm>>) target(%arg16 : memref<128x128xf32, #tpu.memory_space<vmem>>) offsets(%arg10 : memref<128xi32, #tpu.memory_space<vmem>>) semaphore(%arg25 : memref<!tpu.dma_semaphore, #tpu.memory_space<semaphore_mem>>)
      %add3A_74 = arith.constant 2 : i32
      %add3A_75 = arith.addi %add3A, %add3A_74 : i32
      %mul3A_76 = arith.constant 128 : i32
      %mul3A_77 = arith.muli %add3A_75, %mul3A_76 : i32
      %dma_wait3A_78 = tpu.memref_slice %arg4[%mul3A_77] : memref<160000xi32, #tpu.memory_space<hbm>> -> memref<128xi32, #tpu.memory_space<hbm>>
      %dma_wait3A_79 = tpu.memref_slice %arg4[%mul3A_77] : memref<160000xi32, #tpu.memory_space<hbm>> -> memref<128xi32, #tpu.memory_space<hbm>>
      tpu.wait_dma2 semaphore(%arg20 : memref<!tpu.dma_semaphore, #tpu.memory_space<semaphore_mem>>) src(%dma_wait3A_79 : memref<128xi32, #tpu.memory_space<hbm>>) dst(%arg11 : memref<128xi32, #tpu.memory_space<vmem>>)
      %dma_wait3A_80 = tpu.memref_slice %arg5[%mul3A_77] : memref<160000xi32, #tpu.memory_space<hbm>> -> memref<128xi32, #tpu.memory_space<hbm>>
      %dma_wait3A_81 = tpu.memref_slice %arg5[%mul3A_77] : memref<160000xi32, #tpu.memory_space<hbm>> -> memref<128xi32, #tpu.memory_space<hbm>>
      tpu.wait_dma2 semaphore(%arg23 : memref<!tpu.dma_semaphore, #tpu.memory_space<semaphore_mem>>) src(%dma_wait3A_81 : memref<128xi32, #tpu.memory_space<hbm>>) dst(%arg14 : memref<128xi32, #tpu.memory_space<vmem>>)
      %dma_start3A_82 = arith.constant 0 : i32
      %dma_start3A_83 = arith.constant 0 : i32
      %dma_start3A_84 = tpu.memref_slice %arg2[%dma_start3A_82, %dma_start3A_83] : memref<10000x128xf32, #tpu.memory_space<hbm>> -> memref<10000x128xf32, #tpu.memory_space<hbm>>
      tpu.enqueue_indirect_dma source(%dma_start3A_84 : memref<10000x128xf32, #tpu.memory_space<hbm>>) target(%arg17 : memref<128x128xf32, #tpu.memory_space<vmem>>) offsets(%arg11 : memref<128xi32, #tpu.memory_space<vmem>>) semaphore(%arg26 : memref<!tpu.dma_semaphore, #tpu.memory_space<semaphore_mem>>)
      %scan3A = arith.constant 0 : i32
      %scan3A_85 = arith.constant 0 : i32
      %scan3A_86 = arith.constant 26 : i32
      %scan3A_87 = arith.addi %scan3A_85, %scan3A_86 : i32
      %scan3A_88 = arith.constant 1 : i32
      scf.for %scan3A_103 = %scan3A_85 to %scan3A_87 step %scan3A_88  : i32 {
        %dma_wait3A_104 = arith.constant 0 : i32
        %dma_wait3A_105 = arith.constant 0 : i32
        %dma_wait3A_106 = tpu.memref_slice %arg2[%dma_wait3A_104, %dma_wait3A_105] : memref<10000x128xf32, #tpu.memory_space<hbm>> -> memref<10000x128xf32, #tpu.memory_space<hbm>>
        tpu.wait_indirect_dma semaphore(%arg24 : memref<!tpu.dma_semaphore, #tpu.memory_space<semaphore_mem>>) src(%dma_wait3A_106 : memref<10000x128xf32, #tpu.memory_space<hbm>>) dst(%arg15 : memref<128x128xf32, #tpu.memory_space<vmem>>)
        %dma_start3A_107 = arith.constant 0 : i32
        %dma_start3A_108 = arith.constant 0 : i32
        %dma_start3A_109 = tpu.memref_slice %arg8[%dma_start3A_107, %dma_start3A_108] : memref<10000x128xf32, #tpu.memory_space<vmem_shared>> -> memref<10000x128xf32, #tpu.memory_space<vmem_shared>>
        tpu.enqueue_indirect_dma source(%arg15 : memref<128x128xf32, #tpu.memory_space<vmem>>) target(%dma_start3A_109 : memref<10000x128xf32, #tpu.memory_space<vmem_shared>>) offsets(%arg12 : memref<128xi32, #tpu.memory_space<vmem>>) semaphore(%arg27 : memref<!tpu.dma_semaphore, #tpu.memory_space<semaphore_mem>>) {add = true}
        %dma_wait3A_110 = arith.constant 0 : i32
        %dma_wait3A_111 = arith.constant 0 : i32
        %dma_wait3A_112 = tpu.memref_slice %arg2[%dma_wait3A_110, %dma_wait3A_111] : memref<10000x128xf32, #tpu.memory_space<hbm>> -> memref<10000x128xf32, #tpu.memory_space<hbm>>
        tpu.wait_indirect_dma semaphore(%arg25 : memref<!tpu.dma_semaphore, #tpu.memory_space<semaphore_mem>>) src(%dma_wait3A_112 : memref<10000x128xf32, #tpu.memory_space<hbm>>) dst(%arg16 : memref<128x128xf32, #tpu.memory_space<vmem>>)
        %dma_start3A_113 = arith.constant 0 : i32
        %dma_start3A_114 = arith.constant 0 : i32
        %dma_start3A_115 = tpu.memref_slice %arg8[%dma_start3A_113, %dma_start3A_114] : memref<10000x128xf32, #tpu.memory_space<vmem_shared>> -> memref<10000x128xf32, #tpu.memory_space<vmem_shared>>
        tpu.enqueue_indirect_dma source(%arg16 : memref<128x128xf32, #tpu.memory_space<vmem>>) target(%dma_start3A_115 : memref<10000x128xf32, #tpu.memory_space<vmem_shared>>) offsets(%arg13 : memref<128xi32, #tpu.memory_space<vmem>>) semaphore(%arg28 : memref<!tpu.dma_semaphore, #tpu.memory_space<semaphore_mem>>) {add = true}
        %dma_wait3A_116 = arith.constant 0 : i32
        %dma_wait3A_117 = arith.constant 0 : i32
        %dma_wait3A_118 = tpu.memref_slice %arg2[%dma_wait3A_116, %dma_wait3A_117] : memref<10000x128xf32, #tpu.memory_space<hbm>> -> memref<10000x128xf32, #tpu.memory_space<hbm>>
        tpu.wait_indirect_dma semaphore(%arg26 : memref<!tpu.dma_semaphore, #tpu.memory_space<semaphore_mem>>) src(%dma_wait3A_118 : memref<10000x128xf32, #tpu.memory_space<hbm>>) dst(%arg17 : memref<128x128xf32, #tpu.memory_space<vmem>>)
        %dma_start3A_119 = arith.constant 0 : i32
        %dma_start3A_120 = arith.constant 0 : i32
        %dma_start3A_121 = tpu.memref_slice %arg8[%dma_start3A_119, %dma_start3A_120] : memref<10000x128xf32, #tpu.memory_space<vmem_shared>> -> memref<10000x128xf32, #tpu.memory_space<vmem_shared>>
        tpu.enqueue_indirect_dma source(%arg17 : memref<128x128xf32, #tpu.memory_space<vmem>>) target(%dma_start3A_121 : memref<10000x128xf32, #tpu.memory_space<vmem_shared>>) offsets(%arg14 : memref<128xi32, #tpu.memory_space<vmem>>) semaphore(%arg29 : memref<!tpu.dma_semaphore, #tpu.memory_space<semaphore_mem>>) {add = true}
        %lt3A_122 = arith.constant 25 : i32
        %lt3A_123 = arith.cmpi slt, %scan3A_103, %lt3A_122 : i32
        %convert_element_type3A_124 = arith.extui %lt3A_123 : i1 to i32
        %cond3A_125 = arith.constant 0 : i32
        %cond3A_126 = arith.cmpi ne, %convert_element_type3A_124, %cond3A_125 : i32
        scf.if %cond3A_126 {
          %dma_wait3A_127 = arith.constant 0 : i32
          %dma_wait3A_128 = arith.constant 0 : i32
          %dma_wait3A_129 = tpu.memref_slice %arg8[%dma_wait3A_127, %dma_wait3A_128] : memref<10000x128xf32, #tpu.memory_space<vmem_shared>> -> memref<10000x128xf32, #tpu.memory_space<vmem_shared>>
          tpu.wait_indirect_dma semaphore(%arg27 : memref<!tpu.dma_semaphore, #tpu.memory_space<semaphore_mem>>) src(%arg15 : memref<128x128xf32, #tpu.memory_space<vmem>>) dst(%dma_wait3A_129 : memref<10000x128xf32, #tpu.memory_space<vmem_shared>>)
          %mul3A_130 = arith.constant 3 : i32
          %mul3A_131 = arith.muli %mul3A_130, %scan3A_103 : i32
          %add3A_132 = arith.constant 3 : i32
          %add3A_133 = arith.addi %mul3A_131, %add3A_132 : i32
          %add3A_134 = arith.constant 0 : i32
          %add3A_135 = arith.addi %add3A_133, %add3A_134 : i32
          %add3A_136 = arith.addi %add3A, %add3A_135 : i32
          %mul3A_137 = arith.constant 128 : i32
          %mul3A_138 = arith.muli %add3A_136, %mul3A_137 : i32
          %dma_start3A_139 = tpu.memref_slice %arg4[%mul3A_138] : memref<160000xi32, #tpu.memory_space<hbm>> -> memref<128xi32, #tpu.memory_space<hbm>>
          %dma_start3A_140 = tpu.memref_slice %arg4[%mul3A_138] : memref<160000xi32, #tpu.memory_space<hbm>> -> memref<128xi32, #tpu.memory_space<hbm>>
          tpu.enqueue_dma source(%dma_start3A_140 : memref<128xi32, #tpu.memory_space<hbm>>) target(%arg9 : memref<128xi32, #tpu.memory_space<vmem>>) target_semaphore(%arg18 : memref<!tpu.dma_semaphore, #tpu.memory_space<semaphore_mem>>)
          %dma_start3A_141 = tpu.memref_slice %arg5[%mul3A_138] : memref<160000xi32, #tpu.memory_space<hbm>> -> memref<128xi32, #tpu.memory_space<hbm>>
          %dma_start3A_142 = tpu.memref_slice %arg5[%mul3A_138] : memref<160000xi32, #tpu.memory_space<hbm>> -> memref<128xi32, #tpu.memory_space<hbm>>
          tpu.enqueue_dma source(%dma_start3A_142 : memref<128xi32, #tpu.memory_space<hbm>>) target(%arg12 : memref<128xi32, #tpu.memory_space<vmem>>) target_semaphore(%arg21 : memref<!tpu.dma_semaphore, #tpu.memory_space<semaphore_mem>>)
          %mul3A_143 = arith.constant 3 : i32
          %mul3A_144 = arith.muli %mul3A_143, %scan3A_103 : i32
          %add3A_145 = arith.constant 3 : i32
          %add3A_146 = arith.addi %mul3A_144, %add3A_145 : i32
          %add3A_147 = arith.constant 0 : i32
          %add3A_148 = arith.addi %add3A_146, %add3A_147 : i32
          %add3A_149 = arith.addi %add3A, %add3A_148 : i32
          %mul3A_150 = arith.constant 128 : i32
          %mul3A_151 = arith.muli %add3A_149, %mul3A_150 : i32
          %dma_wait3A_152 = tpu.memref_slice %arg4[%mul3A_151] : memref<160000xi32, #tpu.memory_space<hbm>> -> memref<128xi32, #tpu.memory_space<hbm>>
          %dma_wait3A_153 = tpu.memref_slice %arg4[%mul3A_151] : memref<160000xi32, #tpu.memory_space<hbm>> -> memref<128xi32, #tpu.memory_space<hbm>>
          tpu.wait_dma2 semaphore(%arg18 : memref<!tpu.dma_semaphore, #tpu.memory_space<semaphore_mem>>) src(%dma_wait3A_153 : memref<128xi32, #tpu.memory_space<hbm>>) dst(%arg9 : memref<128xi32, #tpu.memory_space<vmem>>)
          %dma_wait3A_154 = tpu.memref_slice %arg5[%mul3A_151] : memref<160000xi32, #tpu.memory_space<hbm>> -> memref<128xi32, #tpu.memory_space<hbm>>
          %dma_wait3A_155 = tpu.memref_slice %arg5[%mul3A_151] : memref<160000xi32, #tpu.memory_space<hbm>> -> memref<128xi32, #tpu.memory_space<hbm>>
          tpu.wait_dma2 semaphore(%arg21 : memref<!tpu.dma_semaphore, #tpu.memory_space<semaphore_mem>>) src(%dma_wait3A_155 : memref<128xi32, #tpu.memory_space<hbm>>) dst(%arg12 : memref<128xi32, #tpu.memory_space<vmem>>)
          %dma_start3A_156 = arith.constant 0 : i32
          %dma_start3A_157 = arith.constant 0 : i32
          %dma_start3A_158 = tpu.memref_slice %arg2[%dma_start3A_156, %dma_start3A_157] : memref<10000x128xf32, #tpu.memory_space<hbm>> -> memref<10000x128xf32, #tpu.memory_space<hbm>>
          tpu.enqueue_indirect_dma source(%dma_start3A_158 : memref<10000x128xf32, #tpu.memory_space<hbm>>) target(%arg15 : memref<128x128xf32, #tpu.memory_space<vmem>>) offsets(%arg9 : memref<128xi32, #tpu.memory_space<vmem>>) semaphore(%arg24 : memref<!tpu.dma_semaphore, #tpu.memory_space<semaphore_mem>>)
          %dma_wait3A_159 = arith.constant 0 : i32
          %dma_wait3A_160 = arith.constant 0 : i32
          %dma_wait3A_161 = tpu.memref_slice %arg8[%dma_wait3A_159, %dma_wait3A_160] : memref<10000x128xf32, #tpu.memory_space<vmem_shared>> -> memref<10000x128xf32, #tpu.memory_space<vmem_shared>>
          tpu.wait_indirect_dma semaphore(%arg28 : memref<!tpu.dma_semaphore, #tpu.memory_space<semaphore_mem>>) src(%arg16 : memref<128x128xf32, #tpu.memory_space<vmem>>) dst(%dma_wait3A_161 : memref<10000x128xf32, #tpu.memory_space<vmem_shared>>)
          %mul3A_162 = arith.constant 3 : i32
          %mul3A_163 = arith.muli %mul3A_162, %scan3A_103 : i32
          %add3A_164 = arith.constant 3 : i32
          %add3A_165 = arith.addi %mul3A_163, %add3A_164 : i32
          %add3A_166 = arith.constant 1 : i32
          %add3A_167 = arith.addi %add3A_165, %add3A_166 : i32
          %add3A_168 = arith.addi %add3A, %add3A_167 : i32
          %mul3A_169 = arith.constant 128 : i32
          %mul3A_170 = arith.muli %add3A_168, %mul3A_169 : i32
          %dma_start3A_171 = tpu.memref_slice %arg4[%mul3A_170] : memref<160000xi32, #tpu.memory_space<hbm>> -> memref<128xi32, #tpu.memory_space<hbm>>
          %dma_start3A_172 = tpu.memref_slice %arg4[%mul3A_170] : memref<160000xi32, #tpu.memory_space<hbm>> -> memref<128xi32, #tpu.memory_space<hbm>>
          tpu.enqueue_dma source(%dma_start3A_172 : memref<128xi32, #tpu.memory_space<hbm>>) target(%arg10 : memref<128xi32, #tpu.memory_space<vmem>>) target_semaphore(%arg19 : memref<!tpu.dma_semaphore, #tpu.memory_space<semaphore_mem>>)
          %dma_start3A_173 = tpu.memref_slice %arg5[%mul3A_170] : memref<160000xi32, #tpu.memory_space<hbm>> -> memref<128xi32, #tpu.memory_space<hbm>>
          %dma_start3A_174 = tpu.memref_slice %arg5[%mul3A_170] : memref<160000xi32, #tpu.memory_space<hbm>> -> memref<128xi32, #tpu.memory_space<hbm>>
          tpu.enqueue_dma source(%dma_start3A_174 : memref<128xi32, #tpu.memory_space<hbm>>) target(%arg13 : memref<128xi32, #tpu.memory_space<vmem>>) target_semaphore(%arg22 : memref<!tpu.dma_semaphore, #tpu.memory_space<semaphore_mem>>)
          %mul3A_175 = arith.constant 3 : i32
          %mul3A_176 = arith.muli %mul3A_175, %scan3A_103 : i32
          %add3A_177 = arith.constant 3 : i32
          %add3A_178 = arith.addi %mul3A_176, %add3A_177 : i32
          %add3A_179 = arith.constant 1 : i32
          %add3A_180 = arith.addi %add3A_178, %add3A_179 : i32
          %add3A_181 = arith.addi %add3A, %add3A_180 : i32
          %mul3A_182 = arith.constant 128 : i32
          %mul3A_183 = arith.muli %add3A_181, %mul3A_182 : i32
          %dma_wait3A_184 = tpu.memref_slice %arg4[%mul3A_183] : memref<160000xi32, #tpu.memory_space<hbm>> -> memref<128xi32, #tpu.memory_space<hbm>>
          %dma_wait3A_185 = tpu.memref_slice %arg4[%mul3A_183] : memref<160000xi32, #tpu.memory_space<hbm>> -> memref<128xi32, #tpu.memory_space<hbm>>
          tpu.wait_dma2 semaphore(%arg19 : memref<!tpu.dma_semaphore, #tpu.memory_space<semaphore_mem>>) src(%dma_wait3A_185 : memref<128xi32, #tpu.memory_space<hbm>>) dst(%arg10 : memref<128xi32, #tpu.memory_space<vmem>>)
          %dma_wait3A_186 = tpu.memref_slice %arg5[%mul3A_183] : memref<160000xi32, #tpu.memory_space<hbm>> -> memref<128xi32, #tpu.memory_space<hbm>>
          %dma_wait3A_187 = tpu.memref_slice %arg5[%mul3A_183] : memref<160000xi32, #tpu.memory_space<hbm>> -> memref<128xi32, #tpu.memory_space<hbm>>
          tpu.wait_dma2 semaphore(%arg22 : memref<!tpu.dma_semaphore, #tpu.memory_space<semaphore_mem>>) src(%dma_wait3A_187 : memref<128xi32, #tpu.memory_space<hbm>>) dst(%arg13 : memref<128xi32, #tpu.memory_space<vmem>>)
          %dma_start3A_188 = arith.constant 0 : i32
          %dma_start3A_189 = arith.constant 0 : i32
          %dma_start3A_190 = tpu.memref_slice %arg2[%dma_start3A_188, %dma_start3A_189] : memref<10000x128xf32, #tpu.memory_space<hbm>> -> memref<10000x128xf32, #tpu.memory_space<hbm>>
          tpu.enqueue_indirect_dma source(%dma_start3A_190 : memref<10000x128xf32, #tpu.memory_space<hbm>>) target(%arg16 : memref<128x128xf32, #tpu.memory_space<vmem>>) offsets(%arg10 : memref<128xi32, #tpu.memory_space<vmem>>) semaphore(%arg25 : memref<!tpu.dma_semaphore, #tpu.memory_space<semaphore_mem>>)
          %dma_wait3A_191 = arith.constant 0 : i32
          %dma_wait3A_192 = arith.constant 0 : i32
          %dma_wait3A_193 = tpu.memref_slice %arg8[%dma_wait3A_191, %dma_wait3A_192] : memref<10000x128xf32, #tpu.memory_space<vmem_shared>> -> memref<10000x128xf32, #tpu.memory_space<vmem_shared>>
          tpu.wait_indirect_dma semaphore(%arg29 : memref<!tpu.dma_semaphore, #tpu.memory_space<semaphore_mem>>) src(%arg17 : memref<128x128xf32, #tpu.memory_space<vmem>>) dst(%dma_wait3A_193 : memref<10000x128xf32, #tpu.memory_space<vmem_shared>>)
          %mul3A_194 = arith.constant 3 : i32
          %mul3A_195 = arith.muli %mul3A_194, %scan3A_103 : i32
          %add3A_196 = arith.constant 3 : i32
          %add3A_197 = arith.addi %mul3A_195, %add3A_196 : i32
          %add3A_198 = arith.constant 2 : i32
          %add3A_199 = arith.addi %add3A_197, %add3A_198 : i32
          %add3A_200 = arith.addi %add3A, %add3A_199 : i32
          %mul3A_201 = arith.constant 128 : i32
          %mul3A_202 = arith.muli %add3A_200, %mul3A_201 : i32
          %dma_start3A_203 = tpu.memref_slice %arg4[%mul3A_202] : memref<160000xi32, #tpu.memory_space<hbm>> -> memref<128xi32, #tpu.memory_space<hbm>>
          %dma_start3A_204 = tpu.memref_slice %arg4[%mul3A_202] : memref<160000xi32, #tpu.memory_space<hbm>> -> memref<128xi32, #tpu.memory_space<hbm>>
          tpu.enqueue_dma source(%dma_start3A_204 : memref<128xi32, #tpu.memory_space<hbm>>) target(%arg11 : memref<128xi32, #tpu.memory_space<vmem>>) target_semaphore(%arg20 : memref<!tpu.dma_semaphore, #tpu.memory_space<semaphore_mem>>)
          %dma_start3A_205 = tpu.memref_slice %arg5[%mul3A_202] : memref<160000xi32, #tpu.memory_space<hbm>> -> memref<128xi32, #tpu.memory_space<hbm>>
          %dma_start3A_206 = tpu.memref_slice %arg5[%mul3A_202] : memref<160000xi32, #tpu.memory_space<hbm>> -> memref<128xi32, #tpu.memory_space<hbm>>
          tpu.enqueue_dma source(%dma_start3A_206 : memref<128xi32, #tpu.memory_space<hbm>>) target(%arg14 : memref<128xi32, #tpu.memory_space<vmem>>) target_semaphore(%arg23 : memref<!tpu.dma_semaphore, #tpu.memory_space<semaphore_mem>>)
          %mul3A_207 = arith.constant 3 : i32
          %mul3A_208 = arith.muli %mul3A_207, %scan3A_103 : i32
          %add3A_209 = arith.constant 3 : i32
          %add3A_210 = arith.addi %mul3A_208, %add3A_209 : i32
          %add3A_211 = arith.constant 2 : i32
          %add3A_212 = arith.addi %add3A_210, %add3A_211 : i32
          %add3A_213 = arith.addi %add3A, %add3A_212 : i32
          %mul3A_214 = arith.constant 128 : i32
          %mul3A_215 = arith.muli %add3A_213, %mul3A_214 : i32
          %dma_wait3A_216 = tpu.memref_slice %arg4[%mul3A_215] : memref<160000xi32, #tpu.memory_space<hbm>> -> memref<128xi32, #tpu.memory_space<hbm>>
          %dma_wait3A_217 = tpu.memref_slice %arg4[%mul3A_215] : memref<160000xi32, #tpu.memory_space<hbm>> -> memref<128xi32, #tpu.memory_space<hbm>>
          tpu.wait_dma2 semaphore(%arg20 : memref<!tpu.dma_semaphore, #tpu.memory_space<semaphore_mem>>) src(%dma_wait3A_217 : memref<128xi32, #tpu.memory_space<hbm>>) dst(%arg11 : memref<128xi32, #tpu.memory_space<vmem>>)
          %dma_wait3A_218 = tpu.memref_slice %arg5[%mul3A_215] : memref<160000xi32, #tpu.memory_space<hbm>> -> memref<128xi32, #tpu.memory_space<hbm>>
          %dma_wait3A_219 = tpu.memref_slice %arg5[%mul3A_215] : memref<160000xi32, #tpu.memory_space<hbm>> -> memref<128xi32, #tpu.memory_space<hbm>>
          tpu.wait_dma2 semaphore(%arg23 : memref<!tpu.dma_semaphore, #tpu.memory_space<semaphore_mem>>) src(%dma_wait3A_219 : memref<128xi32, #tpu.memory_space<hbm>>) dst(%arg14 : memref<128xi32, #tpu.memory_space<vmem>>)
          %dma_start3A_220 = arith.constant 0 : i32
          %dma_start3A_221 = arith.constant 0 : i32
          %dma_start3A_222 = tpu.memref_slice %arg2[%dma_start3A_220, %dma_start3A_221] : memref<10000x128xf32, #tpu.memory_space<hbm>> -> memref<10000x128xf32, #tpu.memory_space<hbm>>
          tpu.enqueue_indirect_dma source(%dma_start3A_222 : memref<10000x128xf32, #tpu.memory_space<hbm>>) target(%arg17 : memref<128x128xf32, #tpu.memory_space<vmem>>) offsets(%arg11 : memref<128xi32, #tpu.memory_space<vmem>>) semaphore(%arg26 : memref<!tpu.dma_semaphore, #tpu.memory_space<semaphore_mem>>)
        } else {
        }
      }
      %scan3A_89 = arith.constant 26 : i32
      %dma_wait3A_90 = arith.constant 0 : i32
      %dma_wait3A_91 = arith.constant 0 : i32
      %dma_wait3A_92 = tpu.memref_slice %arg8[%dma_wait3A_90, %dma_wait3A_91] : memref<10000x128xf32, #tpu.memory_space<vmem_shared>> -> memref<10000x128xf32, #tpu.memory_space<vmem_shared>>
      tpu.wait_indirect_dma semaphore(%arg27 : memref<!tpu.dma_semaphore, #tpu.memory_space<semaphore_mem>>) src(%arg15 : memref<128x128xf32, #tpu.memory_space<vmem>>) dst(%dma_wait3A_92 : memref<10000x128xf32, #tpu.memory_space<vmem_shared>>)
      %dma_wait3A_93 = arith.constant 0 : i32
      %dma_wait3A_94 = arith.constant 0 : i32
      %dma_wait3A_95 = tpu.memref_slice %arg8[%dma_wait3A_93, %dma_wait3A_94] : memref<10000x128xf32, #tpu.memory_space<vmem_shared>> -> memref<10000x128xf32, #tpu.memory_space<vmem_shared>>
      tpu.wait_indirect_dma semaphore(%arg28 : memref<!tpu.dma_semaphore, #tpu.memory_space<semaphore_mem>>) src(%arg16 : memref<128x128xf32, #tpu.memory_space<vmem>>) dst(%dma_wait3A_95 : memref<10000x128xf32, #tpu.memory_space<vmem_shared>>)
      %dma_wait3A_96 = arith.constant 0 : i32
      %dma_wait3A_97 = arith.constant 0 : i32
      %dma_wait3A_98 = tpu.memref_slice %arg8[%dma_wait3A_96, %dma_wait3A_97] : memref<10000x128xf32, #tpu.memory_space<vmem_shared>> -> memref<10000x128xf32, #tpu.memory_space<vmem_shared>>
      tpu.wait_indirect_dma semaphore(%arg29 : memref<!tpu.dma_semaphore, #tpu.memory_space<semaphore_mem>>) src(%arg17 : memref<128x128xf32, #tpu.memory_space<vmem>>) dst(%dma_wait3A_98 : memref<10000x128xf32, #tpu.memory_space<vmem_shared>>)
      %lt3A = arith.constant 2 : i32
      %lt3A_99 = arith.cmpi slt, %arg1, %lt3A : i32
      %convert_element_type3A_100 = arith.extui %lt3A_99 : i1 to i32
      %cond3A_101 = arith.constant 0 : i32
      %cond3A_102 = arith.cmpi ne, %convert_element_type3A_100, %cond3A_101 : i32
      scf.if %cond3A_102 {
        %add3A_103 = arith.constant 78 : i32
        %add3A_104 = arith.addi %add3A, %add3A_103 : i32
        %mul3A_105 = arith.constant 128 : i32
        %mul3A_106 = arith.muli %add3A_104, %mul3A_105 : i32
        "tpu.region"() ({
          %run_scoped3A = tpu.sem_alloc : memref<!tpu.dma_semaphore, #tpu.memory_space<semaphore_mem>>
          %dma_start3A_117 = tpu.memref_slice %arg4[%mul3A_106] : memref<160000xi32, #tpu.memory_space<hbm>> -> memref<128xi32, #tpu.memory_space<hbm>>
          %dma_start3A_118 = tpu.memref_slice %arg4[%mul3A_106] : memref<160000xi32, #tpu.memory_space<hbm>> -> memref<128xi32, #tpu.memory_space<hbm>>
          tpu.enqueue_dma source(%dma_start3A_118 : memref<128xi32, #tpu.memory_space<hbm>>) target(%arg9 : memref<128xi32, #tpu.memory_space<vmem>>) target_semaphore(%run_scoped3A : memref<!tpu.dma_semaphore, #tpu.memory_space<semaphore_mem>>)
          %dma_wait3A_119 = tpu.memref_slice %arg4[%mul3A_106] : memref<160000xi32, #tpu.memory_space<hbm>> -> memref<128xi32, #tpu.memory_space<hbm>>
          %dma_wait3A_120 = tpu.memref_slice %arg4[%mul3A_106] : memref<160000xi32, #tpu.memory_space<hbm>> -> memref<128xi32, #tpu.memory_space<hbm>>
          tpu.wait_dma2 semaphore(%run_scoped3A : memref<!tpu.dma_semaphore, #tpu.memory_space<semaphore_mem>>) src(%dma_wait3A_120 : memref<128xi32, #tpu.memory_space<hbm>>) dst(%arg9 : memref<128xi32, #tpu.memory_space<vmem>>)
          tpu.yield
        }) : () -> ()
        %add3A_107 = arith.constant 78 : i32
        %add3A_108 = arith.addi %add3A, %add3A_107 : i32
        %mul3A_109 = arith.constant 128 : i32
        %mul3A_110 = arith.muli %add3A_108, %mul3A_109 : i32
        "tpu.region"() ({
          %run_scoped3A = tpu.sem_alloc : memref<!tpu.dma_semaphore, #tpu.memory_space<semaphore_mem>>
          %dma_start3A_117 = tpu.memref_slice %arg5[%mul3A_110] : memref<160000xi32, #tpu.memory_space<hbm>> -> memref<128xi32, #tpu.memory_space<hbm>>
          %dma_start3A_118 = tpu.memref_slice %arg5[%mul3A_110] : memref<160000xi32, #tpu.memory_space<hbm>> -> memref<128xi32, #tpu.memory_space<hbm>>
          tpu.enqueue_dma source(%dma_start3A_118 : memref<128xi32, #tpu.memory_space<hbm>>) target(%arg12 : memref<128xi32, #tpu.memory_space<vmem>>) target_semaphore(%run_scoped3A : memref<!tpu.dma_semaphore, #tpu.memory_space<semaphore_mem>>)
          %dma_wait3A_119 = tpu.memref_slice %arg5[%mul3A_110] : memref<160000xi32, #tpu.memory_space<hbm>> -> memref<128xi32, #tpu.memory_space<hbm>>
          %dma_wait3A_120 = tpu.memref_slice %arg5[%mul3A_110] : memref<160000xi32, #tpu.memory_space<hbm>> -> memref<128xi32, #tpu.memory_space<hbm>>
          tpu.wait_dma2 semaphore(%run_scoped3A : memref<!tpu.dma_semaphore, #tpu.memory_space<semaphore_mem>>) src(%dma_wait3A_120 : memref<128xi32, #tpu.memory_space<hbm>>) dst(%arg12 : memref<128xi32, #tpu.memory_space<vmem>>)
          tpu.yield
        }) : () -> ()
        %dma_start3A_111 = arith.constant 0 : i32
        %dma_start3A_112 = arith.constant 0 : i32
        %dma_start3A_113 = tpu.memref_slice %arg2[%dma_start3A_111, %dma_start3A_112] : memref<10000x128xf32, #tpu.memory_space<hbm>> -> memref<10000x128xf32, #tpu.memory_space<hbm>>
        tpu.enqueue_indirect_dma source(%dma_start3A_113 : memref<10000x128xf32, #tpu.memory_space<hbm>>) target(%arg15 : memref<128x128xf32, #tpu.memory_space<vmem>>) offsets(%arg9 : memref<128xi32, #tpu.memory_space<vmem>>) semaphore(%arg24 : memref<!tpu.dma_semaphore, #tpu.memory_space<semaphore_mem>>)
        %dma_wait3A_114 = arith.constant 0 : i32
        %dma_wait3A_115 = arith.constant 0 : i32
        %dma_wait3A_116 = tpu.memref_slice %arg2[%dma_wait3A_114, %dma_wait3A_115] : memref<10000x128xf32, #tpu.memory_space<hbm>> -> memref<10000x128xf32, #tpu.memory_space<hbm>>
        tpu.wait_indirect_dma semaphore(%arg24 : memref<!tpu.dma_semaphore, #tpu.memory_space<semaphore_mem>>) src(%dma_wait3A_116 : memref<10000x128xf32, #tpu.memory_space<hbm>>) dst(%arg15 : memref<128x128xf32, #tpu.memory_space<vmem>>)
        "tpu.region"() ({
          %run_scoped3A = tpu.sem_alloc : memref<!tpu.dma_semaphore, #tpu.memory_space<semaphore_mem>>
          %dma_start3A_117 = arith.constant 0 : i32
          %dma_start3A_118 = arith.constant 0 : i32
          %dma_start3A_119 = tpu.memref_slice %arg8[%dma_start3A_117, %dma_start3A_118] : memref<10000x128xf32, #tpu.memory_space<vmem_shared>> -> memref<10000x128xf32, #tpu.memory_space<vmem_shared>>
          tpu.enqueue_indirect_dma source(%arg15 : memref<128x128xf32, #tpu.memory_space<vmem>>) target(%dma_start3A_119 : memref<10000x128xf32, #tpu.memory_space<vmem_shared>>) offsets(%arg12 : memref<128xi32, #tpu.memory_space<vmem>>) semaphore(%run_scoped3A : memref<!tpu.dma_semaphore, #tpu.memory_space<semaphore_mem>>) {add = true}
          %dma_wait3A_120 = arith.constant 0 : i32
          %dma_wait3A_121 = arith.constant 0 : i32
          %dma_wait3A_122 = tpu.memref_slice %arg8[%dma_wait3A_120, %dma_wait3A_121] : memref<10000x128xf32, #tpu.memory_space<vmem_shared>> -> memref<10000x128xf32, #tpu.memory_space<vmem_shared>>
          tpu.wait_indirect_dma semaphore(%run_scoped3A : memref<!tpu.dma_semaphore, #tpu.memory_space<semaphore_mem>>) src(%arg15 : memref<128x128xf32, #tpu.memory_space<vmem>>) dst(%dma_wait3A_122 : memref<10000x128xf32, #tpu.memory_space<vmem_shared>>)
          tpu.yield
        }) : () -> ()
      } else {
      }
    } else {
    }
    %eq3A_14 = arith.constant 1 : i32
    %eq3A_15 = arith.cmpi eq, %arg0, %eq3A_14 : i32
    %convert_element_type3A_16 = arith.extui %eq3A_15 : i1 to i32
    %cond3A_17 = arith.constant 0 : i32
    %cond3A_18 = arith.cmpi ne, %convert_element_type3A_16, %cond3A_17 : i32
    scf.if %cond3A_18 {
      %add3A_30 = arith.constant 0 : i32
      %add3A_31 = arith.addi %add3A, %add3A_30 : i32
      %mul3A_32 = arith.constant 128 : i32
      %mul3A_33 = arith.muli %add3A_31, %mul3A_32 : i32
      %dma_start3A = tpu.memref_slice %arg4[%mul3A_33] : memref<160000xi32, #tpu.memory_space<hbm>> -> memref<128xi32, #tpu.memory_space<hbm>>
      %dma_start3A_34 = tpu.memref_slice %arg4[%mul3A_33] : memref<160000xi32, #tpu.memory_space<hbm>> -> memref<128xi32, #tpu.memory_space<hbm>>
      tpu.enqueue_dma source(%dma_start3A_34 : memref<128xi32, #tpu.memory_space<hbm>>) target(%arg9 : memref<128xi32, #tpu.memory_space<vmem>>) target_semaphore(%arg18 : memref<!tpu.dma_semaphore, #tpu.memory_space<semaphore_mem>>)
      %dma_start3A_35 = tpu.memref_slice %arg5[%mul3A_33] : memref<160000xi32, #tpu.memory_space<hbm>> -> memref<128xi32, #tpu.memory_space<hbm>>
      %dma_start3A_36 = tpu.memref_slice %arg5[%mul3A_33] : memref<160000xi32, #tpu.memory_space<hbm>> -> memref<128xi32, #tpu.memory_space<hbm>>
      tpu.enqueue_dma source(%dma_start3A_36 : memref<128xi32, #tpu.memory_space<hbm>>) target(%arg12 : memref<128xi32, #tpu.memory_space<vmem>>) target_semaphore(%arg21 : memref<!tpu.dma_semaphore, #tpu.memory_space<semaphore_mem>>)
      %add3A_37 = arith.constant 1 : i32
      %add3A_38 = arith.addi %add3A, %add3A_37 : i32
      %mul3A_39 = arith.constant 128 : i32
      %mul3A_40 = arith.muli %add3A_38, %mul3A_39 : i32
      %dma_start3A_41 = tpu.memref_slice %arg4[%mul3A_40] : memref<160000xi32, #tpu.memory_space<hbm>> -> memref<128xi32, #tpu.memory_space<hbm>>
      %dma_start3A_42 = tpu.memref_slice %arg4[%mul3A_40] : memref<160000xi32, #tpu.memory_space<hbm>> -> memref<128xi32, #tpu.memory_space<hbm>>
      tpu.enqueue_dma source(%dma_start3A_42 : memref<128xi32, #tpu.memory_space<hbm>>) target(%arg10 : memref<128xi32, #tpu.memory_space<vmem>>) target_semaphore(%arg19 : memref<!tpu.dma_semaphore, #tpu.memory_space<semaphore_mem>>)
      %dma_start3A_43 = tpu.memref_slice %arg5[%mul3A_40] : memref<160000xi32, #tpu.memory_space<hbm>> -> memref<128xi32, #tpu.memory_space<hbm>>
      %dma_start3A_44 = tpu.memref_slice %arg5[%mul3A_40] : memref<160000xi32, #tpu.memory_space<hbm>> -> memref<128xi32, #tpu.memory_space<hbm>>
      tpu.enqueue_dma source(%dma_start3A_44 : memref<128xi32, #tpu.memory_space<hbm>>) target(%arg13 : memref<128xi32, #tpu.memory_space<vmem>>) target_semaphore(%arg22 : memref<!tpu.dma_semaphore, #tpu.memory_space<semaphore_mem>>)
      %add3A_45 = arith.constant 2 : i32
      %add3A_46 = arith.addi %add3A, %add3A_45 : i32
      %mul3A_47 = arith.constant 128 : i32
      %mul3A_48 = arith.muli %add3A_46, %mul3A_47 : i32
      %dma_start3A_49 = tpu.memref_slice %arg4[%mul3A_48] : memref<160000xi32, #tpu.memory_space<hbm>> -> memref<128xi32, #tpu.memory_space<hbm>>
      %dma_start3A_50 = tpu.memref_slice %arg4[%mul3A_48] : memref<160000xi32, #tpu.memory_space<hbm>> -> memref<128xi32, #tpu.memory_space<hbm>>
      tpu.enqueue_dma source(%dma_start3A_50 : memref<128xi32, #tpu.memory_space<hbm>>) target(%arg11 : memref<128xi32, #tpu.memory_space<vmem>>) target_semaphore(%arg20 : memref<!tpu.dma_semaphore, #tpu.memory_space<semaphore_mem>>)
      %dma_start3A_51 = tpu.memref_slice %arg5[%mul3A_48] : memref<160000xi32, #tpu.memory_space<hbm>> -> memref<128xi32, #tpu.memory_space<hbm>>
      %dma_start3A_52 = tpu.memref_slice %arg5[%mul3A_48] : memref<160000xi32, #tpu.memory_space<hbm>> -> memref<128xi32, #tpu.memory_space<hbm>>
      tpu.enqueue_dma source(%dma_start3A_52 : memref<128xi32, #tpu.memory_space<hbm>>) target(%arg14 : memref<128xi32, #tpu.memory_space<vmem>>) target_semaphore(%arg23 : memref<!tpu.dma_semaphore, #tpu.memory_space<semaphore_mem>>)
      %add3A_53 = arith.constant 0 : i32
      %add3A_54 = arith.addi %add3A, %add3A_53 : i32
      %mul3A_55 = arith.constant 128 : i32
      %mul3A_56 = arith.muli %add3A_54, %mul3A_55 : i32
      %dma_wait3A = tpu.memref_slice %arg4[%mul3A_56] : memref<160000xi32, #tpu.memory_space<hbm>> -> memref<128xi32, #tpu.memory_space<hbm>>
      %dma_wait3A_57 = tpu.memref_slice %arg4[%mul3A_56] : memref<160000xi32, #tpu.memory_space<hbm>> -> memref<128xi32, #tpu.memory_space<hbm>>
      tpu.wait_dma2 semaphore(%arg18 : memref<!tpu.dma_semaphore, #tpu.memory_space<semaphore_mem>>) src(%dma_wait3A_57 : memref<128xi32, #tpu.memory_space<hbm>>) dst(%arg9 : memref<128xi32, #tpu.memory_space<vmem>>)
      %dma_wait3A_58 = tpu.memref_slice %arg5[%mul3A_56] : memref<160000xi32, #tpu.memory_space<hbm>> -> memref<128xi32, #tpu.memory_space<hbm>>
      %dma_wait3A_59 = tpu.memref_slice %arg5[%mul3A_56] : memref<160000xi32, #tpu.memory_space<hbm>> -> memref<128xi32, #tpu.memory_space<hbm>>
      tpu.wait_dma2 semaphore(%arg21 : memref<!tpu.dma_semaphore, #tpu.memory_space<semaphore_mem>>) src(%dma_wait3A_59 : memref<128xi32, #tpu.memory_space<hbm>>) dst(%arg12 : memref<128xi32, #tpu.memory_space<vmem>>)
      %dma_start3A_60 = arith.constant 0 : i32
      %dma_start3A_61 = arith.constant 0 : i32
      %dma_start3A_62 = tpu.memref_slice %arg3[%dma_start3A_60, %dma_start3A_61] : memref<10000x128xf32, #tpu.memory_space<hbm>> -> memref<10000x128xf32, #tpu.memory_space<hbm>>
      tpu.enqueue_indirect_dma source(%dma_start3A_62 : memref<10000x128xf32, #tpu.memory_space<hbm>>) target(%arg15 : memref<128x128xf32, #tpu.memory_space<vmem>>) offsets(%arg9 : memref<128xi32, #tpu.memory_space<vmem>>) semaphore(%arg24 : memref<!tpu.dma_semaphore, #tpu.memory_space<semaphore_mem>>)
      %add3A_63 = arith.constant 1 : i32
      %add3A_64 = arith.addi %add3A, %add3A_63 : i32
      %mul3A_65 = arith.constant 128 : i32
      %mul3A_66 = arith.muli %add3A_64, %mul3A_65 : i32
      %dma_wait3A_67 = tpu.memref_slice %arg4[%mul3A_66] : memref<160000xi32, #tpu.memory_space<hbm>> -> memref<128xi32, #tpu.memory_space<hbm>>
      %dma_wait3A_68 = tpu.memref_slice %arg4[%mul3A_66] : memref<160000xi32, #tpu.memory_space<hbm>> -> memref<128xi32, #tpu.memory_space<hbm>>
      tpu.wait_dma2 semaphore(%arg19 : memref<!tpu.dma_semaphore, #tpu.memory_space<semaphore_mem>>) src(%dma_wait3A_68 : memref<128xi32, #tpu.memory_space<hbm>>) dst(%arg10 : memref<128xi32, #tpu.memory_space<vmem>>)
      %dma_wait3A_69 = tpu.memref_slice %arg5[%mul3A_66] : memref<160000xi32, #tpu.memory_space<hbm>> -> memref<128xi32, #tpu.memory_space<hbm>>
      %dma_wait3A_70 = tpu.memref_slice %arg5[%mul3A_66] : memref<160000xi32, #tpu.memory_space<hbm>> -> memref<128xi32, #tpu.memory_space<hbm>>
      tpu.wait_dma2 semaphore(%arg22 : memref<!tpu.dma_semaphore, #tpu.memory_space<semaphore_mem>>) src(%dma_wait3A_70 : memref<128xi32, #tpu.memory_space<hbm>>) dst(%arg13 : memref<128xi32, #tpu.memory_space<vmem>>)
      %dma_start3A_71 = arith.constant 0 : i32
      %dma_start3A_72 = arith.constant 0 : i32
      %dma_start3A_73 = tpu.memref_slice %arg3[%dma_start3A_71, %dma_start3A_72] : memref<10000x128xf32, #tpu.memory_space<hbm>> -> memref<10000x128xf32, #tpu.memory_space<hbm>>
      tpu.enqueue_indirect_dma source(%dma_start3A_73 : memref<10000x128xf32, #tpu.memory_space<hbm>>) target(%arg16 : memref<128x128xf32, #tpu.memory_space<vmem>>) offsets(%arg10 : memref<128xi32, #tpu.memory_space<vmem>>) semaphore(%arg25 : memref<!tpu.dma_semaphore, #tpu.memory_space<semaphore_mem>>)
      %add3A_74 = arith.constant 2 : i32
      %add3A_75 = arith.addi %add3A, %add3A_74 : i32
      %mul3A_76 = arith.constant 128 : i32
      %mul3A_77 = arith.muli %add3A_75, %mul3A_76 : i32
      %dma_wait3A_78 = tpu.memref_slice %arg4[%mul3A_77] : memref<160000xi32, #tpu.memory_space<hbm>> -> memref<128xi32, #tpu.memory_space<hbm>>
      %dma_wait3A_79 = tpu.memref_slice %arg4[%mul3A_77] : memref<160000xi32, #tpu.memory_space<hbm>> -> memref<128xi32, #tpu.memory_space<hbm>>
      tpu.wait_dma2 semaphore(%arg20 : memref<!tpu.dma_semaphore, #tpu.memory_space<semaphore_mem>>) src(%dma_wait3A_79 : memref<128xi32, #tpu.memory_space<hbm>>) dst(%arg11 : memref<128xi32, #tpu.memory_space<vmem>>)
      %dma_wait3A_80 = tpu.memref_slice %arg5[%mul3A_77] : memref<160000xi32, #tpu.memory_space<hbm>> -> memref<128xi32, #tpu.memory_space<hbm>>
      %dma_wait3A_81 = tpu.memref_slice %arg5[%mul3A_77] : memref<160000xi32, #tpu.memory_space<hbm>> -> memref<128xi32, #tpu.memory_space<hbm>>
      tpu.wait_dma2 semaphore(%arg23 : memref<!tpu.dma_semaphore, #tpu.memory_space<semaphore_mem>>) src(%dma_wait3A_81 : memref<128xi32, #tpu.memory_space<hbm>>) dst(%arg14 : memref<128xi32, #tpu.memory_space<vmem>>)
      %dma_start3A_82 = arith.constant 0 : i32
      %dma_start3A_83 = arith.constant 0 : i32
      %dma_start3A_84 = tpu.memref_slice %arg3[%dma_start3A_82, %dma_start3A_83] : memref<10000x128xf32, #tpu.memory_space<hbm>> -> memref<10000x128xf32, #tpu.memory_space<hbm>>
      tpu.enqueue_indirect_dma source(%dma_start3A_84 : memref<10000x128xf32, #tpu.memory_space<hbm>>) target(%arg17 : memref<128x128xf32, #tpu.memory_space<vmem>>) offsets(%arg11 : memref<128xi32, #tpu.memory_space<vmem>>) semaphore(%arg26 : memref<!tpu.dma_semaphore, #tpu.memory_space<semaphore_mem>>)
      %scan3A = arith.constant 0 : i32
      %scan3A_85 = arith.constant 0 : i32
      %scan3A_86 = arith.constant 26 : i32
      %scan3A_87 = arith.addi %scan3A_85, %scan3A_86 : i32
      %scan3A_88 = arith.constant 1 : i32
      scf.for %scan3A_103 = %scan3A_85 to %scan3A_87 step %scan3A_88  : i32 {
        %dma_wait3A_104 = arith.constant 0 : i32
        %dma_wait3A_105 = arith.constant 0 : i32
        %dma_wait3A_106 = tpu.memref_slice %arg3[%dma_wait3A_104, %dma_wait3A_105] : memref<10000x128xf32, #tpu.memory_space<hbm>> -> memref<10000x128xf32, #tpu.memory_space<hbm>>
        tpu.wait_indirect_dma semaphore(%arg24 : memref<!tpu.dma_semaphore, #tpu.memory_space<semaphore_mem>>) src(%dma_wait3A_106 : memref<10000x128xf32, #tpu.memory_space<hbm>>) dst(%arg15 : memref<128x128xf32, #tpu.memory_space<vmem>>)
        %dma_start3A_107 = arith.constant 0 : i32
        %dma_start3A_108 = arith.constant 0 : i32
        %dma_start3A_109 = tpu.memref_slice %arg8[%dma_start3A_107, %dma_start3A_108] : memref<10000x128xf32, #tpu.memory_space<vmem_shared>> -> memref<10000x128xf32, #tpu.memory_space<vmem_shared>>
        tpu.enqueue_indirect_dma source(%arg15 : memref<128x128xf32, #tpu.memory_space<vmem>>) target(%dma_start3A_109 : memref<10000x128xf32, #tpu.memory_space<vmem_shared>>) offsets(%arg12 : memref<128xi32, #tpu.memory_space<vmem>>) semaphore(%arg27 : memref<!tpu.dma_semaphore, #tpu.memory_space<semaphore_mem>>) {add = true}
        %dma_wait3A_110 = arith.constant 0 : i32
        %dma_wait3A_111 = arith.constant 0 : i32
        %dma_wait3A_112 = tpu.memref_slice %arg3[%dma_wait3A_110, %dma_wait3A_111] : memref<10000x128xf32, #tpu.memory_space<hbm>> -> memref<10000x128xf32, #tpu.memory_space<hbm>>
        tpu.wait_indirect_dma semaphore(%arg25 : memref<!tpu.dma_semaphore, #tpu.memory_space<semaphore_mem>>) src(%dma_wait3A_112 : memref<10000x128xf32, #tpu.memory_space<hbm>>) dst(%arg16 : memref<128x128xf32, #tpu.memory_space<vmem>>)
        %dma_start3A_113 = arith.constant 0 : i32
        %dma_start3A_114 = arith.constant 0 : i32
        %dma_start3A_115 = tpu.memref_slice %arg8[%dma_start3A_113, %dma_start3A_114] : memref<10000x128xf32, #tpu.memory_space<vmem_shared>> -> memref<10000x128xf32, #tpu.memory_space<vmem_shared>>
        tpu.enqueue_indirect_dma source(%arg16 : memref<128x128xf32, #tpu.memory_space<vmem>>) target(%dma_start3A_115 : memref<10000x128xf32, #tpu.memory_space<vmem_shared>>) offsets(%arg13 : memref<128xi32, #tpu.memory_space<vmem>>) semaphore(%arg28 : memref<!tpu.dma_semaphore, #tpu.memory_space<semaphore_mem>>) {add = true}
        %dma_wait3A_116 = arith.constant 0 : i32
        %dma_wait3A_117 = arith.constant 0 : i32
        %dma_wait3A_118 = tpu.memref_slice %arg3[%dma_wait3A_116, %dma_wait3A_117] : memref<10000x128xf32, #tpu.memory_space<hbm>> -> memref<10000x128xf32, #tpu.memory_space<hbm>>
        tpu.wait_indirect_dma semaphore(%arg26 : memref<!tpu.dma_semaphore, #tpu.memory_space<semaphore_mem>>) src(%dma_wait3A_118 : memref<10000x128xf32, #tpu.memory_space<hbm>>) dst(%arg17 : memref<128x128xf32, #tpu.memory_space<vmem>>)
        %dma_start3A_119 = arith.constant 0 : i32
        %dma_start3A_120 = arith.constant 0 : i32
        %dma_start3A_121 = tpu.memref_slice %arg8[%dma_start3A_119, %dma_start3A_120] : memref<10000x128xf32, #tpu.memory_space<vmem_shared>> -> memref<10000x128xf32, #tpu.memory_space<vmem_shared>>
        tpu.enqueue_indirect_dma source(%arg17 : memref<128x128xf32, #tpu.memory_space<vmem>>) target(%dma_start3A_121 : memref<10000x128xf32, #tpu.memory_space<vmem_shared>>) offsets(%arg14 : memref<128xi32, #tpu.memory_space<vmem>>) semaphore(%arg29 : memref<!tpu.dma_semaphore, #tpu.memory_space<semaphore_mem>>) {add = true}
        %lt3A_122 = arith.constant 25 : i32
        %lt3A_123 = arith.cmpi slt, %scan3A_103, %lt3A_122 : i32
        %convert_element_type3A_124 = arith.extui %lt3A_123 : i1 to i32
        %cond3A_125 = arith.constant 0 : i32
        %cond3A_126 = arith.cmpi ne, %convert_element_type3A_124, %cond3A_125 : i32
        scf.if %cond3A_126 {
          %dma_wait3A_127 = arith.constant 0 : i32
          %dma_wait3A_128 = arith.constant 0 : i32
          %dma_wait3A_129 = tpu.memref_slice %arg8[%dma_wait3A_127, %dma_wait3A_128] : memref<10000x128xf32, #tpu.memory_space<vmem_shared>> -> memref<10000x128xf32, #tpu.memory_space<vmem_shared>>
          tpu.wait_indirect_dma semaphore(%arg27 : memref<!tpu.dma_semaphore, #tpu.memory_space<semaphore_mem>>) src(%arg15 : memref<128x128xf32, #tpu.memory_space<vmem>>) dst(%dma_wait3A_129 : memref<10000x128xf32, #tpu.memory_space<vmem_shared>>)
          %mul3A_130 = arith.constant 3 : i32
          %mul3A_131 = arith.muli %mul3A_130, %scan3A_103 : i32
          %add3A_132 = arith.constant 3 : i32
          %add3A_133 = arith.addi %mul3A_131, %add3A_132 : i32
          %add3A_134 = arith.constant 0 : i32
          %add3A_135 = arith.addi %add3A_133, %add3A_134 : i32
          %add3A_136 = arith.addi %add3A, %add3A_135 : i32
          %mul3A_137 = arith.constant 128 : i32
          %mul3A_138 = arith.muli %add3A_136, %mul3A_137 : i32
          %dma_start3A_139 = tpu.memref_slice %arg4[%mul3A_138] : memref<160000xi32, #tpu.memory_space<hbm>> -> memref<128xi32, #tpu.memory_space<hbm>>
          %dma_start3A_140 = tpu.memref_slice %arg4[%mul3A_138] : memref<160000xi32, #tpu.memory_space<hbm>> -> memref<128xi32, #tpu.memory_space<hbm>>
          tpu.enqueue_dma source(%dma_start3A_140 : memref<128xi32, #tpu.memory_space<hbm>>) target(%arg9 : memref<128xi32, #tpu.memory_space<vmem>>) target_semaphore(%arg18 : memref<!tpu.dma_semaphore, #tpu.memory_space<semaphore_mem>>)
          %dma_start3A_141 = tpu.memref_slice %arg5[%mul3A_138] : memref<160000xi32, #tpu.memory_space<hbm>> -> memref<128xi32, #tpu.memory_space<hbm>>
          %dma_start3A_142 = tpu.memref_slice %arg5[%mul3A_138] : memref<160000xi32, #tpu.memory_space<hbm>> -> memref<128xi32, #tpu.memory_space<hbm>>
          tpu.enqueue_dma source(%dma_start3A_142 : memref<128xi32, #tpu.memory_space<hbm>>) target(%arg12 : memref<128xi32, #tpu.memory_space<vmem>>) target_semaphore(%arg21 : memref<!tpu.dma_semaphore, #tpu.memory_space<semaphore_mem>>)
          %mul3A_143 = arith.constant 3 : i32
          %mul3A_144 = arith.muli %mul3A_143, %scan3A_103 : i32
          %add3A_145 = arith.constant 3 : i32
          %add3A_146 = arith.addi %mul3A_144, %add3A_145 : i32
          %add3A_147 = arith.constant 0 : i32
          %add3A_148 = arith.addi %add3A_146, %add3A_147 : i32
          %add3A_149 = arith.addi %add3A, %add3A_148 : i32
          %mul3A_150 = arith.constant 128 : i32
          %mul3A_151 = arith.muli %add3A_149, %mul3A_150 : i32
          %dma_wait3A_152 = tpu.memref_slice %arg4[%mul3A_151] : memref<160000xi32, #tpu.memory_space<hbm>> -> memref<128xi32, #tpu.memory_space<hbm>>
          %dma_wait3A_153 = tpu.memref_slice %arg4[%mul3A_151] : memref<160000xi32, #tpu.memory_space<hbm>> -> memref<128xi32, #tpu.memory_space<hbm>>
          tpu.wait_dma2 semaphore(%arg18 : memref<!tpu.dma_semaphore, #tpu.memory_space<semaphore_mem>>) src(%dma_wait3A_153 : memref<128xi32, #tpu.memory_space<hbm>>) dst(%arg9 : memref<128xi32, #tpu.memory_space<vmem>>)
          %dma_wait3A_154 = tpu.memref_slice %arg5[%mul3A_151] : memref<160000xi32, #tpu.memory_space<hbm>> -> memref<128xi32, #tpu.memory_space<hbm>>
          %dma_wait3A_155 = tpu.memref_slice %arg5[%mul3A_151] : memref<160000xi32, #tpu.memory_space<hbm>> -> memref<128xi32, #tpu.memory_space<hbm>>
          tpu.wait_dma2 semaphore(%arg21 : memref<!tpu.dma_semaphore, #tpu.memory_space<semaphore_mem>>) src(%dma_wait3A_155 : memref<128xi32, #tpu.memory_space<hbm>>) dst(%arg12 : memref<128xi32, #tpu.memory_space<vmem>>)
          %dma_start3A_156 = arith.constant 0 : i32
          %dma_start3A_157 = arith.constant 0 : i32
          %dma_start3A_158 = tpu.memref_slice %arg3[%dma_start3A_156, %dma_start3A_157] : memref<10000x128xf32, #tpu.memory_space<hbm>> -> memref<10000x128xf32, #tpu.memory_space<hbm>>
          tpu.enqueue_indirect_dma source(%dma_start3A_158 : memref<10000x128xf32, #tpu.memory_space<hbm>>) target(%arg15 : memref<128x128xf32, #tpu.memory_space<vmem>>) offsets(%arg9 : memref<128xi32, #tpu.memory_space<vmem>>) semaphore(%arg24 : memref<!tpu.dma_semaphore, #tpu.memory_space<semaphore_mem>>)
          %dma_wait3A_159 = arith.constant 0 : i32
          %dma_wait3A_160 = arith.constant 0 : i32
          %dma_wait3A_161 = tpu.memref_slice %arg8[%dma_wait3A_159, %dma_wait3A_160] : memref<10000x128xf32, #tpu.memory_space<vmem_shared>> -> memref<10000x128xf32, #tpu.memory_space<vmem_shared>>
          tpu.wait_indirect_dma semaphore(%arg28 : memref<!tpu.dma_semaphore, #tpu.memory_space<semaphore_mem>>) src(%arg16 : memref<128x128xf32, #tpu.memory_space<vmem>>) dst(%dma_wait3A_161 : memref<10000x128xf32, #tpu.memory_space<vmem_shared>>)
          %mul3A_162 = arith.constant 3 : i32
          %mul3A_163 = arith.muli %mul3A_162, %scan3A_103 : i32
          %add3A_164 = arith.constant 3 : i32
          %add3A_165 = arith.addi %mul3A_163, %add3A_164 : i32
          %add3A_166 = arith.constant 1 : i32
          %add3A_167 = arith.addi %add3A_165, %add3A_166 : i32
          %add3A_168 = arith.addi %add3A, %add3A_167 : i32
          %mul3A_169 = arith.constant 128 : i32
          %mul3A_170 = arith.muli %add3A_168, %mul3A_169 : i32
          %dma_start3A_171 = tpu.memref_slice %arg4[%mul3A_170] : memref<160000xi32, #tpu.memory_space<hbm>> -> memref<128xi32, #tpu.memory_space<hbm>>
          %dma_start3A_172 = tpu.memref_slice %arg4[%mul3A_170] : memref<160000xi32, #tpu.memory_space<hbm>> -> memref<128xi32, #tpu.memory_space<hbm>>
          tpu.enqueue_dma source(%dma_start3A_172 : memref<128xi32, #tpu.memory_space<hbm>>) target(%arg10 : memref<128xi32, #tpu.memory_space<vmem>>) target_semaphore(%arg19 : memref<!tpu.dma_semaphore, #tpu.memory_space<semaphore_mem>>)
          %dma_start3A_173 = tpu.memref_slice %arg5[%mul3A_170] : memref<160000xi32, #tpu.memory_space<hbm>> -> memref<128xi32, #tpu.memory_space<hbm>>
          %dma_start3A_174 = tpu.memref_slice %arg5[%mul3A_170] : memref<160000xi32, #tpu.memory_space<hbm>> -> memref<128xi32, #tpu.memory_space<hbm>>
          tpu.enqueue_dma source(%dma_start3A_174 : memref<128xi32, #tpu.memory_space<hbm>>) target(%arg13 : memref<128xi32, #tpu.memory_space<vmem>>) target_semaphore(%arg22 : memref<!tpu.dma_semaphore, #tpu.memory_space<semaphore_mem>>)
          %mul3A_175 = arith.constant 3 : i32
          %mul3A_176 = arith.muli %mul3A_175, %scan3A_103 : i32
          %add3A_177 = arith.constant 3 : i32
          %add3A_178 = arith.addi %mul3A_176, %add3A_177 : i32
          %add3A_179 = arith.constant 1 : i32
          %add3A_180 = arith.addi %add3A_178, %add3A_179 : i32
          %add3A_181 = arith.addi %add3A, %add3A_180 : i32
          %mul3A_182 = arith.constant 128 : i32
          %mul3A_183 = arith.muli %add3A_181, %mul3A_182 : i32
          %dma_wait3A_184 = tpu.memref_slice %arg4[%mul3A_183] : memref<160000xi32, #tpu.memory_space<hbm>> -> memref<128xi32, #tpu.memory_space<hbm>>
          %dma_wait3A_185 = tpu.memref_slice %arg4[%mul3A_183] : memref<160000xi32, #tpu.memory_space<hbm>> -> memref<128xi32, #tpu.memory_space<hbm>>
          tpu.wait_dma2 semaphore(%arg19 : memref<!tpu.dma_semaphore, #tpu.memory_space<semaphore_mem>>) src(%dma_wait3A_185 : memref<128xi32, #tpu.memory_space<hbm>>) dst(%arg10 : memref<128xi32, #tpu.memory_space<vmem>>)
          %dma_wait3A_186 = tpu.memref_slice %arg5[%mul3A_183] : memref<160000xi32, #tpu.memory_space<hbm>> -> memref<128xi32, #tpu.memory_space<hbm>>
          %dma_wait3A_187 = tpu.memref_slice %arg5[%mul3A_183] : memref<160000xi32, #tpu.memory_space<hbm>> -> memref<128xi32, #tpu.memory_space<hbm>>
          tpu.wait_dma2 semaphore(%arg22 : memref<!tpu.dma_semaphore, #tpu.memory_space<semaphore_mem>>) src(%dma_wait3A_187 : memref<128xi32, #tpu.memory_space<hbm>>) dst(%arg13 : memref<128xi32, #tpu.memory_space<vmem>>)
          %dma_start3A_188 = arith.constant 0 : i32
          %dma_start3A_189 = arith.constant 0 : i32
          %dma_start3A_190 = tpu.memref_slice %arg3[%dma_start3A_188, %dma_start3A_189] : memref<10000x128xf32, #tpu.memory_space<hbm>> -> memref<10000x128xf32, #tpu.memory_space<hbm>>
          tpu.enqueue_indirect_dma source(%dma_start3A_190 : memref<10000x128xf32, #tpu.memory_space<hbm>>) target(%arg16 : memref<128x128xf32, #tpu.memory_space<vmem>>) offsets(%arg10 : memref<128xi32, #tpu.memory_space<vmem>>) semaphore(%arg25 : memref<!tpu.dma_semaphore, #tpu.memory_space<semaphore_mem>>)
          %dma_wait3A_191 = arith.constant 0 : i32
          %dma_wait3A_192 = arith.constant 0 : i32
          %dma_wait3A_193 = tpu.memref_slice %arg8[%dma_wait3A_191, %dma_wait3A_192] : memref<10000x128xf32, #tpu.memory_space<vmem_shared>> -> memref<10000x128xf32, #tpu.memory_space<vmem_shared>>
          tpu.wait_indirect_dma semaphore(%arg29 : memref<!tpu.dma_semaphore, #tpu.memory_space<semaphore_mem>>) src(%arg17 : memref<128x128xf32, #tpu.memory_space<vmem>>) dst(%dma_wait3A_193 : memref<10000x128xf32, #tpu.memory_space<vmem_shared>>)
          %mul3A_194 = arith.constant 3 : i32
          %mul3A_195 = arith.muli %mul3A_194, %scan3A_103 : i32
          %add3A_196 = arith.constant 3 : i32
          %add3A_197 = arith.addi %mul3A_195, %add3A_196 : i32
          %add3A_198 = arith.constant 2 : i32
          %add3A_199 = arith.addi %add3A_197, %add3A_198 : i32
          %add3A_200 = arith.addi %add3A, %add3A_199 : i32
          %mul3A_201 = arith.constant 128 : i32
          %mul3A_202 = arith.muli %add3A_200, %mul3A_201 : i32
          %dma_start3A_203 = tpu.memref_slice %arg4[%mul3A_202] : memref<160000xi32, #tpu.memory_space<hbm>> -> memref<128xi32, #tpu.memory_space<hbm>>
          %dma_start3A_204 = tpu.memref_slice %arg4[%mul3A_202] : memref<160000xi32, #tpu.memory_space<hbm>> -> memref<128xi32, #tpu.memory_space<hbm>>
          tpu.enqueue_dma source(%dma_start3A_204 : memref<128xi32, #tpu.memory_space<hbm>>) target(%arg11 : memref<128xi32, #tpu.memory_space<vmem>>) target_semaphore(%arg20 : memref<!tpu.dma_semaphore, #tpu.memory_space<semaphore_mem>>)
          %dma_start3A_205 = tpu.memref_slice %arg5[%mul3A_202] : memref<160000xi32, #tpu.memory_space<hbm>> -> memref<128xi32, #tpu.memory_space<hbm>>
          %dma_start3A_206 = tpu.memref_slice %arg5[%mul3A_202] : memref<160000xi32, #tpu.memory_space<hbm>> -> memref<128xi32, #tpu.memory_space<hbm>>
          tpu.enqueue_dma source(%dma_start3A_206 : memref<128xi32, #tpu.memory_space<hbm>>) target(%arg14 : memref<128xi32, #tpu.memory_space<vmem>>) target_semaphore(%arg23 : memref<!tpu.dma_semaphore, #tpu.memory_space<semaphore_mem>>)
          %mul3A_207 = arith.constant 3 : i32
          %mul3A_208 = arith.muli %mul3A_207, %scan3A_103 : i32
          %add3A_209 = arith.constant 3 : i32
          %add3A_210 = arith.addi %mul3A_208, %add3A_209 : i32
          %add3A_211 = arith.constant 2 : i32
          %add3A_212 = arith.addi %add3A_210, %add3A_211 : i32
          %add3A_213 = arith.addi %add3A, %add3A_212 : i32
          %mul3A_214 = arith.constant 128 : i32
          %mul3A_215 = arith.muli %add3A_213, %mul3A_214 : i32
          %dma_wait3A_216 = tpu.memref_slice %arg4[%mul3A_215] : memref<160000xi32, #tpu.memory_space<hbm>> -> memref<128xi32, #tpu.memory_space<hbm>>
          %dma_wait3A_217 = tpu.memref_slice %arg4[%mul3A_215] : memref<160000xi32, #tpu.memory_space<hbm>> -> memref<128xi32, #tpu.memory_space<hbm>>
          tpu.wait_dma2 semaphore(%arg20 : memref<!tpu.dma_semaphore, #tpu.memory_space<semaphore_mem>>) src(%dma_wait3A_217 : memref<128xi32, #tpu.memory_space<hbm>>) dst(%arg11 : memref<128xi32, #tpu.memory_space<vmem>>)
          %dma_wait3A_218 = tpu.memref_slice %arg5[%mul3A_215] : memref<160000xi32, #tpu.memory_space<hbm>> -> memref<128xi32, #tpu.memory_space<hbm>>
          %dma_wait3A_219 = tpu.memref_slice %arg5[%mul3A_215] : memref<160000xi32, #tpu.memory_space<hbm>> -> memref<128xi32, #tpu.memory_space<hbm>>
          tpu.wait_dma2 semaphore(%arg23 : memref<!tpu.dma_semaphore, #tpu.memory_space<semaphore_mem>>) src(%dma_wait3A_219 : memref<128xi32, #tpu.memory_space<hbm>>) dst(%arg14 : memref<128xi32, #tpu.memory_space<vmem>>)
          %dma_start3A_220 = arith.constant 0 : i32
          %dma_start3A_221 = arith.constant 0 : i32
          %dma_start3A_222 = tpu.memref_slice %arg3[%dma_start3A_220, %dma_start3A_221] : memref<10000x128xf32, #tpu.memory_space<hbm>> -> memref<10000x128xf32, #tpu.memory_space<hbm>>
          tpu.enqueue_indirect_dma source(%dma_start3A_222 : memref<10000x128xf32, #tpu.memory_space<hbm>>) target(%arg17 : memref<128x128xf32, #tpu.memory_space<vmem>>) offsets(%arg11 : memref<128xi32, #tpu.memory_space<vmem>>) semaphore(%arg26 : memref<!tpu.dma_semaphore, #tpu.memory_space<semaphore_mem>>)
        } else {
        }
      }
      %scan3A_89 = arith.constant 26 : i32
      %dma_wait3A_90 = arith.constant 0 : i32
      %dma_wait3A_91 = arith.constant 0 : i32
      %dma_wait3A_92 = tpu.memref_slice %arg8[%dma_wait3A_90, %dma_wait3A_91] : memref<10000x128xf32, #tpu.memory_space<vmem_shared>> -> memref<10000x128xf32, #tpu.memory_space<vmem_shared>>
      tpu.wait_indirect_dma semaphore(%arg27 : memref<!tpu.dma_semaphore, #tpu.memory_space<semaphore_mem>>) src(%arg15 : memref<128x128xf32, #tpu.memory_space<vmem>>) dst(%dma_wait3A_92 : memref<10000x128xf32, #tpu.memory_space<vmem_shared>>)
      %dma_wait3A_93 = arith.constant 0 : i32
      %dma_wait3A_94 = arith.constant 0 : i32
      %dma_wait3A_95 = tpu.memref_slice %arg8[%dma_wait3A_93, %dma_wait3A_94] : memref<10000x128xf32, #tpu.memory_space<vmem_shared>> -> memref<10000x128xf32, #tpu.memory_space<vmem_shared>>
      tpu.wait_indirect_dma semaphore(%arg28 : memref<!tpu.dma_semaphore, #tpu.memory_space<semaphore_mem>>) src(%arg16 : memref<128x128xf32, #tpu.memory_space<vmem>>) dst(%dma_wait3A_95 : memref<10000x128xf32, #tpu.memory_space<vmem_shared>>)
      %dma_wait3A_96 = arith.constant 0 : i32
      %dma_wait3A_97 = arith.constant 0 : i32
      %dma_wait3A_98 = tpu.memref_slice %arg8[%dma_wait3A_96, %dma_wait3A_97] : memref<10000x128xf32, #tpu.memory_space<vmem_shared>> -> memref<10000x128xf32, #tpu.memory_space<vmem_shared>>
      tpu.wait_indirect_dma semaphore(%arg29 : memref<!tpu.dma_semaphore, #tpu.memory_space<semaphore_mem>>) src(%arg17 : memref<128x128xf32, #tpu.memory_space<vmem>>) dst(%dma_wait3A_98 : memref<10000x128xf32, #tpu.memory_space<vmem_shared>>)
      %lt3A = arith.constant 2 : i32
      %lt3A_99 = arith.cmpi slt, %arg1, %lt3A : i32
      %convert_element_type3A_100 = arith.extui %lt3A_99 : i1 to i32
      %cond3A_101 = arith.constant 0 : i32
      %cond3A_102 = arith.cmpi ne, %convert_element_type3A_100, %cond3A_101 : i32
      scf.if %cond3A_102 {
        %add3A_103 = arith.constant 78 : i32
        %add3A_104 = arith.addi %add3A, %add3A_103 : i32
        %mul3A_105 = arith.constant 128 : i32
        %mul3A_106 = arith.muli %add3A_104, %mul3A_105 : i32
        "tpu.region"() ({
          %run_scoped3A = tpu.sem_alloc : memref<!tpu.dma_semaphore, #tpu.memory_space<semaphore_mem>>
          %dma_start3A_117 = tpu.memref_slice %arg4[%mul3A_106] : memref<160000xi32, #tpu.memory_space<hbm>> -> memref<128xi32, #tpu.memory_space<hbm>>
          %dma_start3A_118 = tpu.memref_slice %arg4[%mul3A_106] : memref<160000xi32, #tpu.memory_space<hbm>> -> memref<128xi32, #tpu.memory_space<hbm>>
          tpu.enqueue_dma source(%dma_start3A_118 : memref<128xi32, #tpu.memory_space<hbm>>) target(%arg9 : memref<128xi32, #tpu.memory_space<vmem>>) target_semaphore(%run_scoped3A : memref<!tpu.dma_semaphore, #tpu.memory_space<semaphore_mem>>)
          %dma_wait3A_119 = tpu.memref_slice %arg4[%mul3A_106] : memref<160000xi32, #tpu.memory_space<hbm>> -> memref<128xi32, #tpu.memory_space<hbm>>
          %dma_wait3A_120 = tpu.memref_slice %arg4[%mul3A_106] : memref<160000xi32, #tpu.memory_space<hbm>> -> memref<128xi32, #tpu.memory_space<hbm>>
          tpu.wait_dma2 semaphore(%run_scoped3A : memref<!tpu.dma_semaphore, #tpu.memory_space<semaphore_mem>>) src(%dma_wait3A_120 : memref<128xi32, #tpu.memory_space<hbm>>) dst(%arg9 : memref<128xi32, #tpu.memory_space<vmem>>)
          tpu.yield
        }) : () -> ()
        %add3A_107 = arith.constant 78 : i32
        %add3A_108 = arith.addi %add3A, %add3A_107 : i32
        %mul3A_109 = arith.constant 128 : i32
        %mul3A_110 = arith.muli %add3A_108, %mul3A_109 : i32
        "tpu.region"() ({
          %run_scoped3A = tpu.sem_alloc : memref<!tpu.dma_semaphore, #tpu.memory_space<semaphore_mem>>
          %dma_start3A_117 = tpu.memref_slice %arg5[%mul3A_110] : memref<160000xi32, #tpu.memory_space<hbm>> -> memref<128xi32, #tpu.memory_space<hbm>>
          %dma_start3A_118 = tpu.memref_slice %arg5[%mul3A_110] : memref<160000xi32, #tpu.memory_space<hbm>> -> memref<128xi32, #tpu.memory_space<hbm>>
          tpu.enqueue_dma source(%dma_start3A_118 : memref<128xi32, #tpu.memory_space<hbm>>) target(%arg12 : memref<128xi32, #tpu.memory_space<vmem>>) target_semaphore(%run_scoped3A : memref<!tpu.dma_semaphore, #tpu.memory_space<semaphore_mem>>)
          %dma_wait3A_119 = tpu.memref_slice %arg5[%mul3A_110] : memref<160000xi32, #tpu.memory_space<hbm>> -> memref<128xi32, #tpu.memory_space<hbm>>
          %dma_wait3A_120 = tpu.memref_slice %arg5[%mul3A_110] : memref<160000xi32, #tpu.memory_space<hbm>> -> memref<128xi32, #tpu.memory_space<hbm>>
          tpu.wait_dma2 semaphore(%run_scoped3A : memref<!tpu.dma_semaphore, #tpu.memory_space<semaphore_mem>>) src(%dma_wait3A_120 : memref<128xi32, #tpu.memory_space<hbm>>) dst(%arg12 : memref<128xi32, #tpu.memory_space<vmem>>)
          tpu.yield
        }) : () -> ()
        %dma_start3A_111 = arith.constant 0 : i32
        %dma_start3A_112 = arith.constant 0 : i32
        %dma_start3A_113 = tpu.memref_slice %arg3[%dma_start3A_111, %dma_start3A_112] : memref<10000x128xf32, #tpu.memory_space<hbm>> -> memref<10000x128xf32, #tpu.memory_space<hbm>>
        tpu.enqueue_indirect_dma source(%dma_start3A_113 : memref<10000x128xf32, #tpu.memory_space<hbm>>) target(%arg15 : memref<128x128xf32, #tpu.memory_space<vmem>>) offsets(%arg9 : memref<128xi32, #tpu.memory_space<vmem>>) semaphore(%arg24 : memref<!tpu.dma_semaphore, #tpu.memory_space<semaphore_mem>>)
        %dma_wait3A_114 = arith.constant 0 : i32
        %dma_wait3A_115 = arith.constant 0 : i32
        %dma_wait3A_116 = tpu.memref_slice %arg3[%dma_wait3A_114, %dma_wait3A_115] : memref<10000x128xf32, #tpu.memory_space<hbm>> -> memref<10000x128xf32, #tpu.memory_space<hbm>>
        tpu.wait_indirect_dma semaphore(%arg24 : memref<!tpu.dma_semaphore, #tpu.memory_space<semaphore_mem>>) src(%dma_wait3A_116 : memref<10000x128xf32, #tpu.memory_space<hbm>>) dst(%arg15 : memref<128x128xf32, #tpu.memory_space<vmem>>)
        "tpu.region"() ({
          %run_scoped3A = tpu.sem_alloc : memref<!tpu.dma_semaphore, #tpu.memory_space<semaphore_mem>>
          %dma_start3A_117 = arith.constant 0 : i32
          %dma_start3A_118 = arith.constant 0 : i32
          %dma_start3A_119 = tpu.memref_slice %arg8[%dma_start3A_117, %dma_start3A_118] : memref<10000x128xf32, #tpu.memory_space<vmem_shared>> -> memref<10000x128xf32, #tpu.memory_space<vmem_shared>>
          tpu.enqueue_indirect_dma source(%arg15 : memref<128x128xf32, #tpu.memory_space<vmem>>) target(%dma_start3A_119 : memref<10000x128xf32, #tpu.memory_space<vmem_shared>>) offsets(%arg12 : memref<128xi32, #tpu.memory_space<vmem>>) semaphore(%run_scoped3A : memref<!tpu.dma_semaphore, #tpu.memory_space<semaphore_mem>>) {add = true}
          %dma_wait3A_120 = arith.constant 0 : i32
          %dma_wait3A_121 = arith.constant 0 : i32
          %dma_wait3A_122 = tpu.memref_slice %arg8[%dma_wait3A_120, %dma_wait3A_121] : memref<10000x128xf32, #tpu.memory_space<vmem_shared>> -> memref<10000x128xf32, #tpu.memory_space<vmem_shared>>
          tpu.wait_indirect_dma semaphore(%run_scoped3A : memref<!tpu.dma_semaphore, #tpu.memory_space<semaphore_mem>>) src(%arg15 : memref<128x128xf32, #tpu.memory_space<vmem>>) dst(%dma_wait3A_122 : memref<10000x128xf32, #tpu.memory_space<vmem_shared>>)
          tpu.yield
        }) : () -> ()
      } else {
      }
    } else {
    }
    %barrier3A_19 = arith.constant 0 : index
    tpu.barrier barrier_id(%barrier3A_19)
    %eq3A_20 = arith.constant 0 : i32
    %eq3A_21 = arith.cmpi eq, %arg0, %eq3A_20 : i32
    %convert_element_type3A_22 = arith.extui %eq3A_21 : i1 to i32
    %cond3A_23 = arith.constant 0 : i32
    %cond3A_24 = arith.cmpi ne, %convert_element_type3A_22, %cond3A_23 : i32
    scf.if %cond3A_24 {
      %lt3A = arith.constant 15 : i32
      %lt3A_30 = arith.cmpi slt, %arg1, %lt3A : i32
      %convert_element_type3A_31 = arith.extui %lt3A_30 : i1 to i32
      %cond3A_32 = arith.constant 0 : i32
      %cond3A_33 = arith.cmpi ne, %convert_element_type3A_31, %cond3A_32 : i32
      scf.if %cond3A_33 {
        %mul3A_39 = arith.constant 632 : i32
        %mul3A_40 = arith.muli %arg1, %mul3A_39 : i32
        %mul3A_41 = arith.constant 632 : i32
        %mul3A_42 = arith.muli %arg1, %mul3A_41 : i32
        "tpu.region"() ({
          %run_scoped3A = tpu.sem_alloc : memref<!tpu.dma_semaphore, #tpu.memory_space<semaphore_mem>>
          %dma_start3A = arith.constant 0 : i32
          %dma_start3A_43 = tpu.memref_slice %arg6[%mul3A_42, %dma_start3A] : memref<10000x128xf32, #tpu.memory_space<hbm>> -> memref<632x128xf32, #tpu.memory_space<hbm>>
          %dma_start3A_44 = arith.constant 0 : i32
          %dma_start3A_45 = tpu.memref_slice %arg8[%mul3A_40, %dma_start3A_44] : memref<10000x128xf32, #tpu.memory_space<vmem_shared>> -> memref<632x128xf32, #tpu.memory_space<vmem_shared>>
          tpu.enqueue_dma source(%dma_start3A_45 : memref<632x128xf32, #tpu.memory_space<vmem_shared>>) target(%dma_start3A_43 : memref<632x128xf32, #tpu.memory_space<hbm>>) target_semaphore(%run_scoped3A : memref<!tpu.dma_semaphore, #tpu.memory_space<semaphore_mem>>)
          %dma_wait3A = arith.constant 0 : i32
          %dma_wait3A_46 = tpu.memref_slice %arg6[%mul3A_42, %dma_wait3A] : memref<10000x128xf32, #tpu.memory_space<hbm>> -> memref<632x128xf32, #tpu.memory_space<hbm>>
          %dma_wait3A_47 = arith.constant 0 : i32
          %dma_wait3A_48 = tpu.memref_slice %arg8[%mul3A_40, %dma_wait3A_47] : memref<10000x128xf32, #tpu.memory_space<vmem_shared>> -> memref<632x128xf32, #tpu.memory_space<vmem_shared>>
          tpu.wait_dma2 semaphore(%run_scoped3A : memref<!tpu.dma_semaphore, #tpu.memory_space<semaphore_mem>>) src(%dma_wait3A_48 : memref<632x128xf32, #tpu.memory_space<vmem_shared>>) dst(%dma_wait3A_46 : memref<632x128xf32, #tpu.memory_space<hbm>>)
          tpu.yield
        }) : () -> ()
      } else {
      }
      %eq3A_34 = arith.constant 15 : i32
      %eq3A_35 = arith.cmpi eq, %arg1, %eq3A_34 : i32
      %convert_element_type3A_36 = arith.extui %eq3A_35 : i1 to i32
      %cond3A_37 = arith.constant 0 : i32
      %cond3A_38 = arith.cmpi ne, %convert_element_type3A_36, %cond3A_37 : i32
      scf.if %cond3A_38 {
        "tpu.region"() ({
          %run_scoped3A = tpu.sem_alloc : memref<!tpu.dma_semaphore, #tpu.memory_space<semaphore_mem>>
          %dma_start3A = arith.constant 9480 : i32
          %dma_start3A_39 = arith.constant 0 : i32
          %dma_start3A_40 = tpu.memref_slice %arg6[%dma_start3A, %dma_start3A_39] : memref<10000x128xf32, #tpu.memory_space<hbm>> -> memref<520x128xf32, #tpu.memory_space<hbm>>
          %dma_start3A_41 = arith.constant 9480 : i32
          %dma_start3A_42 = arith.constant 0 : i32
          %dma_start3A_43 = tpu.memref_slice %arg8[%dma_start3A_41, %dma_start3A_42] : memref<10000x128xf32, #tpu.memory_space<vmem_shared>> -> memref<520x128xf32, #tpu.memory_space<vmem_shared>>
          tpu.enqueue_dma source(%dma_start3A_43 : memref<520x128xf32, #tpu.memory_space<vmem_shared>>) target(%dma_start3A_40 : memref<520x128xf32, #tpu.memory_space<hbm>>) target_semaphore(%run_scoped3A : memref<!tpu.dma_semaphore, #tpu.memory_space<semaphore_mem>>)
          %dma_wait3A = arith.constant 9480 : i32
          %dma_wait3A_44 = arith.constant 0 : i32
          %dma_wait3A_45 = tpu.memref_slice %arg6[%dma_wait3A, %dma_wait3A_44] : memref<10000x128xf32, #tpu.memory_space<hbm>> -> memref<520x128xf32, #tpu.memory_space<hbm>>
          %dma_wait3A_46 = arith.constant 9480 : i32
          %dma_wait3A_47 = arith.constant 0 : i32
          %dma_wait3A_48 = tpu.memref_slice %arg8[%dma_wait3A_46, %dma_wait3A_47] : memref<10000x128xf32, #tpu.memory_space<vmem_shared>> -> memref<520x128xf32, #tpu.memory_space<vmem_shared>>
          tpu.wait_dma2 semaphore(%run_scoped3A : memref<!tpu.dma_semaphore, #tpu.memory_space<semaphore_mem>>) src(%dma_wait3A_48 : memref<520x128xf32, #tpu.memory_space<vmem_shared>>) dst(%dma_wait3A_45 : memref<520x128xf32, #tpu.memory_space<hbm>>)
          tpu.yield
        }) : () -> ()
      } else {
      }
    } else {
    }
    %eq3A_25 = arith.constant 1 : i32
    %eq3A_26 = arith.cmpi eq, %arg0, %eq3A_25 : i32
    %convert_element_type3A_27 = arith.extui %eq3A_26 : i1 to i32
    %cond3A_28 = arith.constant 0 : i32
    %cond3A_29 = arith.cmpi ne, %convert_element_type3A_27, %cond3A_28 : i32
    scf.if %cond3A_29 {
      %lt3A = arith.constant 15 : i32
      %lt3A_30 = arith.cmpi slt, %arg1, %lt3A : i32
      %convert_element_type3A_31 = arith.extui %lt3A_30 : i1 to i32
      %cond3A_32 = arith.constant 0 : i32
      %cond3A_33 = arith.cmpi ne, %convert_element_type3A_31, %cond3A_32 : i32
      scf.if %cond3A_33 {
        %mul3A_39 = arith.constant 632 : i32
        %mul3A_40 = arith.muli %arg1, %mul3A_39 : i32
        %mul3A_41 = arith.constant 632 : i32
        %mul3A_42 = arith.muli %arg1, %mul3A_41 : i32
        "tpu.region"() ({
          %run_scoped3A = tpu.sem_alloc : memref<!tpu.dma_semaphore, #tpu.memory_space<semaphore_mem>>
          %dma_start3A = arith.constant 0 : i32
          %dma_start3A_43 = tpu.memref_slice %arg7[%mul3A_42, %dma_start3A] : memref<10000x128xf32, #tpu.memory_space<hbm>> -> memref<632x128xf32, #tpu.memory_space<hbm>>
          %dma_start3A_44 = arith.constant 0 : i32
          %dma_start3A_45 = tpu.memref_slice %arg8[%mul3A_40, %dma_start3A_44] : memref<10000x128xf32, #tpu.memory_space<vmem_shared>> -> memref<632x128xf32, #tpu.memory_space<vmem_shared>>
          tpu.enqueue_dma source(%dma_start3A_45 : memref<632x128xf32, #tpu.memory_space<vmem_shared>>) target(%dma_start3A_43 : memref<632x128xf32, #tpu.memory_space<hbm>>) target_semaphore(%run_scoped3A : memref<!tpu.dma_semaphore, #tpu.memory_space<semaphore_mem>>)
          %dma_wait3A = arith.constant 0 : i32
          %dma_wait3A_46 = tpu.memref_slice %arg7[%mul3A_42, %dma_wait3A] : memref<10000x128xf32, #tpu.memory_space<hbm>> -> memref<632x128xf32, #tpu.memory_space<hbm>>
          %dma_wait3A_47 = arith.constant 0 : i32
          %dma_wait3A_48 = tpu.memref_slice %arg8[%mul3A_40, %dma_wait3A_47] : memref<10000x128xf32, #tpu.memory_space<vmem_shared>> -> memref<632x128xf32, #tpu.memory_space<vmem_shared>>
          tpu.wait_dma2 semaphore(%run_scoped3A : memref<!tpu.dma_semaphore, #tpu.memory_space<semaphore_mem>>) src(%dma_wait3A_48 : memref<632x128xf32, #tpu.memory_space<vmem_shared>>) dst(%dma_wait3A_46 : memref<632x128xf32, #tpu.memory_space<hbm>>)
          tpu.yield
        }) : () -> ()
      } else {
      }
      %eq3A_34 = arith.constant 15 : i32
      %eq3A_35 = arith.cmpi eq, %arg1, %eq3A_34 : i32
      %convert_element_type3A_36 = arith.extui %eq3A_35 : i1 to i32
      %cond3A_37 = arith.constant 0 : i32
      %cond3A_38 = arith.cmpi ne, %convert_element_type3A_36, %cond3A_37 : i32
      scf.if %cond3A_38 {
        "tpu.region"() ({
          %run_scoped3A = tpu.sem_alloc : memref<!tpu.dma_semaphore, #tpu.memory_space<semaphore_mem>>
          %dma_start3A = arith.constant 9480 : i32
          %dma_start3A_39 = arith.constant 0 : i32
          %dma_start3A_40 = tpu.memref_slice %arg7[%dma_start3A, %dma_start3A_39] : memref<10000x128xf32, #tpu.memory_space<hbm>> -> memref<520x128xf32, #tpu.memory_space<hbm>>
          %dma_start3A_41 = arith.constant 9480 : i32
          %dma_start3A_42 = arith.constant 0 : i32
          %dma_start3A_43 = tpu.memref_slice %arg8[%dma_start3A_41, %dma_start3A_42] : memref<10000x128xf32, #tpu.memory_space<vmem_shared>> -> memref<520x128xf32, #tpu.memory_space<vmem_shared>>
          tpu.enqueue_dma source(%dma_start3A_43 : memref<520x128xf32, #tpu.memory_space<vmem_shared>>) target(%dma_start3A_40 : memref<520x128xf32, #tpu.memory_space<hbm>>) target_semaphore(%run_scoped3A : memref<!tpu.dma_semaphore, #tpu.memory_space<semaphore_mem>>)
          %dma_wait3A = arith.constant 9480 : i32
          %dma_wait3A_44 = arith.constant 0 : i32
          %dma_wait3A_45 = tpu.memref_slice %arg7[%dma_wait3A, %dma_wait3A_44] : memref<10000x128xf32, #tpu.memory_space<hbm>> -> memref<520x128xf32, #tpu.memory_space<hbm>>
          %dma_wait3A_46 = arith.constant 9480 : i32
          %dma_wait3A_47 = arith.constant 0 : i32
          %dma_wait3A_48 = tpu.memref_slice %arg8[%dma_wait3A_46, %dma_wait3A_47] : memref<10000x128xf32, #tpu.memory_space<vmem_shared>> -> memref<520x128xf32, #tpu.memory_space<vmem_shared>>
          tpu.wait_dma2 semaphore(%run_scoped3A : memref<!tpu.dma_semaphore, #tpu.memory_space<semaphore_mem>>) src(%dma_wait3A_48 : memref<520x128xf32, #tpu.memory_space<vmem_shared>>) dst(%dma_wait3A_45 : memref<520x128xf32, #tpu.memory_space<hbm>>)
          tpu.yield
        }) : () -> ()
      } else {
      }
    } else {
    }
    return
  }
}

#map = affine_map<(d0, d1) -> (0)>
module attributes {stable_mosaic.version = 14 : i64} {
  func.func @_prop2_sc(%arg0: i32, %arg1: i32, %arg2: memref<10000xf32, #tpu.memory_space<hbm>>, %arg3: memref<160000xi32, #tpu.memory_space<hbm>>, %arg4: memref<160000xi32, #tpu.memory_space<hbm>>, %arg5: memref<10000xf32, #tpu.memory_space<hbm>>, %arg6: memref<10000xf32, #tpu.memory_space<hbm>>, %arg7: memref<10000xf32, #tpu.memory_space<vmem_shared>>, %arg8: memref<128xi32, #tpu.memory_space<vmem>>, %arg9: memref<128xi32, #tpu.memory_space<vmem>>, %arg10: memref<128xi32, #tpu.memory_space<vmem>>, %arg11: memref<128xi32, #tpu.memory_space<vmem>>, %arg12: memref<128xi32, #tpu.memory_space<vmem>>, %arg13: memref<128xi32, #tpu.memory_space<vmem>>, %arg14: memref<128xf32, #tpu.memory_space<vmem>>, %arg15: memref<128xf32, #tpu.memory_space<vmem>>, %arg16: memref<128xf32, #tpu.memory_space<vmem>>, %arg17: memref<640xf32, #tpu.memory_space<vmem>>, %arg18: memref<!tpu.dma_semaphore, #tpu.memory_space<semaphore_mem>>, %arg19: memref<!tpu.dma_semaphore, #tpu.memory_space<semaphore_mem>>, %arg20: memref<!tpu.dma_semaphore, #tpu.memory_space<semaphore_mem>>, %arg21: memref<!tpu.dma_semaphore, #tpu.memory_space<semaphore_mem>>, %arg22: memref<!tpu.dma_semaphore, #tpu.memory_space<semaphore_mem>>, %arg23: memref<!tpu.dma_semaphore, #tpu.memory_space<semaphore_mem>>, %arg24: memref<!tpu.dma_semaphore, #tpu.memory_space<semaphore_mem>>, %arg25: memref<!tpu.dma_semaphore, #tpu.memory_space<semaphore_mem>>, %arg26: memref<!tpu.dma_semaphore, #tpu.memory_space<semaphore_mem>>, %arg27: memref<!tpu.dma_semaphore, #tpu.memory_space<semaphore_mem>>, %arg28: memref<!tpu.dma_semaphore, #tpu.memory_space<semaphore_mem>>, %arg29: memref<!tpu.dma_semaphore, #tpu.memory_space<semaphore_mem>>) attributes {dimension_semantics = [#tpu.dimension_semantics<core_parallel>, #tpu.dimension_semantics<subcore_parallel>], iteration_bounds = array<i64: 2, 16>, scalar_prefetch = 0 : i64, scratch_operands = 23 : i64, tpu.core_type = #tpu.core_type<sc_vector_subcore>, window_params = [{transform_indices = #map}, {transform_indices = #map}, {transform_indices = #map}, {transform_indices = #map}, {transform_indices = #map}]} {
    %lt3A = arith.constant 15 : i32
    %lt3A_0 = arith.cmpi slt, %arg1, %lt3A : i32
    %convert_element_type3A = arith.extui %lt3A_0 : i1 to i32
    %cond3A = arith.constant 0 : i32
    %cond3A_1 = arith.cmpi ne, %convert_element_type3A, %cond3A : i32
    scf.if %cond3A_1 {
      %mul3A_90 = arith.constant 632 : i32
      %mul3A_91 = arith.muli %arg1, %mul3A_90 : i32
      "tpu.region"() ({
        %run_scoped3A = tpu.sem_alloc : memref<!tpu.dma_semaphore, #tpu.memory_space<semaphore_mem>>
        %dma_start3A_94 = arith.constant 0 : i32
        %dma_start3A_95 = tpu.memref_slice %arg17[%dma_start3A_94] : memref<640xf32, #tpu.memory_space<vmem>> -> memref<632xf32, #tpu.memory_space<vmem>>
        %dma_start3A_96 = tpu.memref_slice %arg2[%mul3A_91] : memref<10000xf32, #tpu.memory_space<hbm>> -> memref<632xf32, #tpu.memory_space<hbm>>
        %dma_start3A_97 = arith.constant 0 : i32
        %dma_start3A_98 = tpu.memref_slice %arg17[%dma_start3A_97] : memref<640xf32, #tpu.memory_space<vmem>> -> memref<632xf32, #tpu.memory_space<vmem>>
        %dma_start3A_99 = tpu.memref_slice %arg2[%mul3A_91] : memref<10000xf32, #tpu.memory_space<hbm>> -> memref<632xf32, #tpu.memory_space<hbm>>
        tpu.enqueue_dma source(%dma_start3A_99 : memref<632xf32, #tpu.memory_space<hbm>>) target(%dma_start3A_98 : memref<632xf32, #tpu.memory_space<vmem>>) target_semaphore(%run_scoped3A : memref<!tpu.dma_semaphore, #tpu.memory_space<semaphore_mem>>)
        %dma_wait3A_100 = arith.constant 0 : i32
        %dma_wait3A_101 = tpu.memref_slice %arg17[%dma_wait3A_100] : memref<640xf32, #tpu.memory_space<vmem>> -> memref<632xf32, #tpu.memory_space<vmem>>
        %dma_wait3A_102 = tpu.memref_slice %arg2[%mul3A_91] : memref<10000xf32, #tpu.memory_space<hbm>> -> memref<632xf32, #tpu.memory_space<hbm>>
        %dma_wait3A_103 = arith.constant 0 : i32
        %dma_wait3A_104 = tpu.memref_slice %arg17[%dma_wait3A_103] : memref<640xf32, #tpu.memory_space<vmem>> -> memref<632xf32, #tpu.memory_space<vmem>>
        %dma_wait3A_105 = tpu.memref_slice %arg2[%mul3A_91] : memref<10000xf32, #tpu.memory_space<hbm>> -> memref<632xf32, #tpu.memory_space<hbm>>
        tpu.wait_dma2 semaphore(%run_scoped3A : memref<!tpu.dma_semaphore, #tpu.memory_space<semaphore_mem>>) src(%dma_wait3A_105 : memref<632xf32, #tpu.memory_space<hbm>>) dst(%dma_wait3A_104 : memref<632xf32, #tpu.memory_space<vmem>>)
        tpu.yield
      }) : () -> ()
      %mul3A_92 = arith.constant 632 : i32
      %mul3A_93 = arith.muli %arg1, %mul3A_92 : i32
      "tpu.region"() ({
        %run_scoped3A = tpu.sem_alloc : memref<!tpu.dma_semaphore, #tpu.memory_space<semaphore_mem>>
        %dma_start3A_94 = arith.constant 0 : i32
        %dma_start3A_95 = tpu.memref_slice %arg17[%dma_start3A_94] : memref<640xf32, #tpu.memory_space<vmem>> -> memref<632xf32, #tpu.memory_space<vmem>>
        %dma_start3A_96 = tpu.memref_slice %arg7[%mul3A_93] : memref<10000xf32, #tpu.memory_space<vmem_shared>> -> memref<632xf32, #tpu.memory_space<vmem_shared>>
        %dma_start3A_97 = tpu.memref_slice %arg7[%mul3A_93] : memref<10000xf32, #tpu.memory_space<vmem_shared>> -> memref<632xf32, #tpu.memory_space<vmem_shared>>
        %dma_start3A_98 = arith.constant 0 : i32
        %dma_start3A_99 = tpu.memref_slice %arg17[%dma_start3A_98] : memref<640xf32, #tpu.memory_space<vmem>> -> memref<632xf32, #tpu.memory_space<vmem>>
        tpu.enqueue_dma source(%dma_start3A_99 : memref<632xf32, #tpu.memory_space<vmem>>) target(%dma_start3A_97 : memref<632xf32, #tpu.memory_space<vmem_shared>>) target_semaphore(%run_scoped3A : memref<!tpu.dma_semaphore, #tpu.memory_space<semaphore_mem>>)
        %dma_wait3A_100 = arith.constant 0 : i32
        %dma_wait3A_101 = tpu.memref_slice %arg17[%dma_wait3A_100] : memref<640xf32, #tpu.memory_space<vmem>> -> memref<632xf32, #tpu.memory_space<vmem>>
        %dma_wait3A_102 = tpu.memref_slice %arg7[%mul3A_93] : memref<10000xf32, #tpu.memory_space<vmem_shared>> -> memref<632xf32, #tpu.memory_space<vmem_shared>>
        %dma_wait3A_103 = tpu.memref_slice %arg7[%mul3A_93] : memref<10000xf32, #tpu.memory_space<vmem_shared>> -> memref<632xf32, #tpu.memory_space<vmem_shared>>
        %dma_wait3A_104 = arith.constant 0 : i32
        %dma_wait3A_105 = tpu.memref_slice %arg17[%dma_wait3A_104] : memref<640xf32, #tpu.memory_space<vmem>> -> memref<632xf32, #tpu.memory_space<vmem>>
        tpu.wait_dma2 semaphore(%run_scoped3A : memref<!tpu.dma_semaphore, #tpu.memory_space<semaphore_mem>>) src(%dma_wait3A_105 : memref<632xf32, #tpu.memory_space<vmem>>) dst(%dma_wait3A_103 : memref<632xf32, #tpu.memory_space<vmem_shared>>)
        tpu.yield
      }) : () -> ()
    } else {
    }
    %eq3A = arith.constant 15 : i32
    %eq3A_2 = arith.cmpi eq, %arg1, %eq3A : i32
    %convert_element_type3A_3 = arith.extui %eq3A_2 : i1 to i32
    %cond3A_4 = arith.constant 0 : i32
    %cond3A_5 = arith.cmpi ne, %convert_element_type3A_3, %cond3A_4 : i32
    scf.if %cond3A_5 {
      "tpu.region"() ({
        %run_scoped3A = tpu.sem_alloc : memref<!tpu.dma_semaphore, #tpu.memory_space<semaphore_mem>>
        %dma_start3A_90 = arith.constant 0 : i32
        %dma_start3A_91 = tpu.memref_slice %arg17[%dma_start3A_90] : memref<640xf32, #tpu.memory_space<vmem>> -> memref<520xf32, #tpu.memory_space<vmem>>
        %dma_start3A_92 = arith.constant 9480 : i32
        %dma_start3A_93 = tpu.memref_slice %arg2[%dma_start3A_92] : memref<10000xf32, #tpu.memory_space<hbm>> -> memref<520xf32, #tpu.memory_space<hbm>>
        %dma_start3A_94 = arith.constant 0 : i32
        %dma_start3A_95 = tpu.memref_slice %arg17[%dma_start3A_94] : memref<640xf32, #tpu.memory_space<vmem>> -> memref<520xf32, #tpu.memory_space<vmem>>
        %dma_start3A_96 = arith.constant 9480 : i32
        %dma_start3A_97 = tpu.memref_slice %arg2[%dma_start3A_96] : memref<10000xf32, #tpu.memory_space<hbm>> -> memref<520xf32, #tpu.memory_space<hbm>>
        tpu.enqueue_dma source(%dma_start3A_97 : memref<520xf32, #tpu.memory_space<hbm>>) target(%dma_start3A_95 : memref<520xf32, #tpu.memory_space<vmem>>) target_semaphore(%run_scoped3A : memref<!tpu.dma_semaphore, #tpu.memory_space<semaphore_mem>>)
        %dma_wait3A_98 = arith.constant 0 : i32
        %dma_wait3A_99 = tpu.memref_slice %arg17[%dma_wait3A_98] : memref<640xf32, #tpu.memory_space<vmem>> -> memref<520xf32, #tpu.memory_space<vmem>>
        %dma_wait3A_100 = arith.constant 9480 : i32
        %dma_wait3A_101 = tpu.memref_slice %arg2[%dma_wait3A_100] : memref<10000xf32, #tpu.memory_space<hbm>> -> memref<520xf32, #tpu.memory_space<hbm>>
        %dma_wait3A_102 = arith.constant 0 : i32
        %dma_wait3A_103 = tpu.memref_slice %arg17[%dma_wait3A_102] : memref<640xf32, #tpu.memory_space<vmem>> -> memref<520xf32, #tpu.memory_space<vmem>>
        %dma_wait3A_104 = arith.constant 9480 : i32
        %dma_wait3A_105 = tpu.memref_slice %arg2[%dma_wait3A_104] : memref<10000xf32, #tpu.memory_space<hbm>> -> memref<520xf32, #tpu.memory_space<hbm>>
        tpu.wait_dma2 semaphore(%run_scoped3A : memref<!tpu.dma_semaphore, #tpu.memory_space<semaphore_mem>>) src(%dma_wait3A_105 : memref<520xf32, #tpu.memory_space<hbm>>) dst(%dma_wait3A_103 : memref<520xf32, #tpu.memory_space<vmem>>)
        tpu.yield
      }) : () -> ()
      "tpu.region"() ({
        %run_scoped3A = tpu.sem_alloc : memref<!tpu.dma_semaphore, #tpu.memory_space<semaphore_mem>>
        %dma_start3A_90 = arith.constant 0 : i32
        %dma_start3A_91 = tpu.memref_slice %arg17[%dma_start3A_90] : memref<640xf32, #tpu.memory_space<vmem>> -> memref<520xf32, #tpu.memory_space<vmem>>
        %dma_start3A_92 = arith.constant 9480 : i32
        %dma_start3A_93 = tpu.memref_slice %arg7[%dma_start3A_92] : memref<10000xf32, #tpu.memory_space<vmem_shared>> -> memref<520xf32, #tpu.memory_space<vmem_shared>>
        %dma_start3A_94 = arith.constant 9480 : i32
        %dma_start3A_95 = tpu.memref_slice %arg7[%dma_start3A_94] : memref<10000xf32, #tpu.memory_space<vmem_shared>> -> memref<520xf32, #tpu.memory_space<vmem_shared>>
        %dma_start3A_96 = arith.constant 0 : i32
        %dma_start3A_97 = tpu.memref_slice %arg17[%dma_start3A_96] : memref<640xf32, #tpu.memory_space<vmem>> -> memref<520xf32, #tpu.memory_space<vmem>>
        tpu.enqueue_dma source(%dma_start3A_97 : memref<520xf32, #tpu.memory_space<vmem>>) target(%dma_start3A_95 : memref<520xf32, #tpu.memory_space<vmem_shared>>) target_semaphore(%run_scoped3A : memref<!tpu.dma_semaphore, #tpu.memory_space<semaphore_mem>>)
        %dma_wait3A_98 = arith.constant 0 : i32
        %dma_wait3A_99 = tpu.memref_slice %arg17[%dma_wait3A_98] : memref<640xf32, #tpu.memory_space<vmem>> -> memref<520xf32, #tpu.memory_space<vmem>>
        %dma_wait3A_100 = arith.constant 9480 : i32
        %dma_wait3A_101 = tpu.memref_slice %arg7[%dma_wait3A_100] : memref<10000xf32, #tpu.memory_space<vmem_shared>> -> memref<520xf32, #tpu.memory_space<vmem_shared>>
        %dma_wait3A_102 = arith.constant 9480 : i32
        %dma_wait3A_103 = tpu.memref_slice %arg7[%dma_wait3A_102] : memref<10000xf32, #tpu.memory_space<vmem_shared>> -> memref<520xf32, #tpu.memory_space<vmem_shared>>
        %dma_wait3A_104 = arith.constant 0 : i32
        %dma_wait3A_105 = tpu.memref_slice %arg17[%dma_wait3A_104] : memref<640xf32, #tpu.memory_space<vmem>> -> memref<520xf32, #tpu.memory_space<vmem>>
        tpu.wait_dma2 semaphore(%run_scoped3A : memref<!tpu.dma_semaphore, #tpu.memory_space<semaphore_mem>>) src(%dma_wait3A_105 : memref<520xf32, #tpu.memory_space<vmem>>) dst(%dma_wait3A_103 : memref<520xf32, #tpu.memory_space<vmem_shared>>)
        tpu.yield
      }) : () -> ()
    } else {
    }
    %barrier3A = arith.constant 0 : index
    tpu.barrier barrier_id(%barrier3A)
    %mul3A = arith.constant 625 : i32
    %mul3A_6 = arith.muli %arg0, %mul3A : i32
    %mul3A_7 = arith.constant 39 : i32
    %mul3A_8 = arith.muli %arg1, %mul3A_7 : i32
    %add3A = arith.addi %mul3A_6, %mul3A_8 : i32
    %min3A = arith.constant 1 : i32
    %min3A_9 = arith.minsi %arg1, %min3A : i32
    %add3A_10 = arith.addi %add3A, %min3A_9 : i32
    %add3A_11 = arith.constant 0 : i32
    %add3A_12 = arith.addi %add3A_10, %add3A_11 : i32
    %mul3A_13 = arith.constant 128 : i32
    %mul3A_14 = arith.muli %add3A_12, %mul3A_13 : i32
    %dma_start3A = tpu.memref_slice %arg3[%mul3A_14] : memref<160000xi32, #tpu.memory_space<hbm>> -> memref<128xi32, #tpu.memory_space<hbm>>
    %dma_start3A_15 = tpu.memref_slice %arg3[%mul3A_14] : memref<160000xi32, #tpu.memory_space<hbm>> -> memref<128xi32, #tpu.memory_space<hbm>>
    tpu.enqueue_dma source(%dma_start3A_15 : memref<128xi32, #tpu.memory_space<hbm>>) target(%arg8 : memref<128xi32, #tpu.memory_space<vmem>>) target_semaphore(%arg18 : memref<!tpu.dma_semaphore, #tpu.memory_space<semaphore_mem>>)
    %dma_start3A_16 = tpu.memref_slice %arg4[%mul3A_14] : memref<160000xi32, #tpu.memory_space<hbm>> -> memref<128xi32, #tpu.memory_space<hbm>>
    %dma_start3A_17 = tpu.memref_slice %arg4[%mul3A_14] : memref<160000xi32, #tpu.memory_space<hbm>> -> memref<128xi32, #tpu.memory_space<hbm>>
    tpu.enqueue_dma source(%dma_start3A_17 : memref<128xi32, #tpu.memory_space<hbm>>) target(%arg10 : memref<128xi32, #tpu.memory_space<vmem>>) target_semaphore(%arg21 : memref<!tpu.dma_semaphore, #tpu.memory_space<semaphore_mem>>)
    %add3A_18 = arith.constant 1 : i32
    %add3A_19 = arith.addi %add3A_10, %add3A_18 : i32
    %mul3A_20 = arith.constant 128 : i32
    %mul3A_21 = arith.muli %add3A_19, %mul3A_20 : i32
    %dma_start3A_22 = tpu.memref_slice %arg3[%mul3A_21] : memref<160000xi32, #tpu.memory_space<hbm>> -> memref<128xi32, #tpu.memory_space<hbm>>
    %dma_start3A_23 = tpu.memref_slice %arg3[%mul3A_21] : memref<160000xi32, #tpu.memory_space<hbm>> -> memref<128xi32, #tpu.memory_space<hbm>>
    tpu.enqueue_dma source(%dma_start3A_23 : memref<128xi32, #tpu.memory_space<hbm>>) target(%arg9 : memref<128xi32, #tpu.memory_space<vmem>>) target_semaphore(%arg19 : memref<!tpu.dma_semaphore, #tpu.memory_space<semaphore_mem>>)
    %dma_start3A_24 = tpu.memref_slice %arg4[%mul3A_21] : memref<160000xi32, #tpu.memory_space<hbm>> -> memref<128xi32, #tpu.memory_space<hbm>>
    %dma_start3A_25 = tpu.memref_slice %arg4[%mul3A_21] : memref<160000xi32, #tpu.memory_space<hbm>> -> memref<128xi32, #tpu.memory_space<hbm>>
    tpu.enqueue_dma source(%dma_start3A_25 : memref<128xi32, #tpu.memory_space<hbm>>) target(%arg11 : memref<128xi32, #tpu.memory_space<vmem>>) target_semaphore(%arg22 : memref<!tpu.dma_semaphore, #tpu.memory_space<semaphore_mem>>)
    %add3A_26 = arith.constant 2 : i32
    %add3A_27 = arith.addi %add3A_10, %add3A_26 : i32
    %mul3A_28 = arith.constant 128 : i32
    %mul3A_29 = arith.muli %add3A_27, %mul3A_28 : i32
    %dma_start3A_30 = tpu.memref_slice %arg3[%mul3A_29] : memref<160000xi32, #tpu.memory_space<hbm>> -> memref<128xi32, #tpu.memory_space<hbm>>
    %dma_start3A_31 = tpu.memref_slice %arg3[%mul3A_29] : memref<160000xi32, #tpu.memory_space<hbm>> -> memref<128xi32, #tpu.memory_space<hbm>>
    tpu.enqueue_dma source(%dma_start3A_31 : memref<128xi32, #tpu.memory_space<hbm>>) target(%arg12 : memref<128xi32, #tpu.memory_space<vmem>>) target_semaphore(%arg20 : memref<!tpu.dma_semaphore, #tpu.memory_space<semaphore_mem>>)
    %dma_start3A_32 = tpu.memref_slice %arg4[%mul3A_29] : memref<160000xi32, #tpu.memory_space<hbm>> -> memref<128xi32, #tpu.memory_space<hbm>>
    %dma_start3A_33 = tpu.memref_slice %arg4[%mul3A_29] : memref<160000xi32, #tpu.memory_space<hbm>> -> memref<128xi32, #tpu.memory_space<hbm>>
    tpu.enqueue_dma source(%dma_start3A_33 : memref<128xi32, #tpu.memory_space<hbm>>) target(%arg13 : memref<128xi32, #tpu.memory_space<vmem>>) target_semaphore(%arg23 : memref<!tpu.dma_semaphore, #tpu.memory_space<semaphore_mem>>)
    %add3A_34 = arith.constant 0 : i32
    %add3A_35 = arith.addi %add3A_10, %add3A_34 : i32
    %mul3A_36 = arith.constant 128 : i32
    %mul3A_37 = arith.muli %add3A_35, %mul3A_36 : i32
    %dma_wait3A = tpu.memref_slice %arg3[%mul3A_37] : memref<160000xi32, #tpu.memory_space<hbm>> -> memref<128xi32, #tpu.memory_space<hbm>>
    %dma_wait3A_38 = tpu.memref_slice %arg3[%mul3A_37] : memref<160000xi32, #tpu.memory_space<hbm>> -> memref<128xi32, #tpu.memory_space<hbm>>
    tpu.wait_dma2 semaphore(%arg18 : memref<!tpu.dma_semaphore, #tpu.memory_space<semaphore_mem>>) src(%dma_wait3A_38 : memref<128xi32, #tpu.memory_space<hbm>>) dst(%arg8 : memref<128xi32, #tpu.memory_space<vmem>>)
    %dma_wait3A_39 = tpu.memref_slice %arg4[%mul3A_37] : memref<160000xi32, #tpu.memory_space<hbm>> -> memref<128xi32, #tpu.memory_space<hbm>>
    %dma_wait3A_40 = tpu.memref_slice %arg4[%mul3A_37] : memref<160000xi32, #tpu.memory_space<hbm>> -> memref<128xi32, #tpu.memory_space<hbm>>
    tpu.wait_dma2 semaphore(%arg21 : memref<!tpu.dma_semaphore, #tpu.memory_space<semaphore_mem>>) src(%dma_wait3A_40 : memref<128xi32, #tpu.memory_space<hbm>>) dst(%arg10 : memref<128xi32, #tpu.memory_space<vmem>>)
    %dma_start3A_41 = arith.constant 0 : i32
    %dma_start3A_42 = tpu.memref_slice %arg2[%dma_start3A_41] : memref<10000xf32, #tpu.memory_space<hbm>> -> memref<10000xf32, #tpu.memory_space<hbm>>
    tpu.enqueue_indirect_dma source(%dma_start3A_42 : memref<10000xf32, #tpu.memory_space<hbm>>) target(%arg14 : memref<128xf32, #tpu.memory_space<vmem>>) offsets(%arg8 : memref<128xi32, #tpu.memory_space<vmem>>) semaphore(%arg24 : memref<!tpu.dma_semaphore, #tpu.memory_space<semaphore_mem>>)
    %add3A_43 = arith.constant 1 : i32
    %add3A_44 = arith.addi %add3A_10, %add3A_43 : i32
    %mul3A_45 = arith.constant 128 : i32
    %mul3A_46 = arith.muli %add3A_44, %mul3A_45 : i32
    %dma_wait3A_47 = tpu.memref_slice %arg3[%mul3A_46] : memref<160000xi32, #tpu.memory_space<hbm>> -> memref<128xi32, #tpu.memory_space<hbm>>
    %dma_wait3A_48 = tpu.memref_slice %arg3[%mul3A_46] : memref<160000xi32, #tpu.memory_space<hbm>> -> memref<128xi32, #tpu.memory_space<hbm>>
    tpu.wait_dma2 semaphore(%arg19 : memref<!tpu.dma_semaphore, #tpu.memory_space<semaphore_mem>>) src(%dma_wait3A_48 : memref<128xi32, #tpu.memory_space<hbm>>) dst(%arg9 : memref<128xi32, #tpu.memory_space<vmem>>)
    %dma_wait3A_49 = tpu.memref_slice %arg4[%mul3A_46] : memref<160000xi32, #tpu.memory_space<hbm>> -> memref<128xi32, #tpu.memory_space<hbm>>
    %dma_wait3A_50 = tpu.memref_slice %arg4[%mul3A_46] : memref<160000xi32, #tpu.memory_space<hbm>> -> memref<128xi32, #tpu.memory_space<hbm>>
    tpu.wait_dma2 semaphore(%arg22 : memref<!tpu.dma_semaphore, #tpu.memory_space<semaphore_mem>>) src(%dma_wait3A_50 : memref<128xi32, #tpu.memory_space<hbm>>) dst(%arg11 : memref<128xi32, #tpu.memory_space<vmem>>)
    %dma_start3A_51 = arith.constant 0 : i32
    %dma_start3A_52 = tpu.memref_slice %arg2[%dma_start3A_51] : memref<10000xf32, #tpu.memory_space<hbm>> -> memref<10000xf32, #tpu.memory_space<hbm>>
    tpu.enqueue_indirect_dma source(%dma_start3A_52 : memref<10000xf32, #tpu.memory_space<hbm>>) target(%arg15 : memref<128xf32, #tpu.memory_space<vmem>>) offsets(%arg9 : memref<128xi32, #tpu.memory_space<vmem>>) semaphore(%arg25 : memref<!tpu.dma_semaphore, #tpu.memory_space<semaphore_mem>>)
    %add3A_53 = arith.constant 2 : i32
    %add3A_54 = arith.addi %add3A_10, %add3A_53 : i32
    %mul3A_55 = arith.constant 128 : i32
    %mul3A_56 = arith.muli %add3A_54, %mul3A_55 : i32
    %dma_wait3A_57 = tpu.memref_slice %arg3[%mul3A_56] : memref<160000xi32, #tpu.memory_space<hbm>> -> memref<128xi32, #tpu.memory_space<hbm>>
    %dma_wait3A_58 = tpu.memref_slice %arg3[%mul3A_56] : memref<160000xi32, #tpu.memory_space<hbm>> -> memref<128xi32, #tpu.memory_space<hbm>>
    tpu.wait_dma2 semaphore(%arg20 : memref<!tpu.dma_semaphore, #tpu.memory_space<semaphore_mem>>) src(%dma_wait3A_58 : memref<128xi32, #tpu.memory_space<hbm>>) dst(%arg12 : memref<128xi32, #tpu.memory_space<vmem>>)
    %dma_wait3A_59 = tpu.memref_slice %arg4[%mul3A_56] : memref<160000xi32, #tpu.memory_space<hbm>> -> memref<128xi32, #tpu.memory_space<hbm>>
    %dma_wait3A_60 = tpu.memref_slice %arg4[%mul3A_56] : memref<160000xi32, #tpu.memory_space<hbm>> -> memref<128xi32, #tpu.memory_space<hbm>>
    tpu.wait_dma2 semaphore(%arg23 : memref<!tpu.dma_semaphore, #tpu.memory_space<semaphore_mem>>) src(%dma_wait3A_60 : memref<128xi32, #tpu.memory_space<hbm>>) dst(%arg13 : memref<128xi32, #tpu.memory_space<vmem>>)
    %dma_start3A_61 = arith.constant 0 : i32
    %dma_start3A_62 = tpu.memref_slice %arg2[%dma_start3A_61] : memref<10000xf32, #tpu.memory_space<hbm>> -> memref<10000xf32, #tpu.memory_space<hbm>>
    tpu.enqueue_indirect_dma source(%dma_start3A_62 : memref<10000xf32, #tpu.memory_space<hbm>>) target(%arg16 : memref<128xf32, #tpu.memory_space<vmem>>) offsets(%arg12 : memref<128xi32, #tpu.memory_space<vmem>>) semaphore(%arg26 : memref<!tpu.dma_semaphore, #tpu.memory_space<semaphore_mem>>)
    %scan3A = arith.constant 0 : i32
    %scan3A_63 = arith.constant 0 : i32
    %scan3A_64 = arith.constant 13 : i32
    %scan3A_65 = arith.addi %scan3A_63, %scan3A_64 : i32
    %scan3A_66 = arith.constant 1 : i32
    scf.for %scan3A_90 = %scan3A_63 to %scan3A_65 step %scan3A_66  : i32 {
      %dma_wait3A_91 = arith.constant 0 : i32
      %dma_wait3A_92 = tpu.memref_slice %arg2[%dma_wait3A_91] : memref<10000xf32, #tpu.memory_space<hbm>> -> memref<10000xf32, #tpu.memory_space<hbm>>
      tpu.wait_indirect_dma semaphore(%arg24 : memref<!tpu.dma_semaphore, #tpu.memory_space<semaphore_mem>>) src(%dma_wait3A_92 : memref<10000xf32, #tpu.memory_space<hbm>>) dst(%arg14 : memref<128xf32, #tpu.memory_space<vmem>>)
      %dma_start3A_93 = arith.constant 0 : i32
      %dma_start3A_94 = tpu.memref_slice %arg7[%dma_start3A_93] : memref<10000xf32, #tpu.memory_space<vmem_shared>> -> memref<10000xf32, #tpu.memory_space<vmem_shared>>
      tpu.enqueue_indirect_dma source(%arg14 : memref<128xf32, #tpu.memory_space<vmem>>) target(%dma_start3A_94 : memref<10000xf32, #tpu.memory_space<vmem_shared>>) offsets(%arg10 : memref<128xi32, #tpu.memory_space<vmem>>) semaphore(%arg27 : memref<!tpu.dma_semaphore, #tpu.memory_space<semaphore_mem>>) {add = true}
      %dma_wait3A_95 = arith.constant 0 : i32
      %dma_wait3A_96 = tpu.memref_slice %arg2[%dma_wait3A_95] : memref<10000xf32, #tpu.memory_space<hbm>> -> memref<10000xf32, #tpu.memory_space<hbm>>
      tpu.wait_indirect_dma semaphore(%arg25 : memref<!tpu.dma_semaphore, #tpu.memory_space<semaphore_mem>>) src(%dma_wait3A_96 : memref<10000xf32, #tpu.memory_space<hbm>>) dst(%arg15 : memref<128xf32, #tpu.memory_space<vmem>>)
      %dma_start3A_97 = arith.constant 0 : i32
      %dma_start3A_98 = tpu.memref_slice %arg7[%dma_start3A_97] : memref<10000xf32, #tpu.memory_space<vmem_shared>> -> memref<10000xf32, #tpu.memory_space<vmem_shared>>
      tpu.enqueue_indirect_dma source(%arg15 : memref<128xf32, #tpu.memory_space<vmem>>) target(%dma_start3A_98 : memref<10000xf32, #tpu.memory_space<vmem_shared>>) offsets(%arg11 : memref<128xi32, #tpu.memory_space<vmem>>) semaphore(%arg28 : memref<!tpu.dma_semaphore, #tpu.memory_space<semaphore_mem>>) {add = true}
      %dma_wait3A_99 = arith.constant 0 : i32
      %dma_wait3A_100 = tpu.memref_slice %arg2[%dma_wait3A_99] : memref<10000xf32, #tpu.memory_space<hbm>> -> memref<10000xf32, #tpu.memory_space<hbm>>
      tpu.wait_indirect_dma semaphore(%arg26 : memref<!tpu.dma_semaphore, #tpu.memory_space<semaphore_mem>>) src(%dma_wait3A_100 : memref<10000xf32, #tpu.memory_space<hbm>>) dst(%arg16 : memref<128xf32, #tpu.memory_space<vmem>>)
      %dma_start3A_101 = arith.constant 0 : i32
      %dma_start3A_102 = tpu.memref_slice %arg7[%dma_start3A_101] : memref<10000xf32, #tpu.memory_space<vmem_shared>> -> memref<10000xf32, #tpu.memory_space<vmem_shared>>
      tpu.enqueue_indirect_dma source(%arg16 : memref<128xf32, #tpu.memory_space<vmem>>) target(%dma_start3A_102 : memref<10000xf32, #tpu.memory_space<vmem_shared>>) offsets(%arg13 : memref<128xi32, #tpu.memory_space<vmem>>) semaphore(%arg29 : memref<!tpu.dma_semaphore, #tpu.memory_space<semaphore_mem>>) {add = true}
      %lt3A_103 = arith.constant 12 : i32
      %lt3A_104 = arith.cmpi slt, %scan3A_90, %lt3A_103 : i32
      %convert_element_type3A_105 = arith.extui %lt3A_104 : i1 to i32
      %cond3A_106 = arith.constant 0 : i32
      %cond3A_107 = arith.cmpi ne, %convert_element_type3A_105, %cond3A_106 : i32
      scf.if %cond3A_107 {
        %dma_wait3A_108 = arith.constant 0 : i32
        %dma_wait3A_109 = tpu.memref_slice %arg7[%dma_wait3A_108] : memref<10000xf32, #tpu.memory_space<vmem_shared>> -> memref<10000xf32, #tpu.memory_space<vmem_shared>>
        tpu.wait_indirect_dma semaphore(%arg27 : memref<!tpu.dma_semaphore, #tpu.memory_space<semaphore_mem>>) src(%arg14 : memref<128xf32, #tpu.memory_space<vmem>>) dst(%dma_wait3A_109 : memref<10000xf32, #tpu.memory_space<vmem_shared>>)
        %mul3A_110 = arith.constant 3 : i32
        %mul3A_111 = arith.muli %mul3A_110, %scan3A_90 : i32
        %add3A_112 = arith.constant 3 : i32
        %add3A_113 = arith.addi %mul3A_111, %add3A_112 : i32
        %add3A_114 = arith.constant 0 : i32
        %add3A_115 = arith.addi %add3A_113, %add3A_114 : i32
        %add3A_116 = arith.addi %add3A_10, %add3A_115 : i32
        %mul3A_117 = arith.constant 128 : i32
        %mul3A_118 = arith.muli %add3A_116, %mul3A_117 : i32
        %dma_start3A_119 = tpu.memref_slice %arg3[%mul3A_118] : memref<160000xi32, #tpu.memory_space<hbm>> -> memref<128xi32, #tpu.memory_space<hbm>>
        %dma_start3A_120 = tpu.memref_slice %arg3[%mul3A_118] : memref<160000xi32, #tpu.memory_space<hbm>> -> memref<128xi32, #tpu.memory_space<hbm>>
        tpu.enqueue_dma source(%dma_start3A_120 : memref<128xi32, #tpu.memory_space<hbm>>) target(%arg8 : memref<128xi32, #tpu.memory_space<vmem>>) target_semaphore(%arg18 : memref<!tpu.dma_semaphore, #tpu.memory_space<semaphore_mem>>)
        %dma_start3A_121 = tpu.memref_slice %arg4[%mul3A_118] : memref<160000xi32, #tpu.memory_space<hbm>> -> memref<128xi32, #tpu.memory_space<hbm>>
        %dma_start3A_122 = tpu.memref_slice %arg4[%mul3A_118] : memref<160000xi32, #tpu.memory_space<hbm>> -> memref<128xi32, #tpu.memory_space<hbm>>
        tpu.enqueue_dma source(%dma_start3A_122 : memref<128xi32, #tpu.memory_space<hbm>>) target(%arg10 : memref<128xi32, #tpu.memory_space<vmem>>) target_semaphore(%arg21 : memref<!tpu.dma_semaphore, #tpu.memory_space<semaphore_mem>>)
        %mul3A_123 = arith.constant 3 : i32
        %mul3A_124 = arith.muli %mul3A_123, %scan3A_90 : i32
        %add3A_125 = arith.constant 3 : i32
        %add3A_126 = arith.addi %mul3A_124, %add3A_125 : i32
        %add3A_127 = arith.constant 0 : i32
        %add3A_128 = arith.addi %add3A_126, %add3A_127 : i32
        %add3A_129 = arith.addi %add3A_10, %add3A_128 : i32
        %mul3A_130 = arith.constant 128 : i32
        %mul3A_131 = arith.muli %add3A_129, %mul3A_130 : i32
        %dma_wait3A_132 = tpu.memref_slice %arg3[%mul3A_131] : memref<160000xi32, #tpu.memory_space<hbm>> -> memref<128xi32, #tpu.memory_space<hbm>>
        %dma_wait3A_133 = tpu.memref_slice %arg3[%mul3A_131] : memref<160000xi32, #tpu.memory_space<hbm>> -> memref<128xi32, #tpu.memory_space<hbm>>
        tpu.wait_dma2 semaphore(%arg18 : memref<!tpu.dma_semaphore, #tpu.memory_space<semaphore_mem>>) src(%dma_wait3A_133 : memref<128xi32, #tpu.memory_space<hbm>>) dst(%arg8 : memref<128xi32, #tpu.memory_space<vmem>>)
        %dma_wait3A_134 = tpu.memref_slice %arg4[%mul3A_131] : memref<160000xi32, #tpu.memory_space<hbm>> -> memref<128xi32, #tpu.memory_space<hbm>>
        %dma_wait3A_135 = tpu.memref_slice %arg4[%mul3A_131] : memref<160000xi32, #tpu.memory_space<hbm>> -> memref<128xi32, #tpu.memory_space<hbm>>
        tpu.wait_dma2 semaphore(%arg21 : memref<!tpu.dma_semaphore, #tpu.memory_space<semaphore_mem>>) src(%dma_wait3A_135 : memref<128xi32, #tpu.memory_space<hbm>>) dst(%arg10 : memref<128xi32, #tpu.memory_space<vmem>>)
        %dma_start3A_136 = arith.constant 0 : i32
        %dma_start3A_137 = tpu.memref_slice %arg2[%dma_start3A_136] : memref<10000xf32, #tpu.memory_space<hbm>> -> memref<10000xf32, #tpu.memory_space<hbm>>
        tpu.enqueue_indirect_dma source(%dma_start3A_137 : memref<10000xf32, #tpu.memory_space<hbm>>) target(%arg14 : memref<128xf32, #tpu.memory_space<vmem>>) offsets(%arg8 : memref<128xi32, #tpu.memory_space<vmem>>) semaphore(%arg24 : memref<!tpu.dma_semaphore, #tpu.memory_space<semaphore_mem>>)
        %dma_wait3A_138 = arith.constant 0 : i32
        %dma_wait3A_139 = tpu.memref_slice %arg7[%dma_wait3A_138] : memref<10000xf32, #tpu.memory_space<vmem_shared>> -> memref<10000xf32, #tpu.memory_space<vmem_shared>>
        tpu.wait_indirect_dma semaphore(%arg28 : memref<!tpu.dma_semaphore, #tpu.memory_space<semaphore_mem>>) src(%arg15 : memref<128xf32, #tpu.memory_space<vmem>>) dst(%dma_wait3A_139 : memref<10000xf32, #tpu.memory_space<vmem_shared>>)
        %mul3A_140 = arith.constant 3 : i32
        %mul3A_141 = arith.muli %mul3A_140, %scan3A_90 : i32
        %add3A_142 = arith.constant 3 : i32
        %add3A_143 = arith.addi %mul3A_141, %add3A_142 : i32
        %add3A_144 = arith.constant 1 : i32
        %add3A_145 = arith.addi %add3A_143, %add3A_144 : i32
        %add3A_146 = arith.addi %add3A_10, %add3A_145 : i32
        %mul3A_147 = arith.constant 128 : i32
        %mul3A_148 = arith.muli %add3A_146, %mul3A_147 : i32
        %dma_start3A_149 = tpu.memref_slice %arg3[%mul3A_148] : memref<160000xi32, #tpu.memory_space<hbm>> -> memref<128xi32, #tpu.memory_space<hbm>>
        %dma_start3A_150 = tpu.memref_slice %arg3[%mul3A_148] : memref<160000xi32, #tpu.memory_space<hbm>> -> memref<128xi32, #tpu.memory_space<hbm>>
        tpu.enqueue_dma source(%dma_start3A_150 : memref<128xi32, #tpu.memory_space<hbm>>) target(%arg9 : memref<128xi32, #tpu.memory_space<vmem>>) target_semaphore(%arg19 : memref<!tpu.dma_semaphore, #tpu.memory_space<semaphore_mem>>)
        %dma_start3A_151 = tpu.memref_slice %arg4[%mul3A_148] : memref<160000xi32, #tpu.memory_space<hbm>> -> memref<128xi32, #tpu.memory_space<hbm>>
        %dma_start3A_152 = tpu.memref_slice %arg4[%mul3A_148] : memref<160000xi32, #tpu.memory_space<hbm>> -> memref<128xi32, #tpu.memory_space<hbm>>
        tpu.enqueue_dma source(%dma_start3A_152 : memref<128xi32, #tpu.memory_space<hbm>>) target(%arg11 : memref<128xi32, #tpu.memory_space<vmem>>) target_semaphore(%arg22 : memref<!tpu.dma_semaphore, #tpu.memory_space<semaphore_mem>>)
        %mul3A_153 = arith.constant 3 : i32
        %mul3A_154 = arith.muli %mul3A_153, %scan3A_90 : i32
        %add3A_155 = arith.constant 3 : i32
        %add3A_156 = arith.addi %mul3A_154, %add3A_155 : i32
        %add3A_157 = arith.constant 1 : i32
        %add3A_158 = arith.addi %add3A_156, %add3A_157 : i32
        %add3A_159 = arith.addi %add3A_10, %add3A_158 : i32
        %mul3A_160 = arith.constant 128 : i32
        %mul3A_161 = arith.muli %add3A_159, %mul3A_160 : i32
        %dma_wait3A_162 = tpu.memref_slice %arg3[%mul3A_161] : memref<160000xi32, #tpu.memory_space<hbm>> -> memref<128xi32, #tpu.memory_space<hbm>>
        %dma_wait3A_163 = tpu.memref_slice %arg3[%mul3A_161] : memref<160000xi32, #tpu.memory_space<hbm>> -> memref<128xi32, #tpu.memory_space<hbm>>
        tpu.wait_dma2 semaphore(%arg19 : memref<!tpu.dma_semaphore, #tpu.memory_space<semaphore_mem>>) src(%dma_wait3A_163 : memref<128xi32, #tpu.memory_space<hbm>>) dst(%arg9 : memref<128xi32, #tpu.memory_space<vmem>>)
        %dma_wait3A_164 = tpu.memref_slice %arg4[%mul3A_161] : memref<160000xi32, #tpu.memory_space<hbm>> -> memref<128xi32, #tpu.memory_space<hbm>>
        %dma_wait3A_165 = tpu.memref_slice %arg4[%mul3A_161] : memref<160000xi32, #tpu.memory_space<hbm>> -> memref<128xi32, #tpu.memory_space<hbm>>
        tpu.wait_dma2 semaphore(%arg22 : memref<!tpu.dma_semaphore, #tpu.memory_space<semaphore_mem>>) src(%dma_wait3A_165 : memref<128xi32, #tpu.memory_space<hbm>>) dst(%arg11 : memref<128xi32, #tpu.memory_space<vmem>>)
        %dma_start3A_166 = arith.constant 0 : i32
        %dma_start3A_167 = tpu.memref_slice %arg2[%dma_start3A_166] : memref<10000xf32, #tpu.memory_space<hbm>> -> memref<10000xf32, #tpu.memory_space<hbm>>
        tpu.enqueue_indirect_dma source(%dma_start3A_167 : memref<10000xf32, #tpu.memory_space<hbm>>) target(%arg15 : memref<128xf32, #tpu.memory_space<vmem>>) offsets(%arg9 : memref<128xi32, #tpu.memory_space<vmem>>) semaphore(%arg25 : memref<!tpu.dma_semaphore, #tpu.memory_space<semaphore_mem>>)
        %dma_wait3A_168 = arith.constant 0 : i32
        %dma_wait3A_169 = tpu.memref_slice %arg7[%dma_wait3A_168] : memref<10000xf32, #tpu.memory_space<vmem_shared>> -> memref<10000xf32, #tpu.memory_space<vmem_shared>>
        tpu.wait_indirect_dma semaphore(%arg29 : memref<!tpu.dma_semaphore, #tpu.memory_space<semaphore_mem>>) src(%arg16 : memref<128xf32, #tpu.memory_space<vmem>>) dst(%dma_wait3A_169 : memref<10000xf32, #tpu.memory_space<vmem_shared>>)
        %mul3A_170 = arith.constant 3 : i32
        %mul3A_171 = arith.muli %mul3A_170, %scan3A_90 : i32
        %add3A_172 = arith.constant 3 : i32
        %add3A_173 = arith.addi %mul3A_171, %add3A_172 : i32
        %add3A_174 = arith.constant 2 : i32
        %add3A_175 = arith.addi %add3A_173, %add3A_174 : i32
        %add3A_176 = arith.addi %add3A_10, %add3A_175 : i32
        %mul3A_177 = arith.constant 128 : i32
        %mul3A_178 = arith.muli %add3A_176, %mul3A_177 : i32
        %dma_start3A_179 = tpu.memref_slice %arg3[%mul3A_178] : memref<160000xi32, #tpu.memory_space<hbm>> -> memref<128xi32, #tpu.memory_space<hbm>>
        %dma_start3A_180 = tpu.memref_slice %arg3[%mul3A_178] : memref<160000xi32, #tpu.memory_space<hbm>> -> memref<128xi32, #tpu.memory_space<hbm>>
        tpu.enqueue_dma source(%dma_start3A_180 : memref<128xi32, #tpu.memory_space<hbm>>) target(%arg12 : memref<128xi32, #tpu.memory_space<vmem>>) target_semaphore(%arg20 : memref<!tpu.dma_semaphore, #tpu.memory_space<semaphore_mem>>)
        %dma_start3A_181 = tpu.memref_slice %arg4[%mul3A_178] : memref<160000xi32, #tpu.memory_space<hbm>> -> memref<128xi32, #tpu.memory_space<hbm>>
        %dma_start3A_182 = tpu.memref_slice %arg4[%mul3A_178] : memref<160000xi32, #tpu.memory_space<hbm>> -> memref<128xi32, #tpu.memory_space<hbm>>
        tpu.enqueue_dma source(%dma_start3A_182 : memref<128xi32, #tpu.memory_space<hbm>>) target(%arg13 : memref<128xi32, #tpu.memory_space<vmem>>) target_semaphore(%arg23 : memref<!tpu.dma_semaphore, #tpu.memory_space<semaphore_mem>>)
        %mul3A_183 = arith.constant 3 : i32
        %mul3A_184 = arith.muli %mul3A_183, %scan3A_90 : i32
        %add3A_185 = arith.constant 3 : i32
        %add3A_186 = arith.addi %mul3A_184, %add3A_185 : i32
        %add3A_187 = arith.constant 2 : i32
        %add3A_188 = arith.addi %add3A_186, %add3A_187 : i32
        %add3A_189 = arith.addi %add3A_10, %add3A_188 : i32
        %mul3A_190 = arith.constant 128 : i32
        %mul3A_191 = arith.muli %add3A_189, %mul3A_190 : i32
        %dma_wait3A_192 = tpu.memref_slice %arg3[%mul3A_191] : memref<160000xi32, #tpu.memory_space<hbm>> -> memref<128xi32, #tpu.memory_space<hbm>>
        %dma_wait3A_193 = tpu.memref_slice %arg3[%mul3A_191] : memref<160000xi32, #tpu.memory_space<hbm>> -> memref<128xi32, #tpu.memory_space<hbm>>
        tpu.wait_dma2 semaphore(%arg20 : memref<!tpu.dma_semaphore, #tpu.memory_space<semaphore_mem>>) src(%dma_wait3A_193 : memref<128xi32, #tpu.memory_space<hbm>>) dst(%arg12 : memref<128xi32, #tpu.memory_space<vmem>>)
        %dma_wait3A_194 = tpu.memref_slice %arg4[%mul3A_191] : memref<160000xi32, #tpu.memory_space<hbm>> -> memref<128xi32, #tpu.memory_space<hbm>>
        %dma_wait3A_195 = tpu.memref_slice %arg4[%mul3A_191] : memref<160000xi32, #tpu.memory_space<hbm>> -> memref<128xi32, #tpu.memory_space<hbm>>
        tpu.wait_dma2 semaphore(%arg23 : memref<!tpu.dma_semaphore, #tpu.memory_space<semaphore_mem>>) src(%dma_wait3A_195 : memref<128xi32, #tpu.memory_space<hbm>>) dst(%arg13 : memref<128xi32, #tpu.memory_space<vmem>>)
        %dma_start3A_196 = arith.constant 0 : i32
        %dma_start3A_197 = tpu.memref_slice %arg2[%dma_start3A_196] : memref<10000xf32, #tpu.memory_space<hbm>> -> memref<10000xf32, #tpu.memory_space<hbm>>
        tpu.enqueue_indirect_dma source(%dma_start3A_197 : memref<10000xf32, #tpu.memory_space<hbm>>) target(%arg16 : memref<128xf32, #tpu.memory_space<vmem>>) offsets(%arg12 : memref<128xi32, #tpu.memory_space<vmem>>) semaphore(%arg26 : memref<!tpu.dma_semaphore, #tpu.memory_space<semaphore_mem>>)
      } else {
      }
    }
    %scan3A_67 = arith.constant 13 : i32
    %dma_wait3A_68 = arith.constant 0 : i32
    %dma_wait3A_69 = tpu.memref_slice %arg7[%dma_wait3A_68] : memref<10000xf32, #tpu.memory_space<vmem_shared>> -> memref<10000xf32, #tpu.memory_space<vmem_shared>>
    tpu.wait_indirect_dma semaphore(%arg27 : memref<!tpu.dma_semaphore, #tpu.memory_space<semaphore_mem>>) src(%arg14 : memref<128xf32, #tpu.memory_space<vmem>>) dst(%dma_wait3A_69 : memref<10000xf32, #tpu.memory_space<vmem_shared>>)
    %dma_wait3A_70 = arith.constant 0 : i32
    %dma_wait3A_71 = tpu.memref_slice %arg7[%dma_wait3A_70] : memref<10000xf32, #tpu.memory_space<vmem_shared>> -> memref<10000xf32, #tpu.memory_space<vmem_shared>>
    tpu.wait_indirect_dma semaphore(%arg28 : memref<!tpu.dma_semaphore, #tpu.memory_space<semaphore_mem>>) src(%arg15 : memref<128xf32, #tpu.memory_space<vmem>>) dst(%dma_wait3A_71 : memref<10000xf32, #tpu.memory_space<vmem_shared>>)
    %dma_wait3A_72 = arith.constant 0 : i32
    %dma_wait3A_73 = tpu.memref_slice %arg7[%dma_wait3A_72] : memref<10000xf32, #tpu.memory_space<vmem_shared>> -> memref<10000xf32, #tpu.memory_space<vmem_shared>>
    tpu.wait_indirect_dma semaphore(%arg29 : memref<!tpu.dma_semaphore, #tpu.memory_space<semaphore_mem>>) src(%arg16 : memref<128xf32, #tpu.memory_space<vmem>>) dst(%dma_wait3A_73 : memref<10000xf32, #tpu.memory_space<vmem_shared>>)
    %eq3A_74 = arith.constant 0 : i32
    %eq3A_75 = arith.cmpi eq, %arg1, %eq3A_74 : i32
    %convert_element_type3A_76 = arith.extui %eq3A_75 : i1 to i32
    %cond3A_77 = arith.constant 0 : i32
    %cond3A_78 = arith.cmpi ne, %convert_element_type3A_76, %cond3A_77 : i32
    scf.if %cond3A_78 {
      %add3A_90 = arith.constant 39 : i32
      %add3A_91 = arith.addi %add3A_10, %add3A_90 : i32
      %mul3A_92 = arith.constant 128 : i32
      %mul3A_93 = arith.muli %add3A_91, %mul3A_92 : i32
      "tpu.region"() ({
        %run_scoped3A = tpu.sem_alloc : memref<!tpu.dma_semaphore, #tpu.memory_space<semaphore_mem>>
        %dma_start3A_102 = tpu.memref_slice %arg3[%mul3A_93] : memref<160000xi32, #tpu.memory_space<hbm>> -> memref<128xi32, #tpu.memory_space<hbm>>
        %dma_start3A_103 = tpu.memref_slice %arg3[%mul3A_93] : memref<160000xi32, #tpu.memory_space<hbm>> -> memref<128xi32, #tpu.memory_space<hbm>>
        tpu.enqueue_dma source(%dma_start3A_103 : memref<128xi32, #tpu.memory_space<hbm>>) target(%arg8 : memref<128xi32, #tpu.memory_space<vmem>>) target_semaphore(%run_scoped3A : memref<!tpu.dma_semaphore, #tpu.memory_space<semaphore_mem>>)
        %dma_wait3A_104 = tpu.memref_slice %arg3[%mul3A_93] : memref<160000xi32, #tpu.memory_space<hbm>> -> memref<128xi32, #tpu.memory_space<hbm>>
        %dma_wait3A_105 = tpu.memref_slice %arg3[%mul3A_93] : memref<160000xi32, #tpu.memory_space<hbm>> -> memref<128xi32, #tpu.memory_space<hbm>>
        tpu.wait_dma2 semaphore(%run_scoped3A : memref<!tpu.dma_semaphore, #tpu.memory_space<semaphore_mem>>) src(%dma_wait3A_105 : memref<128xi32, #tpu.memory_space<hbm>>) dst(%arg8 : memref<128xi32, #tpu.memory_space<vmem>>)
        tpu.yield
      }) : () -> ()
      %add3A_94 = arith.constant 39 : i32
      %add3A_95 = arith.addi %add3A_10, %add3A_94 : i32
      %mul3A_96 = arith.constant 128 : i32
      %mul3A_97 = arith.muli %add3A_95, %mul3A_96 : i32
      "tpu.region"() ({
        %run_scoped3A = tpu.sem_alloc : memref<!tpu.dma_semaphore, #tpu.memory_space<semaphore_mem>>
        %dma_start3A_102 = tpu.memref_slice %arg4[%mul3A_97] : memref<160000xi32, #tpu.memory_space<hbm>> -> memref<128xi32, #tpu.memory_space<hbm>>
        %dma_start3A_103 = tpu.memref_slice %arg4[%mul3A_97] : memref<160000xi32, #tpu.memory_space<hbm>> -> memref<128xi32, #tpu.memory_space<hbm>>
        tpu.enqueue_dma source(%dma_start3A_103 : memref<128xi32, #tpu.memory_space<hbm>>) target(%arg10 : memref<128xi32, #tpu.memory_space<vmem>>) target_semaphore(%run_scoped3A : memref<!tpu.dma_semaphore, #tpu.memory_space<semaphore_mem>>)
        %dma_wait3A_104 = tpu.memref_slice %arg4[%mul3A_97] : memref<160000xi32, #tpu.memory_space<hbm>> -> memref<128xi32, #tpu.memory_space<hbm>>
        %dma_wait3A_105 = tpu.memref_slice %arg4[%mul3A_97] : memref<160000xi32, #tpu.memory_space<hbm>> -> memref<128xi32, #tpu.memory_space<hbm>>
        tpu.wait_dma2 semaphore(%run_scoped3A : memref<!tpu.dma_semaphore, #tpu.memory_space<semaphore_mem>>) src(%dma_wait3A_105 : memref<128xi32, #tpu.memory_space<hbm>>) dst(%arg10 : memref<128xi32, #tpu.memory_space<vmem>>)
        tpu.yield
      }) : () -> ()
      %dma_start3A_98 = arith.constant 0 : i32
      %dma_start3A_99 = tpu.memref_slice %arg2[%dma_start3A_98] : memref<10000xf32, #tpu.memory_space<hbm>> -> memref<10000xf32, #tpu.memory_space<hbm>>
      tpu.enqueue_indirect_dma source(%dma_start3A_99 : memref<10000xf32, #tpu.memory_space<hbm>>) target(%arg14 : memref<128xf32, #tpu.memory_space<vmem>>) offsets(%arg8 : memref<128xi32, #tpu.memory_space<vmem>>) semaphore(%arg24 : memref<!tpu.dma_semaphore, #tpu.memory_space<semaphore_mem>>)
      %dma_wait3A_100 = arith.constant 0 : i32
      %dma_wait3A_101 = tpu.memref_slice %arg2[%dma_wait3A_100] : memref<10000xf32, #tpu.memory_space<hbm>> -> memref<10000xf32, #tpu.memory_space<hbm>>
      tpu.wait_indirect_dma semaphore(%arg24 : memref<!tpu.dma_semaphore, #tpu.memory_space<semaphore_mem>>) src(%dma_wait3A_101 : memref<10000xf32, #tpu.memory_space<hbm>>) dst(%arg14 : memref<128xf32, #tpu.memory_space<vmem>>)
      "tpu.region"() ({
        %run_scoped3A = tpu.sem_alloc : memref<!tpu.dma_semaphore, #tpu.memory_space<semaphore_mem>>
        %dma_start3A_102 = arith.constant 0 : i32
        %dma_start3A_103 = tpu.memref_slice %arg7[%dma_start3A_102] : memref<10000xf32, #tpu.memory_space<vmem_shared>> -> memref<10000xf32, #tpu.memory_space<vmem_shared>>
        tpu.enqueue_indirect_dma source(%arg14 : memref<128xf32, #tpu.memory_space<vmem>>) target(%dma_start3A_103 : memref<10000xf32, #tpu.memory_space<vmem_shared>>) offsets(%arg10 : memref<128xi32, #tpu.memory_space<vmem>>) semaphore(%run_scoped3A : memref<!tpu.dma_semaphore, #tpu.memory_space<semaphore_mem>>) {add = true}
        %dma_wait3A_104 = arith.constant 0 : i32
        %dma_wait3A_105 = tpu.memref_slice %arg7[%dma_wait3A_104] : memref<10000xf32, #tpu.memory_space<vmem_shared>> -> memref<10000xf32, #tpu.memory_space<vmem_shared>>
        tpu.wait_indirect_dma semaphore(%run_scoped3A : memref<!tpu.dma_semaphore, #tpu.memory_space<semaphore_mem>>) src(%arg14 : memref<128xf32, #tpu.memory_space<vmem>>) dst(%dma_wait3A_105 : memref<10000xf32, #tpu.memory_space<vmem_shared>>)
        tpu.yield
      }) : () -> ()
    } else {
    }
    %barrier3A_79 = arith.constant 0 : index
    tpu.barrier barrier_id(%barrier3A_79)
    %eq3A_80 = arith.constant 0 : i32
    %eq3A_81 = arith.cmpi eq, %arg0, %eq3A_80 : i32
    %convert_element_type3A_82 = arith.extui %eq3A_81 : i1 to i32
    %cond3A_83 = arith.constant 0 : i32
    %cond3A_84 = arith.cmpi ne, %convert_element_type3A_82, %cond3A_83 : i32
    scf.if %cond3A_84 {
      %lt3A_90 = arith.constant 15 : i32
      %lt3A_91 = arith.cmpi slt, %arg1, %lt3A_90 : i32
      %convert_element_type3A_92 = arith.extui %lt3A_91 : i1 to i32
      %cond3A_93 = arith.constant 0 : i32
      %cond3A_94 = arith.cmpi ne, %convert_element_type3A_92, %cond3A_93 : i32
      scf.if %cond3A_94 {
        %mul3A_100 = arith.constant 632 : i32
        %mul3A_101 = arith.muli %arg1, %mul3A_100 : i32
        "tpu.region"() ({
          %run_scoped3A = tpu.sem_alloc : memref<!tpu.dma_semaphore, #tpu.memory_space<semaphore_mem>>
          %dma_start3A_104 = arith.constant 0 : i32
          %dma_start3A_105 = tpu.memref_slice %arg17[%dma_start3A_104] : memref<640xf32, #tpu.memory_space<vmem>> -> memref<632xf32, #tpu.memory_space<vmem>>
          %dma_start3A_106 = tpu.memref_slice %arg7[%mul3A_101] : memref<10000xf32, #tpu.memory_space<vmem_shared>> -> memref<632xf32, #tpu.memory_space<vmem_shared>>
          %dma_start3A_107 = arith.constant 0 : i32
          %dma_start3A_108 = tpu.memref_slice %arg17[%dma_start3A_107] : memref<640xf32, #tpu.memory_space<vmem>> -> memref<632xf32, #tpu.memory_space<vmem>>
          %dma_start3A_109 = tpu.memref_slice %arg7[%mul3A_101] : memref<10000xf32, #tpu.memory_space<vmem_shared>> -> memref<632xf32, #tpu.memory_space<vmem_shared>>
          tpu.enqueue_dma source(%dma_start3A_109 : memref<632xf32, #tpu.memory_space<vmem_shared>>) target(%dma_start3A_108 : memref<632xf32, #tpu.memory_space<vmem>>) target_semaphore(%run_scoped3A : memref<!tpu.dma_semaphore, #tpu.memory_space<semaphore_mem>>)
          %dma_wait3A_110 = arith.constant 0 : i32
          %dma_wait3A_111 = tpu.memref_slice %arg17[%dma_wait3A_110] : memref<640xf32, #tpu.memory_space<vmem>> -> memref<632xf32, #tpu.memory_space<vmem>>
          %dma_wait3A_112 = tpu.memref_slice %arg7[%mul3A_101] : memref<10000xf32, #tpu.memory_space<vmem_shared>> -> memref<632xf32, #tpu.memory_space<vmem_shared>>
          %dma_wait3A_113 = arith.constant 0 : i32
          %dma_wait3A_114 = tpu.memref_slice %arg17[%dma_wait3A_113] : memref<640xf32, #tpu.memory_space<vmem>> -> memref<632xf32, #tpu.memory_space<vmem>>
          %dma_wait3A_115 = tpu.memref_slice %arg7[%mul3A_101] : memref<10000xf32, #tpu.memory_space<vmem_shared>> -> memref<632xf32, #tpu.memory_space<vmem_shared>>
          tpu.wait_dma2 semaphore(%run_scoped3A : memref<!tpu.dma_semaphore, #tpu.memory_space<semaphore_mem>>) src(%dma_wait3A_115 : memref<632xf32, #tpu.memory_space<vmem_shared>>) dst(%dma_wait3A_114 : memref<632xf32, #tpu.memory_space<vmem>>)
          tpu.yield
        }) : () -> ()
        %mul3A_102 = arith.constant 632 : i32
        %mul3A_103 = arith.muli %arg1, %mul3A_102 : i32
        "tpu.region"() ({
          %run_scoped3A = tpu.sem_alloc : memref<!tpu.dma_semaphore, #tpu.memory_space<semaphore_mem>>
          %dma_start3A_104 = arith.constant 0 : i32
          %dma_start3A_105 = tpu.memref_slice %arg17[%dma_start3A_104] : memref<640xf32, #tpu.memory_space<vmem>> -> memref<632xf32, #tpu.memory_space<vmem>>
          %dma_start3A_106 = tpu.memref_slice %arg5[%mul3A_103] : memref<10000xf32, #tpu.memory_space<hbm>> -> memref<632xf32, #tpu.memory_space<hbm>>
          %dma_start3A_107 = tpu.memref_slice %arg5[%mul3A_103] : memref<10000xf32, #tpu.memory_space<hbm>> -> memref<632xf32, #tpu.memory_space<hbm>>
          %dma_start3A_108 = arith.constant 0 : i32
          %dma_start3A_109 = tpu.memref_slice %arg17[%dma_start3A_108] : memref<640xf32, #tpu.memory_space<vmem>> -> memref<632xf32, #tpu.memory_space<vmem>>
          tpu.enqueue_dma source(%dma_start3A_109 : memref<632xf32, #tpu.memory_space<vmem>>) target(%dma_start3A_107 : memref<632xf32, #tpu.memory_space<hbm>>) target_semaphore(%run_scoped3A : memref<!tpu.dma_semaphore, #tpu.memory_space<semaphore_mem>>)
          %dma_wait3A_110 = arith.constant 0 : i32
          %dma_wait3A_111 = tpu.memref_slice %arg17[%dma_wait3A_110] : memref<640xf32, #tpu.memory_space<vmem>> -> memref<632xf32, #tpu.memory_space<vmem>>
          %dma_wait3A_112 = tpu.memref_slice %arg5[%mul3A_103] : memref<10000xf32, #tpu.memory_space<hbm>> -> memref<632xf32, #tpu.memory_space<hbm>>
          %dma_wait3A_113 = tpu.memref_slice %arg5[%mul3A_103] : memref<10000xf32, #tpu.memory_space<hbm>> -> memref<632xf32, #tpu.memory_space<hbm>>
          %dma_wait3A_114 = arith.constant 0 : i32
          %dma_wait3A_115 = tpu.memref_slice %arg17[%dma_wait3A_114] : memref<640xf32, #tpu.memory_space<vmem>> -> memref<632xf32, #tpu.memory_space<vmem>>
          tpu.wait_dma2 semaphore(%run_scoped3A : memref<!tpu.dma_semaphore, #tpu.memory_space<semaphore_mem>>) src(%dma_wait3A_115 : memref<632xf32, #tpu.memory_space<vmem>>) dst(%dma_wait3A_113 : memref<632xf32, #tpu.memory_space<hbm>>)
          tpu.yield
        }) : () -> ()
      } else {
      }
      %eq3A_95 = arith.constant 15 : i32
      %eq3A_96 = arith.cmpi eq, %arg1, %eq3A_95 : i32
      %convert_element_type3A_97 = arith.extui %eq3A_96 : i1 to i32
      %cond3A_98 = arith.constant 0 : i32
      %cond3A_99 = arith.cmpi ne, %convert_element_type3A_97, %cond3A_98 : i32
      scf.if %cond3A_99 {
        "tpu.region"() ({
          %run_scoped3A = tpu.sem_alloc : memref<!tpu.dma_semaphore, #tpu.memory_space<semaphore_mem>>
          %dma_start3A_100 = arith.constant 0 : i32
          %dma_start3A_101 = tpu.memref_slice %arg17[%dma_start3A_100] : memref<640xf32, #tpu.memory_space<vmem>> -> memref<520xf32, #tpu.memory_space<vmem>>
          %dma_start3A_102 = arith.constant 9480 : i32
          %dma_start3A_103 = tpu.memref_slice %arg7[%dma_start3A_102] : memref<10000xf32, #tpu.memory_space<vmem_shared>> -> memref<520xf32, #tpu.memory_space<vmem_shared>>
          %dma_start3A_104 = arith.constant 0 : i32
          %dma_start3A_105 = tpu.memref_slice %arg17[%dma_start3A_104] : memref<640xf32, #tpu.memory_space<vmem>> -> memref<520xf32, #tpu.memory_space<vmem>>
          %dma_start3A_106 = arith.constant 9480 : i32
          %dma_start3A_107 = tpu.memref_slice %arg7[%dma_start3A_106] : memref<10000xf32, #tpu.memory_space<vmem_shared>> -> memref<520xf32, #tpu.memory_space<vmem_shared>>
          tpu.enqueue_dma source(%dma_start3A_107 : memref<520xf32, #tpu.memory_space<vmem_shared>>) target(%dma_start3A_105 : memref<520xf32, #tpu.memory_space<vmem>>) target_semaphore(%run_scoped3A : memref<!tpu.dma_semaphore, #tpu.memory_space<semaphore_mem>>)
          %dma_wait3A_108 = arith.constant 0 : i32
          %dma_wait3A_109 = tpu.memref_slice %arg17[%dma_wait3A_108] : memref<640xf32, #tpu.memory_space<vmem>> -> memref<520xf32, #tpu.memory_space<vmem>>
          %dma_wait3A_110 = arith.constant 9480 : i32
          %dma_wait3A_111 = tpu.memref_slice %arg7[%dma_wait3A_110] : memref<10000xf32, #tpu.memory_space<vmem_shared>> -> memref<520xf32, #tpu.memory_space<vmem_shared>>
          %dma_wait3A_112 = arith.constant 0 : i32
          %dma_wait3A_113 = tpu.memref_slice %arg17[%dma_wait3A_112] : memref<640xf32, #tpu.memory_space<vmem>> -> memref<520xf32, #tpu.memory_space<vmem>>
          %dma_wait3A_114 = arith.constant 9480 : i32
          %dma_wait3A_115 = tpu.memref_slice %arg7[%dma_wait3A_114] : memref<10000xf32, #tpu.memory_space<vmem_shared>> -> memref<520xf32, #tpu.memory_space<vmem_shared>>
          tpu.wait_dma2 semaphore(%run_scoped3A : memref<!tpu.dma_semaphore, #tpu.memory_space<semaphore_mem>>) src(%dma_wait3A_115 : memref<520xf32, #tpu.memory_space<vmem_shared>>) dst(%dma_wait3A_113 : memref<520xf32, #tpu.memory_space<vmem>>)
          tpu.yield
        }) : () -> ()
        "tpu.region"() ({
          %run_scoped3A = tpu.sem_alloc : memref<!tpu.dma_semaphore, #tpu.memory_space<semaphore_mem>>
          %dma_start3A_100 = arith.constant 0 : i32
          %dma_start3A_101 = tpu.memref_slice %arg17[%dma_start3A_100] : memref<640xf32, #tpu.memory_space<vmem>> -> memref<520xf32, #tpu.memory_space<vmem>>
          %dma_start3A_102 = arith.constant 9480 : i32
          %dma_start3A_103 = tpu.memref_slice %arg5[%dma_start3A_102] : memref<10000xf32, #tpu.memory_space<hbm>> -> memref<520xf32, #tpu.memory_space<hbm>>
          %dma_start3A_104 = arith.constant 9480 : i32
          %dma_start3A_105 = tpu.memref_slice %arg5[%dma_start3A_104] : memref<10000xf32, #tpu.memory_space<hbm>> -> memref<520xf32, #tpu.memory_space<hbm>>
          %dma_start3A_106 = arith.constant 0 : i32
          %dma_start3A_107 = tpu.memref_slice %arg17[%dma_start3A_106] : memref<640xf32, #tpu.memory_space<vmem>> -> memref<520xf32, #tpu.memory_space<vmem>>
          tpu.enqueue_dma source(%dma_start3A_107 : memref<520xf32, #tpu.memory_space<vmem>>) target(%dma_start3A_105 : memref<520xf32, #tpu.memory_space<hbm>>) target_semaphore(%run_scoped3A : memref<!tpu.dma_semaphore, #tpu.memory_space<semaphore_mem>>)
          %dma_wait3A_108 = arith.constant 0 : i32
          %dma_wait3A_109 = tpu.memref_slice %arg17[%dma_wait3A_108] : memref<640xf32, #tpu.memory_space<vmem>> -> memref<520xf32, #tpu.memory_space<vmem>>
          %dma_wait3A_110 = arith.constant 9480 : i32
          %dma_wait3A_111 = tpu.memref_slice %arg5[%dma_wait3A_110] : memref<10000xf32, #tpu.memory_space<hbm>> -> memref<520xf32, #tpu.memory_space<hbm>>
          %dma_wait3A_112 = arith.constant 9480 : i32
          %dma_wait3A_113 = tpu.memref_slice %arg5[%dma_wait3A_112] : memref<10000xf32, #tpu.memory_space<hbm>> -> memref<520xf32, #tpu.memory_space<hbm>>
          %dma_wait3A_114 = arith.constant 0 : i32
          %dma_wait3A_115 = tpu.memref_slice %arg17[%dma_wait3A_114] : memref<640xf32, #tpu.memory_space<vmem>> -> memref<520xf32, #tpu.memory_space<vmem>>
          tpu.wait_dma2 semaphore(%run_scoped3A : memref<!tpu.dma_semaphore, #tpu.memory_space<semaphore_mem>>) src(%dma_wait3A_115 : memref<520xf32, #tpu.memory_space<vmem>>) dst(%dma_wait3A_113 : memref<520xf32, #tpu.memory_space<hbm>>)
          tpu.yield
        }) : () -> ()
      } else {
      }
    } else {
    }
    %eq3A_85 = arith.constant 1 : i32
    %eq3A_86 = arith.cmpi eq, %arg0, %eq3A_85 : i32
    %convert_element_type3A_87 = arith.extui %eq3A_86 : i1 to i32
    %cond3A_88 = arith.constant 0 : i32
    %cond3A_89 = arith.cmpi ne, %convert_element_type3A_87, %cond3A_88 : i32
    scf.if %cond3A_89 {
      %lt3A_90 = arith.constant 15 : i32
      %lt3A_91 = arith.cmpi slt, %arg1, %lt3A_90 : i32
      %convert_element_type3A_92 = arith.extui %lt3A_91 : i1 to i32
      %cond3A_93 = arith.constant 0 : i32
      %cond3A_94 = arith.cmpi ne, %convert_element_type3A_92, %cond3A_93 : i32
      scf.if %cond3A_94 {
        %mul3A_100 = arith.constant 632 : i32
        %mul3A_101 = arith.muli %arg1, %mul3A_100 : i32
        "tpu.region"() ({
          %run_scoped3A = tpu.sem_alloc : memref<!tpu.dma_semaphore, #tpu.memory_space<semaphore_mem>>
          %dma_start3A_104 = arith.constant 0 : i32
          %dma_start3A_105 = tpu.memref_slice %arg17[%dma_start3A_104] : memref<640xf32, #tpu.memory_space<vmem>> -> memref<632xf32, #tpu.memory_space<vmem>>
          %dma_start3A_106 = tpu.memref_slice %arg7[%mul3A_101] : memref<10000xf32, #tpu.memory_space<vmem_shared>> -> memref<632xf32, #tpu.memory_space<vmem_shared>>
          %dma_start3A_107 = arith.constant 0 : i32
          %dma_start3A_108 = tpu.memref_slice %arg17[%dma_start3A_107] : memref<640xf32, #tpu.memory_space<vmem>> -> memref<632xf32, #tpu.memory_space<vmem>>
          %dma_start3A_109 = tpu.memref_slice %arg7[%mul3A_101] : memref<10000xf32, #tpu.memory_space<vmem_shared>> -> memref<632xf32, #tpu.memory_space<vmem_shared>>
          tpu.enqueue_dma source(%dma_start3A_109 : memref<632xf32, #tpu.memory_space<vmem_shared>>) target(%dma_start3A_108 : memref<632xf32, #tpu.memory_space<vmem>>) target_semaphore(%run_scoped3A : memref<!tpu.dma_semaphore, #tpu.memory_space<semaphore_mem>>)
          %dma_wait3A_110 = arith.constant 0 : i32
          %dma_wait3A_111 = tpu.memref_slice %arg17[%dma_wait3A_110] : memref<640xf32, #tpu.memory_space<vmem>> -> memref<632xf32, #tpu.memory_space<vmem>>
          %dma_wait3A_112 = tpu.memref_slice %arg7[%mul3A_101] : memref<10000xf32, #tpu.memory_space<vmem_shared>> -> memref<632xf32, #tpu.memory_space<vmem_shared>>
          %dma_wait3A_113 = arith.constant 0 : i32
          %dma_wait3A_114 = tpu.memref_slice %arg17[%dma_wait3A_113] : memref<640xf32, #tpu.memory_space<vmem>> -> memref<632xf32, #tpu.memory_space<vmem>>
          %dma_wait3A_115 = tpu.memref_slice %arg7[%mul3A_101] : memref<10000xf32, #tpu.memory_space<vmem_shared>> -> memref<632xf32, #tpu.memory_space<vmem_shared>>
          tpu.wait_dma2 semaphore(%run_scoped3A : memref<!tpu.dma_semaphore, #tpu.memory_space<semaphore_mem>>) src(%dma_wait3A_115 : memref<632xf32, #tpu.memory_space<vmem_shared>>) dst(%dma_wait3A_114 : memref<632xf32, #tpu.memory_space<vmem>>)
          tpu.yield
        }) : () -> ()
        %mul3A_102 = arith.constant 632 : i32
        %mul3A_103 = arith.muli %arg1, %mul3A_102 : i32
        "tpu.region"() ({
          %run_scoped3A = tpu.sem_alloc : memref<!tpu.dma_semaphore, #tpu.memory_space<semaphore_mem>>
          %dma_start3A_104 = arith.constant 0 : i32
          %dma_start3A_105 = tpu.memref_slice %arg17[%dma_start3A_104] : memref<640xf32, #tpu.memory_space<vmem>> -> memref<632xf32, #tpu.memory_space<vmem>>
          %dma_start3A_106 = tpu.memref_slice %arg6[%mul3A_103] : memref<10000xf32, #tpu.memory_space<hbm>> -> memref<632xf32, #tpu.memory_space<hbm>>
          %dma_start3A_107 = tpu.memref_slice %arg6[%mul3A_103] : memref<10000xf32, #tpu.memory_space<hbm>> -> memref<632xf32, #tpu.memory_space<hbm>>
          %dma_start3A_108 = arith.constant 0 : i32
          %dma_start3A_109 = tpu.memref_slice %arg17[%dma_start3A_108] : memref<640xf32, #tpu.memory_space<vmem>> -> memref<632xf32, #tpu.memory_space<vmem>>
          tpu.enqueue_dma source(%dma_start3A_109 : memref<632xf32, #tpu.memory_space<vmem>>) target(%dma_start3A_107 : memref<632xf32, #tpu.memory_space<hbm>>) target_semaphore(%run_scoped3A : memref<!tpu.dma_semaphore, #tpu.memory_space<semaphore_mem>>)
          %dma_wait3A_110 = arith.constant 0 : i32
          %dma_wait3A_111 = tpu.memref_slice %arg17[%dma_wait3A_110] : memref<640xf32, #tpu.memory_space<vmem>> -> memref<632xf32, #tpu.memory_space<vmem>>
          %dma_wait3A_112 = tpu.memref_slice %arg6[%mul3A_103] : memref<10000xf32, #tpu.memory_space<hbm>> -> memref<632xf32, #tpu.memory_space<hbm>>
          %dma_wait3A_113 = tpu.memref_slice %arg6[%mul3A_103] : memref<10000xf32, #tpu.memory_space<hbm>> -> memref<632xf32, #tpu.memory_space<hbm>>
          %dma_wait3A_114 = arith.constant 0 : i32
          %dma_wait3A_115 = tpu.memref_slice %arg17[%dma_wait3A_114] : memref<640xf32, #tpu.memory_space<vmem>> -> memref<632xf32, #tpu.memory_space<vmem>>
          tpu.wait_dma2 semaphore(%run_scoped3A : memref<!tpu.dma_semaphore, #tpu.memory_space<semaphore_mem>>) src(%dma_wait3A_115 : memref<632xf32, #tpu.memory_space<vmem>>) dst(%dma_wait3A_113 : memref<632xf32, #tpu.memory_space<hbm>>)
          tpu.yield
        }) : () -> ()
      } else {
      }
      %eq3A_95 = arith.constant 15 : i32
      %eq3A_96 = arith.cmpi eq, %arg1, %eq3A_95 : i32
      %convert_element_type3A_97 = arith.extui %eq3A_96 : i1 to i32
      %cond3A_98 = arith.constant 0 : i32
      %cond3A_99 = arith.cmpi ne, %convert_element_type3A_97, %cond3A_98 : i32
      scf.if %cond3A_99 {
        "tpu.region"() ({
          %run_scoped3A = tpu.sem_alloc : memref<!tpu.dma_semaphore, #tpu.memory_space<semaphore_mem>>
          %dma_start3A_100 = arith.constant 0 : i32
          %dma_start3A_101 = tpu.memref_slice %arg17[%dma_start3A_100] : memref<640xf32, #tpu.memory_space<vmem>> -> memref<520xf32, #tpu.memory_space<vmem>>
          %dma_start3A_102 = arith.constant 9480 : i32
          %dma_start3A_103 = tpu.memref_slice %arg7[%dma_start3A_102] : memref<10000xf32, #tpu.memory_space<vmem_shared>> -> memref<520xf32, #tpu.memory_space<vmem_shared>>
          %dma_start3A_104 = arith.constant 0 : i32
          %dma_start3A_105 = tpu.memref_slice %arg17[%dma_start3A_104] : memref<640xf32, #tpu.memory_space<vmem>> -> memref<520xf32, #tpu.memory_space<vmem>>
          %dma_start3A_106 = arith.constant 9480 : i32
          %dma_start3A_107 = tpu.memref_slice %arg7[%dma_start3A_106] : memref<10000xf32, #tpu.memory_space<vmem_shared>> -> memref<520xf32, #tpu.memory_space<vmem_shared>>
          tpu.enqueue_dma source(%dma_start3A_107 : memref<520xf32, #tpu.memory_space<vmem_shared>>) target(%dma_start3A_105 : memref<520xf32, #tpu.memory_space<vmem>>) target_semaphore(%run_scoped3A : memref<!tpu.dma_semaphore, #tpu.memory_space<semaphore_mem>>)
          %dma_wait3A_108 = arith.constant 0 : i32
          %dma_wait3A_109 = tpu.memref_slice %arg17[%dma_wait3A_108] : memref<640xf32, #tpu.memory_space<vmem>> -> memref<520xf32, #tpu.memory_space<vmem>>
          %dma_wait3A_110 = arith.constant 9480 : i32
          %dma_wait3A_111 = tpu.memref_slice %arg7[%dma_wait3A_110] : memref<10000xf32, #tpu.memory_space<vmem_shared>> -> memref<520xf32, #tpu.memory_space<vmem_shared>>
          %dma_wait3A_112 = arith.constant 0 : i32
          %dma_wait3A_113 = tpu.memref_slice %arg17[%dma_wait3A_112] : memref<640xf32, #tpu.memory_space<vmem>> -> memref<520xf32, #tpu.memory_space<vmem>>
          %dma_wait3A_114 = arith.constant 9480 : i32
          %dma_wait3A_115 = tpu.memref_slice %arg7[%dma_wait3A_114] : memref<10000xf32, #tpu.memory_space<vmem_shared>> -> memref<520xf32, #tpu.memory_space<vmem_shared>>
          tpu.wait_dma2 semaphore(%run_scoped3A : memref<!tpu.dma_semaphore, #tpu.memory_space<semaphore_mem>>) src(%dma_wait3A_115 : memref<520xf32, #tpu.memory_space<vmem_shared>>) dst(%dma_wait3A_113 : memref<520xf32, #tpu.memory_space<vmem>>)
          tpu.yield
        }) : () -> ()
        "tpu.region"() ({
          %run_scoped3A = tpu.sem_alloc : memref<!tpu.dma_semaphore, #tpu.memory_space<semaphore_mem>>
          %dma_start3A_100 = arith.constant 0 : i32
          %dma_start3A_101 = tpu.memref_slice %arg17[%dma_start3A_100] : memref<640xf32, #tpu.memory_space<vmem>> -> memref<520xf32, #tpu.memory_space<vmem>>
          %dma_start3A_102 = arith.constant 9480 : i32
          %dma_start3A_103 = tpu.memref_slice %arg6[%dma_start3A_102] : memref<10000xf32, #tpu.memory_space<hbm>> -> memref<520xf32, #tpu.memory_space<hbm>>
          %dma_start3A_104 = arith.constant 9480 : i32
          %dma_start3A_105 = tpu.memref_slice %arg6[%dma_start3A_104] : memref<10000xf32, #tpu.memory_space<hbm>> -> memref<520xf32, #tpu.memory_space<hbm>>
          %dma_start3A_106 = arith.constant 0 : i32
          %dma_start3A_107 = tpu.memref_slice %arg17[%dma_start3A_106] : memref<640xf32, #tpu.memory_space<vmem>> -> memref<520xf32, #tpu.memory_space<vmem>>
          tpu.enqueue_dma source(%dma_start3A_107 : memref<520xf32, #tpu.memory_space<vmem>>) target(%dma_start3A_105 : memref<520xf32, #tpu.memory_space<hbm>>) target_semaphore(%run_scoped3A : memref<!tpu.dma_semaphore, #tpu.memory_space<semaphore_mem>>)
          %dma_wait3A_108 = arith.constant 0 : i32
          %dma_wait3A_109 = tpu.memref_slice %arg17[%dma_wait3A_108] : memref<640xf32, #tpu.memory_space<vmem>> -> memref<520xf32, #tpu.memory_space<vmem>>
          %dma_wait3A_110 = arith.constant 9480 : i32
          %dma_wait3A_111 = tpu.memref_slice %arg6[%dma_wait3A_110] : memref<10000xf32, #tpu.memory_space<hbm>> -> memref<520xf32, #tpu.memory_space<hbm>>
          %dma_wait3A_112 = arith.constant 9480 : i32
          %dma_wait3A_113 = tpu.memref_slice %arg6[%dma_wait3A_112] : memref<10000xf32, #tpu.memory_space<hbm>> -> memref<520xf32, #tpu.memory_space<hbm>>
          %dma_wait3A_114 = arith.constant 0 : i32
          %dma_wait3A_115 = tpu.memref_slice %arg17[%dma_wait3A_114] : memref<640xf32, #tpu.memory_space<vmem>> -> memref<520xf32, #tpu.memory_space<vmem>>
          tpu.wait_dma2 semaphore(%run_scoped3A : memref<!tpu.dma_semaphore, #tpu.memory_space<semaphore_mem>>) src(%dma_wait3A_115 : memref<520xf32, #tpu.memory_space<vmem>>) dst(%dma_wait3A_113 : memref<520xf32, #tpu.memory_space<hbm>>)
          tpu.yield
        }) : () -> ()
      } else {
      }
    } else {
    }
    return
  }
}

module attributes {stable_mosaic.version = 14 : i64} {
  func.func @_mm1_body(%arg0: i32, %arg1: memref<1000x256xf32, #tpu.memory_space<vmem>>, %arg2: memref<256x256xf32, #tpu.memory_space<vmem>>, %arg3: memref<1x256xf32, #tpu.memory_space<vmem>>, %arg4: memref<1000x1xf32, #tpu.memory_space<vmem>>, %arg5: memref<1000x128xf32, #tpu.memory_space<vmem>>, %arg6: memref<1000x128xf32, #tpu.memory_space<vmem>>) attributes {dimension_semantics = [#tpu.dimension_semantics<arbitrary>], iteration_bounds = array<i64: 10>, scalar_prefetch = 0 : i64, scratch_operands = 0 : i64, tpu.core_type = #tpu.core_type<tc>, window_params = [{transform_indices = @transform_0, window_bounds = array<i64: 1000, 256>}, {pipeline_mode = #tpu.pipeline_mode<synchronous>, transform_indices = @transform_1, window_bounds = array<i64: 256, 256>}, {pipeline_mode = #tpu.pipeline_mode<synchronous>, transform_indices = @transform_2, window_bounds = array<i64: 1, 256>}, {transform_indices = @transform_3, window_bounds = array<i64: 1000, 1>}, {transform_indices = @transform_4, window_bounds = array<i64: 1000, 128>}, {transform_indices = @transform_5, window_bounds = array<i64: 1000, 128>}]} {
    %get3A = arith.constant 0 : index
    %get3A_0 = arith.constant 0 : index
    %get3A_1 = vector.load %arg1[%get3A, %get3A_0] : memref<1000x256xf32, #tpu.memory_space<vmem>>, vector<1000x256xf32>
    %get3A_2 = arith.constant 0 : index
    %get3A_3 = arith.constant 0 : index
    %get3A_4 = vector.load %arg2[%get3A_2, %get3A_3] : memref<256x256xf32, #tpu.memory_space<vmem>>, vector<256x256xf32>
    %dot_general3A = arith.constant dense<0.000000e+00> : vector<1000x256xf32>
    %dot_general3A_5 = tpu.matmul %get3A_1, %get3A_4, %dot_general3A {dimension_numbers = #tpu.dot_dimension_numbers<[1], [0], [0], [1], [0, 0, 1, 1], [], []>, transpose_lhs_hint = false} : vector<1000x256xf32>, vector<256x256xf32>, vector<1000x256xf32> -> vector<1000x256xf32>
    %get3A_6 = arith.constant 0 : index
    %get3A_7 = arith.constant 0 : index
    %get3A_8 = vector.load %arg4[%get3A_6, %get3A_7] : memref<1000x1xf32, #tpu.memory_space<vmem>>, vector<1000x1xf32>
    %get3A_9 = arith.constant 0 : index
    %get3A_10 = arith.constant 0 : index
    %get3A_11 = vector.load %arg3[%get3A_9, %get3A_10] : memref<1x256xf32, #tpu.memory_space<vmem>>, vector<1x256xf32>
    %add3A = vector.broadcast %get3A_11 : vector<1x256xf32> to vector<1000x256xf32>
    %add3A_12 = arith.addf %dot_general3A_5, %add3A : vector<1000x256xf32>
    %mul3A = vector.broadcast %get3A_8 : vector<1000x1xf32> to vector<1000x256xf32>
    %mul3A_13 = arith.mulf %mul3A, %add3A_12 : vector<1000x256xf32>
    %slice3A = vector.extract_strided_slice %mul3A_13 {offsets = [0, 0], sizes = [1000, 128], strides = [1, 1]} : vector<1000x256xf32> to vector<1000x128xf32>
    %swap3A = arith.constant 0 : index
    %swap3A_14 = arith.constant 0 : index
    %swap3A_15 = vector.load %arg5[%swap3A, %swap3A_14] : memref<1000x128xf32, #tpu.memory_space<vmem>>, vector<1000x128xf32>
    tpu.vector_store %arg5[%swap3A, %swap3A_14], %slice3A {strides = array<i32>} : memref<1000x128xf32, #tpu.memory_space<vmem>>, vector<1000x128xf32>,
    %slice3A_16 = vector.extract_strided_slice %mul3A_13 {offsets = [0, 128], sizes = [1000, 128], strides = [1, 1]} : vector<1000x256xf32> to vector<1000x128xf32>
    %swap3A_17 = arith.constant 0 : index
    %swap3A_18 = arith.constant 0 : index
    %swap3A_19 = vector.load %arg6[%swap3A_17, %swap3A_18] : memref<1000x128xf32, #tpu.memory_space<vmem>>, vector<1000x128xf32>
    tpu.vector_store %arg6[%swap3A_17, %swap3A_18], %slice3A_16 {strides = array<i32>} : memref<1000x128xf32, #tpu.memory_space<vmem>>, vector<1000x128xf32>,
    return
  }
  func.func @transform_0(%arg0: i32) -> (i32, i32) {
    %c0_i32 = arith.constant 0 : i32
    %c0_i32_0 = arith.constant 0 : i32
    return %arg0, %c0_i32 : i32, i32
  }
  func.func @transform_1(%arg0: i32) -> (i32, i32) {
    %c0_i32 = arith.constant 0 : i32
    %c0_i32_0 = arith.constant 0 : i32
    %c0_i32_1 = arith.constant 0 : i32
    return %c0_i32, %c0_i32_0 : i32, i32
  }
  func.func @transform_2(%arg0: i32) -> (i32, i32) {
    %c0_i32 = arith.constant 0 : i32
    %c0_i32_0 = arith.constant 0 : i32
    %c0_i32_1 = arith.constant 0 : i32
    return %c0_i32, %c0_i32_0 : i32, i32
  }
  func.func @transform_3(%arg0: i32) -> (i32, i32) {
    %c0_i32 = arith.constant 0 : i32
    %c0_i32_0 = arith.constant 0 : i32
    return %arg0, %c0_i32 : i32, i32
  }
  func.func @transform_4(%arg0: i32) -> (i32, i32) {
    %c0_i32 = arith.constant 0 : i32
    %c0_i32_0 = arith.constant 0 : i32
    return %arg0, %c0_i32 : i32, i32
  }
  func.func @transform_5(%arg0: i32) -> (i32, i32) {
    %c0_i32 = arith.constant 0 : i32
    %c0_i32_0 = arith.constant 0 : i32
    return %arg0, %c0_i32 : i32, i32
  }
}

module attributes {stable_mosaic.version = 14 : i64} {
  func.func @_dcol_body(%arg0: i32, %arg1: memref<1x10000xf32, #tpu.memory_space<vmem>>, %arg2: memref<1x10000xf32, #tpu.memory_space<vmem>>, %arg3: memref<10000x1xf32, #tpu.memory_space<vmem>>, %arg4: memref<1x10000xf32, #tpu.memory_space<vmem>>) attributes {dimension_semantics = [#tpu.dimension_semantics<arbitrary>], iteration_bounds = array<i64: 1>, scalar_prefetch = 0 : i64, scratch_operands = 0 : i64, tpu.core_type = #tpu.core_type<tc>, window_params = [{pipeline_mode = #tpu.pipeline_mode<synchronous>, transform_indices = @transform_0, window_bounds = array<i64: 1, 10000>}, {pipeline_mode = #tpu.pipeline_mode<synchronous>, transform_indices = @transform_1, window_bounds = array<i64: 1, 10000>}, {pipeline_mode = #tpu.pipeline_mode<synchronous>, transform_indices = @transform_2, window_bounds = array<i64: 10000, 1>}, {pipeline_mode = #tpu.pipeline_mode<synchronous>, transform_indices = @transform_3, window_bounds = array<i64: 1, 10000>}]} {
    %get3A = arith.constant 0 : index
    %get3A_0 = arith.constant 0 : index
    %get3A_1 = vector.load %arg1[%get3A, %get3A_0] : memref<1x10000xf32, #tpu.memory_space<vmem>>, vector<1x10000xf32>
    %add3A = arith.constant 1.000000e+00 : f32
    %add3A_2 = vector.broadcast %add3A : f32 to vector<1x10000xf32>
    %add3A_3 = arith.addf %add3A_2, %get3A_1 : vector<1x10000xf32>
    %get3A_4 = arith.constant 0 : index
    %get3A_5 = arith.constant 0 : index
    %get3A_6 = vector.load %arg2[%get3A_4, %get3A_5] : memref<1x10000xf32, #tpu.memory_space<vmem>>, vector<1x10000xf32>
    %add3A_7 = arith.addf %add3A_3, %get3A_6 : vector<1x10000xf32>
    %rsqrt3A = math.rsqrt %add3A_7 : vector<1x10000xf32>
    %mul3A = arith.constant 5.000000e-01 : f32
    %mul3A_8 = vector.broadcast %mul3A : f32 to vector<1x10000xf32>
    %mul3A_9 = arith.mulf %mul3A_8, %add3A_7 : vector<1x10000xf32>
    %mul3A_10 = arith.mulf %mul3A_9, %rsqrt3A : vector<1x10000xf32>
    %mul3A_11 = arith.mulf %mul3A_10, %rsqrt3A : vector<1x10000xf32>
    %sub3A = arith.constant 1.500000e+00 : f32
    %sub3A_12 = vector.broadcast %sub3A : f32 to vector<1x10000xf32>
    %sub3A_13 = arith.subf %sub3A_12, %mul3A_11 : vector<1x10000xf32>
    %mul3A_14 = arith.mulf %rsqrt3A, %sub3A_13 : vector<1x10000xf32>
    %mul3A_15 = arith.constant 5.000000e-01 : f32
    %mul3A_16 = vector.broadcast %mul3A_15 : f32 to vector<1x10000xf32>
    %mul3A_17 = arith.mulf %mul3A_16, %add3A_7 : vector<1x10000xf32>
    %mul3A_18 = arith.mulf %mul3A_17, %mul3A_14 : vector<1x10000xf32>
    %mul3A_19 = arith.mulf %mul3A_18, %mul3A_14 : vector<1x10000xf32>
    %sub3A_20 = arith.constant 1.500000e+00 : f32
    %sub3A_21 = vector.broadcast %sub3A_20 : f32 to vector<1x10000xf32>
    %sub3A_22 = arith.subf %sub3A_21, %mul3A_19 : vector<1x10000xf32>
    %mul3A_23 = arith.mulf %mul3A_14, %sub3A_22 : vector<1x10000xf32>
    %swap3A = arith.constant 0 : index
    %swap3A_24 = arith.constant 0 : index
    %swap3A_25 = vector.load %arg4[%swap3A, %swap3A_24] : memref<1x10000xf32, #tpu.memory_space<vmem>>, vector<1x10000xf32>
    tpu.vector_store %arg4[%swap3A, %swap3A_24], %mul3A_23 {strides = array<i32>} : memref<1x10000xf32, #tpu.memory_space<vmem>>, vector<1x10000xf32>,
    %transpose3A = tpu.transpose %mul3A_23, [1, 0] : vector<1x10000xf32> -> vector<10000x1xf32>
    %swap3A_26 = arith.constant 0 : index
    %swap3A_27 = arith.constant 0 : index
    %swap3A_28 = vector.load %arg3[%swap3A_26, %swap3A_27] : memref<10000x1xf32, #tpu.memory_space<vmem>>, vector<10000x1xf32>
    tpu.vector_store %arg3[%swap3A_26, %swap3A_27], %transpose3A {strides = array<i32>} : memref<10000x1xf32, #tpu.memory_space<vmem>>, vector<10000x1xf32>,
    return
  }
  func.func @transform_0(%arg0: i32) -> (i32, i32) {
    %c0_i32 = arith.constant 0 : i32
    %c0_i32_0 = arith.constant 0 : i32
    %c0_i32_1 = arith.constant 0 : i32
    return %c0_i32, %c0_i32_0 : i32, i32
  }
  func.func @transform_1(%arg0: i32) -> (i32, i32) {
    %c0_i32 = arith.constant 0 : i32
    %c0_i32_0 = arith.constant 0 : i32
    %c0_i32_1 = arith.constant 0 : i32
    return %c0_i32, %c0_i32_0 : i32, i32
  }
  func.func @transform_2(%arg0: i32) -> (i32, i32) {
    %c0_i32 = arith.constant 0 : i32
    %c0_i32_0 = arith.constant 0 : i32
    %c0_i32_1 = arith.constant 0 : i32
    return %c0_i32, %c0_i32_0 : i32, i32
  }
  func.func @transform_3(%arg0: i32) -> (i32, i32) {
    %c0_i32 = arith.constant 0 : i32
    %c0_i32_0 = arith.constant 0 : i32
    %c0_i32_1 = arith.constant 0 : i32
    return %c0_i32, %c0_i32_0 : i32, i32
  }
}

module attributes {stable_mosaic.version = 14 : i64} {
  func.func @_mm2_body(%arg0: i32, %arg1: memref<10000x128xf32, #tpu.memory_space<vmem>>, %arg2: memref<10000x128xf32, #tpu.memory_space<vmem>>, %arg3: memref<10000x1xf32, #tpu.memory_space<vmem>>, %arg4: memref<1x128xf32, #tpu.memory_space<vmem>>, %arg5: memref<1x128xf32, #tpu.memory_space<vmem>>, %arg6: memref<1x1xf32, #tpu.memory_space<vmem>>, %arg7: memref<1x10000xf32, #tpu.memory_space<vmem>>) attributes {dimension_semantics = [#tpu.dimension_semantics<arbitrary>], iteration_bounds = array<i64: 1>, scalar_prefetch = 0 : i64, scratch_operands = 0 : i64, tpu.core_type = #tpu.core_type<tc>, window_params = [{pipeline_mode = #tpu.pipeline_mode<synchronous>, transform_indices = @transform_0, window_bounds = array<i64: 10000, 128>}, {pipeline_mode = #tpu.pipeline_mode<synchronous>, transform_indices = @transform_1, window_bounds = array<i64: 10000, 128>}, {pipeline_mode = #tpu.pipeline_mode<synchronous>, transform_indices = @transform_2, window_bounds = array<i64: 10000, 1>}, {pipeline_mode = #tpu.pipeline_mode<synchronous>, transform_indices = @transform_3, window_bounds = array<i64: 1, 128>}, {pipeline_mode = #tpu.pipeline_mode<synchronous>, transform_indices = @transform_4, window_bounds = array<i64: 1, 128>}, {pipeline_mode = #tpu.pipeline_mode<synchronous>, transform_indices = @transform_5, window_bounds = array<i64: 1, 1>}, {pipeline_mode = #tpu.pipeline_mode<synchronous>, transform_indices = @transform_6, window_bounds = array<i64: 1, 10000>}]} {
    %get3A = arith.constant 0 : index
    %get3A_0 = arith.constant 0 : index
    %get3A_1 = vector.load %arg3[%get3A, %get3A_0] : memref<10000x1xf32, #tpu.memory_space<vmem>>, vector<10000x1xf32>
    %get3A_2 = arith.constant 0 : index
    %get3A_3 = arith.constant 0 : index
    %get3A_4 = vector.load %arg1[%get3A_2, %get3A_3] : memref<10000x128xf32, #tpu.memory_space<vmem>>, vector<10000x128xf32>
    %mul3A = vector.broadcast %get3A_1 : vector<10000x1xf32> to vector<10000x128xf32>
    %mul3A_5 = arith.mulf %get3A_4, %mul3A : vector<10000x128xf32>
    %max3A = arith.constant 0.000000e+00 : f32
    %max3A_6 = vector.broadcast %max3A : f32 to vector<10000x128xf32>
    %max3A_7 = arith.maximumf %mul3A_5, %max3A_6 : vector<10000x128xf32>
    %get3A_8 = arith.constant 0 : index
    %get3A_9 = arith.constant 0 : index
    %get3A_10 = vector.load %arg2[%get3A_8, %get3A_9] : memref<10000x128xf32, #tpu.memory_space<vmem>>, vector<10000x128xf32>
    %mul3A_11 = vector.broadcast %get3A_1 : vector<10000x1xf32> to vector<10000x128xf32>
    %mul3A_12 = arith.mulf %get3A_10, %mul3A_11 : vector<10000x128xf32>
    %max3A_13 = arith.constant 0.000000e+00 : f32
    %max3A_14 = vector.broadcast %max3A_13 : f32 to vector<10000x128xf32>
    %max3A_15 = arith.maximumf %mul3A_12, %max3A_14 : vector<10000x128xf32>
    %get3A_16 = arith.constant 0 : index
    %get3A_17 = arith.constant 0 : index
    %get3A_18 = vector.load %arg4[%get3A_16, %get3A_17] : memref<1x128xf32, #tpu.memory_space<vmem>>, vector<1x128xf32>
    %mul3A_19 = vector.broadcast %get3A_18 : vector<1x128xf32> to vector<10000x128xf32>
    %mul3A_20 = arith.mulf %max3A_7, %mul3A_19 : vector<10000x128xf32>
    %get3A_21 = arith.constant 0 : index
    %get3A_22 = arith.constant 0 : index
    %get3A_23 = vector.load %arg5[%get3A_21, %get3A_22] : memref<1x128xf32, #tpu.memory_space<vmem>>, vector<1x128xf32>
    %mul3A_24 = vector.broadcast %get3A_23 : vector<1x128xf32> to vector<10000x128xf32>
    %mul3A_25 = arith.mulf %max3A_15, %mul3A_24 : vector<10000x128xf32>
    %add3A = arith.addf %mul3A_20, %mul3A_25 : vector<10000x128xf32>
    %reduce_sum3A = arith.constant dense<0.000000e+00> : vector<10000xf32>
    %reduce_sum3A_26 = vector.multi_reduction <add>, %add3A, %reduce_sum3A [1] : vector<10000x128xf32> to vector<10000xf32>
    %broadcast_in_dim3A = vector.shape_cast %reduce_sum3A_26 : vector<10000xf32> to vector<10000x1xf32>
    %get3A_27 = arith.constant 0 : index
    %get3A_28 = arith.constant 0 : index
    %get3A_29 = vector.load %arg6[%get3A_27, %get3A_28] : memref<1x1xf32, #tpu.memory_space<vmem>>, vector<1x1xf32>
    %add3A_30 = vector.broadcast %get3A_29 : vector<1x1xf32> to vector<10000x1xf32>
    %add3A_31 = arith.addf %broadcast_in_dim3A, %add3A_30 : vector<10000x1xf32>
    %mul3A_32 = arith.mulf %get3A_1, %add3A_31 : vector<10000x1xf32>
    %transpose3A = tpu.transpose %mul3A_32, [1, 0] : vector<10000x1xf32> -> vector<1x10000xf32>
    %swap3A = arith.constant 0 : index
    %swap3A_33 = arith.constant 0 : index
    %swap3A_34 = vector.load %arg7[%swap3A, %swap3A_33] : memref<1x10000xf32, #tpu.memory_space<vmem>>, vector<1x10000xf32>
    tpu.vector_store %arg7[%swap3A, %swap3A_33], %transpose3A {strides = array<i32>} : memref<1x10000xf32, #tpu.memory_space<vmem>>, vector<1x10000xf32>,
    return
  }
  func.func @transform_0(%arg0: i32) -> (i32, i32) {
    %c0_i32 = arith.constant 0 : i32
    %c0_i32_0 = arith.constant 0 : i32
    %c0_i32_1 = arith.constant 0 : i32
    return %c0_i32, %c0_i32_0 : i32, i32
  }
  func.func @transform_1(%arg0: i32) -> (i32, i32) {
    %c0_i32 = arith.constant 0 : i32
    %c0_i32_0 = arith.constant 0 : i32
    %c0_i32_1 = arith.constant 0 : i32
    return %c0_i32, %c0_i32_0 : i32, i32
  }
  func.func @transform_2(%arg0: i32) -> (i32, i32) {
    %c0_i32 = arith.constant 0 : i32
    %c0_i32_0 = arith.constant 0 : i32
    %c0_i32_1 = arith.constant 0 : i32
    return %c0_i32, %c0_i32_0 : i32, i32
  }
  func.func @transform_3(%arg0: i32) -> (i32, i32) {
    %c0_i32 = arith.constant 0 : i32
    %c0_i32_0 = arith.constant 0 : i32
    %c0_i32_1 = arith.constant 0 : i32
    return %c0_i32, %c0_i32_0 : i32, i32
  }
  func.func @transform_4(%arg0: i32) -> (i32, i32) {
    %c0_i32 = arith.constant 0 : i32
    %c0_i32_0 = arith.constant 0 : i32
    %c0_i32_1 = arith.constant 0 : i32
    return %c0_i32, %c0_i32_0 : i32, i32
  }
  func.func @transform_5(%arg0: i32) -> (i32, i32) {
    %c0_i32 = arith.constant 0 : i32
    %c0_i32_0 = arith.constant 0 : i32
    %c0_i32_1 = arith.constant 0 : i32
    return %c0_i32, %c0_i32_0 : i32, i32
  }
  func.func @transform_6(%arg0: i32) -> (i32, i32) {
    %c0_i32 = arith.constant 0 : i32
    %c0_i32_0 = arith.constant 0 : i32
    %c0_i32_1 = arith.constant 0 : i32
    return %c0_i32, %c0_i32_0 : i32, i32
  }
}

module attributes {stable_mosaic.version = 14 : i64} {
  func.func @_comb_body(%arg0: i32, %arg1: memref<1x10000xf32, #tpu.memory_space<vmem>>, %arg2: memref<1x10000xf32, #tpu.memory_space<vmem>>, %arg3: memref<1x10000xf32, #tpu.memory_space<vmem>>, %arg4: memref<1x10000xf32, #tpu.memory_space<vmem>>, %arg5: memref<10000x1xf32, #tpu.memory_space<vmem>>) attributes {dimension_semantics = [#tpu.dimension_semantics<arbitrary>], iteration_bounds = array<i64: 1>, scalar_prefetch = 0 : i64, scratch_operands = 0 : i64, tpu.core_type = #tpu.core_type<tc>, window_params = [{pipeline_mode = #tpu.pipeline_mode<synchronous>, transform_indices = @transform_0, window_bounds = array<i64: 1, 10000>}, {pipeline_mode = #tpu.pipeline_mode<synchronous>, transform_indices = @transform_1, window_bounds = array<i64: 1, 10000>}, {pipeline_mode = #tpu.pipeline_mode<synchronous>, transform_indices = @transform_2, window_bounds = array<i64: 1, 10000>}, {pipeline_mode = #tpu.pipeline_mode<synchronous>, transform_indices = @transform_3, window_bounds = array<i64: 1, 10000>}, {pipeline_mode = #tpu.pipeline_mode<synchronous>, transform_indices = @transform_4, window_bounds = array<i64: 10000, 1>}]} {
    %get3A = arith.constant 0 : index
    %get3A_0 = arith.constant 0 : index
    %get3A_1 = vector.load %arg4[%get3A, %get3A_0] : memref<1x10000xf32, #tpu.memory_space<vmem>>, vector<1x10000xf32>
    %get3A_2 = arith.constant 0 : index
    %get3A_3 = arith.constant 0 : index
    %get3A_4 = vector.load %arg1[%get3A_2, %get3A_3] : memref<1x10000xf32, #tpu.memory_space<vmem>>, vector<1x10000xf32>
    %get3A_5 = arith.constant 0 : index
    %get3A_6 = arith.constant 0 : index
    %get3A_7 = vector.load %arg2[%get3A_5, %get3A_6] : memref<1x10000xf32, #tpu.memory_space<vmem>>, vector<1x10000xf32>
    %add3A = arith.addf %get3A_4, %get3A_7 : vector<1x10000xf32>
    %get3A_8 = arith.constant 0 : index
    %get3A_9 = arith.constant 0 : index
    %get3A_10 = vector.load %arg3[%get3A_8, %get3A_9] : memref<1x10000xf32, #tpu.memory_space<vmem>>, vector<1x10000xf32>
    %sub3A = arith.subf %add3A, %get3A_10 : vector<1x10000xf32>
    %mul3A = arith.mulf %get3A_1, %sub3A : vector<1x10000xf32>
    %transpose3A = tpu.transpose %mul3A, [1, 0] : vector<1x10000xf32> -> vector<10000x1xf32>
    %swap3A = arith.constant 0 : index
    %swap3A_11 = arith.constant 0 : index
    %swap3A_12 = vector.load %arg5[%swap3A, %swap3A_11] : memref<10000x1xf32, #tpu.memory_space<vmem>>, vector<10000x1xf32>
    tpu.vector_store %arg5[%swap3A, %swap3A_11], %transpose3A {strides = array<i32>} : memref<10000x1xf32, #tpu.memory_space<vmem>>, vector<10000x1xf32>,
    return
  }
  func.func @transform_0(%arg0: i32) -> (i32, i32) {
    %c0_i32 = arith.constant 0 : i32
    %c0_i32_0 = arith.constant 0 : i32
    %c0_i32_1 = arith.constant 0 : i32
    return %c0_i32, %c0_i32_0 : i32, i32
  }
  func.func @transform_1(%arg0: i32) -> (i32, i32) {
    %c0_i32 = arith.constant 0 : i32
    %c0_i32_0 = arith.constant 0 : i32
    %c0_i32_1 = arith.constant 0 : i32
    return %c0_i32, %c0_i32_0 : i32, i32
  }
  func.func @transform_2(%arg0: i32) -> (i32, i32) {
    %c0_i32 = arith.constant 0 : i32
    %c0_i32_0 = arith.constant 0 : i32
    %c0_i32_1 = arith.constant 0 : i32
    return %c0_i32, %c0_i32_0 : i32, i32
  }
  func.func @transform_3(%arg0: i32) -> (i32, i32) {
    %c0_i32 = arith.constant 0 : i32
    %c0_i32_0 = arith.constant 0 : i32
    %c0_i32_1 = arith.constant 0 : i32
    return %c0_i32, %c0_i32_0 : i32, i32
  }
  func.func @transform_4(%arg0: i32) -> (i32, i32) {
    %c0_i32 = arith.constant 0 : i32
    %c0_i32_0 = arith.constant 0 : i32
    %c0_i32_1 = arith.constant 0 : i32
    return %c0_i32, %c0_i32_0 : i32, i32
  }
}

</mosaic_0001>

<sc_bundles>
// kernel: kernel.12.cloned.1.call-start
scs
__scs_entry_jumppad:
0x0: {  	(pc) =	sbr.rel $0x88, $3  }
0x1: {  	(tag) =	ssettag $0x0;
	lr =	simm.s32 $0x1  }
0x2: {  	[smem:$0x3F9B] =	sst lr;
	_ =	strace $0xD0000000  }
0x3: {  	_ = 	snop  }
0x4: {  	_ = 	snop  }
0x5: {  	_ = 	snop  }
0x6: {  	_ = 	snop  }
0x7: {  	_ = 	snop  }
__scs_overlays_trampoline_lowered:
0x8: {  	[smem:$0x3FAA] =	sst s0  }
0x9: {  	[smem:$0x3FAB] =	sst s1  }
0xa: {  	[smem:$0x3FAC] =	sst s2  }
0xb: {  	[smem:$0x3FAD] =	sst s3  }
0xc: {  	[smem:$0x3FAE] =	sst s4  }
0xd: {  	[smem:$0x3FAF] =	sst s5  }
0xe: {  	[smem:$0x3FB0] =	sst s6  }
0xf: {  	[smem:$0x3FB1] =	sst s7  }
0x10: {  	[smem:$0x3FB2] =	sst s8  }
0x11: {  	[smem:$0x3FB3] =	sst s9;
	s0 =	simm.s32 @!p0 $0x0  }
0x12: {  	s1 =	sld [smem:$0x3F99];
	s0 =	simm.s32 @p0 $0x1  }
0x13: {  	[smem:$0x3FB4] =	sst s0;
	s0 =	simm.s32 @!p1 $0x0  }
0x14: {  	s2 =	sld [smem:$0x3F98];
	s0 =	simm.s32 @p1 $0x1  }
0x15: {  	[smem:$0x3FB5] =	sst s0;
	s0 =	simm.s32 @!p2 $0x0  }
0x16: {  	s3 =	sld [smem:$0x3FDB];
	s0 =	simm.s32 @p2 $0x1  }
0x17: {  	s4 =	simm.s32 $0x1BF5;
	[smem:$0x3FB7] =	sst s0  }
0x18: {  	s0 =	sld [smem:$0x3F9A];
	_ =	swait.ge [sflag:s4], $0x0  }
0x19: {  	s7 =	sld [smem:$0x3F9B]  }
0x1a: {  	s8 =	sadd.s32 $0xFFFFE003, lr  }
0x1b: {  	s9 =	sadd.s32 $0xFFFFFEF7, lr;
	s5 =	simm.s32 $0xFFFFFFFF;
	p2 =	slt.u32 s8, $0xFFFFF086  }
0x1c: {  	p1 =	slt.u32 s9, $0xF7A;
	s5 =	simm.s32 @!p2 $0x0  }
0x1d: {  	s5 =	simm.s32 @p1 $0x1;
	p0 =	seq.s32 s7, s2  }
0x1e: {  	s7 =	smul.u32 @!p0 $0xF7A, s2;
	p2 =	seq.s32 @!p0 s5, $0x0  }
0x1f: {  	s9 =	smul.u32 $0xF7A, s1;
	s8 =	simm.s32 @!p0 $0x1BF5;
	p2 =	por !p2, p0  }
0x20: {  	[sflag:s8] =	ssyncset.s32 @!p0 $0xFFFFF086;
	s6 =	sadd.s32 @!p0 s3, s7;
	s7 =	simm.s32 @!p0 $0x108  }
0x21: {  	s3 =	sadd.s32 s3, s9;
	s6 =	sadd.s32 @!p0 $0x88, s6;
	s7 =	simm.s32 @p2 $0x1082  }
0x22: {  	[simem:s7], [sflag:s8] =	dma.local @!p0 [hbm:s6], $0xF7A  }
0x23: {  	s9 =	sor.u32 $0xD0000000, s2;
	s6 =	simm.s32 $0x108;
	_ =	swait.ge @!p0 [sflag:s8], $0x0  }
0x24: {  	s3 =	sadd.s32 $0x88, s3;
	s6 =	simm.s32 @!p1 $0x1082;
	[sflag:s4] =	ssyncset.s32 $0xFFFFF086  }
0x25: {  	[simem:s6], [sflag:s4] =	dma.local [hbm:s3], $0xF7A  }
0x26: {  	[smem:$0x3F9B] =	sst s1;
	(tag) =	ssettag s2;
	_ =	strace s9  }
0x27: {  	s1 =	sld [smem:$0x3FAB]  }
0x28: {  	s2 =	sld [smem:$0x3FAC]  }
0x29: {  	s4 =	sld [smem:$0x3FAE]  }
0x2a: {  	p0 =	seq.s32 s5, $0x0;
	s5 =	sld [smem:$0x3FAF]  }
0x2b: {  	s6 =	sld [smem:$0x3FB0]  }
0x2c: {  	s7 =	sld [smem:$0x3FB1]  }
0x2d: {  	s3 =	simm.s32 $0x108;
	s8 =	sld [smem:$0x3FB2]  }
0x2e: {  	s3 =	simm.s32 @!p0 $0x1082;
	s9 =	sld [smem:$0x3FB3]  }
0x2f: {  	lr =	sadd.s32 s0, s3;
	s0 =	sld [smem:$0x3FAA]  }
0x30: {  	s3 =	sld [smem:$0x3FAD]  }
0x31: {  	[smem:$0x3FB6] =	sst s10  }
0x32: {  	s10 =	sld [smem:$0x3FB4];
	_ =	sdelay $0x3  }
0x33: {  	p0 =	seq.s32 s10, $0x1;
	s10 =	sld [smem:$0x3FB6];
	_ =	sdelay $0x3  }
0x34: {  	[smem:$0x3FB6] =	sst s10  }
0x35: {  	s10 =	sld [smem:$0x3FB5];
	_ =	sdelay $0x3  }
0x36: {  	p1 =	seq.s32 s10, $0x1;
	s10 =	sld [smem:$0x3FB6];
	_ =	sdelay $0x3  }
0x37: {  	[smem:$0x3FB6] =	sst s10  }
0x38: {  	s10 =	sld [smem:$0x3FB7]  }
0x39: {  	_ = 	snop;
	(pc) =	sbr.ind lr, $3  }
0x3a: {  	_ = 	snop  }
0x3b: {  	_ = 	snop  }
0x3c: {  	p2 =	seq.s32 s10, $0x1;
	s10 =	sld [smem:$0x3FB6]  }
0x3d: {  	_ =	shalt  }
0x3e: {  	_ =	shalt  }
0x3f: {  	_ =	shalt  }
0x40: {  	_ =	shalt  }
0x41: {  	_ =	shalt  }
0x42: {  	_ =	shalt  }
0x43: {  	_ =	shalt  }
0x44: {  	_ =	shalt  }
0x45: {  	_ =	shalt  }
0x46: {  	_ =	shalt  }
0x47: {  	_ =	shalt  }
0x48: {  	_ =	shalt  }
0x49: {  	_ =	shalt  }
0x4a: {  	_ =	shalt  }
0x4b: {  	_ =	shalt  }
0x4c: {  	_ =	shalt  }
0x4d: {  	_ =	shalt  }
0x4e: {  	_ =	shalt  }
0x4f: {  	_ =	shalt  }
0x50: {  	_ =	shalt  }
0x51: {  	_ =	shalt  }
0x52: {  	_ =	shalt  }
0x53: {  	_ =	shalt  }
0x54: {  	_ =	shalt  }
0x55: {  	_ =	shalt  }
0x56: {  	_ =	shalt  }
0x57: {  	_ =	shalt  }
0x58: {  	_ =	shalt  }
0x59: {  	_ =	shalt  }
0x5a: {  	_ =	shalt  }
0x5b: {  	_ =	shalt  }
0x5c: {  	_ =	shalt  }
0x5d: {  	_ =	shalt  }
0x5e: {  	_ =	shalt  }
0x5f: {  	_ =	shalt  }
0x60: {  	_ =	shalt  }
0x61: {  	_ =	shalt  }
0x62: {  	_ =	shalt  }
0x63: {  	_ =	shalt  }
0x64: {  	_ =	shalt  }
0x65: {  	_ =	shalt  }
0x66: {  	_ =	shalt  }
0x67: {  	_ =	shalt  }
0x68: {  	_ =	shalt  }
0x69: {  	_ =	shalt  }
0x6a: {  	_ =	shalt  }
0x6b: {  	_ =	shalt  }
0x6c: {  	_ =	shalt  }
0x6d: {  	_ =	shalt  }
0x6e: {  	_ =	shalt  }
0x6f: {  	_ =	shalt  }
0x70: {  	_ =	shalt  }
0x71: {  	_ =	shalt  }
0x72: {  	_ =	shalt  }
0x73: {  	_ =	shalt  }
0x74: {  	_ =	shalt  }
0x75: {  	_ =	shalt  }
0x76: {  	_ =	shalt  }
0x77: {  	_ =	shalt  }
0x78: {  	_ =	shalt  }
0x79: {  	_ =	shalt  }
0x7a: {  	_ =	shalt  }
0x7b: {  	_ =	shalt  }
0x7c: {  	_ =	shalt  }
0x7d: {  	_ =	shalt  }
0x7e: {  	_ =	shalt  }
0x7f: {  	_ =	shalt  }
0x80: {  	_ =	shalt  }
0x81: {  	_ =	shalt  }
0x82: {  	_ =	shalt  }
0x83: {  	_ =	shalt  }
0x84: {  	_ =	shalt  }
0x85: {  	_ =	shalt  }
0x86: {  	_ =	shalt  }
0x87: {  	_ =	shalt  }
.Lfunc_end0:
.L_simem_size_0:
called_computation.1_lowered:
.L_overlay_start_0:
0x88: {  	s2 =	sld [smem:$0x3FD9]  }
0x89: {  	s3 =	sld [smem:$0x3FFE];
	_ =	sdelay $0x1  }
0x8a: {  	s1 =	srdreg.scid  }
0x8b: {  	s0 =	sand.u32 $0x1, s1  }
0x8c: {  	s16 =	sshll.u32 s0, $0xA;
	s2 =	sadd.s32 s3, s2  }
0x8d: {  	s2 =	sadd.s32 s2, s16  }
0x8e: {  	[smem:$0x3FC2] =	sst s2  }
0x8f: {  	_ = 	snop  }
0x90: {  	(tm) =	ssettm $0x1  }
0x91: {  	s17 =	sld [smem:$0x3FFB];
	_ =	sdelay $0x3  }
0x92: {  	_ =	strace s17  }
0x93: {  	s2 =	sld [smem:$0x3FFC];
	_ =	sdelay $0x3  }
0x94: {  	_ =	strace s2  }
0x95: {  	s2 =	sld [smem:$0x3FFD];
	_ =	sdelay $0x3  }
0x96: {  	_ =	strace s2  }
0x97: {  	_ =	strace $0x8FFFFFFF  }
0x98: {  	s18 =	sld [smem:$0x3FDB];
	_ =	sdelay $0x1  }
0x99: {  	s19 =	simm.s32 $_scs_section_size  }
0x9a: {  	s4 =	simm.s32 $_size__tile_overlayer_lowered;
	s5 =	simm.s32 $_tile_overlayer_lowered  }
0x9b: {  	s22 =	simm.s32 $0x1BFF;
	s21 =	sshll.u32 s5, $0x1;
	s2 =	sadd.s32 s19, s18  }
0x9c: {  	s6 =	simm.s32 $0x0;
	s20 =	sshll.u32 s4, $0x1;
	s4 =	sadd.s32 s21, s2  }
0x9d: {  	[timem:s6], [sflag:s22] =	dma.local [hbm:s4], s20  }
0x9e: {  	_ =	swait.ge [sflag:s22], s20  }
0x9f: {  	s3 =	ssub.s32 $0x0, s20;
	[sflag:s22] =	ssyncset.done $0x0  }
0xa0: {  	[sflag:s22] =	ssyncadd.s32 s3;
	_ =	sdelay $0x1  }
0xa1: {  	s23 =	simm.s32 $0x1B8B  }
0xa2: {  	_ =	swait.ge [sflag:s23], $0x1  }
0xa3: {  	[sflag:s23] =	ssyncset.done $0x0  }
0xa4: {  	s25 =	simm.s32 $0x1B8E;
	s24 =	sld [smem:$0x3FFE];
	[sflag:s23] =	ssyncadd.s32 $0xFFFFFFFF  }
0xa5: {  	s26 =	simm.s32 $execute0_lowered;
	[smem:$0x3FD2] =	sst s25  }
0xa6: {  	s4 =	sshll.u32 s26, $0x1;
	_ =	strace $0x80000049;
	[dreg:$0x1] =	wrdreg $0xFFFFFFFF  }
0xa7: {  	s28 =	simm.s32 $_size_execute0_lowered;
	s2 =	sadd.s32 s2, s4;
	[dreg:$0x0] =	wrdreg $0x0  }
0xa8: {  	s4 =	sshll.u32 s28, $0x1;
	[dreg:$0x2] =	wrdreg s2  }
0xa9: {  	[dreg:$0x3] =	wrdreg s4  }
0xaa: {  	[dreg:$0x4] =	wrdreg $0xC0  }
0xab: {  	_ =	task [dreg:s6], $0x5FFFF  }
0xac: {  	[dreg:$0x1] =	wrdreg $0xFFFFFFFF  }
0xad: {  	[dreg:$0x0] =	wrdreg $0x60  }
0xae: {  	[dreg:$0x2] =	wrdreg s24  }
0xaf: {  	[dreg:$0x3] =	wrdreg $0x0  }
0xb0: {  	[dreg:$0x4] =	wrdreg $0x9  }
0xb1: {  	_ =	task.clear_ibuf [dreg:s6], $0x5FFFF;
	_ =	strace $0x90000049  }
0xb2: {  	s29 =	simm.s32 $0x9;
	_ =	strace $0x8000004B  }
0xb3: {  	_ =	swait.ge [sflag:s29], $0x1  }
0xb4: {  	[sflag:s29] =	ssyncadd.s32 $0xFFFFFFFF  }
0xb5: {  	_ =	strace $0x9000004B  }
0xb6: {  	_ =	sfence  }
0xb7: {  	s30 =	sld [smem:$0x0];
	_ =	sdelay $0x2  }
0xb8: {  	s31 =	sshll.u32 s1, $0xD;
	s1 =	sshrl.u32 s1, $0x2  }
0xb9: {  	s3 =	sand.u32 $0x4000, s31;
	s1 =	sadd.s32 s1, s30  }
0xba: {  	s0 =	sor.u32 s3, s0;
	s1 =	sshll.u32 s1, $0x11  }
0xbb: {  	s0 =	sor.u32 s1, s0  }
0xbc: {  	s0 =	sadd.s32 $0x8F2B, s0  }
0xbd: {  	[sflag:s0] =	ssyncadd.remote.s32 $0x1  }
0xbe: {  	_ =	sfence.sel $0xFFFF  }
0xbf: {  	[dreg:$0x0] =	wrdreg $0xFFFFFFFF;
	(pc) =	sbr.abs _section_cstart, $3  }
0xc0: {  	[dreg:$0x1] =	wrdreg $0xFFFFFFFF  }
0xc1: {  	_ =	task.clear_ibuf [dreg:s6], $0x2FFFF;
	_ =	strace $0x9FFFFFFF  }
0xc2: {  	(tm) =	ssettm $0x7FFFFFFF  }
0xc3: {  	_ =	shalt  }
tec
execute0_lowered:
.L_overlay_start_1:
0x0: {  	(tag) =	ssettag $0x1  }
0x1: {  	s0 =	rddreg [dreg:$0x0]  }
0x2: {  	s1 =	rddreg [dreg:$0x1]  }
0x3: {  	s3 =	simm.s32 $0x0;
	s15 =	stileid.u32;
	s6 =	srdreg.scid  }
0x4: {  	s28 =	simm.s32 $0x13880;
	s29 =	simm.s32 $0x13A00;
	s30 =	simm.s32 $0x13900  }
0x5: {  	s31 =	simm.s32 $0x13A80;
	[smem:$0x7FF] =	sst s3;
	s4 =	sadd.s32 $0xBA00, s0  }
0x6: {  	s5 =	sadd.s32 $0x32C00, s0;
	s2 =	smul.u32 $0x2780, s15;
	s7 =	sadd.s32 $0x6A00, s0  }
0x7: {  	s6 =	sand.u32 $0x1, s6;
	s8 =	smul.u32 $0x4F000, s15;
	s9 =	sadd.s32 $0x1A00, s0  }
0x8: {  	s11 =	smul.u32 $0x4E, s15;
	s14 =	smin.u32 s15, $0x2;
	s22 =	sadd.s32 $0x57C80, s0  }
0x9: {  	s17 =	smul.u32 $0x4E0, s15;
	p1 =	seq.s32 s15, $0xF;
	p2 =	sgt.u32 s15, $0x1  }
0xa: {  	s15 =	simm.s32 $0x5;
	_ =	strace $0x8000004A;
	s10 =	ssub.s32 $0x2, s6  }
0xb: {  	[dreg:$0x5] =	wrdreg s22;
	s22 =	sadd.s32 $0xA6080, s0;
	p0 =	sne.s32 s6, $0x0  }
0xc: {  	s12 =	sadd.s32 s2, s0;
	s13 =	sshrl.u32 s10, $0x1;
	s8 =	sshrl.u32 s8, $0x2  }
0xd: {  	s11 =	sadd.s32 s14, s11;
	s20 =	sadd.s32 s5, s2;
	s19 =	sadd.s32 s17, s9  }
0xe: {  	[dreg:$0x10] =	wrdreg s22;
	s2 =	sadd.s32 s4, s2;
	s22 =	simm.s32 $0x6  }
0xf: {  	s10 =	ssub.s32 s10, s13;
	s8 =	sadd.s32 s8, s1;
	[dreg:$0x4] =	wrdreg s20  }
0x10: {  	s21 =	sshll.u32 s11, $0x4;
	s20 =	sshll.u32 s14, $0x4;
	[dreg:$0x11] =	wrdreg s2  }
0x11: {  	[dreg:$0x3] =	wrdreg s8;
	s23 =	sadd.s32 s7, s21;
	s24 =	sadd.s32 $0x10, s21  }
0x12: {  	s25 =	sadd.s32 s9, s21;
	s13 =	sadd.s32 $0x20, s21;
	[dreg:$0x6] =	wrdreg s23  }
0x13: {  	s8 =	sadd.s32 $0x4E0, s21;
	s21 =	sadd.s32 $0x81000, s12;
	[dreg:$0x7] =	wrdreg s25  }
0x14: {  	s2 =	simm.s32 $0x1BB80;
	s26 =	sadd.s32 s7, s24;
	[dreg:$0xe] =	wrdreg s21  }
0x15: {  	s14 =	simm.s32 $0xC;
	s11 =	sadd.s32 s9, s24;
	[dreg:$0x8] =	wrdreg s26  }
0x16: {  	s16 =	sadd.s32 s7, s13;
	s18 =	sadd.s32 s7, s8;
	[dreg:$0x9] =	wrdreg s11  }
0x17: {  	s8 =	sadd.s32 s9, s8;
	s7 =	sadd.s32 s17, s7;
	[dreg:$0xa] =	wrdreg s16  }
0x18: {  	s23 =	sadd.s32 $0x30A80, s0;
	s24 =	sadd.s32 $0x59E00, s12;
	[dreg:$0xc] =	wrdreg s18  }
0x19: {  	s0 =	sadd.s32 $0x7EE80, s0;
	s25 =	smax.u32 s10, $0x1;
	[dreg:$0xd] =	wrdreg s8  }
0x1a: {  	s17 =	simm.s32 $0x4;
	s21 =	simm.s32 $0x3;
	[dreg:$0x12] =	wrdreg s23  }
0x1b: {  	s10 =	simm.s32 $0x8;
	s12 =	simm.s32 $0xA;
	[dreg:$0x13] =	wrdreg s24  }
0x1c: {  	s11 =	sadd.s32 s9, s13;
	s8 =	sadd.s32 s20, s19;
	[dreg:$0x14] =	wrdreg s0  }
0x1d: {  	s19 =	sadd.s32 s20, s7;
	[dreg:$0x15] =	wrdreg s25;
	s26 =	sadd.s32 $0x128400, s1  }
.Ltmp0:
0x1e: {  	s0 =	simm.s32 $0x13980;
	s20 =	simm.s32 $0x13B00;
	(pc) =	sbr.rel .LBB2_1-.Ltmp0, $4  }
0x1f: {  	s24 =	simm.s32 $0x1;
	s23 =	simm.s32 $0x80;
	s7 =	simm.s32 $0x13B80  }
0x20: {  	s16 =	simm.s32 $0x17B80;
	s9 =	simm.s32 $0x7;
	[dreg:$0xb] =	wrdreg s11  }
0x21: {  	s13 =	simm.s32 $0xB;
	s18 =	simm.s32 $0x0;
	[dreg:$0xf] =	wrdreg s8  }
0x22: {  	[dreg:$0x16] =	wrdreg s26;
	s8 =	simm.s32 $0x2;
	s11 =	simm.s32 $0x9  }
.LBB2_17:
0x23: {  	s6 =	rddreg [dreg:$0x16]  }
0x24: {  	s18 =	rddreg [dreg:$0x10];
	s25 =	simm.s32 $0x1FCD;
	s6 =	sshrl.u32 s6, $0x3  }
0x25: {  	[hbm:s18], [sflag:s25] =	dma.local [spmem:s6], $0x2080  }
0x26: {  	_ =	swait.ge [sflag:s26], $0x2080  }
0x27: {  	[sflag:s26] =	ssyncset.done $0x0  }
0x28: {  	s18 =	rddreg [dreg:$0x17];
	[sflag:s26] =	ssyncadd.s32 $0xFFFFDF80  }
.LBB2_18:
0x29: {  	s18 =	sadd.s32 $0x1, s18;
	s6 =	rddreg [dreg:$0x15]  }
0x2a: {  	p3 =	sne.s32 s18, s6  }
.Ltmp1:
0x2b: {  	_ = 	snop;
	(pc) =	sbr.rel @!p3 .LBB2_19-.Ltmp1, $1  }
0x2c: {  	_ =	sdelay $0x3  }
.LBB2_1:
.Ltmp2:
0x2d: {  	s6 =	stileid.u32;
	(pc) =	sbr.rel @p0 .LBB2_7-.Ltmp2, $4  }
0x2e: {  	s25 =	sshll.u32 @!p1 s6, $0x6;
	s6 =	rddreg [dreg:$0x16]  }
0x2f: {  	s26 =	sshrl.u32 @p1 s6, $0x3;
	s6 =	rddreg [dreg:$0x3]  }
0x30: {  	[dreg:$0x17] =	wrdreg s18;
	s6 =	sshrl.u32 @!p1 s6, $0x3  }
0x31: {  	s25 =	sor.u32 @!p1 $0x1C0D, s25;
	[dreg:$0x18] =	wrdreg s6  }
0x32: {  	s6 =	simm.s32 @p1 $0x1FCD;
	s18 =	rddreg [dreg:$0x12]  }
0x33: {  	[spmem:s26], [sflag:s6] =	dma.local @p1 [hbm:s18], $0x2080  }
0x34: {  	s6 =	simm.s32 @p1 $0xD  }
0x35: {  	_ =	swait.ge @p1 [sflag:s6], $0x2080  }
0x36: {  	[sflag:s6] =	ssyncset.done @p1 $0x0;
	s18 =	rddreg [dreg:$0x18]  }
0x37: {  	[sflag:s6] =	ssyncadd.s32 @p1 $0xFFFFDF80;
	s6 =	rddreg [dreg:$0x11]  }
0x38: {  	[spmem:s18], [sflag:s25] =	dma.local @!p1 [hbm:s6], $0x2780  }
0x39: {  	s6 =	simm.s32 @!p1 $0xD  }
0x3a: {  	_ =	swait.ge @!p1 [sflag:s6], $0x2780  }
0x3b: {  	[sflag:s6] =	ssyncset.done @!p1 $0x0  }
0x3c: {  	[sflag:s6] =	ssyncadd.s32 @!p1 $0xFFFFD880  }
0x3d: {  	[bflag:$0x0] =	sbarrier.arrive $0xFFFF  }
0x3e: {  	s6 =	simm.s32 $0x0;
	s25 =	rddreg [dreg:$0x6]  }
0x3f: {  	[tilespmem:s28], [sflag:$0x1] =	stream.linear.gather [hbm4b:s25+s6], $0x80, $0x38;
	[tilespmem:$0x1FB80] =	vst v63  }
0x40: {  	s26 =	rddreg [dreg:$0x7]  }
0x41: {  	[tilespmem:s29], [sflag:$0x4] =	stream.linear.gather [hbm4b:s26+s6], $0x80, $0x38;
	[tilespmem:$0x1FB80] =	vst v63  }
0x42: {  	s25 =	rddreg [dreg:$0x8]  }
0x43: {  	[tilespmem:s30], [sflag:$0x2] =	stream.linear.gather [hbm4b:s25+s6], $0x80, $0x38;
	[tilespmem:$0x1FB80] =	vst v63  }
0x44: {  	s26 =	rddreg [dreg:$0x9]  }
0x45: {  	[tilespmem:s31], [sflag:$0x5] =	stream.linear.gather [hbm4b:s26+s6], $0x80, $0x38;
	[tilespmem:$0x1FB80] =	vst v63  }
0x46: {  	s25 =	rddreg [dreg:$0xa]  }
0x47: {  	[tilespmem:s0], [sflag:$0x3] =	stream.linear.gather [hbm4b:s25+s6], $0x80, $0x38;
	[tilespmem:$0x1FB80] =	vst v63  }
0x48: {  	s26 =	rddreg [dreg:$0xb]  }
0x49: {  	[tilespmem:s20], [sflag:$0x6] =	stream.linear.gather [hbm4b:s26+s6], $0x80, $0x38;
	[tilespmem:$0x1FB80] =	vst v63  }
0x4a: {  	_ =	swait.ge [sflag:s24], $0x80  }
0x4b: {  	[sflag:s24] =	ssyncset.done $0x0  }
0x4c: {  	[sflag:s24] =	ssyncadd.s32 $0xFFFFFF80  }
0x4d: {  	_ =	swait.ge [sflag:s17], $0x80  }
0x4e: {  	[sflag:s17] =	ssyncset.done $0x0  }
0x4f: {  	[sflag:s17] =	ssyncadd.s32 $0xFFFFFF80  }
0x50: {  	[tilespmem:s7], [sflag:$0x7] =	stream.indirect.gather [hbm4b:s4+s23], $0x80, s28, s23, $0xb8;
	[tilespmem:$0x1FB80] =	vst v63  }
0x51: {  	_ =	swait.ge [sflag:s8], $0x80  }
0x52: {  	[sflag:s8] =	ssyncset.done $0x0  }
0x53: {  	[sflag:s8] =	ssyncadd.s32 $0xFFFFFF80  }
0x54: {  	_ =	swait.ge [sflag:s15], $0x80  }
0x55: {  	[sflag:s15] =	ssyncset.done $0x0  }
0x56: {  	[sflag:s15] =	ssyncadd.s32 $0xFFFFFF80  }
0x57: {  	[tilespmem:s16], [sflag:$0x8] =	stream.indirect.gather [hbm4b:s4+s23], $0x80, s30, s23, $0xb8;
	[tilespmem:$0x1FB80] =	vst v63  }
0x58: {  	_ =	swait.ge [sflag:s21], $0x80  }
0x59: {  	[sflag:s21] =	ssyncset.done $0x0  }
0x5a: {  	[sflag:s21] =	ssyncadd.s32 $0xFFFFFF80  }
0x5b: {  	_ =	swait.ge [sflag:s22], $0x80  }
0x5c: {  	[sflag:s22] =	ssyncset.done $0x0  }
0x5d: {  	[sflag:s22] =	ssyncadd.s32 $0xFFFFFF80  }
0x5e: {  	[tilespmem:s2], [sflag:$0x9] =	stream.indirect.gather [hbm4b:s4+s23], $0x80, s0, s23, $0xb8;
	[tilespmem:$0x1FB80] =	vst v63  }
.LBB2_3:
0x5f: {  	_ =	swait.ge [sflag:s9], $0x4000  }
0x60: {  	[sflag:s9] =	ssyncset.done $0x0  }
0x61: {  	[sflag:s9] =	ssyncadd.s32 $0xFFFFC000  }
0x62: {  	[spmem:s1] =	stream.indirect.scatter.add.f32 [tilespmem:s7], [sflag:$0xA], $0x80, s29, s23, $0xb8;
	[tilespmem:$0x1FB80] =	vst v63  }
0x63: {  	_ =	swait.ge [sflag:s10], $0x4000  }
0x64: {  	[sflag:s10] =	ssyncset.done $0x0  }
0x65: {  	[sflag:s10] =	ssyncadd.s32 $0xFFFFC000  }
0x66: {  	[spmem:s1] =	stream.indirect.scatter.add.f32 [tilespmem:s16], [sflag:$0xB], $0x80, s31, s23, $0xb8;
	[tilespmem:$0x1FB80] =	vst v63  }
0x67: {  	_ =	swait.ge [sflag:s11], $0x4000  }
0x68: {  	p3 =	seq.s32 s6, $0x4B0;
	[sflag:s11] =	ssyncset.done $0x0  }
.Ltmp3:
0x69: {  	[sflag:s11] =	ssyncadd.s32 $0xFFFFC000;
	(pc) =	sbr.rel @p3 .LBB2_5-.Ltmp3, $4  }
0x6a: {  	[spmem:s1] =	stream.indirect.scatter.add.f32 [tilespmem:s2], [sflag:$0xC], $0x80, s20, s23, $0xb8;
	[tilespmem:$0x1FB80] =	vst v63  }
0x6b: {  	_ =	swait.ge [sflag:s12], $0x4000  }
0x6c: {  	[sflag:s12] =	ssyncset.done $0x0  }
0x6d: {  	[sflag:s12] =	ssyncadd.s32 $0xFFFFC000  }
0x6e: {  	s25 =	sadd.s32 s6, s19  }
0x6f: {  	s18 =	rddreg [dreg:$0xf];
	s26 =	sadd.s32 $0x30, s25  }
0x70: {  	[tilespmem:s28], [sflag:$0x1] =	stream.linear.gather [hbm4b:s26+s3], $0x80, $0x38;
	[tilespmem:$0x1FB80] =	vst v63  }
0x71: {  	s26 =	sadd.s32 s6, s18  }
0x72: {  	s18 =	sadd.s32 $0x30, s26  }
0x73: {  	[tilespmem:s29], [sflag:$0x4] =	stream.linear.gather [hbm4b:s18+s3], $0x80, $0x38;
	[tilespmem:$0x1FB80] =	vst v63  }
0x74: {  	_ =	swait.ge [sflag:s24], $0x80  }
0x75: {  	[sflag:s24] =	ssyncset.done $0x0  }
0x76: {  	[sflag:s24] =	ssyncadd.s32 $0xFFFFFF80  }
0x77: {  	_ =	swait.ge [sflag:s17], $0x80  }
0x78: {  	[sflag:s17] =	ssyncset.done $0x0  }
0x79: {  	[sflag:s17] =	ssyncadd.s32 $0xFFFFFF80  }
0x7a: {  	[tilespmem:s7], [sflag:$0x7] =	stream.indirect.gather [hbm4b:s4+s23], $0x80, s28, s23, $0xb8;
	[tilespmem:$0x1FB80] =	vst v63  }
0x7b: {  	_ =	swait.ge [sflag:s13], $0x4000  }
0x7c: {  	[sflag:s13] =	ssyncset.done $0x0  }
0x7d: {  	s18 =	sadd.s32 $0x40, s25;
	[sflag:s13] =	ssyncadd.s32 $0xFFFFC000  }
0x7e: {  	[tilespmem:s30], [sflag:$0x2] =	stream.linear.gather [hbm4b:s18+s3], $0x80, $0x38;
	[tilespmem:$0x1FB80] =	vst v63  }
0x7f: {  	s18 =	sadd.s32 $0x40, s26  }
0x80: {  	[tilespmem:s31], [sflag:$0x5] =	stream.linear.gather [hbm4b:s18+s3], $0x80, $0x38;
	[tilespmem:$0x1FB80] =	vst v63  }
0x81: {  	_ =	swait.ge [sflag:s8], $0x80  }
0x82: {  	[sflag:s8] =	ssyncset.done $0x0  }
0x83: {  	[sflag:s8] =	ssyncadd.s32 $0xFFFFFF80  }
0x84: {  	_ =	swait.ge [sflag:s15], $0x80  }
0x85: {  	[sflag:s15] =	ssyncset.done $0x0  }
0x86: {  	[sflag:s15] =	ssyncadd.s32 $0xFFFFFF80  }
0x87: {  	[tilespmem:s16], [sflag:$0x8] =	stream.indirect.gather [hbm4b:s4+s23], $0x80, s30, s23, $0xb8;
	[tilespmem:$0x1FB80] =	vst v63  }
0x88: {  	_ =	swait.ge [sflag:s14], $0x4000  }
0x89: {  	[sflag:s14] =	ssyncset.done $0x0  }
0x8a: {  	s25 =	sadd.s32 $0x50, s25;
	[sflag:s14] =	ssyncadd.s32 $0xFFFFC000  }
0x8b: {  	[tilespmem:s0], [sflag:$0x3] =	stream.linear.gather [hbm4b:s25+s3], $0x80, $0x38;
	[tilespmem:$0x1FB80] =	vst v63  }
0x8c: {  	s26 =	sadd.s32 $0x50, s26  }
0x8d: {  	[tilespmem:s20], [sflag:$0x6] =	stream.linear.gather [hbm4b:s26+s3], $0x80, $0x38;
	[tilespmem:$0x1FB80] =	vst v63  }
0x8e: {  	_ =	swait.ge [sflag:s21], $0x80  }
0x8f: {  	[sflag:s21] =	ssyncset.done $0x0  }
.Ltmp4:
0x90: {  	[sflag:s21] =	ssyncadd.s32 $0xFFFFFF80;
	(pc) =	sbr.rel .LBB2_3-.Ltmp4, $4  }
0x91: {  	_ =	swait.ge [sflag:s22], $0x80  }
0x92: {  	[sflag:s22] =	ssyncset.done $0x0  }
0x93: {  	s6 =	sadd.s32 $0x30, s6;
	[sflag:s22] =	ssyncadd.s32 $0xFFFFFF80  }
0x94: {  	[tilespmem:s2], [sflag:$0x9] =	stream.indirect.gather [hbm4b:s4+s23], $0x80, s0, s23, $0xb8;
	[tilespmem:$0x1FB80] =	vst v63  }
.LBB2_7:
0x95: {  	s6 =	simm.s32 @p1 $0x1FCD;
	s18 =	rddreg [dreg:$0x5]  }
0x96: {  	[spmem:s26], [sflag:s6] =	dma.local @p1 [hbm:s18], $0x2080  }
0x97: {  	s6 =	simm.s32 @p1 $0xD  }
0x98: {  	_ =	swait.ge @p1 [sflag:s6], $0x2080  }
0x99: {  	[sflag:s6] =	ssyncset.done @p1 $0x0;
	s18 =	rddreg [dreg:$0x18]  }
0x9a: {  	[sflag:s6] =	ssyncadd.s32 @p1 $0xFFFFDF80;
	s6 =	rddreg [dreg:$0x4]  }
0x9b: {  	[spmem:s18], [sflag:s25] =	dma.local @!p1 [hbm:s6], $0x2780  }
0x9c: {  	s6 =	simm.s32 @!p1 $0xD  }
0x9d: {  	_ =	swait.ge @!p1 [sflag:s6], $0x2780  }
0x9e: {  	[sflag:s6] =	ssyncset.done @!p1 $0x0  }
0x9f: {  	[sflag:s6] =	ssyncadd.s32 @!p1 $0xFFFFD880  }
0xa0: {  	[bflag:$0x0] =	sbarrier.arrive $0xFFFF  }
0xa1: {  	s6 =	simm.s32 $0x0;
	s25 =	rddreg [dreg:$0x6]  }
0xa2: {  	[tilespmem:s28], [sflag:$0x1] =	stream.linear.gather [hbm4b:s25+s6], $0x80, $0x38;
	[tilespmem:$0x1FB80] =	vst v63  }
0xa3: {  	s26 =	rddreg [dreg:$0x7]  }
0xa4: {  	[tilespmem:s29], [sflag:$0x4] =	stream.linear.gather [hbm4b:s26+s6], $0x80, $0x38;
	[tilespmem:$0x1FB80] =	vst v63  }
0xa5: {  	s25 =	rddreg [dreg:$0x8]  }
0xa6: {  	[tilespmem:s30], [sflag:$0x2] =	stream.linear.gather [hbm4b:s25+s6], $0x80, $0x38;
	[tilespmem:$0x1FB80] =	vst v63  }
0xa7: {  	s26 =	rddreg [dreg:$0x9]  }
0xa8: {  	[tilespmem:s31], [sflag:$0x5] =	stream.linear.gather [hbm4b:s26+s6], $0x80, $0x38;
	[tilespmem:$0x1FB80] =	vst v63  }
0xa9: {  	s25 =	rddreg [dreg:$0xa]  }
0xaa: {  	[tilespmem:s0], [sflag:$0x3] =	stream.linear.gather [hbm4b:s25+s6], $0x80, $0x38;
	[tilespmem:$0x1FB80] =	vst v63  }
0xab: {  	s26 =	rddreg [dreg:$0xb]  }
0xac: {  	[tilespmem:s20], [sflag:$0x6] =	stream.linear.gather [hbm4b:s26+s6], $0x80, $0x38;
	[tilespmem:$0x1FB80] =	vst v63  }
0xad: {  	_ =	swait.ge [sflag:s24], $0x80  }
0xae: {  	[sflag:s24] =	ssyncset.done $0x0  }
0xaf: {  	[sflag:s24] =	ssyncadd.s32 $0xFFFFFF80  }
0xb0: {  	_ =	swait.ge [sflag:s17], $0x80  }
0xb1: {  	[sflag:s17] =	ssyncset.done $0x0  }
0xb2: {  	[sflag:s17] =	ssyncadd.s32 $0xFFFFFF80  }
0xb3: {  	[tilespmem:s7], [sflag:$0x7] =	stream.indirect.gather [hbm4b:s5+s23], $0x80, s28, s23, $0xb8;
	[tilespmem:$0x1FB80] =	vst v63  }
0xb4: {  	_ =	swait.ge [sflag:s8], $0x80  }
0xb5: {  	[sflag:s8] =	ssyncset.done $0x0  }
0xb6: {  	[sflag:s8] =	ssyncadd.s32 $0xFFFFFF80  }
0xb7: {  	_ =	swait.ge [sflag:s15], $0x80  }
0xb8: {  	[sflag:s15] =	ssyncset.done $0x0  }
0xb9: {  	[sflag:s15] =	ssyncadd.s32 $0xFFFFFF80  }
0xba: {  	[tilespmem:s16], [sflag:$0x8] =	stream.indirect.gather [hbm4b:s5+s23], $0x80, s30, s23, $0xb8;
	[tilespmem:$0x1FB80] =	vst v63  }
0xbb: {  	_ =	swait.ge [sflag:s21], $0x80  }
0xbc: {  	[sflag:s21] =	ssyncset.done $0x0  }
0xbd: {  	[sflag:s21] =	ssyncadd.s32 $0xFFFFFF80  }
0xbe: {  	_ =	swait.ge [sflag:s22], $0x80  }
0xbf: {  	[sflag:s22] =	ssyncset.done $0x0  }
0xc0: {  	[sflag:s22] =	ssyncadd.s32 $0xFFFFFF80  }
0xc1: {  	[tilespmem:s2], [sflag:$0x9] =	stream.indirect.gather [hbm4b:s5+s23], $0x80, s0, s23, $0xb8;
	[tilespmem:$0x1FB80] =	vst v63  }
.LBB2_8:
0xc2: {  	_ =	swait.ge [sflag:s9], $0x4000  }
0xc3: {  	[sflag:s9] =	ssyncset.done $0x0  }
0xc4: {  	[sflag:s9] =	ssyncadd.s32 $0xFFFFC000  }
0xc5: {  	[spmem:s1] =	stream.indirect.scatter.add.f32 [tilespmem:s7], [sflag:$0xA], $0x80, s29, s23, $0xb8;
	[tilespmem:$0x1FB80] =	vst v63  }
0xc6: {  	_ =	swait.ge [sflag:s10], $0x4000  }
0xc7: {  	[sflag:s10] =	ssyncset.done $0x0  }
0xc8: {  	[sflag:s10] =	ssyncadd.s32 $0xFFFFC000  }
0xc9: {  	[spmem:s1] =	stream.indirect.scatter.add.f32 [tilespmem:s16], [sflag:$0xB], $0x80, s31, s23, $0xb8;
	[tilespmem:$0x1FB80] =	vst v63  }
0xca: {  	_ =	swait.ge [sflag:s11], $0x4000  }
0xcb: {  	p3 =	seq.s32 s6, $0x4B0;
	[sflag:s11] =	ssyncset.done $0x0  }
.Ltmp5:
0xcc: {  	[sflag:s11] =	ssyncadd.s32 $0xFFFFC000;
	(pc) =	sbr.rel @p3 .LBB2_10-.Ltmp5, $4  }
0xcd: {  	[spmem:s1] =	stream.indirect.scatter.add.f32 [tilespmem:s2], [sflag:$0xC], $0x80, s20, s23, $0xb8;
	[tilespmem:$0x1FB80] =	vst v63  }
0xce: {  	_ =	swait.ge [sflag:s12], $0x4000  }
0xcf: {  	[sflag:s12] =	ssyncset.done $0x0  }
0xd0: {  	[sflag:s12] =	ssyncadd.s32 $0xFFFFC000  }
0xd1: {  	s18 =	sadd.s32 s6, s19  }
0xd2: {  	s26 =	rddreg [dreg:$0xf];
	s25 =	sadd.s32 $0x30, s18  }
0xd3: {  	[tilespmem:s28], [sflag:$0x1] =	stream.linear.gather [hbm4b:s25+s3], $0x80, $0x38;
	[tilespmem:$0x1FB80] =	vst v63  }
0xd4: {  	s25 =	sadd.s32 s6, s26  }
0xd5: {  	s26 =	sadd.s32 $0x30, s25  }
0xd6: {  	[tilespmem:s29], [sflag:$0x4] =	stream.linear.gather [hbm4b:s26+s3], $0x80, $0x38;
	[tilespmem:$0x1FB80] =	vst v63  }
0xd7: {  	_ =	swait.ge [sflag:s24], $0x80  }
0xd8: {  	[sflag:s24] =	ssyncset.done $0x0  }
0xd9: {  	[sflag:s24] =	ssyncadd.s32 $0xFFFFFF80  }
0xda: {  	_ =	swait.ge [sflag:s17], $0x80  }
0xdb: {  	[sflag:s17] =	ssyncset.done $0x0  }
0xdc: {  	[sflag:s17] =	ssyncadd.s32 $0xFFFFFF80  }
0xdd: {  	[tilespmem:s7], [sflag:$0x7] =	stream.indirect.gather [hbm4b:s5+s23], $0x80, s28, s23, $0xb8;
	[tilespmem:$0x1FB80] =	vst v63  }
0xde: {  	_ =	swait.ge [sflag:s13], $0x4000  }
0xdf: {  	[sflag:s13] =	ssyncset.done $0x0  }
0xe0: {  	s26 =	sadd.s32 $0x40, s18;
	[sflag:s13] =	ssyncadd.s32 $0xFFFFC000  }
0xe1: {  	[tilespmem:s30], [sflag:$0x2] =	stream.linear.gather [hbm4b:s26+s3], $0x80, $0x38;
	[tilespmem:$0x1FB80] =	vst v63  }
0xe2: {  	s26 =	sadd.s32 $0x40, s25  }
0xe3: {  	[tilespmem:s31], [sflag:$0x5] =	stream.linear.gather [hbm4b:s26+s3], $0x80, $0x38;
	[tilespmem:$0x1FB80] =	vst v63  }
0xe4: {  	_ =	swait.ge [sflag:s8], $0x80  }
0xe5: {  	[sflag:s8] =	ssyncset.done $0x0  }
0xe6: {  	[sflag:s8] =	ssyncadd.s32 $0xFFFFFF80  }
0xe7: {  	_ =	swait.ge [sflag:s15], $0x80  }
0xe8: {  	[sflag:s15] =	ssyncset.done $0x0  }
0xe9: {  	[sflag:s15] =	ssyncadd.s32 $0xFFFFFF80  }
0xea: {  	[tilespmem:s16], [sflag:$0x8] =	stream.indirect.gather [hbm4b:s5+s23], $0x80, s30, s23, $0xb8;
	[tilespmem:$0x1FB80] =	vst v63  }
0xeb: {  	_ =	swait.ge [sflag:s14], $0x4000  }
0xec: {  	[sflag:s14] =	ssyncset.done $0x0  }
0xed: {  	s18 =	sadd.s32 $0x50, s18;
	[sflag:s14] =	ssyncadd.s32 $0xFFFFC000  }
0xee: {  	[tilespmem:s0], [sflag:$0x3] =	stream.linear.gather [hbm4b:s18+s3], $0x80, $0x38;
	[tilespmem:$0x1FB80] =	vst v63  }
0xef: {  	s26 =	sadd.s32 $0x50, s25  }
0xf0: {  	[tilespmem:s20], [sflag:$0x6] =	stream.linear.gather [hbm4b:s26+s3], $0x80, $0x38;
	[tilespmem:$0x1FB80] =	vst v63  }
0xf1: {  	_ =	swait.ge [sflag:s21], $0x80  }
0xf2: {  	[sflag:s21] =	ssyncset.done $0x0  }
.Ltmp6:
0xf3: {  	[sflag:s21] =	ssyncadd.s32 $0xFFFFFF80;
	(pc) =	sbr.rel .LBB2_8-.Ltmp6, $4  }
0xf4: {  	_ =	swait.ge [sflag:s22], $0x80  }
0xf5: {  	[sflag:s22] =	ssyncset.done $0x0  }
0xf6: {  	s6 =	sadd.s32 $0x30, s6;
	[sflag:s22] =	ssyncadd.s32 $0xFFFFFF80  }
0xf7: {  	[tilespmem:s2], [sflag:$0x9] =	stream.indirect.gather [hbm4b:s5+s23], $0x80, s0, s23, $0xb8;
	[tilespmem:$0x1FB80] =	vst v63  }
.LBB2_5:
0xf8: {  	_ =	swait.ge [sflag:s13], $0x4000  }
.Ltmp7:
0xf9: {  	[sflag:s13] =	ssyncset.done $0x0;
	(pc) =	sbr.rel @p2 .LBB2_12-.Ltmp7, $4  }
0xfa: {  	[sflag:s13] =	ssyncadd.s32 $0xFFFFC000  }
0xfb: {  	_ =	swait.ge [sflag:s14], $0x4000  }
0xfc: {  	[sflag:s14] =	ssyncset.done $0x0  }
0xfd: {  	[sflag:s14] =	ssyncadd.s32 $0xFFFFC000  }
0xfe: {  	s6 =	rddreg [dreg:$0xc];
	s26 =	simm.s32 $0xD  }
0xff: {  	[tilespmem:s28], [sflag:$0xD] =	stream.linear.gather [hbm4b:s6+s3], $0x80, $0x38;
	[tilespmem:$0x1FB80] =	vst v63  }
0x100: {  	_ =	swait.ge [sflag:s26], $0x80  }
0x101: {  	[sflag:s26] =	ssyncset.done $0x0  }
0x102: {  	s25 =	rddreg [dreg:$0xd];
	[sflag:s26] =	ssyncadd.s32 $0xFFFFFF80  }
0x103: {  	[tilespmem:s29], [sflag:$0xD] =	stream.linear.gather [hbm4b:s25+s3], $0x80, $0x38;
	[tilespmem:$0x1FB80] =	vst v63  }
0x104: {  	_ =	swait.ge [sflag:s26], $0x80  }
0x105: {  	[sflag:s26] =	ssyncset.done $0x0  }
0x106: {  	[sflag:s26] =	ssyncadd.s32 $0xFFFFFF80  }
0x107: {  	[tilespmem:s7], [sflag:$0x7] =	stream.indirect.gather [hbm4b:s4+s23], $0x80, s28, s23, $0xb8;
	[tilespmem:$0x1FB80] =	vst v63  }
0x108: {  	_ =	swait.ge [sflag:s9], $0x4000  }
0x109: {  	[sflag:s9] =	ssyncset.done $0x0  }
0x10a: {  	[sflag:s9] =	ssyncadd.s32 $0xFFFFC000  }
0x10b: {  	[spmem:s1] =	stream.indirect.scatter.add.f32 [tilespmem:s7], [sflag:$0xD], $0x80, s29, s23, $0xb8;
	[tilespmem:$0x1FB80] =	vst v63  }
.Ltmp8:
0x10c: {  	_ =	swait.ge [sflag:s26], $0x4000;
	(pc) =	sbr.rel .LBB2_13-.Ltmp8, $3  }
0x10d: {  	[sflag:s26] =	ssyncset.done $0x0  }
0x10e: {  	[sflag:s26] =	ssyncadd.s32 $0xFFFFC000  }
0x10f: {  	[bflag:$0x0] =	sbarrier.arrive $0xFFFF;
	_ =	sdelay $0x1  }
.LBB2_10:
0x110: {  	_ =	swait.ge [sflag:s13], $0x4000  }
.Ltmp9:
0x111: {  	[sflag:s13] =	ssyncset.done $0x0;
	(pc) =	sbr.rel @p2 .LBB2_15-.Ltmp9, $4  }
0x112: {  	[sflag:s13] =	ssyncadd.s32 $0xFFFFC000  }
0x113: {  	_ =	swait.ge [sflag:s14], $0x4000  }
0x114: {  	[sflag:s14] =	ssyncset.done $0x0  }
0x115: {  	[sflag:s14] =	ssyncadd.s32 $0xFFFFC000  }
0x116: {  	s6 =	rddreg [dreg:$0xc];
	s26 =	simm.s32 $0xD  }
0x117: {  	[tilespmem:s28], [sflag:$0xD] =	stream.linear.gather [hbm4b:s6+s3], $0x80, $0x38;
	[tilespmem:$0x1FB80] =	vst v63  }
0x118: {  	_ =	swait.ge [sflag:s26], $0x80  }
0x119: {  	[sflag:s26] =	ssyncset.done $0x0  }
0x11a: {  	s25 =	rddreg [dreg:$0xd];
	[sflag:s26] =	ssyncadd.s32 $0xFFFFFF80  }
0x11b: {  	[tilespmem:s29], [sflag:$0xD] =	stream.linear.gather [hbm4b:s25+s3], $0x80, $0x38;
	[tilespmem:$0x1FB80] =	vst v63  }
0x11c: {  	_ =	swait.ge [sflag:s26], $0x80  }
0x11d: {  	[sflag:s26] =	ssyncset.done $0x0  }
0x11e: {  	[sflag:s26] =	ssyncadd.s32 $0xFFFFFF80  }
0x11f: {  	[tilespmem:s7], [sflag:$0x7] =	stream.indirect.gather [hbm4b:s5+s23], $0x80, s28, s23, $0xb8;
	[tilespmem:$0x1FB80] =	vst v63  }
0x120: {  	_ =	swait.ge [sflag:s9], $0x4000  }
0x121: {  	[sflag:s9] =	ssyncset.done $0x0  }
0x122: {  	[sflag:s9] =	ssyncadd.s32 $0xFFFFC000  }
0x123: {  	[spmem:s1] =	stream.indirect.scatter.add.f32 [tilespmem:s7], [sflag:$0xD], $0x80, s29, s23, $0xb8;
	[tilespmem:$0x1FB80] =	vst v63  }
.Ltmp10:
0x124: {  	_ =	swait.ge [sflag:s26], $0x4000;
	(pc) =	sbr.rel .LBB2_16-.Ltmp10, $3  }
0x125: {  	[sflag:s26] =	ssyncset.done $0x0  }
0x126: {  	[sflag:s26] =	ssyncadd.s32 $0xFFFFC000  }
0x127: {  	[bflag:$0x0] =	sbarrier.arrive $0xFFFF;
	_ =	sdelay $0x1  }
.LBB2_12:
.Ltmp11:
0x128: {  	(pc) =	sbr.rel @!p1 .LBB2_13-.Ltmp11, $3  }
0x129: {  	_ =	sdelay $0x1  }
0x12a: {  	[bflag:$0x0] =	sbarrier.arrive $0xFFFF  }
0x12b: {  	s26 =	simm.s32 $0xD  }
0x12c: {  	s6 =	rddreg [dreg:$0x16]  }
0x12d: {  	s18 =	rddreg [dreg:$0x14]  }
.Ltmp12:
0x12e: {  	s25 =	simm.s32 $0x1FCD;
	s6 =	sshrl.u32 s6, $0x3;
	(pc) =	sbr.rel .LBB2_18-.Ltmp12, $4  }
0x12f: {  	[hbm:s18], [sflag:s25] =	dma.local [spmem:s6], $0x2080  }
0x130: {  	_ =	swait.ge [sflag:s26], $0x2080  }
0x131: {  	[sflag:s26] =	ssyncset.done $0x0  }
0x132: {  	s18 =	rddreg [dreg:$0x17];
	[sflag:s26] =	ssyncadd.s32 $0xFFFFDF80  }
.LBB2_13:
0x133: {  	s6 =	stileid.u32;
	s18 =	rddreg [dreg:$0x3]  }
0x134: {  	s25 =	rddreg [dreg:$0x13];
	s6 =	sshll.u32 s6, $0x6  }
.Ltmp13:
0x135: {  	s18 =	sshrl.u32 s18, $0x3;
	s6 =	sor.u32 $0x1C0D, s6;
	(pc) =	sbr.rel .LBB2_18-.Ltmp13, $4  }
0x136: {  	[hbm:s25], [sflag:s6] =	dma.local [spmem:s18], $0x2780  }
0x137: {  	_ =	swait.ge [sflag:s26], $0x2780  }
0x138: {  	[sflag:s26] =	ssyncset.done $0x0  }
0x139: {  	s18 =	rddreg [dreg:$0x17];
	[sflag:s26] =	ssyncadd.s32 $0xFFFFD880  }
.LBB2_15:
.Ltmp14:
0x13a: {  	(pc) =	sbr.rel @p1 .LBB2_17-.Ltmp14, $3  }
0x13b: {  	_ =	sdelay $0x1  }
0x13c: {  	[bflag:$0x0] =	sbarrier.arrive $0xFFFF  }
0x13d: {  	s26 =	simm.s32 $0xD  }
.LBB2_16:
0x13e: {  	s6 =	stileid.u32;
	s18 =	rddreg [dreg:$0x3]  }
0x13f: {  	s25 =	rddreg [dreg:$0xe];
	s6 =	sshll.u32 s6, $0x6  }
.Ltmp15:
0x140: {  	s18 =	sshrl.u32 s18, $0x3;
	s6 =	sor.u32 $0x1C0D, s6;
	(pc) =	sbr.rel .LBB2_18-.Ltmp15, $4  }
0x141: {  	[hbm:s25], [sflag:s6] =	dma.local [spmem:s18], $0x2780  }
0x142: {  	_ =	swait.ge [sflag:s26], $0x2780  }
0x143: {  	[sflag:s26] =	ssyncset.done $0x0  }
0x144: {  	s18 =	rddreg [dreg:$0x17];
	[sflag:s26] =	ssyncadd.s32 $0xFFFFD880  }
.LBB2_19:
0x145: {  	_ =	sfence.sel $0x180000  }
0x146: {  	[bflag:$0x0] =	sbarrier.arrive $0xFFFF  }
0x147: {  	_ =	strace $0x9000004A  }
0x148: {  	s0 =	stileid.u32;
	[bflag:$0x2] =	sbarrier.arrive $0xFFFF  }
0x149: {  	p0 =	sne.s32 s0, $0x0;
	s0 =	rddreg [dreg:$0x2]  }
0x14a: {  	s0 =	sadd.s32 @!p0 $0x100000, s0  }
0x14b: {  	[sflag:s0] =	ssyncadd.tile.s32 @!p0 $0x1;
	_ =	shalt  }
.Lfunc_end2:
_tile_overlayer_lowered:
.L_overlay_start_2:
0x14c: {  	(tag) =	ssettag $0x2  }
0x14d: {  	s0 =	rddreg [dreg:$0x0];
	s2 =	stileid.u32  }
0x14e: {  	s1 =	rddreg [dreg:$0x1];
	p0 =	sne.s32 s2, $0x0  }
0x14f: {  	s3 =	rddreg [dreg:$0x2];
	[bflag:$0x3] =	sbarrier.arrive $0xFFFF;
	s2 =	simm.s32 @!p0 $0x1C0D  }
0x150: {  	[timem:s3], [sflag:s2] =	dma.local @!p0 [hbm:s0], s1  }
0x151: {  	s0 =	simm.s32 @!p0 $0xD  }
0x152: {  	_ =	swait.ge @!p0 [sflag:s0], s1  }
0x153: {  	s1 =	ssub.s32 @!p0 $0x0, s1;
	[sflag:s0] =	ssyncset.done @!p0 $0x0  }
0x154: {  	[sflag:s0] =	ssyncadd.s32 @!p0 s1  }
0x155: {  	[bflag:$0x3] =	sbarrier.arrive $0xFFFF  }
0x156: {  	_ =	shalt  }

// kernel: kernel.15.cloned.1.call-start
scs
__scs_entry_jumppad:
0x0: {  	(pc) =	sbr.rel $0x88, $3  }
0x1: {  	(tag) =	ssettag $0x0;
	lr =	simm.s32 $0x1  }
0x2: {  	[smem:$0x3F9B] =	sst lr;
	_ =	strace $0xD0000000  }
0x3: {  	_ = 	snop  }
0x4: {  	_ = 	snop  }
0x5: {  	_ = 	snop  }
0x6: {  	_ = 	snop  }
0x7: {  	_ = 	snop  }
__scs_overlays_trampoline_lowered:
0x8: {  	[smem:$0x3FAA] =	sst s0  }
0x9: {  	[smem:$0x3FAB] =	sst s1  }
0xa: {  	[smem:$0x3FAC] =	sst s2  }
0xb: {  	[smem:$0x3FAD] =	sst s3  }
0xc: {  	[smem:$0x3FAE] =	sst s4  }
0xd: {  	[smem:$0x3FAF] =	sst s5  }
0xe: {  	[smem:$0x3FB0] =	sst s6  }
0xf: {  	[smem:$0x3FB1] =	sst s7  }
0x10: {  	[smem:$0x3FB2] =	sst s8  }
0x11: {  	[smem:$0x3FB3] =	sst s9;
	s0 =	simm.s32 @!p0 $0x0  }
0x12: {  	s1 =	sld [smem:$0x3F99];
	s0 =	simm.s32 @p0 $0x1  }
0x13: {  	[smem:$0x3FB4] =	sst s0;
	s0 =	simm.s32 @!p1 $0x0  }
0x14: {  	s2 =	sld [smem:$0x3F98];
	s0 =	simm.s32 @p1 $0x1  }
0x15: {  	[smem:$0x3FB5] =	sst s0;
	s0 =	simm.s32 @!p2 $0x0  }
0x16: {  	s3 =	sld [smem:$0x3FDB];
	s0 =	simm.s32 @p2 $0x1  }
0x17: {  	s4 =	simm.s32 $0x1BF5;
	[smem:$0x3FB7] =	sst s0  }
0x18: {  	s0 =	sld [smem:$0x3F9A];
	_ =	swait.ge [sflag:s4], $0x0  }
0x19: {  	s7 =	sld [smem:$0x3F9B]  }
0x1a: {  	s8 =	sadd.s32 $0xFFFFE003, lr  }
0x1b: {  	s9 =	sadd.s32 $0xFFFFFEF7, lr;
	s5 =	simm.s32 $0xFFFFFFFF;
	p2 =	slt.u32 s8, $0xFFFFF086  }
0x1c: {  	p1 =	slt.u32 s9, $0xF7A;
	s5 =	simm.s32 @!p2 $0x0  }
0x1d: {  	s5 =	simm.s32 @p1 $0x1;
	p0 =	seq.s32 s7, s2  }
0x1e: {  	s7 =	smul.u32 @!p0 $0xF7A, s2;
	p2 =	seq.s32 @!p0 s5, $0x0  }
0x1f: {  	s9 =	smul.u32 $0xF7A, s1;
	s8 =	simm.s32 @!p0 $0x1BF5;
	p2 =	por !p2, p0  }
0x20: {  	[sflag:s8] =	ssyncset.s32 @!p0 $0xFFFFF086;
	s6 =	sadd.s32 @!p0 s3, s7;
	s7 =	simm.s32 @!p0 $0x108  }
0x21: {  	s3 =	sadd.s32 s3, s9;
	s6 =	sadd.s32 @!p0 $0x88, s6;
	s7 =	simm.s32 @p2 $0x1082  }
0x22: {  	[simem:s7], [sflag:s8] =	dma.local @!p0 [hbm:s6], $0xF7A  }
0x23: {  	s9 =	sor.u32 $0xD0000000, s2;
	s6 =	simm.s32 $0x108;
	_ =	swait.ge @!p0 [sflag:s8], $0x0  }
0x24: {  	s3 =	sadd.s32 $0x88, s3;
	s6 =	simm.s32 @!p1 $0x1082;
	[sflag:s4] =	ssyncset.s32 $0xFFFFF086  }
0x25: {  	[simem:s6], [sflag:s4] =	dma.local [hbm:s3], $0xF7A  }
0x26: {  	[smem:$0x3F9B] =	sst s1;
	(tag) =	ssettag s2;
	_ =	strace s9  }
0x27: {  	s1 =	sld [smem:$0x3FAB]  }
0x28: {  	s2 =	sld [smem:$0x3FAC]  }
0x29: {  	s4 =	sld [smem:$0x3FAE]  }
0x2a: {  	p0 =	seq.s32 s5, $0x0;
	s5 =	sld [smem:$0x3FAF]  }
0x2b: {  	s6 =	sld [smem:$0x3FB0]  }
0x2c: {  	s7 =	sld [smem:$0x3FB1]  }
0x2d: {  	s3 =	simm.s32 $0x108;
	s8 =	sld [smem:$0x3FB2]  }
0x2e: {  	s3 =	simm.s32 @!p0 $0x1082;
	s9 =	sld [smem:$0x3FB3]  }
0x2f: {  	lr =	sadd.s32 s0, s3;
	s0 =	sld [smem:$0x3FAA]  }
0x30: {  	s3 =	sld [smem:$0x3FAD]  }
0x31: {  	[smem:$0x3FB6] =	sst s10  }
0x32: {  	s10 =	sld [smem:$0x3FB4];
	_ =	sdelay $0x3  }
0x33: {  	p0 =	seq.s32 s10, $0x1;
	s10 =	sld [smem:$0x3FB6];
	_ =	sdelay $0x3  }
0x34: {  	[smem:$0x3FB6] =	sst s10  }
0x35: {  	s10 =	sld [smem:$0x3FB5];
	_ =	sdelay $0x3  }
0x36: {  	p1 =	seq.s32 s10, $0x1;
	s10 =	sld [smem:$0x3FB6];
	_ =	sdelay $0x3  }
0x37: {  	[smem:$0x3FB6] =	sst s10  }
0x38: {  	s10 =	sld [smem:$0x3FB7]  }
0x39: {  	_ = 	snop;
	(pc) =	sbr.ind lr, $3  }
0x3a: {  	_ = 	snop  }
0x3b: {  	_ = 	snop  }
0x3c: {  	p2 =	seq.s32 s10, $0x1;
	s10 =	sld [smem:$0x3FB6]  }
0x3d: {  	_ =	shalt  }
0x3e: {  	_ =	shalt  }
0x3f: {  	_ =	shalt  }
0x40: {  	_ =	shalt  }
0x41: {  	_ =	shalt  }
0x42: {  	_ =	shalt  }
0x43: {  	_ =	shalt  }
0x44: {  	_ =	shalt  }
0x45: {  	_ =	shalt  }
0x46: {  	_ =	shalt  }
0x47: {  	_ =	shalt  }
0x48: {  	_ =	shalt  }
0x49: {  	_ =	shalt  }
0x4a: {  	_ =	shalt  }
0x4b: {  	_ =	shalt  }
0x4c: {  	_ =	shalt  }
0x4d: {  	_ =	shalt  }
0x4e: {  	_ =	shalt  }
0x4f: {  	_ =	shalt  }
0x50: {  	_ =	shalt  }
0x51: {  	_ =	shalt  }
0x52: {  	_ =	shalt  }
0x53: {  	_ =	shalt  }
0x54: {  	_ =	shalt  }
0x55: {  	_ =	shalt  }
0x56: {  	_ =	shalt  }
0x57: {  	_ =	shalt  }
0x58: {  	_ =	shalt  }
0x59: {  	_ =	shalt  }
0x5a: {  	_ =	shalt  }
0x5b: {  	_ =	shalt  }
0x5c: {  	_ =	shalt  }
0x5d: {  	_ =	shalt  }
0x5e: {  	_ =	shalt  }
0x5f: {  	_ =	shalt  }
0x60: {  	_ =	shalt  }
0x61: {  	_ =	shalt  }
0x62: {  	_ =	shalt  }
0x63: {  	_ =	shalt  }
0x64: {  	_ =	shalt  }
0x65: {  	_ =	shalt  }
0x66: {  	_ =	shalt  }
0x67: {  	_ =	shalt  }
0x68: {  	_ =	shalt  }
0x69: {  	_ =	shalt  }
0x6a: {  	_ =	shalt  }
0x6b: {  	_ =	shalt  }
0x6c: {  	_ =	shalt  }
0x6d: {  	_ =	shalt  }
0x6e: {  	_ =	shalt  }
0x6f: {  	_ =	shalt  }
0x70: {  	_ =	shalt  }
0x71: {  	_ =	shalt  }
0x72: {  	_ =	shalt  }
0x73: {  	_ =	shalt  }
0x74: {  	_ =	shalt  }
0x75: {  	_ =	shalt  }
0x76: {  	_ =	shalt  }
0x77: {  	_ =	shalt  }
0x78: {  	_ =	shalt  }
0x79: {  	_ =	shalt  }
0x7a: {  	_ =	shalt  }
0x7b: {  	_ =	shalt  }
0x7c: {  	_ =	shalt  }
0x7d: {  	_ =	shalt  }
0x7e: {  	_ =	shalt  }
0x7f: {  	_ =	shalt  }
0x80: {  	_ =	shalt  }
0x81: {  	_ =	shalt  }
0x82: {  	_ =	shalt  }
0x83: {  	_ =	shalt  }
0x84: {  	_ =	shalt  }
0x85: {  	_ =	shalt  }
0x86: {  	_ =	shalt  }
0x87: {  	_ =	shalt  }
.Lfunc_end0:
.L_simem_size_0:
called_computation.2_lowered:
.L_overlay_start_0:
0x88: {  	s2 =	sld [smem:$0x3FD9]  }
0x89: {  	s3 =	sld [smem:$0x3FFE];
	_ =	sdelay $0x1  }
0x8a: {  	s1 =	srdreg.scid  }
0x8b: {  	s0 =	sand.u32 $0x1, s1  }
0x8c: {  	s16 =	sshll.u32 s0, $0xA;
	s2 =	sadd.s32 s3, s2  }
0x8d: {  	s2 =	sadd.s32 s2, s16  }
0x8e: {  	[smem:$0x3FC2] =	sst s2  }
0x8f: {  	_ = 	snop  }
0x90: {  	(tm) =	ssettm $0x1  }
0x91: {  	s17 =	sld [smem:$0x3FFB];
	_ =	sdelay $0x3  }
0x92: {  	_ =	strace s17  }
0x93: {  	s2 =	sld [smem:$0x3FFC];
	_ =	sdelay $0x3  }
0x94: {  	_ =	strace s2  }
0x95: {  	s2 =	sld [smem:$0x3FFD];
	_ =	sdelay $0x3  }
0x96: {  	_ =	strace s2  }
0x97: {  	_ =	strace $0x8FFFFFFF  }
0x98: {  	s18 =	sld [smem:$0x3FDB];
	_ =	sdelay $0x1  }
0x99: {  	s19 =	simm.s32 $_scs_section_size  }
0x9a: {  	s4 =	simm.s32 $_size__tile_overlayer_lowered;
	s5 =	simm.s32 $_tile_overlayer_lowered  }
0x9b: {  	s22 =	simm.s32 $0x1BFF;
	s21 =	sshll.u32 s5, $0x1;
	s2 =	sadd.s32 s19, s18  }
0x9c: {  	s6 =	simm.s32 $0x0;
	s20 =	sshll.u32 s4, $0x1;
	s4 =	sadd.s32 s21, s2  }
0x9d: {  	[timem:s6], [sflag:s22] =	dma.local [hbm:s4], s20  }
0x9e: {  	_ =	swait.ge [sflag:s22], s20  }
0x9f: {  	s3 =	ssub.s32 $0x0, s20;
	[sflag:s22] =	ssyncset.done $0x0  }
0xa0: {  	[sflag:s22] =	ssyncadd.s32 s3;
	_ =	sdelay $0x1  }
0xa1: {  	s23 =	simm.s32 $0x1B8B  }
0xa2: {  	_ =	swait.ge [sflag:s23], $0x1  }
0xa3: {  	[sflag:s23] =	ssyncset.done $0x0  }
0xa4: {  	s25 =	simm.s32 $0x1B8E;
	s24 =	sld [smem:$0x3FFE];
	[sflag:s23] =	ssyncadd.s32 $0xFFFFFFFF  }
0xa5: {  	s26 =	simm.s32 $execute0_lowered;
	[smem:$0x3FD2] =	sst s25  }
0xa6: {  	s4 =	sshll.u32 s26, $0x1;
	_ =	strace $0x8000004C;
	[dreg:$0x1] =	wrdreg $0xFFFFFFFF  }
0xa7: {  	s28 =	simm.s32 $_size_execute0_lowered;
	s2 =	sadd.s32 s2, s4;
	[dreg:$0x0] =	wrdreg $0x0  }
0xa8: {  	s4 =	sshll.u32 s28, $0x1;
	[dreg:$0x2] =	wrdreg s2  }
0xa9: {  	[dreg:$0x3] =	wrdreg s4  }
0xaa: {  	[dreg:$0x4] =	wrdreg $0xC0  }
0xab: {  	_ =	task [dreg:s6], $0x5FFFF  }
0xac: {  	[dreg:$0x1] =	wrdreg $0xFFFFFFFF  }
0xad: {  	[dreg:$0x0] =	wrdreg $0x60  }
0xae: {  	[dreg:$0x2] =	wrdreg s24  }
0xaf: {  	[dreg:$0x3] =	wrdreg $0x0  }
0xb0: {  	[dreg:$0x4] =	wrdreg $0x9  }
0xb1: {  	_ =	task.clear_ibuf [dreg:s6], $0x5FFFF;
	_ =	strace $0x9000004C  }
0xb2: {  	s29 =	simm.s32 $0x9;
	_ =	strace $0x8000004E  }
0xb3: {  	_ =	swait.ge [sflag:s29], $0x1  }
0xb4: {  	[sflag:s29] =	ssyncadd.s32 $0xFFFFFFFF  }
0xb5: {  	_ =	strace $0x9000004E  }
0xb6: {  	_ =	sfence  }
0xb7: {  	s30 =	sld [smem:$0x0];
	_ =	sdelay $0x2  }
0xb8: {  	s31 =	sshll.u32 s1, $0xD;
	s1 =	sshrl.u32 s1, $0x2  }
0xb9: {  	s3 =	sand.u32 $0x4000, s31;
	s1 =	sadd.s32 s1, s30  }
0xba: {  	s0 =	sor.u32 s3, s0;
	s1 =	sshll.u32 s1, $0x11  }
0xbb: {  	s0 =	sor.u32 s1, s0  }
0xbc: {  	s0 =	sadd.s32 $0x8F2B, s0  }
0xbd: {  	[sflag:s0] =	ssyncadd.remote.s32 $0x1  }
0xbe: {  	_ =	sfence.sel $0xFFFF  }
0xbf: {  	[dreg:$0x0] =	wrdreg $0xFFFFFFFF;
	(pc) =	sbr.abs _section_cstart, $3  }
0xc0: {  	[dreg:$0x1] =	wrdreg $0xFFFFFFFF  }
0xc1: {  	_ =	task.clear_ibuf [dreg:s6], $0x2FFFF;
	_ =	strace $0x9FFFFFFF  }
0xc2: {  	(tm) =	ssettm $0x7FFFFFFF  }
0xc3: {  	_ =	shalt  }
tec
execute0_lowered:
.L_overlay_start_1:
0x0: {  	(tag) =	ssettag $0x1  }
0x1: {  	s0 =	rddreg [dreg:$0x0]  }
0x2: {  	s1 =	rddreg [dreg:$0x1]  }
0x3: {  	s2 =	simm.s32 $0x0;
	s4 =	stileid.u32;
	s6 =	srdreg.scid  }
0x4: {  	s15 =	simm.s32 $0x1;
	s29 =	simm.s32 $0x278;
	s31 =	simm.s32 $0x2F8  }
0x5: {  	[smem:$0x7FF] =	sst s2;
	s5 =	smul.u32 $0x278, s4;
	s3 =	sadd.s32 $0xBA00, s0  }
0x6: {  	s7 =	sadd.s32 $0x6A00, s0;
	s6 =	sand.u32 $0x1, s6;
	s9 =	sadd.s32 $0x1A00, s0  }
0x7: {  	s13 =	smul.u32 $0x27, s4;
	p0 =	sne.s32 s4, $0x0;
	s24 =	sadd.s32 $0xBEA1, s0  }
0x8: {  	s25 =	sadd.s32 $0x2508, s1;
	p1 =	seq.s32 s4, $0xF;
	_ =	strace $0x8000004D  }
0x9: {  	s10 =	smul.u32 $0x271, s6;
	s12 =	ssub.s32 $0x2, s6;
	[dreg:$0x5] =	wrdreg s24  }
0xa: {  	s15 =	simm.s32 @!p0 $0x0;
	[dreg:$0x6] =	wrdreg s25;
	s30 =	smul.u32 $0x13880, s6  }
0xb: {  	p5 =	seq.s32 s6, $0x1;
	s25 =	sadd.s32 $0xC4A1, s0;
	s6 =	simm.s32 $0x4F8  }
0xc: {  	s8 =	sshrl.u32 s5, $0x3;
	s14 =	sshrl.u32 s12, $0x1;
	s18 =	sadd.s32 s5, s1  }
0xd: {  	p3 =	seq.s32 @p5 s4, $0xF;
	p6 =	seq.s32 @!p5 s4, $0xF;
	[dreg:$0x12] =	wrdreg s25  }
0xe: {  	s4 =	simm.s32 $0x478;
	s25 =	simm.s32 $0xA;
	s11 =	sadd.s32 s8, s0  }
0xf: {  	s12 =	ssub.s32 s12, s14;
	s10 =	sadd.s32 s13, s10;
	s8 =	sadd.s32 s3, s8  }
0x10: {  	s13 =	sshrl.u32 s30, $0x3;
	s0 =	sadd.s32 $0xCAA1, s0;
	p2 =	por !p3, !p5  }
0x11: {  	p3 =	por p3, !p5;
	p4 =	por !p6, p5;
	[dreg:$0x4] =	wrdreg s18  }
0x12: {  	p5 =	por p6, p5;
	[dreg:$0x3] =	wrdreg s8;
	s23 =	sadd.s32 s15, s10  }
0x13: {  	s8 =	simm.s32 $0x1;
	s20 =	sadd.s32 $0x270, s13;
	s24 =	sadd.s32 $0xC000, s11  }
0x14: {  	[dreg:$0x14] =	wrdreg s0;
	s30 =	smax.u32 s12, $0x1;
	s0 =	simm.s32 $0x3F8  }
0x15: {  	s12 =	simm.s32 $0x80;
	s5 =	sshll.u32 s23, $0x4;
	[dreg:$0x11] =	wrdreg s24  }
0x16: {  	s13 =	sadd.s32 s7, s20;
	[dreg:$0x15] =	wrdreg s30;
	s24 =	simm.s32 $0x9  }
0x17: {  	s26 =	sadd.s32 $0x10, s5;
	s14 =	sadd.s32 s7, s5;
	[dreg:$0xd] =	wrdreg s13  }
0x18: {  	s15 =	sadd.s32 s9, s5;
	s17 =	sadd.s32 $0x20, s5;
	[dreg:$0x7] =	wrdreg s14  }
0x19: {  	s21 =	sadd.s32 $0x50, s5;
	s16 =	sadd.s32 s7, s26;
	[dreg:$0x8] =	wrdreg s15  }
0x1a: {  	s5 =	sadd.s32 $0x40, s5;
	s10 =	sadd.s32 s9, s26;
	[dreg:$0x9] =	wrdreg s16  }
0x1b: {  	s13 =	simm.s32 $0x578;
	s19 =	sadd.s32 s7, s17;
	[dreg:$0xa] =	wrdreg s10  }
0x1c: {  	s22 =	sadd.s32 s21, s7;
	s23 =	sadd.s32 s21, s9;
	[dreg:$0xb] =	wrdreg s19  }
0x1d: {  	s26 =	sadd.s32 $0xC600, s11;
	s28 =	sadd.s32 $0x30, s15;
	[dreg:$0xf] =	wrdreg s22  }
0x1e: {  	s11 =	simm.s32 $0x4;
	s15 =	simm.s32 $0x3;
	[dreg:$0x10] =	wrdreg s23  }
0x1f: {  	s21 =	simm.s32 $0x678;
	s10 =	sadd.s32 s9, s17;
	[dreg:$0x13] =	wrdreg s26  }
0x20: {  	s19 =	sadd.s32 s5, s7;
	s26 =	sadd.s32 $0x30, s14;
	[dreg:$0x1a] =	wrdreg s28  }
0x21: {  	s14 =	simm.s32 $0x2;
	s17 =	simm.s32 $0x0;
	[dreg:$0xc] =	wrdreg s10  }
.Ltmp0:
0x22: {  	s16 =	simm.s32 $0x6;
	[dreg:$0x16] =	wrdreg s17;
	(pc) =	sbr.rel .LBB2_1-.Ltmp0, $4  }
0x23: {  	s22 =	simm.s32 $0x7;
	s23 =	simm.s32 $0x8;
	[dreg:$0x17] =	wrdreg s19  }
0x24: {  	s7 =	simm.s32 $0xC;
	s10 =	sadd.s32 s9, s20;
	[dreg:$0x19] =	wrdreg s26  }
0x25: {  	s20 =	sadd.s32 s5, s9;
	s9 =	simm.s32 $0x5;
	[dreg:$0xe] =	wrdreg s10  }
0x26: {  	s5 =	simm.s32 $0xB;
	s10 =	simm.s32 $0x5F8;
	[dreg:$0x18] =	wrdreg s20  }
.LBB2_4:
0x27: {  	_ =	swait.ge [sflag:s5], $0x80  }
0x28: {  	[sflag:s5] =	ssyncset.done $0x0  }
0x29: {  	[sflag:s5] =	ssyncadd.s32 $0xFFFFFF80  }
0x2a: {  	_ =	swait.ge [sflag:s7], $0x80  }
0x2b: {  	s18 =	simm.s32 @!p0 $0x0;
	[sflag:s7] =	ssyncset.done $0x0  }
0x2c: {  	s19 =	simm.s32 @!p0 $0x278;
	s17 =	rddreg [dreg:$0xd];
	[sflag:s7] =	ssyncadd.s32 $0xFFFFFF80  }
0x2d: {  	[tilespmem:s19], [sflag:$0xD] =	stream.linear.gather @!p0 [hbm4b:s17+s18], $0x80, $0x38;
	[tilespmem:$0x978] =	vst v63  }
0x2e: {  	s17 =	simm.s32 @!p0 $0xD  }
0x2f: {  	_ =	swait.ge @!p0 [sflag:s17], $0x80  }
0x30: {  	s19 =	simm.s32 @!p0 $0x0;
	[sflag:s17] =	ssyncset.done @!p0 $0x0  }
0x31: {  	s18 =	rddreg [dreg:$0xe];
	[sflag:s17] =	ssyncadd.s32 @!p0 $0xFFFFFF80;
	s17 =	simm.s32 @!p0 $0x378  }
0x32: {  	[tilespmem:s17], [sflag:$0xD] =	stream.linear.gather @!p0 [hbm4b:s18+s19], $0x80, $0x38;
	[tilespmem:$0x978] =	vst v63  }
0x33: {  	s17 =	simm.s32 @!p0 $0xD  }
0x34: {  	s19 =	rddreg [dreg:$0x17];
	_ =	swait.ge @!p0 [sflag:s17], $0x80  }
0x35: {  	s20 =	simm.s32 @!p0 $0x578;
	[sflag:s17] =	ssyncset.done @!p0 $0x0  }
0x36: {  	s18 =	simm.s32 @!p0 $0x278;
	[sflag:s17] =	ssyncadd.s32 @!p0 $0xFFFFFF80;
	s17 =	simm.s32 @!p0 $0x80  }
0x37: {  	[tilespmem:s20], [sflag:$0x7] =	stream.indirect.gather @!p0 [hbm4b:s3+s17], $0x1, s18, s17, $0xb8;
	[tilespmem:$0x978] =	vst v63  }
0x38: {  	s18 =	simm.s32 @!p0 $0x7  }
0x39: {  	_ =	swait.ge @!p0 [sflag:s18], $0x80  }
0x3a: {  	s17 =	simm.s32 @!p0 $0x80;
	[sflag:s18] =	ssyncset.done @!p0 $0x0  }
0x3b: {  	s20 =	simm.s32 @!p0 $0x578;
	[sflag:s18] =	ssyncadd.s32 @!p0 $0xFFFFFF80;
	s18 =	simm.s32 @!p0 $0x378  }
0x3c: {  	[spmem:s1] =	stream.indirect.scatter.add.f32 @!p0 [tilespmem:s20], [sflag:$0xD], $0x1, s18, s17, $0xb8;
	[tilespmem:$0x978] =	vst v63  }
0x3d: {  	s17 =	simm.s32 @!p0 $0xD  }
0x3e: {  	s20 =	rddreg [dreg:$0x18];
	_ =	swait.ge @!p0 [sflag:s17], $0x80  }
0x3f: {  	[sflag:s17] =	ssyncset.done @!p0 $0x0  }
0x40: {  	[sflag:s17] =	ssyncadd.s32 @!p0 $0xFFFFFF80  }
0x41: {  	[bflag:$0x0] =	sbarrier.arrive $0xFFFF  }
0x42: {  	s18 =	simm.s32 @!p2 $0x6F8;
	s17 =	rddreg [dreg:$0x6]  }
0x43: {  	[tilespmem:s18], [sflag:$0xD] =	stream.linear.gather @!p2 [spmem:s17], $0x208, $0x38;
	[tilespmem:$0x978] =	vst v63  }
0x44: {  	s17 =	simm.s32 @!p2 $0xD  }
0x45: {  	_ =	swait.ge @!p2 [sflag:s17], $0x208  }
0x46: {  	s29 =	simm.s32 @!p2 $0xD;
	s28 =	simm.s32 @!p2 $0x6F8;
	[sflag:s17] =	ssyncset.done @!p2 $0x0  }
0x47: {  	s18 =	rddreg [dreg:$0x14];
	[sflag:s17] =	ssyncadd.s32 @!p2 $0xFFFFFDF8;
	s17 =	simm.s32 @!p2 $0x0  }
0x48: {  	[hbm4b:s18+s17] =	stream.linear.scatter @!p2 [tilespmem:s28], [sflag:$0xD], $0x208, $0x38;
	[tilespmem:$0x978] =	vst v63  }
0x49: {  	s28 =	rddreg [dreg:$0x1a];
	_ =	swait.ge @!p2 [sflag:s29], $0x208  }
0x4a: {  	[sflag:s29] =	ssyncset.done @!p2 $0x0  }
0x4b: {  	s18 =	simm.s32 @!p3 $0x6F8;
	s17 =	rddreg [dreg:$0x4];
	[sflag:s29] =	ssyncadd.s32 @!p2 $0xFFFFFDF8  }
0x4c: {  	[tilespmem:s18], [sflag:$0xD] =	stream.linear.gather @!p3 [spmem:s17], $0x278, $0x38;
	[tilespmem:$0x978] =	vst v63  }
0x4d: {  	s17 =	simm.s32 @!p3 $0xD  }
0x4e: {  	_ =	swait.ge @!p3 [sflag:s17], $0x278  }
0x4f: {  	s26 =	simm.s32 @!p3 $0x6F8;
	s29 =	simm.s32 @!p3 $0xD;
	[sflag:s17] =	ssyncset.done @!p3 $0x0  }
0x50: {  	s18 =	rddreg [dreg:$0x13];
	[sflag:s17] =	ssyncadd.s32 @!p3 $0xFFFFFD88;
	s17 =	simm.s32 @!p3 $0x0  }
0x51: {  	[hbm4b:s18+s17] =	stream.linear.scatter @!p3 [tilespmem:s26], [sflag:$0xD], $0x278, $0x38;
	[tilespmem:$0x978] =	vst v63  }
0x52: {  	s26 =	rddreg [dreg:$0x19];
	_ =	swait.ge @!p3 [sflag:s29], $0x278  }
0x53: {  	[sflag:s29] =	ssyncset.done @!p3 $0x0  }
0x54: {  	s18 =	simm.s32 @!p4 $0x6F8;
	s17 =	rddreg [dreg:$0x6];
	[sflag:s29] =	ssyncadd.s32 @!p3 $0xFFFFFD88  }
0x55: {  	[tilespmem:s18], [sflag:$0xD] =	stream.linear.gather @!p4 [spmem:s17], $0x208, $0x38;
	[tilespmem:$0x978] =	vst v63  }
0x56: {  	s17 =	simm.s32 @!p4 $0xD  }
0x57: {  	_ =	swait.ge @!p4 [sflag:s17], $0x208  }
0x58: {  	s29 =	simm.s32 @!p4 $0x6F8;
	[sflag:s17] =	ssyncset.done @!p4 $0x0  }
0x59: {  	s18 =	rddreg [dreg:$0x12];
	[sflag:s17] =	ssyncadd.s32 @!p4 $0xFFFFFDF8;
	s17 =	simm.s32 @!p4 $0x0  }
0x5a: {  	[hbm4b:s18+s17] =	stream.linear.scatter @!p4 [tilespmem:s29], [sflag:$0xD], $0x208, $0x38;
	[tilespmem:$0x978] =	vst v63  }
0x5b: {  	s17 =	simm.s32 @!p4 $0xD  }
0x5c: {  	_ =	swait.ge @!p4 [sflag:s17], $0x208  }
0x5d: {  	[sflag:s17] =	ssyncset.done @!p4 $0x0  }
0x5e: {  	s18 =	simm.s32 @!p5 $0x6F8;
	[sflag:s17] =	ssyncadd.s32 @!p4 $0xFFFFFDF8;
	s17 =	rddreg [dreg:$0x4]  }
0x5f: {  	[tilespmem:s18], [sflag:$0xD] =	stream.linear.gather @!p5 [spmem:s17], $0x278, $0x38;
	[tilespmem:$0x978] =	vst v63  }
0x60: {  	s17 =	simm.s32 @!p5 $0xD  }
0x61: {  	_ =	swait.ge @!p5 [sflag:s17], $0x278  }
0x62: {  	s29 =	simm.s32 @!p5 $0x6F8;
	[sflag:s17] =	ssyncset.done @!p5 $0x0  }
0x63: {  	s18 =	rddreg [dreg:$0x11];
	[sflag:s17] =	ssyncadd.s32 @!p5 $0xFFFFFD88;
	s17 =	simm.s32 @!p5 $0x0  }
0x64: {  	[hbm4b:s18+s17] =	stream.linear.scatter @!p5 [tilespmem:s29], [sflag:$0xD], $0x278, $0x38;
	[tilespmem:$0x978] =	vst v63  }
0x65: {  	s17 =	simm.s32 @!p5 $0xD  }
0x66: {  	_ =	swait.ge @!p5 [sflag:s17], $0x278  }
0x67: {  	s30 =	rddreg [dreg:$0x16]  }
0x68: {  	[sflag:s17] =	ssyncset.done @!p5 $0x0;
	s17 =	rddreg [dreg:$0x15];
	s18 =	sadd.s32 $0x1, s30  }
0x69: {  	p6 =	sne.s32 s18, s17  }
.Ltmp1:
0x6a: {  	_ = 	snop;
	(pc) =	sbr.rel @!p6 .LBB2_5-.Ltmp1, $3  }
0x6b: {  	_ =	sdelay $0x1  }
0x6c: {  	s30 =	simm.s32 @!p5 $0xD  }
0x6d: {  	s29 =	simm.s32 $0x278;
	[dreg:$0x16] =	wrdreg s18;
	[sflag:s30] =	ssyncadd.s32 @!p5 $0xFFFFFD88  }
.LBB2_1:
0x6e: {  	s30 =	simm.s32 @p1 $0x0;
	s18 =	simm.s32 @p1 $0x6F8;
	s17 =	rddreg [dreg:$0x5]  }
0x6f: {  	[tilespmem:s18], [sflag:$0xD] =	stream.linear.gather @p1 [hbm4b:s17+s30], $0x208, $0x38;
	[tilespmem:$0x978] =	vst v63  }
0x70: {  	s17 =	simm.s32 @p1 $0xD  }
0x71: {  	_ =	swait.ge @p1 [sflag:s17], $0x208  }
0x72: {  	[sflag:s17] =	ssyncset.done @p1 $0x0  }
0x73: {  	s18 =	rddreg [dreg:$0x6];
	[sflag:s17] =	ssyncadd.s32 @p1 $0xFFFFFDF8;
	s17 =	simm.s32 @p1 $0x6F8  }
0x74: {  	[spmem:s18] =	stream.linear.scatter @p1 [tilespmem:s17], [sflag:$0xD], $0x208, $0x38;
	[tilespmem:$0x978] =	vst v63  }
0x75: {  	s17 =	simm.s32 @p1 $0xD  }
0x76: {  	_ =	swait.ge @p1 [sflag:s17], $0x208  }
0x77: {  	s30 =	simm.s32 @!p1 $0x6F8;
	[sflag:s17] =	ssyncset.done @p1 $0x0  }
0x78: {  	s18 =	simm.s32 @!p1 $0x0;
	[sflag:s17] =	ssyncadd.s32 @p1 $0xFFFFFDF8;
	s17 =	rddreg [dreg:$0x3]  }
0x79: {  	[tilespmem:s30], [sflag:$0xD] =	stream.linear.gather @!p1 [hbm4b:s17+s18], $0x278, $0x38;
	[tilespmem:$0x978] =	vst v63  }
0x7a: {  	s17 =	simm.s32 @!p1 $0xD  }
0x7b: {  	_ =	swait.ge @!p1 [sflag:s17], $0x278  }
0x7c: {  	[sflag:s17] =	ssyncset.done @!p1 $0x0  }
0x7d: {  	s18 =	rddreg [dreg:$0x4];
	[sflag:s17] =	ssyncadd.s32 @!p1 $0xFFFFFD88;
	s17 =	simm.s32 @!p1 $0x6F8  }
0x7e: {  	[spmem:s18] =	stream.linear.scatter @!p1 [tilespmem:s17], [sflag:$0xD], $0x278, $0x38;
	[tilespmem:$0x978] =	vst v63  }
0x7f: {  	s17 =	simm.s32 @!p1 $0xD  }
0x80: {  	_ =	swait.ge @!p1 [sflag:s17], $0x278  }
0x81: {  	[sflag:s17] =	ssyncset.done @!p1 $0x0  }
0x82: {  	[sflag:s17] =	ssyncadd.s32 @!p1 $0xFFFFFD88  }
0x83: {  	[bflag:$0x0] =	sbarrier.arrive $0xFFFF  }
0x84: {  	s18 =	rddreg [dreg:$0x7]  }
0x85: {  	[tilespmem:s29], [sflag:$0x1] =	stream.linear.gather [hbm4b:s18+s2], $0x80, $0x38;
	[tilespmem:$0x978] =	vst v63  }
0x86: {  	s30 =	simm.s32 $0x378;
	s18 =	rddreg [dreg:$0x8]  }
0x87: {  	[tilespmem:s30], [sflag:$0x4] =	stream.linear.gather [hbm4b:s18+s2], $0x80, $0x38;
	[tilespmem:$0x978] =	vst v63  }
0x88: {  	s18 =	rddreg [dreg:$0x9]  }
0x89: {  	[tilespmem:s31], [sflag:$0x2] =	stream.linear.gather [hbm4b:s18+s2], $0x80, $0x38;
	[tilespmem:$0x978] =	vst v63  }
0x8a: {  	s18 =	rddreg [dreg:$0xa]  }
0x8b: {  	[tilespmem:s0], [sflag:$0x5] =	stream.linear.gather [hbm4b:s18+s2], $0x80, $0x38;
	[tilespmem:$0x978] =	vst v63  }
0x8c: {  	s18 =	rddreg [dreg:$0xb]  }
0x8d: {  	[tilespmem:s4], [sflag:$0x3] =	stream.linear.gather [hbm4b:s18+s2], $0x80, $0x38;
	[tilespmem:$0x978] =	vst v63  }
0x8e: {  	s18 =	rddreg [dreg:$0xc]  }
0x8f: {  	[tilespmem:s6], [sflag:$0x6] =	stream.linear.gather [hbm4b:s18+s2], $0x80, $0x38;
	[tilespmem:$0x978] =	vst v63  }
0x90: {  	_ =	swait.ge [sflag:s8], $0x80  }
0x91: {  	[sflag:s8] =	ssyncset.done $0x0  }
0x92: {  	[sflag:s8] =	ssyncadd.s32 $0xFFFFFF80  }
0x93: {  	_ =	swait.ge [sflag:s11], $0x80  }
0x94: {  	[sflag:s11] =	ssyncset.done $0x0  }
0x95: {  	[sflag:s11] =	ssyncadd.s32 $0xFFFFFF80  }
0x96: {  	[tilespmem:s13], [sflag:$0x7] =	stream.indirect.gather [hbm4b:s3+s12], $0x1, s29, s12, $0xb8;
	[tilespmem:$0x978] =	vst v63  }
0x97: {  	_ =	swait.ge [sflag:s14], $0x80  }
0x98: {  	[sflag:s14] =	ssyncset.done $0x0  }
0x99: {  	[sflag:s14] =	ssyncadd.s32 $0xFFFFFF80  }
0x9a: {  	_ =	swait.ge [sflag:s9], $0x80  }
0x9b: {  	[sflag:s9] =	ssyncset.done $0x0  }
0x9c: {  	[sflag:s9] =	ssyncadd.s32 $0xFFFFFF80  }
0x9d: {  	[tilespmem:s10], [sflag:$0x8] =	stream.indirect.gather [hbm4b:s3+s12], $0x1, s31, s12, $0xb8;
	[tilespmem:$0x978] =	vst v63  }
0x9e: {  	_ =	swait.ge [sflag:s15], $0x80  }
0x9f: {  	[sflag:s15] =	ssyncset.done $0x0  }
0xa0: {  	[sflag:s15] =	ssyncadd.s32 $0xFFFFFF80  }
0xa1: {  	_ =	swait.ge [sflag:s16], $0x80  }
0xa2: {  	[sflag:s16] =	ssyncset.done $0x0  }
0xa3: {  	s17 =	simm.s32 $0x0;
	[sflag:s16] =	ssyncadd.s32 $0xFFFFFF80  }
0xa4: {  	[tilespmem:s21], [sflag:$0x9] =	stream.indirect.gather [hbm4b:s3+s12], $0x1, s4, s12, $0xb8;
	[tilespmem:$0x978] =	vst v63  }
.LBB2_2:
0xa5: {  	_ =	swait.ge [sflag:s22], $0x80  }
0xa6: {  	[sflag:s22] =	ssyncset.done $0x0  }
0xa7: {  	[sflag:s22] =	ssyncadd.s32 $0xFFFFFF80  }
0xa8: {  	[spmem:s1] =	stream.indirect.scatter.add.f32 [tilespmem:s13], [sflag:$0xA], $0x1, s30, s12, $0xb8;
	[tilespmem:$0x978] =	vst v63  }
0xa9: {  	_ =	swait.ge [sflag:s23], $0x80  }
0xaa: {  	[sflag:s23] =	ssyncset.done $0x0  }
0xab: {  	[sflag:s23] =	ssyncadd.s32 $0xFFFFFF80  }
0xac: {  	[spmem:s1] =	stream.indirect.scatter.add.f32 [tilespmem:s10], [sflag:$0xB], $0x1, s0, s12, $0xb8;
	[tilespmem:$0x978] =	vst v63  }
0xad: {  	_ =	swait.ge [sflag:s24], $0x80  }
0xae: {  	p6 =	seq.s32 s17, $0x240;
	[sflag:s24] =	ssyncset.done $0x0  }
.Ltmp2:
0xaf: {  	[sflag:s24] =	ssyncadd.s32 $0xFFFFFF80;
	(pc) =	sbr.rel @p6 .LBB2_4-.Ltmp2, $4  }
0xb0: {  	[spmem:s1] =	stream.indirect.scatter.add.f32 [tilespmem:s21], [sflag:$0xC], $0x1, s6, s12, $0xb8;
	[tilespmem:$0x978] =	vst v63  }
0xb1: {  	_ =	swait.ge [sflag:s25], $0x80  }
0xb2: {  	[sflag:s25] =	ssyncset.done $0x0  }
0xb3: {  	[sflag:s25] =	ssyncadd.s32 $0xFFFFFF80  }
0xb4: {  	s18 =	sadd.s32 s17, s26  }
0xb5: {  	[tilespmem:s29], [sflag:$0x1] =	stream.linear.gather [hbm4b:s18+s2], $0x80, $0x38;
	[tilespmem:$0x978] =	vst v63  }
0xb6: {  	s18 =	sadd.s32 s17, s28  }
0xb7: {  	[tilespmem:s30], [sflag:$0x4] =	stream.linear.gather [hbm4b:s18+s2], $0x80, $0x38;
	[tilespmem:$0x978] =	vst v63  }
0xb8: {  	_ =	swait.ge [sflag:s8], $0x80  }
0xb9: {  	[sflag:s8] =	ssyncset.done $0x0  }
0xba: {  	[sflag:s8] =	ssyncadd.s32 $0xFFFFFF80  }
0xbb: {  	_ =	swait.ge [sflag:s11], $0x80  }
0xbc: {  	[sflag:s11] =	ssyncset.done $0x0  }
0xbd: {  	[sflag:s11] =	ssyncadd.s32 $0xFFFFFF80  }
0xbe: {  	[tilespmem:s13], [sflag:$0x7] =	stream.indirect.gather [hbm4b:s3+s12], $0x1, s29, s12, $0xb8;
	[tilespmem:$0x978] =	vst v63  }
0xbf: {  	_ =	swait.ge [sflag:s5], $0x80  }
0xc0: {  	[sflag:s5] =	ssyncset.done $0x0  }
0xc1: {  	s18 =	sadd.s32 s17, s19;
	[sflag:s5] =	ssyncadd.s32 $0xFFFFFF80  }
0xc2: {  	[tilespmem:s31], [sflag:$0x2] =	stream.linear.gather [hbm4b:s18+s2], $0x80, $0x38;
	[tilespmem:$0x978] =	vst v63  }
0xc3: {  	s18 =	sadd.s32 s17, s20  }
0xc4: {  	[tilespmem:s0], [sflag:$0x5] =	stream.linear.gather [hbm4b:s18+s2], $0x80, $0x38;
	[tilespmem:$0x978] =	vst v63  }
0xc5: {  	_ =	swait.ge [sflag:s14], $0x80  }
0xc6: {  	[sflag:s14] =	ssyncset.done $0x0  }
0xc7: {  	[sflag:s14] =	ssyncadd.s32 $0xFFFFFF80  }
0xc8: {  	_ =	swait.ge [sflag:s9], $0x80  }
0xc9: {  	[sflag:s9] =	ssyncset.done $0x0  }
0xca: {  	[sflag:s9] =	ssyncadd.s32 $0xFFFFFF80  }
0xcb: {  	[tilespmem:s10], [sflag:$0x8] =	stream.indirect.gather [hbm4b:s3+s12], $0x1, s31, s12, $0xb8;
	[tilespmem:$0x978] =	vst v63  }
0xcc: {  	_ =	swait.ge [sflag:s7], $0x80  }
0xcd: {  	[sflag:s7] =	ssyncset.done $0x0;
	s18 =	rddreg [dreg:$0xf]  }
0xce: {  	[sflag:s7] =	ssyncadd.s32 $0xFFFFFF80;
	s18 =	sadd.s32 s17, s18  }
0xcf: {  	[tilespmem:s4], [sflag:$0x3] =	stream.linear.gather [hbm4b:s18+s2], $0x80, $0x38;
	[tilespmem:$0x978] =	vst v63  }
0xd0: {  	s18 =	rddreg [dreg:$0x10]  }
0xd1: {  	s18 =	sadd.s32 s17, s18  }
0xd2: {  	[tilespmem:s6], [sflag:$0x6] =	stream.linear.gather [hbm4b:s18+s2], $0x80, $0x38;
	[tilespmem:$0x978] =	vst v63  }
0xd3: {  	_ =	swait.ge [sflag:s15], $0x80  }
0xd4: {  	[sflag:s15] =	ssyncset.done $0x0  }
.Ltmp3:
0xd5: {  	[sflag:s15] =	ssyncadd.s32 $0xFFFFFF80;
	(pc) =	sbr.rel .LBB2_2-.Ltmp3, $4  }
0xd6: {  	_ =	swait.ge [sflag:s16], $0x80  }
0xd7: {  	[sflag:s16] =	ssyncset.done $0x0  }
0xd8: {  	s17 =	sadd.s32 $0x30, s17;
	[sflag:s16] =	ssyncadd.s32 $0xFFFFFF80  }
0xd9: {  	[tilespmem:s21], [sflag:$0x9] =	stream.indirect.gather [hbm4b:s3+s12], $0x1, s4, s12, $0xb8;
	[tilespmem:$0x978] =	vst v63  }
.LBB2_5:
0xda: {  	_ =	sfence.sel $0x180000  }
0xdb: {  	[bflag:$0x0] =	sbarrier.arrive $0xFFFF  }
0xdc: {  	_ =	strace $0x9000004D  }
0xdd: {  	[bflag:$0x2] =	sbarrier.arrive $0xFFFF  }
0xde: {  	s0 =	rddreg [dreg:$0x2]  }
0xdf: {  	s0 =	sadd.s32 @!p0 $0x100000, s0  }
0xe0: {  	[sflag:s0] =	ssyncadd.tile.s32 @!p0 $0x1;
	_ =	shalt  }
.Lfunc_end2:
_tile_overlayer_lowered:
.L_overlay_start_2:
0xe1: {  	(tag) =	ssettag $0x2  }
0xe2: {  	s0 =	rddreg [dreg:$0x0];
	s2 =	stileid.u32  }
0xe3: {  	s1 =	rddreg [dreg:$0x1];
	p0 =	sne.s32 s2, $0x0  }
0xe4: {  	s3 =	rddreg [dreg:$0x2];
	[bflag:$0x3] =	sbarrier.arrive $0xFFFF;
	s2 =	simm.s32 @!p0 $0x1C0D  }
0xe5: {  	[timem:s3], [sflag:s2] =	dma.local @!p0 [hbm:s0], s1  }
0xe6: {  	s0 =	simm.s32 @!p0 $0xD  }
0xe7: {  	_ =	swait.ge @!p0 [sflag:s0], s1  }
0xe8: {  	s1 =	ssub.s32 @!p0 $0x0, s1;
	[sflag:s0] =	ssyncset.done @!p0 $0x0  }
0xe9: {  	[sflag:s0] =	ssyncadd.s32 @!p0 s1  }
0xea: {  	[bflag:$0x3] =	sbarrier.arrive $0xFFFF  }
0xeb: {  	_ =	shalt  }

// kernel: kernel.9.cloned.1.call-start
scs
__scs_entry_jumppad:
0x0: {  	(pc) =	sbr.rel $0x88, $3  }
0x1: {  	(tag) =	ssettag $0x0;
	lr =	simm.s32 $0x1  }
0x2: {  	[smem:$0x3F9B] =	sst lr;
	_ =	strace $0xD0000000  }
0x3: {  	_ = 	snop  }
0x4: {  	_ = 	snop  }
0x5: {  	_ = 	snop  }
0x6: {  	_ = 	snop  }
0x7: {  	_ = 	snop  }
__scs_overlays_trampoline_lowered:
0x8: {  	[smem:$0x3FAA] =	sst s0  }
0x9: {  	[smem:$0x3FAB] =	sst s1  }
0xa: {  	[smem:$0x3FAC] =	sst s2  }
0xb: {  	[smem:$0x3FAD] =	sst s3  }
0xc: {  	[smem:$0x3FAE] =	sst s4  }
0xd: {  	[smem:$0x3FAF] =	sst s5  }
0xe: {  	[smem:$0x3FB0] =	sst s6  }
0xf: {  	[smem:$0x3FB1] =	sst s7  }
0x10: {  	[smem:$0x3FB2] =	sst s8  }
0x11: {  	[smem:$0x3FB3] =	sst s9;
	s0 =	simm.s32 @!p0 $0x0  }
0x12: {  	s1 =	sld [smem:$0x3F99];
	s0 =	simm.s32 @p0 $0x1  }
0x13: {  	[smem:$0x3FB4] =	sst s0;
	s0 =	simm.s32 @!p1 $0x0  }
0x14: {  	s2 =	sld [smem:$0x3F98];
	s0 =	simm.s32 @p1 $0x1  }
0x15: {  	[smem:$0x3FB5] =	sst s0;
	s0 =	simm.s32 @!p2 $0x0  }
0x16: {  	s3 =	sld [smem:$0x3FDB];
	s0 =	simm.s32 @p2 $0x1  }
0x17: {  	s4 =	simm.s32 $0x1BF5;
	[smem:$0x3FB7] =	sst s0  }
0x18: {  	s0 =	sld [smem:$0x3F9A];
	_ =	swait.ge [sflag:s4], $0x0  }
0x19: {  	s7 =	sld [smem:$0x3F9B]  }
0x1a: {  	s8 =	sadd.s32 $0xFFFFE003, lr  }
0x1b: {  	s9 =	sadd.s32 $0xFFFFFEF7, lr;
	s5 =	simm.s32 $0xFFFFFFFF;
	p2 =	slt.u32 s8, $0xFFFFF086  }
0x1c: {  	p1 =	slt.u32 s9, $0xF7A;
	s5 =	simm.s32 @!p2 $0x0  }
0x1d: {  	s5 =	simm.s32 @p1 $0x1;
	p0 =	seq.s32 s7, s2  }
0x1e: {  	s7 =	smul.u32 @!p0 $0xF7A, s2;
	p2 =	seq.s32 @!p0 s5, $0x0  }
0x1f: {  	s9 =	smul.u32 $0xF7A, s1;
	s8 =	simm.s32 @!p0 $0x1BF5;
	p2 =	por !p2, p0  }
0x20: {  	[sflag:s8] =	ssyncset.s32 @!p0 $0xFFFFF086;
	s6 =	sadd.s32 @!p0 s3, s7;
	s7 =	simm.s32 @!p0 $0x108  }
0x21: {  	s3 =	sadd.s32 s3, s9;
	s6 =	sadd.s32 @!p0 $0x88, s6;
	s7 =	simm.s32 @p2 $0x1082  }
0x22: {  	[simem:s7], [sflag:s8] =	dma.local @!p0 [hbm:s6], $0xF7A  }
0x23: {  	s9 =	sor.u32 $0xD0000000, s2;
	s6 =	simm.s32 $0x108;
	_ =	swait.ge @!p0 [sflag:s8], $0x0  }
0x24: {  	s3 =	sadd.s32 $0x88, s3;
	s6 =	simm.s32 @!p1 $0x1082;
	[sflag:s4] =	ssyncset.s32 $0xFFFFF086  }
0x25: {  	[simem:s6], [sflag:s4] =	dma.local [hbm:s3], $0xF7A  }
0x26: {  	[smem:$0x3F9B] =	sst s1;
	(tag) =	ssettag s2;
	_ =	strace s9  }
0x27: {  	s1 =	sld [smem:$0x3FAB]  }
0x28: {  	s2 =	sld [smem:$0x3FAC]  }
0x29: {  	s4 =	sld [smem:$0x3FAE]  }
0x2a: {  	p0 =	seq.s32 s5, $0x0;
	s5 =	sld [smem:$0x3FAF]  }
0x2b: {  	s6 =	sld [smem:$0x3FB0]  }
0x2c: {  	s7 =	sld [smem:$0x3FB1]  }
0x2d: {  	s3 =	simm.s32 $0x108;
	s8 =	sld [smem:$0x3FB2]  }
0x2e: {  	s3 =	simm.s32 @!p0 $0x1082;
	s9 =	sld [smem:$0x3FB3]  }
0x2f: {  	lr =	sadd.s32 s0, s3;
	s0 =	sld [smem:$0x3FAA]  }
0x30: {  	s3 =	sld [smem:$0x3FAD]  }
0x31: {  	[smem:$0x3FB6] =	sst s10  }
0x32: {  	s10 =	sld [smem:$0x3FB4];
	_ =	sdelay $0x3  }
0x33: {  	p0 =	seq.s32 s10, $0x1;
	s10 =	sld [smem:$0x3FB6];
	_ =	sdelay $0x3  }
0x34: {  	[smem:$0x3FB6] =	sst s10  }
0x35: {  	s10 =	sld [smem:$0x3FB5];
	_ =	sdelay $0x3  }
0x36: {  	p1 =	seq.s32 s10, $0x1;
	s10 =	sld [smem:$0x3FB6];
	_ =	sdelay $0x3  }
0x37: {  	[smem:$0x3FB6] =	sst s10  }
0x38: {  	s10 =	sld [smem:$0x3FB7]  }
0x39: {  	_ = 	snop;
	(pc) =	sbr.ind lr, $3  }
0x3a: {  	_ = 	snop  }
0x3b: {  	_ = 	snop  }
0x3c: {  	p2 =	seq.s32 s10, $0x1;
	s10 =	sld [smem:$0x3FB6]  }
0x3d: {  	_ =	shalt  }
0x3e: {  	_ =	shalt  }
0x3f: {  	_ =	shalt  }
0x40: {  	_ =	shalt  }
0x41: {  	_ =	shalt  }
0x42: {  	_ =	shalt  }
0x43: {  	_ =	shalt  }
0x44: {  	_ =	shalt  }
0x45: {  	_ =	shalt  }
0x46: {  	_ =	shalt  }
0x47: {  	_ =	shalt  }
0x48: {  	_ =	shalt  }
0x49: {  	_ =	shalt  }
0x4a: {  	_ =	shalt  }
0x4b: {  	_ =	shalt  }
0x4c: {  	_ =	shalt  }
0x4d: {  	_ =	shalt  }
0x4e: {  	_ =	shalt  }
0x4f: {  	_ =	shalt  }
0x50: {  	_ =	shalt  }
0x51: {  	_ =	shalt  }
0x52: {  	_ =	shalt  }
0x53: {  	_ =	shalt  }
0x54: {  	_ =	shalt  }
0x55: {  	_ =	shalt  }
0x56: {  	_ =	shalt  }
0x57: {  	_ =	shalt  }
0x58: {  	_ =	shalt  }
0x59: {  	_ =	shalt  }
0x5a: {  	_ =	shalt  }
0x5b: {  	_ =	shalt  }
0x5c: {  	_ =	shalt  }
0x5d: {  	_ =	shalt  }
0x5e: {  	_ =	shalt  }
0x5f: {  	_ =	shalt  }
0x60: {  	_ =	shalt  }
0x61: {  	_ =	shalt  }
0x62: {  	_ =	shalt  }
0x63: {  	_ =	shalt  }
0x64: {  	_ =	shalt  }
0x65: {  	_ =	shalt  }
0x66: {  	_ =	shalt  }
0x67: {  	_ =	shalt  }
0x68: {  	_ =	shalt  }
0x69: {  	_ =	shalt  }
0x6a: {  	_ =	shalt  }
0x6b: {  	_ =	shalt  }
0x6c: {  	_ =	shalt  }
0x6d: {  	_ =	shalt  }
0x6e: {  	_ =	shalt  }
0x6f: {  	_ =	shalt  }
0x70: {  	_ =	shalt  }
0x71: {  	_ =	shalt  }
0x72: {  	_ =	shalt  }
0x73: {  	_ =	shalt  }
0x74: {  	_ =	shalt  }
0x75: {  	_ =	shalt  }
0x76: {  	_ =	shalt  }
0x77: {  	_ =	shalt  }
0x78: {  	_ =	shalt  }
0x79: {  	_ =	shalt  }
0x7a: {  	_ =	shalt  }
0x7b: {  	_ =	shalt  }
0x7c: {  	_ =	shalt  }
0x7d: {  	_ =	shalt  }
0x7e: {  	_ =	shalt  }
0x7f: {  	_ =	shalt  }
0x80: {  	_ =	shalt  }
0x81: {  	_ =	shalt  }
0x82: {  	_ =	shalt  }
0x83: {  	_ =	shalt  }
0x84: {  	_ =	shalt  }
0x85: {  	_ =	shalt  }
0x86: {  	_ =	shalt  }
0x87: {  	_ =	shalt  }
.Lfunc_end0:
.L_simem_size_0:
called_computation_lowered:
.L_overlay_start_0:
0x88: {  	s2 =	sld [smem:$0x3FD9]  }
0x89: {  	s3 =	sld [smem:$0x3FFE];
	_ =	sdelay $0x1  }
0x8a: {  	s1 =	srdreg.scid  }
0x8b: {  	s0 =	sand.u32 $0x1, s1  }
0x8c: {  	s16 =	sshll.u32 s0, $0xA;
	s2 =	sadd.s32 s3, s2  }
0x8d: {  	s2 =	sadd.s32 s2, s16  }
0x8e: {  	[smem:$0x3FC2] =	sst s2  }
0x8f: {  	_ = 	snop  }
0x90: {  	(tm) =	ssettm $0x1  }
0x91: {  	s17 =	sld [smem:$0x3FFB];
	_ =	sdelay $0x3  }
0x92: {  	_ =	strace s17  }
0x93: {  	s2 =	sld [smem:$0x3FFC];
	_ =	sdelay $0x3  }
0x94: {  	_ =	strace s2  }
0x95: {  	s2 =	sld [smem:$0x3FFD];
	_ =	sdelay $0x3  }
0x96: {  	_ =	strace s2  }
0x97: {  	_ =	strace $0x8FFFFFFF  }
0x98: {  	s18 =	sld [smem:$0x3FDB];
	_ =	sdelay $0x1  }
0x99: {  	s19 =	simm.s32 $_scs_section_size  }
0x9a: {  	s4 =	simm.s32 $_size__tile_overlayer_lowered;
	s5 =	simm.s32 $_tile_overlayer_lowered  }
0x9b: {  	s22 =	simm.s32 $0x1BFF;
	s21 =	sshll.u32 s5, $0x1;
	s2 =	sadd.s32 s19, s18  }
0x9c: {  	s6 =	simm.s32 $0x0;
	s20 =	sshll.u32 s4, $0x1;
	s4 =	sadd.s32 s21, s2  }
0x9d: {  	[timem:s6], [sflag:s22] =	dma.local [hbm:s4], s20  }
0x9e: {  	_ =	swait.ge [sflag:s22], s20  }
0x9f: {  	s3 =	ssub.s32 $0x0, s20;
	[sflag:s22] =	ssyncset.done $0x0  }
0xa0: {  	[sflag:s22] =	ssyncadd.s32 s3;
	_ =	sdelay $0x1  }
0xa1: {  	s23 =	simm.s32 $0x1B8B  }
0xa2: {  	_ =	swait.ge [sflag:s23], $0x1  }
0xa3: {  	[sflag:s23] =	ssyncset.done $0x0  }
0xa4: {  	s25 =	simm.s32 $0x1B8E;
	s24 =	sld [smem:$0x3FFE];
	[sflag:s23] =	ssyncadd.s32 $0xFFFFFFFF  }
0xa5: {  	s26 =	simm.s32 $execute0_lowered;
	[smem:$0x3FD2] =	sst s25  }
0xa6: {  	s4 =	sshll.u32 s26, $0x1;
	_ =	strace $0x80000046;
	[dreg:$0x1] =	wrdreg $0xFFFFFFFF  }
0xa7: {  	s28 =	simm.s32 $_size_execute0_lowered;
	s2 =	sadd.s32 s2, s4;
	[dreg:$0x0] =	wrdreg $0x0  }
0xa8: {  	s4 =	sshll.u32 s28, $0x1;
	[dreg:$0x2] =	wrdreg s2  }
0xa9: {  	[dreg:$0x3] =	wrdreg s4  }
0xaa: {  	[dreg:$0x4] =	wrdreg $0xC0  }
0xab: {  	_ =	task [dreg:s6], $0x5FFFF  }
0xac: {  	[dreg:$0x1] =	wrdreg $0xFFFFFFFF  }
0xad: {  	[dreg:$0x0] =	wrdreg $0x60  }
0xae: {  	[dreg:$0x2] =	wrdreg s24  }
0xaf: {  	[dreg:$0x3] =	wrdreg $0x0  }
0xb0: {  	[dreg:$0x4] =	wrdreg $0x9  }
0xb1: {  	_ =	task.clear_ibuf [dreg:s6], $0x5FFFF;
	_ =	strace $0x90000046  }
0xb2: {  	s29 =	simm.s32 $0x9;
	_ =	strace $0x80000048  }
0xb3: {  	_ =	swait.ge [sflag:s29], $0x1  }
0xb4: {  	[sflag:s29] =	ssyncadd.s32 $0xFFFFFFFF  }
0xb5: {  	_ =	strace $0x90000048  }
0xb6: {  	_ =	sfence  }
0xb7: {  	s30 =	sld [smem:$0x0];
	_ =	sdelay $0x2  }
0xb8: {  	s31 =	sshll.u32 s1, $0xD;
	s1 =	sshrl.u32 s1, $0x2  }
0xb9: {  	s3 =	sand.u32 $0x4000, s31;
	s1 =	sadd.s32 s1, s30  }
0xba: {  	s0 =	sor.u32 s3, s0;
	s1 =	sshll.u32 s1, $0x11  }
0xbb: {  	s0 =	sor.u32 s1, s0  }
0xbc: {  	s0 =	sadd.s32 $0x8F2B, s0  }
0xbd: {  	[sflag:s0] =	ssyncadd.remote.s32 $0x1  }
0xbe: {  	_ =	sfence.sel $0xFFFF  }
0xbf: {  	[dreg:$0x0] =	wrdreg $0xFFFFFFFF;
	(pc) =	sbr.abs _section_cstart, $3  }
0xc0: {  	[dreg:$0x1] =	wrdreg $0xFFFFFFFF  }
0xc1: {  	_ =	task.clear_ibuf [dreg:s6], $0x2FFFF;
	_ =	strace $0x9FFFFFFF  }
0xc2: {  	(tm) =	ssettm $0x7FFFFFFF  }
0xc3: {  	_ =	shalt  }
tec
execute0_lowered:
.L_overlay_start_1:
0x0: {  	(tag) =	ssettag $0x1  }
0x1: {  	s14 =	rddreg [dreg:$0x0]  }
0x2: {  	s1 =	rddreg [dreg:$0x1]  }
0x3: {  	s0 =	rddreg [dreg:$0x2];
	s2 =	simm.s32 $0x0  }
0x4: {  	s25 =	stileid.u32;
	s3 =	srdreg.scid;
	s7 =	simm.s32 $0x1  }
0x5: {  	s18 =	simm.s32 $0x278;
	s19 =	simm.s32 $0x2F8;
	s20 =	simm.s32 $0x80  }
0x6: {  	s21 =	simm.s32 $0x378;
	s22 =	simm.s32 $0x2;
	s10 =	smul.u32 $0x278, s25  }
0x7: {  	s23 =	simm.s32 $0x3;
	[smem:$0x7FF] =	sst s2;
	s5 =	smul.u32 $0x27, s25  }
0x8: {  	s11 =	sand.u32 $0x1, s3;
	s8 =	sadd.s32 $0x6A00, s14;
	s6 =	smul.u32 $0x9E0, s25  }
0x9: {  	p0 =	sne.s32 s25, $0x0;
	s12 =	sadd.s32 $0xBEA1, s14;
	p1 =	seq.s32 s25, $0xF  }
0xa: {  	_ =	strace $0x80000047;
	s4 =	smul.u32 $0x271, s11;
	s26 =	ssub.s32 $0x2, s11  }
0xb: {  	s7 =	simm.s32 @!p0 $0x0;
	s29 =	smul.u32 $0x13880, s11;
	p5 =	seq.s32 s11, $0x1  }
0xc: {  	s24 =	sshrl.u32 s10, $0x3;
	s9 =	sshrl.u32 s26, $0x1;
	s28 =	sshrl.u32 s6, $0x2  }
0xd: {  	s6 =	simm.s32 $0x1;
	s10 =	sadd.s32 s10, s1;
	p3 =	seq.s32 @p5 s25, $0xF  }
0xe: {  	p6 =	seq.s32 @!p5 s25, $0xF;
	s25 =	simm.s32 $0x5;
	s13 =	sadd.s32 s24, s14  }
0xf: {  	s4 =	sadd.s32 s5, s4;
	s15 =	ssub.s32 s26, s9;
	s3 =	sadd.s32 s28, s1  }
0x10: {  	s31 =	sshrl.u32 s29, $0x3;
	s14 =	sadd.s32 $0xC4A1, s14;
	s24 =	simm.s32 $0x4  }
0x11: {  	p2 =	por !p3, !p5;
	p3 =	por p3, !p5;
	p4 =	por !p6, p5  }
0x12: {  	p5 =	por p6, p5;
	s26 =	simm.s32 $0x0;
	s4 =	sadd.s32 s7, s4  }
0x13: {  	s9 =	sadd.s32 s8, s31;
	s11 =	sadd.s32 $0xBA00, s13;
	s30 =	sshll.u32 s4, $0x4  }
0x14: {  	s13 =	sadd.s32 $0xC000, s13;
	s15 =	smax.u32 s15, $0x1;
	s5 =	sadd.s32 s8, s30  }
0x15: {  	s4 =	sadd.s32 $0x2508, s1;
	s9 =	sadd.s32 $0x270, s9;
	s7 =	sadd.s32 $0x10, s5  }
0x16: {  	v0 =	vimm.f32 $1.000000000e+00;
	v1 =	vimm.f32 $0.0e+00;
	s8 =	sadd.s32 $0x260, s5;
	s16 =	sadd.s32 $0x30, s5;
	s17 =	sadd.s32 $0x20, s5  }
.LBB2_1:
0x17: {  	[tilespmem:$0x378] =	vst v0  }
0x18: {  	[tilespmem:$0x388] =	vst v0  }
0x19: {  	[tilespmem:$0x398] =	vst v0  }
0x1a: {  	[tilespmem:$0x3A8] =	vst v0  }
0x1b: {  	[tilespmem:$0x3B8] =	vst v0  }
0x1c: {  	[tilespmem:$0x3C8] =	vst v0  }
0x1d: {  	[tilespmem:$0x3D8] =	vst v0  }
0x1e: {  	[tilespmem:$0x3E8] =	vst v0  }
0x1f: {  	[tilespmem:$0x3F8] =	vst v1  }
0x20: {  	[tilespmem:$0x408] =	vst v1  }
0x21: {  	[tilespmem:$0x418] =	vst v1  }
0x22: {  	[tilespmem:$0x428] =	vst v1  }
0x23: {  	[tilespmem:$0x438] =	vst v1  }
0x24: {  	[tilespmem:$0x448] =	vst v1  }
0x25: {  	[tilespmem:$0x458] =	vst v1  }
0x26: {  	[tilespmem:$0x468] =	vst v1  }
0x27: {  	[tilespmem:$0x478] =	vst v1  }
0x28: {  	[tilespmem:$0x488] =	vst v1  }
0x29: {  	[tilespmem:$0x498] =	vst v1  }
0x2a: {  	[tilespmem:$0x4A8] =	vst v1  }
0x2b: {  	[tilespmem:$0x4B8] =	vst v1  }
0x2c: {  	[tilespmem:$0x4C8] =	vst v1  }
0x2d: {  	[tilespmem:$0x4D8] =	vst v1  }
0x2e: {  	[tilespmem:$0x4E8] =	vst v1  }
0x2f: {  	[tilespmem:$0x4F8] =	vst v1  }
0x30: {  	[tilespmem:$0x508] =	vst v1  }
0x31: {  	[tilespmem:$0x518] =	vst v1  }
0x32: {  	[tilespmem:$0x528] =	vst v1  }
0x33: {  	[tilespmem:$0x538] =	vst v1  }
0x34: {  	[tilespmem:$0x548] =	vst v1  }
0x35: {  	[tilespmem:$0x558] =	vst v1  }
0x36: {  	[tilespmem:$0x568] =	vst v1  }
0x37: {  	[tilespmem:$0x578] =	vst v1  }
0x38: {  	[tilespmem:$0x588] =	vst v1  }
0x39: {  	[tilespmem:$0x598] =	vst v1  }
0x3a: {  	[tilespmem:$0x5A8] =	vst v1  }
0x3b: {  	[tilespmem:$0x5B8] =	vst v1  }
0x3c: {  	[tilespmem:$0x5C8] =	vst v1  }
0x3d: {  	[tilespmem:$0x5D8] =	vst v1  }
0x3e: {  	[tilespmem:$0x5E8] =	vst v1  }
0x3f: {  	[tilespmem:$0x5F8] =	vst v1  }
0x40: {  	[tilespmem:$0x608] =	vst v1  }
0x41: {  	[tilespmem:$0x618] =	vst v1  }
0x42: {  	[tilespmem:$0x628] =	vst v1  }
0x43: {  	[tilespmem:$0x638] =	vst v1  }
0x44: {  	[tilespmem:$0x648] =	vst v1  }
0x45: {  	[tilespmem:$0x658] =	vst v1  }
0x46: {  	[tilespmem:$0x668] =	vst v1;
	s28 =	simm.s32 @p1 $0x3F8  }
0x47: {  	[spmem:s4] =	stream.linear.scatter @p1 [tilespmem:s28], [sflag:$0x5], $0x208, $0x38;
	[tilespmem:$0x678] =	vst v63  }
0x48: {  	s28 =	simm.s32 @p1 $0x5  }
0x49: {  	_ =	swait.ge @p1 [sflag:s28], $0x208  }
0x4a: {  	[sflag:s28] =	ssyncset.done @p1 $0x0  }
0x4b: {  	[sflag:s28] =	ssyncadd.s32 @p1 $0xFFFFFDF8;
	s28 =	simm.s32 @!p1 $0x3F8  }
0x4c: {  	[spmem:s3] =	stream.linear.scatter @!p1 [tilespmem:s28], [sflag:$0x5], $0x278, $0x38;
	[tilespmem:$0x678] =	vst v63  }
0x4d: {  	s28 =	simm.s32 @!p1 $0x5  }
0x4e: {  	_ =	swait.ge @!p1 [sflag:s28], $0x278  }
0x4f: {  	[sflag:s28] =	ssyncset.done @!p1 $0x0  }
0x50: {  	[sflag:s28] =	ssyncadd.s32 @!p1 $0xFFFFFD88  }
0x51: {  	[bflag:$0x0] =	sbarrier.arrive $0xFFFF  }
0x52: {  	[tilespmem:s18], [sflag:$0x1] =	stream.linear.gather [hbm4b:s5+s2], $0x80, $0x38;
	[tilespmem:$0x678] =	vst v63  }
0x53: {  	_ = 	snop  }
0x54: {  	[tilespmem:s19], [sflag:$0x2] =	stream.linear.gather [hbm4b:s7+s2], $0x80, $0x38;
	[tilespmem:$0x678] =	vst v63  }
0x55: {  	_ =	swait.ge [sflag:s6], $0x80  }
0x56: {  	[sflag:s6] =	ssyncset.done $0x0  }
0x57: {  	[sflag:s6] =	ssyncadd.s32 $0xFFFFFF80  }
0x58: {  	[spmem:s1] =	stream.indirect.scatter.add.f32 [tilespmem:s21], [sflag:$0x3], $0x1, s18, s20, $0xb8;
	[tilespmem:$0x678] =	vst v63  }
0x59: {  	_ =	swait.ge [sflag:s22], $0x80  }
0x5a: {  	[sflag:s22] =	ssyncset.done $0x0  }
0x5b: {  	[sflag:s22] =	ssyncadd.s32 $0xFFFFFF80  }
0x5c: {  	[spmem:s1] =	stream.indirect.scatter.add.f32 [tilespmem:s21], [sflag:$0x4], $0x1, s19, s20, $0xb8;
	[tilespmem:$0x678] =	vst v63  }
0x5d: {  	_ =	swait.ge [sflag:s23], $0x80  }
0x5e: {  	[sflag:s23] =	ssyncset.done $0x0  }
0x5f: {  	s28 =	sadd.s32 $0x0, s17;
	[sflag:s23] =	ssyncadd.s32 $0xFFFFFF80  }
0x60: {  	[tilespmem:s18], [sflag:$0x1] =	stream.linear.gather [hbm4b:s28+s2], $0x80, $0x38;
	[tilespmem:$0x678] =	vst v63  }
0x61: {  	_ =	swait.ge [sflag:s24], $0x80  }
0x62: {  	[sflag:s24] =	ssyncset.done $0x0  }
0x63: {  	s29 =	sadd.s32 $0x0, s16;
	s28 =	simm.s32 $0x20;
	[sflag:s24] =	ssyncadd.s32 $0xFFFFFF80  }
.LBB2_2:
0x64: {  	[tilespmem:s19], [sflag:$0x2] =	stream.linear.gather [hbm4b:s29+s2], $0x80, $0x38;
	[tilespmem:$0x678] =	vst v63  }
0x65: {  	s29 =	smov.u32 s28  }
0x66: {  	p6 =	sne.s32 s28, $0x220;
	s28 =	sadd.s32 $0x20, s28;
	_ =	swait.ge [sflag:s6], $0x80  }
0x67: {  	[sflag:s6] =	ssyncset.done $0x0  }
0x68: {  	[sflag:s6] =	ssyncadd.s32 $0xFFFFFF80  }
0x69: {  	[spmem:s1] =	stream.indirect.scatter.add.f32 [tilespmem:s21], [sflag:$0x3], $0x1, s18, s20, $0xb8;
	[tilespmem:$0x678] =	vst v63  }
0x6a: {  	_ =	swait.ge [sflag:s22], $0x80  }
0x6b: {  	[sflag:s22] =	ssyncset.done $0x0  }
0x6c: {  	[sflag:s22] =	ssyncadd.s32 $0xFFFFFF80  }
0x6d: {  	[spmem:s1] =	stream.indirect.scatter.add.f32 [tilespmem:s21], [sflag:$0x4], $0x1, s19, s20, $0xb8;
	[tilespmem:$0x678] =	vst v63  }
0x6e: {  	_ =	swait.ge [sflag:s23], $0x80  }
0x6f: {  	[sflag:s23] =	ssyncset.done $0x0  }
.Ltmp0:
0x70: {  	s30 =	sadd.s32 s29, s17;
	[sflag:s23] =	ssyncadd.s32 $0xFFFFFF80;
	(pc) =	sbr.rel @p6 .LBB2_2-.Ltmp0, $4  }
0x71: {  	[tilespmem:s18], [sflag:$0x1] =	stream.linear.gather [hbm4b:s30+s2], $0x80, $0x38;
	[tilespmem:$0x678] =	vst v63  }
0x72: {  	_ =	swait.ge [sflag:s24], $0x80  }
0x73: {  	[sflag:s24] =	ssyncset.done $0x0  }
0x74: {  	s29 =	sadd.s32 s29, s16;
	[sflag:s24] =	ssyncadd.s32 $0xFFFFFF80  }
0x75: {  	[tilespmem:s19], [sflag:$0x2] =	stream.linear.gather [hbm4b:s29+s2], $0x80, $0x38;
	[tilespmem:$0x678] =	vst v63  }
0x76: {  	_ =	swait.ge [sflag:s6], $0x80  }
0x77: {  	[sflag:s6] =	ssyncset.done $0x0  }
0x78: {  	[sflag:s6] =	ssyncadd.s32 $0xFFFFFF80  }
0x79: {  	[spmem:s1] =	stream.indirect.scatter.add.f32 [tilespmem:s21], [sflag:$0x3], $0x1, s18, s20, $0xb8;
	[tilespmem:$0x678] =	vst v63  }
0x7a: {  	_ =	swait.ge [sflag:s22], $0x80  }
0x7b: {  	[sflag:s22] =	ssyncset.done $0x0  }
0x7c: {  	[sflag:s22] =	ssyncadd.s32 $0xFFFFFF80  }
0x7d: {  	[spmem:s1] =	stream.indirect.scatter.add.f32 [tilespmem:s21], [sflag:$0x4], $0x1, s19, s20, $0xb8;
	[tilespmem:$0x678] =	vst v63  }
0x7e: {  	_ =	swait.ge [sflag:s23], $0x80  }
0x7f: {  	[sflag:s23] =	ssyncset.done $0x0  }
0x80: {  	[sflag:s23] =	ssyncadd.s32 $0xFFFFFF80  }
0x81: {  	_ =	swait.ge [sflag:s24], $0x80  }
0x82: {  	[sflag:s24] =	ssyncset.done $0x0  }
0x83: {  	[sflag:s24] =	ssyncadd.s32 $0xFFFFFF80  }
0x84: {  	[tilespmem:s18], [sflag:$0x5] =	stream.linear.gather [hbm4b:s8+s2], $0x80, $0x38;
	[tilespmem:$0x678] =	vst v63  }
0x85: {  	_ =	swait.ge [sflag:s25], $0x80  }
0x86: {  	[sflag:s25] =	ssyncset.done $0x0  }
0x87: {  	[sflag:s25] =	ssyncadd.s32 $0xFFFFFF80  }
0x88: {  	[spmem:s1] =	stream.indirect.scatter.add.f32 [tilespmem:s21], [sflag:$0x5], $0x1, s18, s20, $0xb8;
	[tilespmem:$0x678] =	vst v63  }
0x89: {  	_ =	swait.ge [sflag:s25], $0x80  }
0x8a: {  	[sflag:s25] =	ssyncset.done $0x0  }
0x8b: {  	s28 =	simm.s32 @!p0 $0x0;
	s29 =	simm.s32 @!p0 $0x278;
	[sflag:s25] =	ssyncadd.s32 $0xFFFFFF80  }
0x8c: {  	[tilespmem:s29], [sflag:$0x5] =	stream.linear.gather @!p0 [hbm4b:s9+s28], $0x80, $0x38;
	[tilespmem:$0x678] =	vst v63  }
0x8d: {  	s28 =	simm.s32 @!p0 $0x5  }
0x8e: {  	_ =	swait.ge @!p0 [sflag:s28], $0x80  }
0x8f: {  	[sflag:s28] =	ssyncset.done @!p0 $0x0  }
0x90: {  	s30 =	simm.s32 @!p0 $0x80;
	s31 =	simm.s32 @!p0 $0x378;
	[sflag:s28] =	ssyncadd.s32 @!p0 $0xFFFFFF80  }
0x91: {  	[spmem:s1] =	stream.indirect.scatter.add.f32 @!p0 [tilespmem:s31], [sflag:$0x5], $0x1, s29, s30, $0xb8;
	[tilespmem:$0x678] =	vst v63  }
0x92: {  	_ =	swait.ge @!p0 [sflag:s28], $0x80  }
0x93: {  	[sflag:s28] =	ssyncset.done @!p0 $0x0  }
0x94: {  	[sflag:s28] =	ssyncadd.s32 @!p0 $0xFFFFFF80  }
0x95: {  	s29 =	simm.s32 @!p2 $0x5;
	s28 =	simm.s32 @!p2 $0x3F8;
	[bflag:$0x0] =	sbarrier.arrive $0xFFFF  }
0x96: {  	[tilespmem:s28], [sflag:$0x5] =	stream.linear.gather @!p2 [spmem:s4], $0x208, $0x38;
	[tilespmem:$0x678] =	vst v63  }
0x97: {  	_ =	swait.ge @!p2 [sflag:s29], $0x208  }
0x98: {  	[sflag:s29] =	ssyncset.done @!p2 $0x0  }
0x99: {  	s30 =	simm.s32 @!p2 $0x0;
	[sflag:s29] =	ssyncadd.s32 @!p2 $0xFFFFFDF8  }
0x9a: {  	[hbm4b:s14+s30] =	stream.linear.scatter @!p2 [tilespmem:s28], [sflag:$0x5], $0x208, $0x38;
	[tilespmem:$0x678] =	vst v63  }
0x9b: {  	_ =	swait.ge @!p2 [sflag:s29], $0x208  }
0x9c: {  	[sflag:s29] =	ssyncset.done @!p2 $0x0  }
0x9d: {  	s28 =	simm.s32 @!p3 $0x3F8;
	[sflag:s29] =	ssyncadd.s32 @!p2 $0xFFFFFDF8;
	s29 =	simm.s32 @!p3 $0x5  }
0x9e: {  	[tilespmem:s28], [sflag:$0x5] =	stream.linear.gather @!p3 [spmem:s10], $0x278, $0x38;
	[tilespmem:$0x678] =	vst v63  }
0x9f: {  	_ =	swait.ge @!p3 [sflag:s29], $0x278  }
0xa0: {  	[sflag:s29] =	ssyncset.done @!p3 $0x0  }
0xa1: {  	s30 =	simm.s32 @!p3 $0x0;
	[sflag:s29] =	ssyncadd.s32 @!p3 $0xFFFFFD88  }
0xa2: {  	[hbm4b:s13+s30] =	stream.linear.scatter @!p3 [tilespmem:s28], [sflag:$0x5], $0x278, $0x38;
	[tilespmem:$0x678] =	vst v63  }
0xa3: {  	_ =	swait.ge @!p3 [sflag:s29], $0x278  }
0xa4: {  	[sflag:s29] =	ssyncset.done @!p3 $0x0  }
0xa5: {  	s28 =	simm.s32 @!p4 $0x3F8;
	[sflag:s29] =	ssyncadd.s32 @!p3 $0xFFFFFD88;
	s29 =	simm.s32 @!p4 $0x5  }
0xa6: {  	[tilespmem:s28], [sflag:$0x5] =	stream.linear.gather @!p4 [spmem:s4], $0x208, $0x38;
	[tilespmem:$0x678] =	vst v63  }
0xa7: {  	_ =	swait.ge @!p4 [sflag:s29], $0x208  }
0xa8: {  	[sflag:s29] =	ssyncset.done @!p4 $0x0  }
0xa9: {  	s30 =	simm.s32 @!p4 $0x0;
	[sflag:s29] =	ssyncadd.s32 @!p4 $0xFFFFFDF8  }
0xaa: {  	[hbm4b:s12+s30] =	stream.linear.scatter @!p4 [tilespmem:s28], [sflag:$0x5], $0x208, $0x38;
	[tilespmem:$0x678] =	vst v63  }
0xab: {  	_ =	swait.ge @!p4 [sflag:s29], $0x208  }
0xac: {  	[sflag:s29] =	ssyncset.done @!p4 $0x0  }
0xad: {  	s28 =	simm.s32 @!p5 $0x3F8;
	[sflag:s29] =	ssyncadd.s32 @!p4 $0xFFFFFDF8;
	s29 =	simm.s32 @!p5 $0x5  }
0xae: {  	[tilespmem:s28], [sflag:$0x5] =	stream.linear.gather @!p5 [spmem:s10], $0x278, $0x38;
	[tilespmem:$0x678] =	vst v63  }
0xaf: {  	s26 =	sadd.s32 $0x1, s26;
	_ =	swait.ge @!p5 [sflag:s29], $0x278  }
0xb0: {  	p6 =	sne.s32 s26, s15;
	[sflag:s29] =	ssyncset.done @!p5 $0x0  }
.Ltmp1:
0xb1: {  	s30 =	simm.s32 @!p5 $0x0;
	[sflag:s29] =	ssyncadd.s32 @!p5 $0xFFFFFD88;
	(pc) =	sbr.rel @p6 .LBB2_1-.Ltmp1, $4  }
0xb2: {  	[hbm4b:s11+s30] =	stream.linear.scatter @!p5 [tilespmem:s28], [sflag:$0x5], $0x278, $0x38;
	[tilespmem:$0x678] =	vst v63  }
0xb3: {  	_ =	swait.ge @!p5 [sflag:s29], $0x278  }
0xb4: {  	[sflag:s29] =	ssyncset.done @!p5 $0x0  }
0xb5: {  	[sflag:s29] =	ssyncadd.s32 @!p5 $0xFFFFFD88  }
0xb6: {  	_ =	sfence.sel $0x180000  }
0xb7: {  	[bflag:$0x0] =	sbarrier.arrive $0xFFFF  }
0xb8: {  	_ =	strace $0x90000047  }
0xb9: {  	s0 =	sadd.s32 @!p0 $0x100000, s0;
	[bflag:$0x2] =	sbarrier.arrive $0xFFFF  }
0xba: {  	[sflag:s0] =	ssyncadd.tile.s32 @!p0 $0x1;
	_ =	shalt  }
.Lfunc_end2:
_tile_overlayer_lowered:
.L_overlay_start_2:
0xbb: {  	(tag) =	ssettag $0x2  }
0xbc: {  	s0 =	rddreg [dreg:$0x0];
	s2 =	stileid.u32  }
0xbd: {  	s1 =	rddreg [dreg:$0x1];
	p0 =	sne.s32 s2, $0x0  }
0xbe: {  	s3 =	rddreg [dreg:$0x2];
	[bflag:$0x3] =	sbarrier.arrive $0xFFFF;
	s2 =	simm.s32 @!p0 $0x1C05  }
0xbf: {  	[timem:s3], [sflag:s2] =	dma.local @!p0 [hbm:s0], s1  }
0xc0: {  	s0 =	simm.s32 @!p0 $0x5  }
0xc1: {  	_ =	swait.ge @!p0 [sflag:s0], s1  }
0xc2: {  	s1 =	ssub.s32 @!p0 $0x0, s1;
	[sflag:s0] =	ssyncset.done @!p0 $0x0  }
0xc3: {  	[sflag:s0] =	ssyncadd.s32 @!p0 s1  }
0xc4: {  	[bflag:$0x3] =	sbarrier.arrive $0xFFFF  }
0xc5: {  	_ =	shalt  }

</sc_bundles>
